<compile_context>
chip_gen: v7x
topology: tpu7x:2x2x1
jax: 0.10.2.dev20260603
libtpu: 0.0.44.dev20260713+nightly
codegen_flags: <defaults>
</compile_context>

<pallas_src>
import functools

import jax
import jax.numpy as jnp
from jax import lax
from jax.experimental import pallas as pl
from jax.experimental.pallas import tpu as pltpu
from jax.experimental.pallas import tpu_sc as plsc

N = 10000
D = 128
E = 320000
NC = 2
NS = 16
NW = NC * NS
K = 128
EPW = E // NW
CH = 80
EPT = CH * K
NPAD = 10240
RPT = NPAD // NS
_f32 = jnp.float32

_mesh = plsc.VectorSubcoreMesh(core_axis_name="c", subcore_axis_name="s")


@functools.partial(
    pl.kernel,
    out_type=jax.ShapeDtypeStruct((NC, NPAD, 16), _f32),
    mesh=_mesh,
    scratch_types=[
        pltpu.VMEM((CH, K), jnp.int32),
        pltpu.VMEM((K, 16), _f32),
        pltpu.VMEM((K, 16), _f32),
        pltpu.VMEM_SHARED((NPAD, 16), _f32),
    ],
    compiler_params=pltpu.CompilerParams(use_tc_tiling_on_sc=False),
)
def _deg_kernel(di_hbm, out_hbm, dbuf, ones_b, zb, acc):
    c = lax.axis_index("c")
    s = lax.axis_index("s")
    wid = c * NS + s
    base = s * RPT
    one16 = jnp.full((16,), 1.0, _f32)
    zero16 = jnp.zeros((16,), _f32)

    def fill(i, carry):
        ones_b[i, :] = one16
        zb[i, :] = zero16
        return carry

    lax.fori_loop(0, K, fill, 0)

    def zcp(k_, carry):
        pltpu.sync_copy(zb, acc.at[pl.ds(base + k_ * K, K)])
        return carry

    lax.fori_loop(0, RPT // K, zcp, 0)
    pltpu.sync_copy(di_hbm.at[wid], dbuf)
    plsc.subcore_barrier()

    def step(ci, carry):
        pltpu.sync_copy(ones_b, acc.at[dbuf.at[ci]], add=True)
        return carry

    lax.fori_loop(0, CH, step, 0)
    plsc.subcore_barrier()
    pltpu.sync_copy(acc.at[pl.ds(base, RPT)], out_hbm.at[c, pl.ds(base, RPT)])


IB = 4
NB = CH // IB
KH = D // NC
EPS = E // NS
CH2 = 160
EPS_P = CH2 * K
NB2 = CH2 // IB


@functools.partial(
    pl.kernel,
    out_type=jax.ShapeDtypeStruct((NC, NPAD, KH), _f32),
    mesh=_mesh,
    scratch_types=[
        pltpu.VMEM((IB, 2, K), jnp.int32),
        pltpu.VMEM((IB, 2, K), jnp.int32),
        pltpu.VMEM((K, KH), _f32),
        pltpu.VMEM((K, KH), _f32),
        pltpu.VMEM((K, KH), _f32),
        pltpu.VMEM_SHARED((NPAD, KH), _f32),
        pltpu.VMEM_SHARED((NPAD, KH), _f32),
        pltpu.SemaphoreType.DMA,
        pltpu.SemaphoreType.DMA,
        pltpu.SemaphoreType.DMA,
        pltpu.SemaphoreType.DMA,
        pltpu.SemaphoreType.DMA,
        pltpu.SemaphoreType.DMA,
        pltpu.SemaphoreType.DMA,
        pltpu.SemaphoreType.DMA,
        pltpu.SemaphoreType.DMA,
    ],
    compiler_params=pltpu.CompilerParams(use_tc_tiling_on_sc=False),
)
def _agg_kernel(hp_hbm, sd_hbm, out_hbm, i0, i1, rows0, rows1, st0,
                hs, acc, is0, is1, gs0, gs1, ss0, ss1, zs, ts0, ts1):
    c = lax.axis_index("c")
    s = lax.axis_index("s")
    base = s * RPT
    zero16 = jnp.zeros((16,), _f32)
    ib = (i0, i1)
    rb = (rows0, rows1)
    gs = (gs0, gs1)
    ss = (ss0, ss1)

    def istart(m, p):
        pltpu.async_copy(sd_hbm.at[s, m], ib[p], is0 if p == 0 else is1)

    istart(0, 0)
    istart(1, 1)

    def fill(i, carry):
        for j in range(KH // 16):
            rows0[i, pl.ds(j * 16, 16)] = zero16
        return carry

    lax.fori_loop(0, K, fill, 0)
    nz = RPT // K
    for k_ in range(nz):
        pltpu.async_copy(rows0, acc.at[pl.ds(base + k_ * K, K)], zs)

    sb = (st0, rows1)
    ts = (ts0, ts1)

    def ld(k_):
        pltpu.async_copy(hp_hbm.at[c, pl.ds(base + k_ * K, K)], sb[k_ % 2],
                         ts[k_ % 2])

    def ldwait(k_):
        pltpu.make_async_copy(hp_hbm.at[c, pl.ds(base + k_ * K, K)],
                              sb[k_ % 2], ts[k_ % 2]).wait()

    ld(0)
    ld(1)
    for k_ in range(nz):
        ldwait(k_)
        pltpu.sync_copy(sb[k_ % 2], hs.at[pl.ds(base + k_ * K, K)])
        if k_ + 2 < nz:
            ld(k_ + 2)
    for k_ in range(nz):
        pltpu.make_async_copy(rows0, acc.at[pl.ds(base + k_ * K, K)],
                              zs).wait()
    plsc.subcore_barrier()

    def iwait(m, p):
        pltpu.make_async_copy(sd_hbm.at[s, m], ib[p], is0 if p == 0 else is1
                              ).wait()

    def gstart(p, j, b):
        pltpu.async_copy(hs.at[ib[p].at[j, 0]], rb[b], gs[b])

    def gwait(p, j, b):
        pltpu.make_async_copy(hs.at[ib[p].at[j, 0]], rb[b], gs[b]).wait()

    def sstart(p, j, b):
        pltpu.async_copy(rb[b], acc.at[ib[p].at[j, 1]], ss[b], add=True)

    def swait(p, j, b):
        pltpu.make_async_copy(rb[b], acc.at[ib[p].at[j, 1]], ss[b]).wait()

    iwait(0, 0)
    gstart(0, 0, 0)
    gstart(0, 1, 1)

    def half(p, t):
        gwait(p, 0, 0)
        sstart(p, 0, 0)
        gwait(p, 1, 1)
        sstart(p, 1, 1)
        swait(p, 0, 0)
        gstart(p, 2, 0)
        swait(p, 1, 1)
        gstart(p, 3, 1)
        gwait(p, 2, 0)
        sstart(p, 2, 0)
        gwait(p, 3, 1)
        sstart(p, 3, 1)

    def nexthalf(p, q, j0, j1):
        swait(p, 2, 0)
        gstart(q, j0, 0)
        swait(p, 3, 1)
        gstart(q, j1, 1)

    def body(t, carry):
        half(0, t)
        iwait(2 * t + 1, 1)
        nexthalf(0, 1, 0, 1)
        istart(2 * t + 2, 0)
        half(1, t)
        iwait(2 * t + 2, 0)
        nexthalf(1, 0, 0, 1)
        istart(2 * t + 3, 1)
        return carry

    lax.fori_loop(0, NB2 // 2 - 1, body, 0)
    half(0, 0)
    iwait(NB2 - 1, 1)
    nexthalf(0, 1, 0, 1)
    half(1, 0)
    swait(1, 2, 0)
    swait(1, 3, 1)
    plsc.subcore_barrier()
    pltpu.sync_copy(acc.at[pl.ds(base, RPT)], out_hbm.at[c, pl.ds(base, RPT)])


BN = 2000
GRID = N // BN


def _dis_of(deg_ref):
    deg = deg_ref[0, :, 0:1] + deg_ref[1, :, 0:1] + 1.0
    return lax.rsqrt(deg)


def _split(h):
    return jnp.stack([h[:, :KH], h[:, KH:]], axis=0)


def _pre_body(deg_ref, x_ref, w_ref, hp_ref):
    dis = _dis_of(deg_ref)
    h = jnp.dot(x_ref[...], w_ref[...], preferred_element_type=_f32)
    hp_ref[...] = _split(h * dis)


def _mid_body(deg_ref, agg_ref, hp_ref, xres_ref, b_ref, g_ref, bt_ref,
              wn_ref, y_ref, hn_ref):
    dis = _dis_of(deg_ref)
    full = jnp.concatenate([agg_ref[0] + hp_ref[0], agg_ref[1] + hp_ref[1]],
                           axis=-1)
    t = full * dis + b_ref[...]
    mu = jnp.mean(t, axis=-1, keepdims=True)
    var = jnp.mean((t - mu) ** 2, axis=-1, keepdims=True)
    ln = (t - mu) / jnp.sqrt(var + 1e-5) * g_ref[...] + bt_ref[...]
    y = jnp.maximum(ln, 0.0) + xres_ref[...]
    y_ref[...] = y
    hn = jnp.dot(y, wn_ref[...], preferred_element_type=_f32) * dis
    hn_ref[...] = _split(hn)


def _fin_body(deg_ref, agg_ref, hp_ref, x1_ref, b_ref, out_ref):
    dis = _dis_of(deg_ref)
    full = jnp.concatenate([agg_ref[0] + hp_ref[0], agg_ref[1] + hp_ref[1]],
                           axis=-1)
    out_ref[...] = full * dis + b_ref[...] + x1_ref[...]


_deg_spec = pl.BlockSpec((NC, BN, 16), lambda i: (0, i, 0))
_row_spec = pl.BlockSpec((BN, D), lambda i: (i, 0))
_hp_spec = pl.BlockSpec((NC, BN, KH), lambda i: (0, i, 0))
_w_spec = pl.BlockSpec((D, D), lambda i: (0, 0))
_v_spec = pl.BlockSpec((1, D), lambda i: (0, 0))
_row_shape = jax.ShapeDtypeStruct((N, D), _f32)
_hp_shape = jax.ShapeDtypeStruct((NC, NPAD, KH), _f32)

_pre_call = pl.pallas_call(
    _pre_body,
    grid=(GRID,),
    in_specs=[_deg_spec, _row_spec, _w_spec],
    out_specs=_hp_spec,
    out_shape=_hp_shape,
)

_mid_call = pl.pallas_call(
    _mid_body,
    grid=(GRID,),
    in_specs=[_deg_spec, _hp_spec, _hp_spec, _row_spec, _v_spec, _v_spec,
              _v_spec, _w_spec],
    out_specs=[_row_spec, _hp_spec],
    out_shape=[_row_shape, _hp_shape],
)

_fin_call = pl.pallas_call(
    _fin_body,
    grid=(GRID,),
    in_specs=[_deg_spec, _hp_spec, _hp_spec, _row_spec, _v_spec],
    out_specs=_row_spec,
    out_shape=_row_shape,
)


def kernel(x, edge_index, W1, b1, g1, bt1, W2, b2, g2, bt2, W3, b3):
    src = edge_index[0]
    dst = edge_index[1]
    srcw = jnp.pad(src.reshape(NS, EPS),
                   ((0, 0), (0, EPS_P - EPS))).reshape(NS, CH2, K)
    dstw = jnp.pad(dst.reshape(NS, EPS), ((0, 0), (0, EPS_P - EPS)),
                   constant_values=NPAD - 1).reshape(NS, CH2, K)
    sd = jnp.stack([srcw, dstw], axis=2).reshape(NS, NB2, IB, 2, K)
    dst32 = jnp.pad(dst.reshape(NW, EPW), ((0, 0), (0, EPT - EPW)),
                    constant_values=NPAD - 1).reshape(NW, CH, K)

    deg2 = _deg_kernel(dst32)

    b1r, g1r, bt1r = b1.reshape(1, D), g1.reshape(1, D), bt1.reshape(1, D)
    b2r, g2r, bt2r = b2.reshape(1, D), g2.reshape(1, D), bt2.reshape(1, D)
    b3r = b3.reshape(1, D)

    hp1 = _pre_call(deg2, x, W1)
    agg1 = _agg_kernel(hp1, sd)
    x1, hp2 = _mid_call(deg2, agg1, hp1, x, b1r, g1r, bt1r, W2)
    agg2 = _agg_kernel(hp2, sd)
    x2, hp3 = _mid_call(deg2, agg2, hp2, x1, b2r, g2r, bt2r, W3)
    agg3 = _agg_kernel(hp3, sd)
    x3 = _fin_call(deg2, agg3, hp3, x1, b3r)
    return x3

# --- scband reference (transcript-rebuilt; emitter-appended) ---
"""Pipeline reference for scband-bongard-gnn-21466246546228 (READ-ONLY COPY).

The authoritative reference and input builder live on the scoring server;
editing this copy changes nothing except your own understanding.
"""

import jax, jax.numpy as jnp
import numpy as np

N = 10000
E = 320000
D = 128


def _layernorm(h, g, b, eps=1e-5):
    mu = jnp.mean(h, axis=-1, keepdims=True)
    var = jnp.mean((h - mu) ** 2, axis=-1, keepdims=True)
    return (h - mu) / jnp.sqrt(var + eps) * g + b


def _gcn_conv(x, src, dst, W, b):
    # PyG GCNConv: linear (no bias) -> add self loops -> sym norm -> aggregate -> + bias
    h = x @ W
    sl = jnp.arange(N, dtype=src.dtype)
    s = jnp.concatenate([src, sl])
    d = jnp.concatenate([dst, sl])
    deg = jax.ops.segment_sum(jnp.ones(s.shape[0], dtype=h.dtype), d, num_segments=N)
    dis = jnp.where(deg > 0, 1.0 / jnp.sqrt(deg), 0.0)
    norm = dis[s] * dis[d]
    msg = h[s] * norm[:, None]
    out = jax.ops.segment_sum(msg, d, num_segments=N)
    return out + b


def setup_inputs(seed: int = 0) -> dict:
    key = jax.random.key(seed)
    ks = jax.random.split(key, 12)
    x = jax.random.normal(ks[0], (N, D), dtype=jnp.float32)
    edge_index = jax.random.randint(ks[1], (2, E), 0, N, dtype=jnp.int32)
    s = 1.0 / np.sqrt(D)
    W1 = jax.random.normal(ks[2], (D, D), dtype=jnp.float32) * s
    b1 = jnp.zeros((D,), dtype=jnp.float32)
    g1 = jnp.ones((D,), dtype=jnp.float32)
    bt1 = jnp.zeros((D,), dtype=jnp.float32)
    W2 = jax.random.normal(ks[3], (D, D), dtype=jnp.float32) * s
    b2 = jnp.zeros((D,), dtype=jnp.float32)
    g2 = jnp.ones((D,), dtype=jnp.float32)
    bt2 = jnp.zeros((D,), dtype=jnp.float32)
    W3 = jax.random.normal(ks[4], (D, D), dtype=jnp.float32) * s
    b3 = jnp.zeros((D,), dtype=jnp.float32)
    return {"x": x, "edge_index": edge_index, "W1": W1, "b1": b1, "g1": g1,
            "bt1": bt1, "W2": W2, "b2": b2, "g2": g2, "bt2": bt2,
            "W3": W3, "b3": b3}


def reference(x, edge_index, W1, b1, g1, bt1, W2, b2, g2, bt2, W3, b3):
    src = edge_index[0]
    dst = edge_index[1]
    # layer 1 (skip1 is Identity since input_dim == hidden_dim)
    x1 = _gcn_conv(x, src, dst, W1, b1)
    x1 = _layernorm(x1, g1, bt1)
    x1 = jax.nn.relu(x1)
    x1 = x1 + x
    # dropout(eval) = identity
    # layer 2
    x2 = _gcn_conv(x1, src, dst, W2, b2)
    x2 = _layernorm(x2, g2, bt2)
    x2 = jax.nn.relu(x2)
    x2 = x2 + x1
    # layer 3 (skip2 is Identity since hidden_dim == output_dim)
    x3 = _gcn_conv(x2, src, dst, W3, b3)
    x3 = x3 + x1
    return x3

if __name__ == "__main__":
    import jax
    _d = setup_inputs()
    print(jax.jit(kernel)(*tuple(_d.values())))

</pallas_src>

<mosaic_0001>
#map = affine_map<(d0, d1) -> (0, 0, 0)>
#map1 = affine_map<(d0, d1) -> (0, 0, 0, 0, 0)>
module attributes {stable_mosaic.version = 14 : i64} {
  func.func @_agg_kernel(%arg0: i32, %arg1: i32, %arg2: memref<2x10240x64xf32, #tpu.memory_space<hbm>>, %arg3: memref<16x40x4x2x128xi32, #tpu.memory_space<hbm>>, %arg4: memref<2x10240x64xf32, #tpu.memory_space<hbm>>, %arg5: memref<4x2x128xi32, #tpu.memory_space<vmem>>, %arg6: memref<4x2x128xi32, #tpu.memory_space<vmem>>, %arg7: memref<128x64xf32, #tpu.memory_space<vmem>>, %arg8: memref<128x64xf32, #tpu.memory_space<vmem>>, %arg9: memref<128x64xf32, #tpu.memory_space<vmem>>, %arg10: memref<10240x64xf32, #tpu.memory_space<vmem_shared>>, %arg11: memref<10240x64xf32, #tpu.memory_space<vmem_shared>>, %arg12: memref<!tpu.dma_semaphore, #tpu.memory_space<semaphore_mem>>, %arg13: memref<!tpu.dma_semaphore, #tpu.memory_space<semaphore_mem>>, %arg14: memref<!tpu.dma_semaphore, #tpu.memory_space<semaphore_mem>>, %arg15: memref<!tpu.dma_semaphore, #tpu.memory_space<semaphore_mem>>, %arg16: memref<!tpu.dma_semaphore, #tpu.memory_space<semaphore_mem>>, %arg17: memref<!tpu.dma_semaphore, #tpu.memory_space<semaphore_mem>>, %arg18: memref<!tpu.dma_semaphore, #tpu.memory_space<semaphore_mem>>, %arg19: memref<!tpu.dma_semaphore, #tpu.memory_space<semaphore_mem>>, %arg20: memref<!tpu.dma_semaphore, #tpu.memory_space<semaphore_mem>>) attributes {dimension_semantics = [#tpu.dimension_semantics<core_parallel>, #tpu.dimension_semantics<subcore_parallel>], iteration_bounds = array<i64: 2, 16>, scalar_prefetch = 0 : i64, scratch_operands = 16 : i64, tpu.core_type = #tpu.core_type<sc_vector_subcore>, window_params = [{transform_indices = #map}, {transform_indices = #map1}, {transform_indices = #map}]} {
    %mul3A = arith.constant 640 : i32
    %mul3A_0 = arith.muli %arg1, %mul3A : i32
    %broadcast_in_dim3A = arith.constant 0.000000e+00 : f32
    %broadcast_in_dim3A_1 = vector.broadcast %broadcast_in_dim3A : f32 to vector<16xf32>
    %dma_start3A = arith.constant 0 : i32
    %dma_start3A_2 = arith.constant 0 : i32
    %dma_start3A_3 = arith.constant 0 : i32
    %dma_start3A_4 = arith.constant 0 : i32
    %dma_start3A_5 = tpu.memref_slice %arg3[%arg1, %dma_start3A, %dma_start3A_2, %dma_start3A_3, %dma_start3A_4] : memref<16x40x4x2x128xi32, #tpu.memory_space<hbm>> -> memref<1x1x4x2x128xi32, #tpu.memory_space<hbm>>
    %dma_start3A_6 = tpu.memref_squeeze %dma_start3A_5 : memref<1x1x4x2x128xi32, #tpu.memory_space<hbm>> -> memref<4x2x128xi32, #tpu.memory_space<hbm>>
    %dma_start3A_7 = arith.constant 0 : i32
    %dma_start3A_8 = arith.constant 0 : i32
    %dma_start3A_9 = arith.constant 0 : i32
    %dma_start3A_10 = tpu.memref_slice %arg3[%arg1, %dma_start3A, %dma_start3A_7, %dma_start3A_8, %dma_start3A_9] : memref<16x40x4x2x128xi32, #tpu.memory_space<hbm>> -> memref<1x1x4x2x128xi32, #tpu.memory_space<hbm>>
    %dma_start3A_11 = tpu.memref_squeeze %dma_start3A_10 : memref<1x1x4x2x128xi32, #tpu.memory_space<hbm>> -> memref<4x2x128xi32, #tpu.memory_space<hbm>>
    tpu.enqueue_dma source(%dma_start3A_11 : memref<4x2x128xi32, #tpu.memory_space<hbm>>) target(%arg5 : memref<4x2x128xi32, #tpu.memory_space<vmem>>) target_semaphore(%arg12 : memref<!tpu.dma_semaphore, #tpu.memory_space<semaphore_mem>>)
    %dma_start3A_12 = arith.constant 1 : i32
    %dma_start3A_13 = arith.constant 0 : i32
    %dma_start3A_14 = arith.constant 0 : i32
    %dma_start3A_15 = arith.constant 0 : i32
    %dma_start3A_16 = tpu.memref_slice %arg3[%arg1, %dma_start3A_12, %dma_start3A_13, %dma_start3A_14, %dma_start3A_15] : memref<16x40x4x2x128xi32, #tpu.memory_space<hbm>> -> memref<1x1x4x2x128xi32, #tpu.memory_space<hbm>>
    %dma_start3A_17 = tpu.memref_squeeze %dma_start3A_16 : memref<1x1x4x2x128xi32, #tpu.memory_space<hbm>> -> memref<4x2x128xi32, #tpu.memory_space<hbm>>
    %dma_start3A_18 = arith.constant 0 : i32
    %dma_start3A_19 = arith.constant 0 : i32
    %dma_start3A_20 = arith.constant 0 : i32
    %dma_start3A_21 = tpu.memref_slice %arg3[%arg1, %dma_start3A_12, %dma_start3A_18, %dma_start3A_19, %dma_start3A_20] : memref<16x40x4x2x128xi32, #tpu.memory_space<hbm>> -> memref<1x1x4x2x128xi32, #tpu.memory_space<hbm>>
    %dma_start3A_22 = tpu.memref_squeeze %dma_start3A_21 : memref<1x1x4x2x128xi32, #tpu.memory_space<hbm>> -> memref<4x2x128xi32, #tpu.memory_space<hbm>>
    tpu.enqueue_dma source(%dma_start3A_22 : memref<4x2x128xi32, #tpu.memory_space<hbm>>) target(%arg6 : memref<4x2x128xi32, #tpu.memory_space<vmem>>) target_semaphore(%arg13 : memref<!tpu.dma_semaphore, #tpu.memory_space<semaphore_mem>>)
    %scan3A = arith.constant 0 : i32
    %scan3A_23 = arith.constant 0 : i32
    %scan3A_24 = arith.constant 128 : i32
    %scan3A_25 = arith.addi %scan3A_23, %scan3A_24 : i32
    %scan3A_26 = arith.constant 1 : i32
    scf.for %scan3A_461 = %scan3A_23 to %scan3A_25 step %scan3A_26  : i32 {
      %swap3A = arith.index_cast %scan3A_461 : i32 to index
      %swap3A_462 = arith.constant 0 : index
      %swap3A_463 = tpu.vector_load %arg7[%swap3A, %swap3A_462] {strides = array<i32>} : memref<128x64xf32, #tpu.memory_space<vmem>>, vector<1x16xf32>,
      %swap3A_464 = vector.shape_cast %swap3A_463 : vector<1x16xf32> to vector<16xf32>
      %swap3A_465 = vector.shape_cast %broadcast_in_dim3A_1 : vector<16xf32> to vector<1x16xf32>
      tpu.vector_store %arg7[%swap3A, %swap3A_462], %swap3A_465 {strides = array<i32>} : memref<128x64xf32, #tpu.memory_space<vmem>>, vector<1x16xf32>,
      %swap3A_466 = arith.index_cast %scan3A_461 : i32 to index
      %swap3A_467 = arith.constant 16 : index
      %swap3A_468 = tpu.vector_load %arg7[%swap3A_466, %swap3A_467] {strides = array<i32>} : memref<128x64xf32, #tpu.memory_space<vmem>>, vector<1x16xf32>,
      %swap3A_469 = vector.shape_cast %swap3A_468 : vector<1x16xf32> to vector<16xf32>
      %swap3A_470 = vector.shape_cast %broadcast_in_dim3A_1 : vector<16xf32> to vector<1x16xf32>
      tpu.vector_store %arg7[%swap3A_466, %swap3A_467], %swap3A_470 {strides = array<i32>} : memref<128x64xf32, #tpu.memory_space<vmem>>, vector<1x16xf32>,
      %swap3A_471 = arith.index_cast %scan3A_461 : i32 to index
      %swap3A_472 = arith.constant 32 : index
      %swap3A_473 = tpu.vector_load %arg7[%swap3A_471, %swap3A_472] {strides = array<i32>} : memref<128x64xf32, #tpu.memory_space<vmem>>, vector<1x16xf32>,
      %swap3A_474 = vector.shape_cast %swap3A_473 : vector<1x16xf32> to vector<16xf32>
      %swap3A_475 = vector.shape_cast %broadcast_in_dim3A_1 : vector<16xf32> to vector<1x16xf32>
      tpu.vector_store %arg7[%swap3A_471, %swap3A_472], %swap3A_475 {strides = array<i32>} : memref<128x64xf32, #tpu.memory_space<vmem>>, vector<1x16xf32>,
      %swap3A_476 = arith.index_cast %scan3A_461 : i32 to index
      %swap3A_477 = arith.constant 48 : index
      %swap3A_478 = tpu.vector_load %arg7[%swap3A_476, %swap3A_477] {strides = array<i32>} : memref<128x64xf32, #tpu.memory_space<vmem>>, vector<1x16xf32>,
      %swap3A_479 = vector.shape_cast %swap3A_478 : vector<1x16xf32> to vector<16xf32>
      %swap3A_480 = vector.shape_cast %broadcast_in_dim3A_1 : vector<16xf32> to vector<1x16xf32>
      tpu.vector_store %arg7[%swap3A_476, %swap3A_477], %swap3A_480 {strides = array<i32>} : memref<128x64xf32, #tpu.memory_space<vmem>>, vector<1x16xf32>,
    }
    %scan3A_27 = arith.constant 128 : i32
    %add3A = arith.constant 0 : i32
    %add3A_28 = arith.addi %mul3A_0, %add3A : i32
    %dma_start3A_29 = arith.constant 0 : i32
    %dma_start3A_30 = tpu.memref_slice %arg11[%add3A_28, %dma_start3A_29] : memref<10240x64xf32, #tpu.memory_space<vmem_shared>> -> memref<128x64xf32, #tpu.memory_space<vmem_shared>>
    %dma_start3A_31 = arith.constant 0 : i32
    %dma_start3A_32 = tpu.memref_slice %arg11[%add3A_28, %dma_start3A_31] : memref<10240x64xf32, #tpu.memory_space<vmem_shared>> -> memref<128x64xf32, #tpu.memory_space<vmem_shared>>
    tpu.enqueue_dma source(%arg7 : memref<128x64xf32, #tpu.memory_space<vmem>>) target(%dma_start3A_32 : memref<128x64xf32, #tpu.memory_space<vmem_shared>>) target_semaphore(%arg18 : memref<!tpu.dma_semaphore, #tpu.memory_space<semaphore_mem>>)
    %add3A_33 = arith.constant 128 : i32
    %add3A_34 = arith.addi %mul3A_0, %add3A_33 : i32
    %dma_start3A_35 = arith.constant 0 : i32
    %dma_start3A_36 = tpu.memref_slice %arg11[%add3A_34, %dma_start3A_35] : memref<10240x64xf32, #tpu.memory_space<vmem_shared>> -> memref<128x64xf32, #tpu.memory_space<vmem_shared>>
    %dma_start3A_37 = arith.constant 0 : i32
    %dma_start3A_38 = tpu.memref_slice %arg11[%add3A_34, %dma_start3A_37] : memref<10240x64xf32, #tpu.memory_space<vmem_shared>> -> memref<128x64xf32, #tpu.memory_space<vmem_shared>>
    tpu.enqueue_dma source(%arg7 : memref<128x64xf32, #tpu.memory_space<vmem>>) target(%dma_start3A_38 : memref<128x64xf32, #tpu.memory_space<vmem_shared>>) target_semaphore(%arg18 : memref<!tpu.dma_semaphore, #tpu.memory_space<semaphore_mem>>)
    %add3A_39 = arith.constant 256 : i32
    %add3A_40 = arith.addi %mul3A_0, %add3A_39 : i32
    %dma_start3A_41 = arith.constant 0 : i32
    %dma_start3A_42 = tpu.memref_slice %arg11[%add3A_40, %dma_start3A_41] : memref<10240x64xf32, #tpu.memory_space<vmem_shared>> -> memref<128x64xf32, #tpu.memory_space<vmem_shared>>
    %dma_start3A_43 = arith.constant 0 : i32
    %dma_start3A_44 = tpu.memref_slice %arg11[%add3A_40, %dma_start3A_43] : memref<10240x64xf32, #tpu.memory_space<vmem_shared>> -> memref<128x64xf32, #tpu.memory_space<vmem_shared>>
    tpu.enqueue_dma source(%arg7 : memref<128x64xf32, #tpu.memory_space<vmem>>) target(%dma_start3A_44 : memref<128x64xf32, #tpu.memory_space<vmem_shared>>) target_semaphore(%arg18 : memref<!tpu.dma_semaphore, #tpu.memory_space<semaphore_mem>>)
    %add3A_45 = arith.constant 384 : i32
    %add3A_46 = arith.addi %mul3A_0, %add3A_45 : i32
    %dma_start3A_47 = arith.constant 0 : i32
    %dma_start3A_48 = tpu.memref_slice %arg11[%add3A_46, %dma_start3A_47] : memref<10240x64xf32, #tpu.memory_space<vmem_shared>> -> memref<128x64xf32, #tpu.memory_space<vmem_shared>>
    %dma_start3A_49 = arith.constant 0 : i32
    %dma_start3A_50 = tpu.memref_slice %arg11[%add3A_46, %dma_start3A_49] : memref<10240x64xf32, #tpu.memory_space<vmem_shared>> -> memref<128x64xf32, #tpu.memory_space<vmem_shared>>
    tpu.enqueue_dma source(%arg7 : memref<128x64xf32, #tpu.memory_space<vmem>>) target(%dma_start3A_50 : memref<128x64xf32, #tpu.memory_space<vmem_shared>>) target_semaphore(%arg18 : memref<!tpu.dma_semaphore, #tpu.memory_space<semaphore_mem>>)
    %add3A_51 = arith.constant 512 : i32
    %add3A_52 = arith.addi %mul3A_0, %add3A_51 : i32
    %dma_start3A_53 = arith.constant 0 : i32
    %dma_start3A_54 = tpu.memref_slice %arg11[%add3A_52, %dma_start3A_53] : memref<10240x64xf32, #tpu.memory_space<vmem_shared>> -> memref<128x64xf32, #tpu.memory_space<vmem_shared>>
    %dma_start3A_55 = arith.constant 0 : i32
    %dma_start3A_56 = tpu.memref_slice %arg11[%add3A_52, %dma_start3A_55] : memref<10240x64xf32, #tpu.memory_space<vmem_shared>> -> memref<128x64xf32, #tpu.memory_space<vmem_shared>>
    tpu.enqueue_dma source(%arg7 : memref<128x64xf32, #tpu.memory_space<vmem>>) target(%dma_start3A_56 : memref<128x64xf32, #tpu.memory_space<vmem_shared>>) target_semaphore(%arg18 : memref<!tpu.dma_semaphore, #tpu.memory_space<semaphore_mem>>)
    %add3A_57 = arith.constant 0 : i32
    %add3A_58 = arith.addi %mul3A_0, %add3A_57 : i32
    %dma_start3A_59 = arith.constant 0 : i32
    %dma_start3A_60 = tpu.memref_slice %arg2[%arg0, %add3A_58, %dma_start3A_59] : memref<2x10240x64xf32, #tpu.memory_space<hbm>> -> memref<1x128x64xf32, #tpu.memory_space<hbm>>
    %dma_start3A_61 = tpu.memref_squeeze %dma_start3A_60 : memref<1x128x64xf32, #tpu.memory_space<hbm>> -> memref<128x64xf32, #tpu.memory_space<hbm>>
    %dma_start3A_62 = arith.constant 0 : i32
    %dma_start3A_63 = tpu.memref_slice %arg2[%arg0, %add3A_58, %dma_start3A_62] : memref<2x10240x64xf32, #tpu.memory_space<hbm>> -> memref<1x128x64xf32, #tpu.memory_space<hbm>>
    %dma_start3A_64 = tpu.memref_squeeze %dma_start3A_63 : memref<1x128x64xf32, #tpu.memory_space<hbm>> -> memref<128x64xf32, #tpu.memory_space<hbm>>
    tpu.enqueue_dma source(%dma_start3A_64 : memref<128x64xf32, #tpu.memory_space<hbm>>) target(%arg9 : memref<128x64xf32, #tpu.memory_space<vmem>>) target_semaphore(%arg19 : memref<!tpu.dma_semaphore, #tpu.memory_space<semaphore_mem>>)
    %add3A_65 = arith.constant 128 : i32
    %add3A_66 = arith.addi %mul3A_0, %add3A_65 : i32
    %dma_start3A_67 = arith.constant 0 : i32
    %dma_start3A_68 = tpu.memref_slice %arg2[%arg0, %add3A_66, %dma_start3A_67] : memref<2x10240x64xf32, #tpu.memory_space<hbm>> -> memref<1x128x64xf32, #tpu.memory_space<hbm>>
    %dma_start3A_69 = tpu.memref_squeeze %dma_start3A_68 : memref<1x128x64xf32, #tpu.memory_space<hbm>> -> memref<128x64xf32, #tpu.memory_space<hbm>>
    %dma_start3A_70 = arith.constant 0 : i32
    %dma_start3A_71 = tpu.memref_slice %arg2[%arg0, %add3A_66, %dma_start3A_70] : memref<2x10240x64xf32, #tpu.memory_space<hbm>> -> memref<1x128x64xf32, #tpu.memory_space<hbm>>
    %dma_start3A_72 = tpu.memref_squeeze %dma_start3A_71 : memref<1x128x64xf32, #tpu.memory_space<hbm>> -> memref<128x64xf32, #tpu.memory_space<hbm>>
    tpu.enqueue_dma source(%dma_start3A_72 : memref<128x64xf32, #tpu.memory_space<hbm>>) target(%arg8 : memref<128x64xf32, #tpu.memory_space<vmem>>) target_semaphore(%arg20 : memref<!tpu.dma_semaphore, #tpu.memory_space<semaphore_mem>>)
    %add3A_73 = arith.constant 0 : i32
    %add3A_74 = arith.addi %mul3A_0, %add3A_73 : i32
    %dma_wait3A = arith.constant 0 : i32
    %dma_wait3A_75 = tpu.memref_slice %arg2[%arg0, %add3A_74, %dma_wait3A] : memref<2x10240x64xf32, #tpu.memory_space<hbm>> -> memref<1x128x64xf32, #tpu.memory_space<hbm>>
    %dma_wait3A_76 = tpu.memref_squeeze %dma_wait3A_75 : memref<1x128x64xf32, #tpu.memory_space<hbm>> -> memref<128x64xf32, #tpu.memory_space<hbm>>
    %dma_wait3A_77 = arith.constant 0 : i32
    %dma_wait3A_78 = tpu.memref_slice %arg2[%arg0, %add3A_74, %dma_wait3A_77] : memref<2x10240x64xf32, #tpu.memory_space<hbm>> -> memref<1x128x64xf32, #tpu.memory_space<hbm>>
    %dma_wait3A_79 = tpu.memref_squeeze %dma_wait3A_78 : memref<1x128x64xf32, #tpu.memory_space<hbm>> -> memref<128x64xf32, #tpu.memory_space<hbm>>
    tpu.wait_dma2 semaphore(%arg19 : memref<!tpu.dma_semaphore, #tpu.memory_space<semaphore_mem>>) src(%dma_wait3A_79 : memref<128x64xf32, #tpu.memory_space<hbm>>) dst(%arg9 : memref<128x64xf32, #tpu.memory_space<vmem>>)
    %add3A_80 = arith.constant 0 : i32
    %add3A_81 = arith.addi %mul3A_0, %add3A_80 : i32
    "tpu.region"() ({
      %run_scoped3A = tpu.sem_alloc : memref<!tpu.dma_semaphore, #tpu.memory_space<semaphore_mem>>
      %dma_start3A_461 = arith.constant 0 : i32
      %dma_start3A_462 = tpu.memref_slice %arg10[%add3A_81, %dma_start3A_461] : memref<10240x64xf32, #tpu.memory_space<vmem_shared>> -> memref<128x64xf32, #tpu.memory_space<vmem_shared>>
      %dma_start3A_463 = arith.constant 0 : i32
      %dma_start3A_464 = tpu.memref_slice %arg10[%add3A_81, %dma_start3A_463] : memref<10240x64xf32, #tpu.memory_space<vmem_shared>> -> memref<128x64xf32, #tpu.memory_space<vmem_shared>>
      tpu.enqueue_dma source(%arg9 : memref<128x64xf32, #tpu.memory_space<vmem>>) target(%dma_start3A_464 : memref<128x64xf32, #tpu.memory_space<vmem_shared>>) target_semaphore(%run_scoped3A : memref<!tpu.dma_semaphore, #tpu.memory_space<semaphore_mem>>)
      %dma_wait3A_465 = arith.constant 0 : i32
      %dma_wait3A_466 = tpu.memref_slice %arg10[%add3A_81, %dma_wait3A_465] : memref<10240x64xf32, #tpu.memory_space<vmem_shared>> -> memref<128x64xf32, #tpu.memory_space<vmem_shared>>
      %dma_wait3A_467 = arith.constant 0 : i32
      %dma_wait3A_468 = tpu.memref_slice %arg10[%add3A_81, %dma_wait3A_467] : memref<10240x64xf32, #tpu.memory_space<vmem_shared>> -> memref<128x64xf32, #tpu.memory_space<vmem_shared>>
      tpu.wait_dma2 semaphore(%run_scoped3A : memref<!tpu.dma_semaphore, #tpu.memory_space<semaphore_mem>>) src(%arg9 : memref<128x64xf32, #tpu.memory_space<vmem>>) dst(%dma_wait3A_468 : memref<128x64xf32, #tpu.memory_space<vmem_shared>>)
      tpu.yield
    }) : () -> ()
    %add3A_82 = arith.constant 256 : i32
    %add3A_83 = arith.addi %mul3A_0, %add3A_82 : i32
    %dma_start3A_84 = arith.constant 0 : i32
    %dma_start3A_85 = tpu.memref_slice %arg2[%arg0, %add3A_83, %dma_start3A_84] : memref<2x10240x64xf32, #tpu.memory_space<hbm>> -> memref<1x128x64xf32, #tpu.memory_space<hbm>>
    %dma_start3A_86 = tpu.memref_squeeze %dma_start3A_85 : memref<1x128x64xf32, #tpu.memory_space<hbm>> -> memref<128x64xf32, #tpu.memory_space<hbm>>
    %dma_start3A_87 = arith.constant 0 : i32
    %dma_start3A_88 = tpu.memref_slice %arg2[%arg0, %add3A_83, %dma_start3A_87] : memref<2x10240x64xf32, #tpu.memory_space<hbm>> -> memref<1x128x64xf32, #tpu.memory_space<hbm>>
    %dma_start3A_89 = tpu.memref_squeeze %dma_start3A_88 : memref<1x128x64xf32, #tpu.memory_space<hbm>> -> memref<128x64xf32, #tpu.memory_space<hbm>>
    tpu.enqueue_dma source(%dma_start3A_89 : memref<128x64xf32, #tpu.memory_space<hbm>>) target(%arg9 : memref<128x64xf32, #tpu.memory_space<vmem>>) target_semaphore(%arg19 : memref<!tpu.dma_semaphore, #tpu.memory_space<semaphore_mem>>)
    %add3A_90 = arith.constant 128 : i32
    %add3A_91 = arith.addi %mul3A_0, %add3A_90 : i32
    %dma_wait3A_92 = arith.constant 0 : i32
    %dma_wait3A_93 = tpu.memref_slice %arg2[%arg0, %add3A_91, %dma_wait3A_92] : memref<2x10240x64xf32, #tpu.memory_space<hbm>> -> memref<1x128x64xf32, #tpu.memory_space<hbm>>
    %dma_wait3A_94 = tpu.memref_squeeze %dma_wait3A_93 : memref<1x128x64xf32, #tpu.memory_space<hbm>> -> memref<128x64xf32, #tpu.memory_space<hbm>>
    %dma_wait3A_95 = arith.constant 0 : i32
    %dma_wait3A_96 = tpu.memref_slice %arg2[%arg0, %add3A_91, %dma_wait3A_95] : memref<2x10240x64xf32, #tpu.memory_space<hbm>> -> memref<1x128x64xf32, #tpu.memory_space<hbm>>
    %dma_wait3A_97 = tpu.memref_squeeze %dma_wait3A_96 : memref<1x128x64xf32, #tpu.memory_space<hbm>> -> memref<128x64xf32, #tpu.memory_space<hbm>>
    tpu.wait_dma2 semaphore(%arg20 : memref<!tpu.dma_semaphore, #tpu.memory_space<semaphore_mem>>) src(%dma_wait3A_97 : memref<128x64xf32, #tpu.memory_space<hbm>>) dst(%arg8 : memref<128x64xf32, #tpu.memory_space<vmem>>)
    %add3A_98 = arith.constant 128 : i32
    %add3A_99 = arith.addi %mul3A_0, %add3A_98 : i32
    "tpu.region"() ({
      %run_scoped3A = tpu.sem_alloc : memref<!tpu.dma_semaphore, #tpu.memory_space<semaphore_mem>>
      %dma_start3A_461 = arith.constant 0 : i32
      %dma_start3A_462 = tpu.memref_slice %arg10[%add3A_99, %dma_start3A_461] : memref<10240x64xf32, #tpu.memory_space<vmem_shared>> -> memref<128x64xf32, #tpu.memory_space<vmem_shared>>
      %dma_start3A_463 = arith.constant 0 : i32
      %dma_start3A_464 = tpu.memref_slice %arg10[%add3A_99, %dma_start3A_463] : memref<10240x64xf32, #tpu.memory_space<vmem_shared>> -> memref<128x64xf32, #tpu.memory_space<vmem_shared>>
      tpu.enqueue_dma source(%arg8 : memref<128x64xf32, #tpu.memory_space<vmem>>) target(%dma_start3A_464 : memref<128x64xf32, #tpu.memory_space<vmem_shared>>) target_semaphore(%run_scoped3A : memref<!tpu.dma_semaphore, #tpu.memory_space<semaphore_mem>>)
      %dma_wait3A_465 = arith.constant 0 : i32
      %dma_wait3A_466 = tpu.memref_slice %arg10[%add3A_99, %dma_wait3A_465] : memref<10240x64xf32, #tpu.memory_space<vmem_shared>> -> memref<128x64xf32, #tpu.memory_space<vmem_shared>>
      %dma_wait3A_467 = arith.constant 0 : i32
      %dma_wait3A_468 = tpu.memref_slice %arg10[%add3A_99, %dma_wait3A_467] : memref<10240x64xf32, #tpu.memory_space<vmem_shared>> -> memref<128x64xf32, #tpu.memory_space<vmem_shared>>
      tpu.wait_dma2 semaphore(%run_scoped3A : memref<!tpu.dma_semaphore, #tpu.memory_space<semaphore_mem>>) src(%arg8 : memref<128x64xf32, #tpu.memory_space<vmem>>) dst(%dma_wait3A_468 : memref<128x64xf32, #tpu.memory_space<vmem_shared>>)
      tpu.yield
    }) : () -> ()
    %add3A_100 = arith.constant 384 : i32
    %add3A_101 = arith.addi %mul3A_0, %add3A_100 : i32
    %dma_start3A_102 = arith.constant 0 : i32
    %dma_start3A_103 = tpu.memref_slice %arg2[%arg0, %add3A_101, %dma_start3A_102] : memref<2x10240x64xf32, #tpu.memory_space<hbm>> -> memref<1x128x64xf32, #tpu.memory_space<hbm>>
    %dma_start3A_104 = tpu.memref_squeeze %dma_start3A_103 : memref<1x128x64xf32, #tpu.memory_space<hbm>> -> memref<128x64xf32, #tpu.memory_space<hbm>>
    %dma_start3A_105 = arith.constant 0 : i32
    %dma_start3A_106 = tpu.memref_slice %arg2[%arg0, %add3A_101, %dma_start3A_105] : memref<2x10240x64xf32, #tpu.memory_space<hbm>> -> memref<1x128x64xf32, #tpu.memory_space<hbm>>
    %dma_start3A_107 = tpu.memref_squeeze %dma_start3A_106 : memref<1x128x64xf32, #tpu.memory_space<hbm>> -> memref<128x64xf32, #tpu.memory_space<hbm>>
    tpu.enqueue_dma source(%dma_start3A_107 : memref<128x64xf32, #tpu.memory_space<hbm>>) target(%arg8 : memref<128x64xf32, #tpu.memory_space<vmem>>) target_semaphore(%arg20 : memref<!tpu.dma_semaphore, #tpu.memory_space<semaphore_mem>>)
    %add3A_108 = arith.constant 256 : i32
    %add3A_109 = arith.addi %mul3A_0, %add3A_108 : i32
    %dma_wait3A_110 = arith.constant 0 : i32
    %dma_wait3A_111 = tpu.memref_slice %arg2[%arg0, %add3A_109, %dma_wait3A_110] : memref<2x10240x64xf32, #tpu.memory_space<hbm>> -> memref<1x128x64xf32, #tpu.memory_space<hbm>>
    %dma_wait3A_112 = tpu.memref_squeeze %dma_wait3A_111 : memref<1x128x64xf32, #tpu.memory_space<hbm>> -> memref<128x64xf32, #tpu.memory_space<hbm>>
    %dma_wait3A_113 = arith.constant 0 : i32
    %dma_wait3A_114 = tpu.memref_slice %arg2[%arg0, %add3A_109, %dma_wait3A_113] : memref<2x10240x64xf32, #tpu.memory_space<hbm>> -> memref<1x128x64xf32, #tpu.memory_space<hbm>>
    %dma_wait3A_115 = tpu.memref_squeeze %dma_wait3A_114 : memref<1x128x64xf32, #tpu.memory_space<hbm>> -> memref<128x64xf32, #tpu.memory_space<hbm>>
    tpu.wait_dma2 semaphore(%arg19 : memref<!tpu.dma_semaphore, #tpu.memory_space<semaphore_mem>>) src(%dma_wait3A_115 : memref<128x64xf32, #tpu.memory_space<hbm>>) dst(%arg9 : memref<128x64xf32, #tpu.memory_space<vmem>>)
    %add3A_116 = arith.constant 256 : i32
    %add3A_117 = arith.addi %mul3A_0, %add3A_116 : i32
    "tpu.region"() ({
      %run_scoped3A = tpu.sem_alloc : memref<!tpu.dma_semaphore, #tpu.memory_space<semaphore_mem>>
      %dma_start3A_461 = arith.constant 0 : i32
      %dma_start3A_462 = tpu.memref_slice %arg10[%add3A_117, %dma_start3A_461] : memref<10240x64xf32, #tpu.memory_space<vmem_shared>> -> memref<128x64xf32, #tpu.memory_space<vmem_shared>>
      %dma_start3A_463 = arith.constant 0 : i32
      %dma_start3A_464 = tpu.memref_slice %arg10[%add3A_117, %dma_start3A_463] : memref<10240x64xf32, #tpu.memory_space<vmem_shared>> -> memref<128x64xf32, #tpu.memory_space<vmem_shared>>
      tpu.enqueue_dma source(%arg9 : memref<128x64xf32, #tpu.memory_space<vmem>>) target(%dma_start3A_464 : memref<128x64xf32, #tpu.memory_space<vmem_shared>>) target_semaphore(%run_scoped3A : memref<!tpu.dma_semaphore, #tpu.memory_space<semaphore_mem>>)
      %dma_wait3A_465 = arith.constant 0 : i32
      %dma_wait3A_466 = tpu.memref_slice %arg10[%add3A_117, %dma_wait3A_465] : memref<10240x64xf32, #tpu.memory_space<vmem_shared>> -> memref<128x64xf32, #tpu.memory_space<vmem_shared>>
      %dma_wait3A_467 = arith.constant 0 : i32
      %dma_wait3A_468 = tpu.memref_slice %arg10[%add3A_117, %dma_wait3A_467] : memref<10240x64xf32, #tpu.memory_space<vmem_shared>> -> memref<128x64xf32, #tpu.memory_space<vmem_shared>>
      tpu.wait_dma2 semaphore(%run_scoped3A : memref<!tpu.dma_semaphore, #tpu.memory_space<semaphore_mem>>) src(%arg9 : memref<128x64xf32, #tpu.memory_space<vmem>>) dst(%dma_wait3A_468 : memref<128x64xf32, #tpu.memory_space<vmem_shared>>)
      tpu.yield
    }) : () -> ()
    %add3A_118 = arith.constant 512 : i32
    %add3A_119 = arith.addi %mul3A_0, %add3A_118 : i32
    %dma_start3A_120 = arith.constant 0 : i32
    %dma_start3A_121 = tpu.memref_slice %arg2[%arg0, %add3A_119, %dma_start3A_120] : memref<2x10240x64xf32, #tpu.memory_space<hbm>> -> memref<1x128x64xf32, #tpu.memory_space<hbm>>
    %dma_start3A_122 = tpu.memref_squeeze %dma_start3A_121 : memref<1x128x64xf32, #tpu.memory_space<hbm>> -> memref<128x64xf32, #tpu.memory_space<hbm>>
    %dma_start3A_123 = arith.constant 0 : i32
    %dma_start3A_124 = tpu.memref_slice %arg2[%arg0, %add3A_119, %dma_start3A_123] : memref<2x10240x64xf32, #tpu.memory_space<hbm>> -> memref<1x128x64xf32, #tpu.memory_space<hbm>>
    %dma_start3A_125 = tpu.memref_squeeze %dma_start3A_124 : memref<1x128x64xf32, #tpu.memory_space<hbm>> -> memref<128x64xf32, #tpu.memory_space<hbm>>
    tpu.enqueue_dma source(%dma_start3A_125 : memref<128x64xf32, #tpu.memory_space<hbm>>) target(%arg9 : memref<128x64xf32, #tpu.memory_space<vmem>>) target_semaphore(%arg19 : memref<!tpu.dma_semaphore, #tpu.memory_space<semaphore_mem>>)
    %add3A_126 = arith.constant 384 : i32
    %add3A_127 = arith.addi %mul3A_0, %add3A_126 : i32
    %dma_wait3A_128 = arith.constant 0 : i32
    %dma_wait3A_129 = tpu.memref_slice %arg2[%arg0, %add3A_127, %dma_wait3A_128] : memref<2x10240x64xf32, #tpu.memory_space<hbm>> -> memref<1x128x64xf32, #tpu.memory_space<hbm>>
    %dma_wait3A_130 = tpu.memref_squeeze %dma_wait3A_129 : memref<1x128x64xf32, #tpu.memory_space<hbm>> -> memref<128x64xf32, #tpu.memory_space<hbm>>
    %dma_wait3A_131 = arith.constant 0 : i32
    %dma_wait3A_132 = tpu.memref_slice %arg2[%arg0, %add3A_127, %dma_wait3A_131] : memref<2x10240x64xf32, #tpu.memory_space<hbm>> -> memref<1x128x64xf32, #tpu.memory_space<hbm>>
    %dma_wait3A_133 = tpu.memref_squeeze %dma_wait3A_132 : memref<1x128x64xf32, #tpu.memory_space<hbm>> -> memref<128x64xf32, #tpu.memory_space<hbm>>
    tpu.wait_dma2 semaphore(%arg20 : memref<!tpu.dma_semaphore, #tpu.memory_space<semaphore_mem>>) src(%dma_wait3A_133 : memref<128x64xf32, #tpu.memory_space<hbm>>) dst(%arg8 : memref<128x64xf32, #tpu.memory_space<vmem>>)
    %add3A_134 = arith.constant 384 : i32
    %add3A_135 = arith.addi %mul3A_0, %add3A_134 : i32
    "tpu.region"() ({
      %run_scoped3A = tpu.sem_alloc : memref<!tpu.dma_semaphore, #tpu.memory_space<semaphore_mem>>
      %dma_start3A_461 = arith.constant 0 : i32
      %dma_start3A_462 = tpu.memref_slice %arg10[%add3A_135, %dma_start3A_461] : memref<10240x64xf32, #tpu.memory_space<vmem_shared>> -> memref<128x64xf32, #tpu.memory_space<vmem_shared>>
      %dma_start3A_463 = arith.constant 0 : i32
      %dma_start3A_464 = tpu.memref_slice %arg10[%add3A_135, %dma_start3A_463] : memref<10240x64xf32, #tpu.memory_space<vmem_shared>> -> memref<128x64xf32, #tpu.memory_space<vmem_shared>>
      tpu.enqueue_dma source(%arg8 : memref<128x64xf32, #tpu.memory_space<vmem>>) target(%dma_start3A_464 : memref<128x64xf32, #tpu.memory_space<vmem_shared>>) target_semaphore(%run_scoped3A : memref<!tpu.dma_semaphore, #tpu.memory_space<semaphore_mem>>)
      %dma_wait3A_465 = arith.constant 0 : i32
      %dma_wait3A_466 = tpu.memref_slice %arg10[%add3A_135, %dma_wait3A_465] : memref<10240x64xf32, #tpu.memory_space<vmem_shared>> -> memref<128x64xf32, #tpu.memory_space<vmem_shared>>
      %dma_wait3A_467 = arith.constant 0 : i32
      %dma_wait3A_468 = tpu.memref_slice %arg10[%add3A_135, %dma_wait3A_467] : memref<10240x64xf32, #tpu.memory_space<vmem_shared>> -> memref<128x64xf32, #tpu.memory_space<vmem_shared>>
      tpu.wait_dma2 semaphore(%run_scoped3A : memref<!tpu.dma_semaphore, #tpu.memory_space<semaphore_mem>>) src(%arg8 : memref<128x64xf32, #tpu.memory_space<vmem>>) dst(%dma_wait3A_468 : memref<128x64xf32, #tpu.memory_space<vmem_shared>>)
      tpu.yield
    }) : () -> ()
    %add3A_136 = arith.constant 512 : i32
    %add3A_137 = arith.addi %mul3A_0, %add3A_136 : i32
    %dma_wait3A_138 = arith.constant 0 : i32
    %dma_wait3A_139 = tpu.memref_slice %arg2[%arg0, %add3A_137, %dma_wait3A_138] : memref<2x10240x64xf32, #tpu.memory_space<hbm>> -> memref<1x128x64xf32, #tpu.memory_space<hbm>>
    %dma_wait3A_140 = tpu.memref_squeeze %dma_wait3A_139 : memref<1x128x64xf32, #tpu.memory_space<hbm>> -> memref<128x64xf32, #tpu.memory_space<hbm>>
    %dma_wait3A_141 = arith.constant 0 : i32
    %dma_wait3A_142 = tpu.memref_slice %arg2[%arg0, %add3A_137, %dma_wait3A_141] : memref<2x10240x64xf32, #tpu.memory_space<hbm>> -> memref<1x128x64xf32, #tpu.memory_space<hbm>>
    %dma_wait3A_143 = tpu.memref_squeeze %dma_wait3A_142 : memref<1x128x64xf32, #tpu.memory_space<hbm>> -> memref<128x64xf32, #tpu.memory_space<hbm>>
    tpu.wait_dma2 semaphore(%arg19 : memref<!tpu.dma_semaphore, #tpu.memory_space<semaphore_mem>>) src(%dma_wait3A_143 : memref<128x64xf32, #tpu.memory_space<hbm>>) dst(%arg9 : memref<128x64xf32, #tpu.memory_space<vmem>>)
    %add3A_144 = arith.constant 512 : i32
    %add3A_145 = arith.addi %mul3A_0, %add3A_144 : i32
    "tpu.region"() ({
      %run_scoped3A = tpu.sem_alloc : memref<!tpu.dma_semaphore, #tpu.memory_space<semaphore_mem>>
      %dma_start3A_461 = arith.constant 0 : i32
      %dma_start3A_462 = tpu.memref_slice %arg10[%add3A_145, %dma_start3A_461] : memref<10240x64xf32, #tpu.memory_space<vmem_shared>> -> memref<128x64xf32, #tpu.memory_space<vmem_shared>>
      %dma_start3A_463 = arith.constant 0 : i32
      %dma_start3A_464 = tpu.memref_slice %arg10[%add3A_145, %dma_start3A_463] : memref<10240x64xf32, #tpu.memory_space<vmem_shared>> -> memref<128x64xf32, #tpu.memory_space<vmem_shared>>
      tpu.enqueue_dma source(%arg9 : memref<128x64xf32, #tpu.memory_space<vmem>>) target(%dma_start3A_464 : memref<128x64xf32, #tpu.memory_space<vmem_shared>>) target_semaphore(%run_scoped3A : memref<!tpu.dma_semaphore, #tpu.memory_space<semaphore_mem>>)
      %dma_wait3A_465 = arith.constant 0 : i32
      %dma_wait3A_466 = tpu.memref_slice %arg10[%add3A_145, %dma_wait3A_465] : memref<10240x64xf32, #tpu.memory_space<vmem_shared>> -> memref<128x64xf32, #tpu.memory_space<vmem_shared>>
      %dma_wait3A_467 = arith.constant 0 : i32
      %dma_wait3A_468 = tpu.memref_slice %arg10[%add3A_145, %dma_wait3A_467] : memref<10240x64xf32, #tpu.memory_space<vmem_shared>> -> memref<128x64xf32, #tpu.memory_space<vmem_shared>>
      tpu.wait_dma2 semaphore(%run_scoped3A : memref<!tpu.dma_semaphore, #tpu.memory_space<semaphore_mem>>) src(%arg9 : memref<128x64xf32, #tpu.memory_space<vmem>>) dst(%dma_wait3A_468 : memref<128x64xf32, #tpu.memory_space<vmem_shared>>)
      tpu.yield
    }) : () -> ()
    %add3A_146 = arith.constant 0 : i32
    %add3A_147 = arith.addi %mul3A_0, %add3A_146 : i32
    %dma_wait3A_148 = arith.constant 0 : i32
    %dma_wait3A_149 = tpu.memref_slice %arg11[%add3A_147, %dma_wait3A_148] : memref<10240x64xf32, #tpu.memory_space<vmem_shared>> -> memref<128x64xf32, #tpu.memory_space<vmem_shared>>
    %dma_wait3A_150 = arith.constant 0 : i32
    %dma_wait3A_151 = tpu.memref_slice %arg11[%add3A_147, %dma_wait3A_150] : memref<10240x64xf32, #tpu.memory_space<vmem_shared>> -> memref<128x64xf32, #tpu.memory_space<vmem_shared>>
    tpu.wait_dma2 semaphore(%arg18 : memref<!tpu.dma_semaphore, #tpu.memory_space<semaphore_mem>>) src(%arg7 : memref<128x64xf32, #tpu.memory_space<vmem>>) dst(%dma_wait3A_151 : memref<128x64xf32, #tpu.memory_space<vmem_shared>>)
    %add3A_152 = arith.constant 128 : i32
    %add3A_153 = arith.addi %mul3A_0, %add3A_152 : i32
    %dma_wait3A_154 = arith.constant 0 : i32
    %dma_wait3A_155 = tpu.memref_slice %arg11[%add3A_153, %dma_wait3A_154] : memref<10240x64xf32, #tpu.memory_space<vmem_shared>> -> memref<128x64xf32, #tpu.memory_space<vmem_shared>>
    %dma_wait3A_156 = arith.constant 0 : i32
    %dma_wait3A_157 = tpu.memref_slice %arg11[%add3A_153, %dma_wait3A_156] : memref<10240x64xf32, #tpu.memory_space<vmem_shared>> -> memref<128x64xf32, #tpu.memory_space<vmem_shared>>
    tpu.wait_dma2 semaphore(%arg18 : memref<!tpu.dma_semaphore, #tpu.memory_space<semaphore_mem>>) src(%arg7 : memref<128x64xf32, #tpu.memory_space<vmem>>) dst(%dma_wait3A_157 : memref<128x64xf32, #tpu.memory_space<vmem_shared>>)
    %add3A_158 = arith.constant 256 : i32
    %add3A_159 = arith.addi %mul3A_0, %add3A_158 : i32
    %dma_wait3A_160 = arith.constant 0 : i32
    %dma_wait3A_161 = tpu.memref_slice %arg11[%add3A_159, %dma_wait3A_160] : memref<10240x64xf32, #tpu.memory_space<vmem_shared>> -> memref<128x64xf32, #tpu.memory_space<vmem_shared>>
    %dma_wait3A_162 = arith.constant 0 : i32
    %dma_wait3A_163 = tpu.memref_slice %arg11[%add3A_159, %dma_wait3A_162] : memref<10240x64xf32, #tpu.memory_space<vmem_shared>> -> memref<128x64xf32, #tpu.memory_space<vmem_shared>>
    tpu.wait_dma2 semaphore(%arg18 : memref<!tpu.dma_semaphore, #tpu.memory_space<semaphore_mem>>) src(%arg7 : memref<128x64xf32, #tpu.memory_space<vmem>>) dst(%dma_wait3A_163 : memref<128x64xf32, #tpu.memory_space<vmem_shared>>)
    %add3A_164 = arith.constant 384 : i32
    %add3A_165 = arith.addi %mul3A_0, %add3A_164 : i32
    %dma_wait3A_166 = arith.constant 0 : i32
    %dma_wait3A_167 = tpu.memref_slice %arg11[%add3A_165, %dma_wait3A_166] : memref<10240x64xf32, #tpu.memory_space<vmem_shared>> -> memref<128x64xf32, #tpu.memory_space<vmem_shared>>
    %dma_wait3A_168 = arith.constant 0 : i32
    %dma_wait3A_169 = tpu.memref_slice %arg11[%add3A_165, %dma_wait3A_168] : memref<10240x64xf32, #tpu.memory_space<vmem_shared>> -> memref<128x64xf32, #tpu.memory_space<vmem_shared>>
    tpu.wait_dma2 semaphore(%arg18 : memref<!tpu.dma_semaphore, #tpu.memory_space<semaphore_mem>>) src(%arg7 : memref<128x64xf32, #tpu.memory_space<vmem>>) dst(%dma_wait3A_169 : memref<128x64xf32, #tpu.memory_space<vmem_shared>>)
    %add3A_170 = arith.constant 512 : i32
    %add3A_171 = arith.addi %mul3A_0, %add3A_170 : i32
    %dma_wait3A_172 = arith.constant 0 : i32
    %dma_wait3A_173 = tpu.memref_slice %arg11[%add3A_171, %dma_wait3A_172] : memref<10240x64xf32, #tpu.memory_space<vmem_shared>> -> memref<128x64xf32, #tpu.memory_space<vmem_shared>>
    %dma_wait3A_174 = arith.constant 0 : i32
    %dma_wait3A_175 = tpu.memref_slice %arg11[%add3A_171, %dma_wait3A_174] : memref<10240x64xf32, #tpu.memory_space<vmem_shared>> -> memref<128x64xf32, #tpu.memory_space<vmem_shared>>
    tpu.wait_dma2 semaphore(%arg18 : memref<!tpu.dma_semaphore, #tpu.memory_space<semaphore_mem>>) src(%arg7 : memref<128x64xf32, #tpu.memory_space<vmem>>) dst(%dma_wait3A_175 : memref<128x64xf32, #tpu.memory_space<vmem_shared>>)
    %barrier3A = arith.constant 0 : index
    tpu.barrier barrier_id(%barrier3A)
    %dma_wait3A_176 = arith.constant 0 : i32
    %dma_wait3A_177 = arith.constant 0 : i32
    %dma_wait3A_178 = arith.constant 0 : i32
    %dma_wait3A_179 = arith.constant 0 : i32
    %dma_wait3A_180 = tpu.memref_slice %arg3[%arg1, %dma_wait3A_176, %dma_wait3A_177, %dma_wait3A_178, %dma_wait3A_179] : memref<16x40x4x2x128xi32, #tpu.memory_space<hbm>> -> memref<1x1x4x2x128xi32, #tpu.memory_space<hbm>>
    %dma_wait3A_181 = tpu.memref_squeeze %dma_wait3A_180 : memref<1x1x4x2x128xi32, #tpu.memory_space<hbm>> -> memref<4x2x128xi32, #tpu.memory_space<hbm>>
    %dma_wait3A_182 = arith.constant 0 : i32
    %dma_wait3A_183 = arith.constant 0 : i32
    %dma_wait3A_184 = arith.constant 0 : i32
    %dma_wait3A_185 = tpu.memref_slice %arg3[%arg1, %dma_wait3A_176, %dma_wait3A_182, %dma_wait3A_183, %dma_wait3A_184] : memref<16x40x4x2x128xi32, #tpu.memory_space<hbm>> -> memref<1x1x4x2x128xi32, #tpu.memory_space<hbm>>
    %dma_wait3A_186 = tpu.memref_squeeze %dma_wait3A_185 : memref<1x1x4x2x128xi32, #tpu.memory_space<hbm>> -> memref<4x2x128xi32, #tpu.memory_space<hbm>>
    tpu.wait_dma2 semaphore(%arg12 : memref<!tpu.dma_semaphore, #tpu.memory_space<semaphore_mem>>) src(%dma_wait3A_186 : memref<4x2x128xi32, #tpu.memory_space<hbm>>) dst(%arg5 : memref<4x2x128xi32, #tpu.memory_space<vmem>>)
    %dma_start3A_187 = arith.constant 0 : i32
    %dma_start3A_188 = arith.constant 0 : i32
    %dma_start3A_189 = arith.constant 0 : i32
    %dma_start3A_190 = tpu.memref_slice %arg5[%dma_start3A_187, %dma_start3A_188, %dma_start3A_189] : memref<4x2x128xi32, #tpu.memory_space<vmem>> -> memref<1x1x128xi32, #tpu.memory_space<vmem>>
    %dma_start3A_191 = tpu.memref_squeeze %dma_start3A_190 : memref<1x1x128xi32, #tpu.memory_space<vmem>> -> memref<128xi32, #tpu.memory_space<vmem>>
    %dma_start3A_192 = arith.constant 0 : i32
    %dma_start3A_193 = arith.constant 0 : i32
    %dma_start3A_194 = tpu.memref_slice %arg10[%dma_start3A_192, %dma_start3A_193] : memref<10240x64xf32, #tpu.memory_space<vmem_shared>> -> memref<10240x64xf32, #tpu.memory_space<vmem_shared>>
    tpu.enqueue_indirect_dma source(%dma_start3A_194 : memref<10240x64xf32, #tpu.memory_space<vmem_shared>>) target(%arg7 : memref<128x64xf32, #tpu.memory_space<vmem>>) offsets(%dma_start3A_191 : memref<128xi32, #tpu.memory_space<vmem>>) semaphore(%arg14 : memref<!tpu.dma_semaphore, #tpu.memory_space<semaphore_mem>>)
    %dma_start3A_195 = arith.constant 1 : i32
    %dma_start3A_196 = arith.constant 0 : i32
    %dma_start3A_197 = arith.constant 0 : i32
    %dma_start3A_198 = tpu.memref_slice %arg5[%dma_start3A_195, %dma_start3A_196, %dma_start3A_197] : memref<4x2x128xi32, #tpu.memory_space<vmem>> -> memref<1x1x128xi32, #tpu.memory_space<vmem>>
    %dma_start3A_199 = tpu.memref_squeeze %dma_start3A_198 : memref<1x1x128xi32, #tpu.memory_space<vmem>> -> memref<128xi32, #tpu.memory_space<vmem>>
    %dma_start3A_200 = arith.constant 0 : i32
    %dma_start3A_201 = arith.constant 0 : i32
    %dma_start3A_202 = tpu.memref_slice %arg10[%dma_start3A_200, %dma_start3A_201] : memref<10240x64xf32, #tpu.memory_space<vmem_shared>> -> memref<10240x64xf32, #tpu.memory_space<vmem_shared>>
    tpu.enqueue_indirect_dma source(%dma_start3A_202 : memref<10240x64xf32, #tpu.memory_space<vmem_shared>>) target(%arg8 : memref<128x64xf32, #tpu.memory_space<vmem>>) offsets(%dma_start3A_199 : memref<128xi32, #tpu.memory_space<vmem>>) semaphore(%arg15 : memref<!tpu.dma_semaphore, #tpu.memory_space<semaphore_mem>>)
    %scan3A_203 = arith.constant 0 : i32
    %scan3A_204 = arith.constant 0 : i32
    %scan3A_205 = arith.constant 19 : i32
    %scan3A_206 = arith.addi %scan3A_204, %scan3A_205 : i32
    %scan3A_207 = arith.constant 1 : i32
    scf.for %scan3A_461 = %scan3A_204 to %scan3A_206 step %scan3A_207  : i32 {
      %dma_wait3A_462 = arith.constant 0 : i32
      %dma_wait3A_463 = arith.constant 0 : i32
      %dma_wait3A_464 = arith.constant 0 : i32
      %dma_wait3A_465 = tpu.memref_slice %arg5[%dma_wait3A_462, %dma_wait3A_463, %dma_wait3A_464] : memref<4x2x128xi32, #tpu.memory_space<vmem>> -> memref<1x1x128xi32, #tpu.memory_space<vmem>>
      %dma_wait3A_466 = tpu.memref_squeeze %dma_wait3A_465 : memref<1x1x128xi32, #tpu.memory_space<vmem>> -> memref<128xi32, #tpu.memory_space<vmem>>
      %dma_wait3A_467 = arith.constant 0 : i32
      %dma_wait3A_468 = arith.constant 0 : i32
      %dma_wait3A_469 = tpu.memref_slice %arg10[%dma_wait3A_467, %dma_wait3A_468] : memref<10240x64xf32, #tpu.memory_space<vmem_shared>> -> memref<10240x64xf32, #tpu.memory_space<vmem_shared>>
      tpu.wait_indirect_dma semaphore(%arg14 : memref<!tpu.dma_semaphore, #tpu.memory_space<semaphore_mem>>) src(%dma_wait3A_469 : memref<10240x64xf32, #tpu.memory_space<vmem_shared>>) dst(%arg7 : memref<128x64xf32, #tpu.memory_space<vmem>>)
      %dma_start3A_470 = arith.constant 0 : i32
      %dma_start3A_471 = arith.constant 1 : i32
      %dma_start3A_472 = arith.constant 0 : i32
      %dma_start3A_473 = tpu.memref_slice %arg5[%dma_start3A_470, %dma_start3A_471, %dma_start3A_472] : memref<4x2x128xi32, #tpu.memory_space<vmem>> -> memref<1x1x128xi32, #tpu.memory_space<vmem>>
      %dma_start3A_474 = tpu.memref_squeeze %dma_start3A_473 : memref<1x1x128xi32, #tpu.memory_space<vmem>> -> memref<128xi32, #tpu.memory_space<vmem>>
      %dma_start3A_475 = arith.constant 0 : i32
      %dma_start3A_476 = arith.constant 0 : i32
      %dma_start3A_477 = tpu.memref_slice %arg11[%dma_start3A_475, %dma_start3A_476] : memref<10240x64xf32, #tpu.memory_space<vmem_shared>> -> memref<10240x64xf32, #tpu.memory_space<vmem_shared>>
      tpu.enqueue_indirect_dma source(%arg7 : memref<128x64xf32, #tpu.memory_space<vmem>>) target(%dma_start3A_477 : memref<10240x64xf32, #tpu.memory_space<vmem_shared>>) offsets(%dma_start3A_474 : memref<128xi32, #tpu.memory_space<vmem>>) semaphore(%arg16 : memref<!tpu.dma_semaphore, #tpu.memory_space<semaphore_mem>>) {add = true}
      %dma_wait3A_478 = arith.constant 1 : i32
      %dma_wait3A_479 = arith.constant 0 : i32
      %dma_wait3A_480 = arith.constant 0 : i32
      %dma_wait3A_481 = tpu.memref_slice %arg5[%dma_wait3A_478, %dma_wait3A_479, %dma_wait3A_480] : memref<4x2x128xi32, #tpu.memory_space<vmem>> -> memref<1x1x128xi32, #tpu.memory_space<vmem>>
      %dma_wait3A_482 = tpu.memref_squeeze %dma_wait3A_481 : memref<1x1x128xi32, #tpu.memory_space<vmem>> -> memref<128xi32, #tpu.memory_space<vmem>>
      %dma_wait3A_483 = arith.constant 0 : i32
      %dma_wait3A_484 = arith.constant 0 : i32
      %dma_wait3A_485 = tpu.memref_slice %arg10[%dma_wait3A_483, %dma_wait3A_484] : memref<10240x64xf32, #tpu.memory_space<vmem_shared>> -> memref<10240x64xf32, #tpu.memory_space<vmem_shared>>
      tpu.wait_indirect_dma semaphore(%arg15 : memref<!tpu.dma_semaphore, #tpu.memory_space<semaphore_mem>>) src(%dma_wait3A_485 : memref<10240x64xf32, #tpu.memory_space<vmem_shared>>) dst(%arg8 : memref<128x64xf32, #tpu.memory_space<vmem>>)
      %dma_start3A_486 = arith.constant 1 : i32
      %dma_start3A_487 = arith.constant 1 : i32
      %dma_start3A_488 = arith.constant 0 : i32
      %dma_start3A_489 = tpu.memref_slice %arg5[%dma_start3A_486, %dma_start3A_487, %dma_start3A_488] : memref<4x2x128xi32, #tpu.memory_space<vmem>> -> memref<1x1x128xi32, #tpu.memory_space<vmem>>
      %dma_start3A_490 = tpu.memref_squeeze %dma_start3A_489 : memref<1x1x128xi32, #tpu.memory_space<vmem>> -> memref<128xi32, #tpu.memory_space<vmem>>
      %dma_start3A_491 = arith.constant 0 : i32
      %dma_start3A_492 = arith.constant 0 : i32
      %dma_start3A_493 = tpu.memref_slice %arg11[%dma_start3A_491, %dma_start3A_492] : memref<10240x64xf32, #tpu.memory_space<vmem_shared>> -> memref<10240x64xf32, #tpu.memory_space<vmem_shared>>
      tpu.enqueue_indirect_dma source(%arg8 : memref<128x64xf32, #tpu.memory_space<vmem>>) target(%dma_start3A_493 : memref<10240x64xf32, #tpu.memory_space<vmem_shared>>) offsets(%dma_start3A_490 : memref<128xi32, #tpu.memory_space<vmem>>) semaphore(%arg17 : memref<!tpu.dma_semaphore, #tpu.memory_space<semaphore_mem>>) {add = true}
      %dma_wait3A_494 = arith.constant 0 : i32
      %dma_wait3A_495 = arith.constant 1 : i32
      %dma_wait3A_496 = arith.constant 0 : i32
      %dma_wait3A_497 = tpu.memref_slice %arg5[%dma_wait3A_494, %dma_wait3A_495, %dma_wait3A_496] : memref<4x2x128xi32, #tpu.memory_space<vmem>> -> memref<1x1x128xi32, #tpu.memory_space<vmem>>
      %dma_wait3A_498 = tpu.memref_squeeze %dma_wait3A_497 : memref<1x1x128xi32, #tpu.memory_space<vmem>> -> memref<128xi32, #tpu.memory_space<vmem>>
      %dma_wait3A_499 = arith.constant 0 : i32
      %dma_wait3A_500 = arith.constant 0 : i32
      %dma_wait3A_501 = tpu.memref_slice %arg11[%dma_wait3A_499, %dma_wait3A_500] : memref<10240x64xf32, #tpu.memory_space<vmem_shared>> -> memref<10240x64xf32, #tpu.memory_space<vmem_shared>>
      tpu.wait_indirect_dma semaphore(%arg16 : memref<!tpu.dma_semaphore, #tpu.memory_space<semaphore_mem>>) src(%arg7 : memref<128x64xf32, #tpu.memory_space<vmem>>) dst(%dma_wait3A_501 : memref<10240x64xf32, #tpu.memory_space<vmem_shared>>)
      %dma_start3A_502 = arith.constant 2 : i32
      %dma_start3A_503 = arith.constant 0 : i32
      %dma_start3A_504 = arith.constant 0 : i32
      %dma_start3A_505 = tpu.memref_slice %arg5[%dma_start3A_502, %dma_start3A_503, %dma_start3A_504] : memref<4x2x128xi32, #tpu.memory_space<vmem>> -> memref<1x1x128xi32, #tpu.memory_space<vmem>>
      %dma_start3A_506 = tpu.memref_squeeze %dma_start3A_505 : memref<1x1x128xi32, #tpu.memory_space<vmem>> -> memref<128xi32, #tpu.memory_space<vmem>>
      %dma_start3A_507 = arith.constant 0 : i32
      %dma_start3A_508 = arith.constant 0 : i32
      %dma_start3A_509 = tpu.memref_slice %arg10[%dma_start3A_507, %dma_start3A_508] : memref<10240x64xf32, #tpu.memory_space<vmem_shared>> -> memref<10240x64xf32, #tpu.memory_space<vmem_shared>>
      tpu.enqueue_indirect_dma source(%dma_start3A_509 : memref<10240x64xf32, #tpu.memory_space<vmem_shared>>) target(%arg7 : memref<128x64xf32, #tpu.memory_space<vmem>>) offsets(%dma_start3A_506 : memref<128xi32, #tpu.memory_space<vmem>>) semaphore(%arg14 : memref<!tpu.dma_semaphore, #tpu.memory_space<semaphore_mem>>)
      %dma_wait3A_510 = arith.constant 1 : i32
      %dma_wait3A_511 = arith.constant 1 : i32
      %dma_wait3A_512 = arith.constant 0 : i32
      %dma_wait3A_513 = tpu.memref_slice %arg5[%dma_wait3A_510, %dma_wait3A_511, %dma_wait3A_512] : memref<4x2x128xi32, #tpu.memory_space<vmem>> -> memref<1x1x128xi32, #tpu.memory_space<vmem>>
      %dma_wait3A_514 = tpu.memref_squeeze %dma_wait3A_513 : memref<1x1x128xi32, #tpu.memory_space<vmem>> -> memref<128xi32, #tpu.memory_space<vmem>>
      %dma_wait3A_515 = arith.constant 0 : i32
      %dma_wait3A_516 = arith.constant 0 : i32
      %dma_wait3A_517 = tpu.memref_slice %arg11[%dma_wait3A_515, %dma_wait3A_516] : memref<10240x64xf32, #tpu.memory_space<vmem_shared>> -> memref<10240x64xf32, #tpu.memory_space<vmem_shared>>
      tpu.wait_indirect_dma semaphore(%arg17 : memref<!tpu.dma_semaphore, #tpu.memory_space<semaphore_mem>>) src(%arg8 : memref<128x64xf32, #tpu.memory_space<vmem>>) dst(%dma_wait3A_517 : memref<10240x64xf32, #tpu.memory_space<vmem_shared>>)
      %dma_start3A_518 = arith.constant 3 : i32
      %dma_start3A_519 = arith.constant 0 : i32
      %dma_start3A_520 = arith.constant 0 : i32
      %dma_start3A_521 = tpu.memref_slice %arg5[%dma_start3A_518, %dma_start3A_519, %dma_start3A_520] : memref<4x2x128xi32, #tpu.memory_space<vmem>> -> memref<1x1x128xi32, #tpu.memory_space<vmem>>
      %dma_start3A_522 = tpu.memref_squeeze %dma_start3A_521 : memref<1x1x128xi32, #tpu.memory_space<vmem>> -> memref<128xi32, #tpu.memory_space<vmem>>
      %dma_start3A_523 = arith.constant 0 : i32
      %dma_start3A_524 = arith.constant 0 : i32
      %dma_start3A_525 = tpu.memref_slice %arg10[%dma_start3A_523, %dma_start3A_524] : memref<10240x64xf32, #tpu.memory_space<vmem_shared>> -> memref<10240x64xf32, #tpu.memory_space<vmem_shared>>
      tpu.enqueue_indirect_dma source(%dma_start3A_525 : memref<10240x64xf32, #tpu.memory_space<vmem_shared>>) target(%arg8 : memref<128x64xf32, #tpu.memory_space<vmem>>) offsets(%dma_start3A_522 : memref<128xi32, #tpu.memory_space<vmem>>) semaphore(%arg15 : memref<!tpu.dma_semaphore, #tpu.memory_space<semaphore_mem>>)
      %dma_wait3A_526 = arith.constant 2 : i32
      %dma_wait3A_527 = arith.constant 0 : i32
      %dma_wait3A_528 = arith.constant 0 : i32
      %dma_wait3A_529 = tpu.memref_slice %arg5[%dma_wait3A_526, %dma_wait3A_527, %dma_wait3A_528] : memref<4x2x128xi32, #tpu.memory_space<vmem>> -> memref<1x1x128xi32, #tpu.memory_space<vmem>>
      %dma_wait3A_530 = tpu.memref_squeeze %dma_wait3A_529 : memref<1x1x128xi32, #tpu.memory_space<vmem>> -> memref<128xi32, #tpu.memory_space<vmem>>
      %dma_wait3A_531 = arith.constant 0 : i32
      %dma_wait3A_532 = arith.constant 0 : i32
      %dma_wait3A_533 = tpu.memref_slice %arg10[%dma_wait3A_531, %dma_wait3A_532] : memref<10240x64xf32, #tpu.memory_space<vmem_shared>> -> memref<10240x64xf32, #tpu.memory_space<vmem_shared>>
      tpu.wait_indirect_dma semaphore(%arg14 : memref<!tpu.dma_semaphore, #tpu.memory_space<semaphore_mem>>) src(%dma_wait3A_533 : memref<10240x64xf32, #tpu.memory_space<vmem_shared>>) dst(%arg7 : memref<128x64xf32, #tpu.memory_space<vmem>>)
      %dma_start3A_534 = arith.constant 2 : i32
      %dma_start3A_535 = arith.constant 1 : i32
      %dma_start3A_536 = arith.constant 0 : i32
      %dma_start3A_537 = tpu.memref_slice %arg5[%dma_start3A_534, %dma_start3A_535, %dma_start3A_536] : memref<4x2x128xi32, #tpu.memory_space<vmem>> -> memref<1x1x128xi32, #tpu.memory_space<vmem>>
      %dma_start3A_538 = tpu.memref_squeeze %dma_start3A_537 : memref<1x1x128xi32, #tpu.memory_space<vmem>> -> memref<128xi32, #tpu.memory_space<vmem>>
      %dma_start3A_539 = arith.constant 0 : i32
      %dma_start3A_540 = arith.constant 0 : i32
      %dma_start3A_541 = tpu.memref_slice %arg11[%dma_start3A_539, %dma_start3A_540] : memref<10240x64xf32, #tpu.memory_space<vmem_shared>> -> memref<10240x64xf32, #tpu.memory_space<vmem_shared>>
      tpu.enqueue_indirect_dma source(%arg7 : memref<128x64xf32, #tpu.memory_space<vmem>>) target(%dma_start3A_541 : memref<10240x64xf32, #tpu.memory_space<vmem_shared>>) offsets(%dma_start3A_538 : memref<128xi32, #tpu.memory_space<vmem>>) semaphore(%arg16 : memref<!tpu.dma_semaphore, #tpu.memory_space<semaphore_mem>>) {add = true}
      %dma_wait3A_542 = arith.constant 3 : i32
      %dma_wait3A_543 = arith.constant 0 : i32
      %dma_wait3A_544 = arith.constant 0 : i32
      %dma_wait3A_545 = tpu.memref_slice %arg5[%dma_wait3A_542, %dma_wait3A_543, %dma_wait3A_544] : memref<4x2x128xi32, #tpu.memory_space<vmem>> -> memref<1x1x128xi32, #tpu.memory_space<vmem>>
      %dma_wait3A_546 = tpu.memref_squeeze %dma_wait3A_545 : memref<1x1x128xi32, #tpu.memory_space<vmem>> -> memref<128xi32, #tpu.memory_space<vmem>>
      %dma_wait3A_547 = arith.constant 0 : i32
      %dma_wait3A_548 = arith.constant 0 : i32
      %dma_wait3A_549 = tpu.memref_slice %arg10[%dma_wait3A_547, %dma_wait3A_548] : memref<10240x64xf32, #tpu.memory_space<vmem_shared>> -> memref<10240x64xf32, #tpu.memory_space<vmem_shared>>
      tpu.wait_indirect_dma semaphore(%arg15 : memref<!tpu.dma_semaphore, #tpu.memory_space<semaphore_mem>>) src(%dma_wait3A_549 : memref<10240x64xf32, #tpu.memory_space<vmem_shared>>) dst(%arg8 : memref<128x64xf32, #tpu.memory_space<vmem>>)
      %dma_start3A_550 = arith.constant 3 : i32
      %dma_start3A_551 = arith.constant 1 : i32
      %dma_start3A_552 = arith.constant 0 : i32
      %dma_start3A_553 = tpu.memref_slice %arg5[%dma_start3A_550, %dma_start3A_551, %dma_start3A_552] : memref<4x2x128xi32, #tpu.memory_space<vmem>> -> memref<1x1x128xi32, #tpu.memory_space<vmem>>
      %dma_start3A_554 = tpu.memref_squeeze %dma_start3A_553 : memref<1x1x128xi32, #tpu.memory_space<vmem>> -> memref<128xi32, #tpu.memory_space<vmem>>
      %dma_start3A_555 = arith.constant 0 : i32
      %dma_start3A_556 = arith.constant 0 : i32
      %dma_start3A_557 = tpu.memref_slice %arg11[%dma_start3A_555, %dma_start3A_556] : memref<10240x64xf32, #tpu.memory_space<vmem_shared>> -> memref<10240x64xf32, #tpu.memory_space<vmem_shared>>
      tpu.enqueue_indirect_dma source(%arg8 : memref<128x64xf32, #tpu.memory_space<vmem>>) target(%dma_start3A_557 : memref<10240x64xf32, #tpu.memory_space<vmem_shared>>) offsets(%dma_start3A_554 : memref<128xi32, #tpu.memory_space<vmem>>) semaphore(%arg17 : memref<!tpu.dma_semaphore, #tpu.memory_space<semaphore_mem>>) {add = true}
      %mul3A_558 = arith.constant 2 : i32
      %mul3A_559 = arith.muli %mul3A_558, %scan3A_461 : i32
      %add3A_560 = arith.constant 1 : i32
      %add3A_561 = arith.addi %mul3A_559, %add3A_560 : i32
      %dma_wait3A_562 = arith.constant 0 : i32
      %dma_wait3A_563 = arith.constant 0 : i32
      %dma_wait3A_564 = arith.constant 0 : i32
      %dma_wait3A_565 = tpu.memref_slice %arg3[%arg1, %add3A_561, %dma_wait3A_562, %dma_wait3A_563, %dma_wait3A_564] : memref<16x40x4x2x128xi32, #tpu.memory_space<hbm>> -> memref<1x1x4x2x128xi32, #tpu.memory_space<hbm>>
      %dma_wait3A_566 = tpu.memref_squeeze %dma_wait3A_565 : memref<1x1x4x2x128xi32, #tpu.memory_space<hbm>> -> memref<4x2x128xi32, #tpu.memory_space<hbm>>
      %dma_wait3A_567 = arith.constant 0 : i32
      %dma_wait3A_568 = arith.constant 0 : i32
      %dma_wait3A_569 = arith.constant 0 : i32
      %dma_wait3A_570 = tpu.memref_slice %arg3[%arg1, %add3A_561, %dma_wait3A_567, %dma_wait3A_568, %dma_wait3A_569] : memref<16x40x4x2x128xi32, #tpu.memory_space<hbm>> -> memref<1x1x4x2x128xi32, #tpu.memory_space<hbm>>
      %dma_wait3A_571 = tpu.memref_squeeze %dma_wait3A_570 : memref<1x1x4x2x128xi32, #tpu.memory_space<hbm>> -> memref<4x2x128xi32, #tpu.memory_space<hbm>>
      tpu.wait_dma2 semaphore(%arg13 : memref<!tpu.dma_semaphore, #tpu.memory_space<semaphore_mem>>) src(%dma_wait3A_571 : memref<4x2x128xi32, #tpu.memory_space<hbm>>) dst(%arg6 : memref<4x2x128xi32, #tpu.memory_space<vmem>>)
      %dma_wait3A_572 = arith.constant 2 : i32
      %dma_wait3A_573 = arith.constant 1 : i32
      %dma_wait3A_574 = arith.constant 0 : i32
      %dma_wait3A_575 = tpu.memref_slice %arg5[%dma_wait3A_572, %dma_wait3A_573, %dma_wait3A_574] : memref<4x2x128xi32, #tpu.memory_space<vmem>> -> memref<1x1x128xi32, #tpu.memory_space<vmem>>
      %dma_wait3A_576 = tpu.memref_squeeze %dma_wait3A_575 : memref<1x1x128xi32, #tpu.memory_space<vmem>> -> memref<128xi32, #tpu.memory_space<vmem>>
      %dma_wait3A_577 = arith.constant 0 : i32
      %dma_wait3A_578 = arith.constant 0 : i32
      %dma_wait3A_579 = tpu.memref_slice %arg11[%dma_wait3A_577, %dma_wait3A_578] : memref<10240x64xf32, #tpu.memory_space<vmem_shared>> -> memref<10240x64xf32, #tpu.memory_space<vmem_shared>>
      tpu.wait_indirect_dma semaphore(%arg16 : memref<!tpu.dma_semaphore, #tpu.memory_space<semaphore_mem>>) src(%arg7 : memref<128x64xf32, #tpu.memory_space<vmem>>) dst(%dma_wait3A_579 : memref<10240x64xf32, #tpu.memory_space<vmem_shared>>)
      %dma_start3A_580 = arith.constant 0 : i32
      %dma_start3A_581 = arith.constant 0 : i32
      %dma_start3A_582 = arith.constant 0 : i32
      %dma_start3A_583 = tpu.memref_slice %arg6[%dma_start3A_580, %dma_start3A_581, %dma_start3A_582] : memref<4x2x128xi32, #tpu.memory_space<vmem>> -> memref<1x1x128xi32, #tpu.memory_space<vmem>>
      %dma_start3A_584 = tpu.memref_squeeze %dma_start3A_583 : memref<1x1x128xi32, #tpu.memory_space<vmem>> -> memref<128xi32, #tpu.memory_space<vmem>>
      %dma_start3A_585 = arith.constant 0 : i32
      %dma_start3A_586 = arith.constant 0 : i32
      %dma_start3A_587 = tpu.memref_slice %arg10[%dma_start3A_585, %dma_start3A_586] : memref<10240x64xf32, #tpu.memory_space<vmem_shared>> -> memref<10240x64xf32, #tpu.memory_space<vmem_shared>>
      tpu.enqueue_indirect_dma source(%dma_start3A_587 : memref<10240x64xf32, #tpu.memory_space<vmem_shared>>) target(%arg7 : memref<128x64xf32, #tpu.memory_space<vmem>>) offsets(%dma_start3A_584 : memref<128xi32, #tpu.memory_space<vmem>>) semaphore(%arg14 : memref<!tpu.dma_semaphore, #tpu.memory_space<semaphore_mem>>)
      %dma_wait3A_588 = arith.constant 3 : i32
      %dma_wait3A_589 = arith.constant 1 : i32
      %dma_wait3A_590 = arith.constant 0 : i32
      %dma_wait3A_591 = tpu.memref_slice %arg5[%dma_wait3A_588, %dma_wait3A_589, %dma_wait3A_590] : memref<4x2x128xi32, #tpu.memory_space<vmem>> -> memref<1x1x128xi32, #tpu.memory_space<vmem>>
      %dma_wait3A_592 = tpu.memref_squeeze %dma_wait3A_591 : memref<1x1x128xi32, #tpu.memory_space<vmem>> -> memref<128xi32, #tpu.memory_space<vmem>>
      %dma_wait3A_593 = arith.constant 0 : i32
      %dma_wait3A_594 = arith.constant 0 : i32
      %dma_wait3A_595 = tpu.memref_slice %arg11[%dma_wait3A_593, %dma_wait3A_594] : memref<10240x64xf32, #tpu.memory_space<vmem_shared>> -> memref<10240x64xf32, #tpu.memory_space<vmem_shared>>
      tpu.wait_indirect_dma semaphore(%arg17 : memref<!tpu.dma_semaphore, #tpu.memory_space<semaphore_mem>>) src(%arg8 : memref<128x64xf32, #tpu.memory_space<vmem>>) dst(%dma_wait3A_595 : memref<10240x64xf32, #tpu.memory_space<vmem_shared>>)
      %dma_start3A_596 = arith.constant 1 : i32
      %dma_start3A_597 = arith.constant 0 : i32
      %dma_start3A_598 = arith.constant 0 : i32
      %dma_start3A_599 = tpu.memref_slice %arg6[%dma_start3A_596, %dma_start3A_597, %dma_start3A_598] : memref<4x2x128xi32, #tpu.memory_space<vmem>> -> memref<1x1x128xi32, #tpu.memory_space<vmem>>
      %dma_start3A_600 = tpu.memref_squeeze %dma_start3A_599 : memref<1x1x128xi32, #tpu.memory_space<vmem>> -> memref<128xi32, #tpu.memory_space<vmem>>
      %dma_start3A_601 = arith.constant 0 : i32
      %dma_start3A_602 = arith.constant 0 : i32
      %dma_start3A_603 = tpu.memref_slice %arg10[%dma_start3A_601, %dma_start3A_602] : memref<10240x64xf32, #tpu.memory_space<vmem_shared>> -> memref<10240x64xf32, #tpu.memory_space<vmem_shared>>
      tpu.enqueue_indirect_dma source(%dma_start3A_603 : memref<10240x64xf32, #tpu.memory_space<vmem_shared>>) target(%arg8 : memref<128x64xf32, #tpu.memory_space<vmem>>) offsets(%dma_start3A_600 : memref<128xi32, #tpu.memory_space<vmem>>) semaphore(%arg15 : memref<!tpu.dma_semaphore, #tpu.memory_space<semaphore_mem>>)
      %mul3A_604 = arith.constant 2 : i32
      %mul3A_605 = arith.muli %mul3A_604, %scan3A_461 : i32
      %add3A_606 = arith.constant 2 : i32
      %add3A_607 = arith.addi %mul3A_605, %add3A_606 : i32
      %dma_start3A_608 = arith.constant 0 : i32
      %dma_start3A_609 = arith.constant 0 : i32
      %dma_start3A_610 = arith.constant 0 : i32
      %dma_start3A_611 = tpu.memref_slice %arg3[%arg1, %add3A_607, %dma_start3A_608, %dma_start3A_609, %dma_start3A_610] : memref<16x40x4x2x128xi32, #tpu.memory_space<hbm>> -> memref<1x1x4x2x128xi32, #tpu.memory_space<hbm>>
      %dma_start3A_612 = tpu.memref_squeeze %dma_start3A_611 : memref<1x1x4x2x128xi32, #tpu.memory_space<hbm>> -> memref<4x2x128xi32, #tpu.memory_space<hbm>>
      %dma_start3A_613 = arith.constant 0 : i32
      %dma_start3A_614 = arith.constant 0 : i32
      %dma_start3A_615 = arith.constant 0 : i32
      %dma_start3A_616 = tpu.memref_slice %arg3[%arg1, %add3A_607, %dma_start3A_613, %dma_start3A_614, %dma_start3A_615] : memref<16x40x4x2x128xi32, #tpu.memory_space<hbm>> -> memref<1x1x4x2x128xi32, #tpu.memory_space<hbm>>
      %dma_start3A_617 = tpu.memref_squeeze %dma_start3A_616 : memref<1x1x4x2x128xi32, #tpu.memory_space<hbm>> -> memref<4x2x128xi32, #tpu.memory_space<hbm>>
      tpu.enqueue_dma source(%dma_start3A_617 : memref<4x2x128xi32, #tpu.memory_space<hbm>>) target(%arg5 : memref<4x2x128xi32, #tpu.memory_space<vmem>>) target_semaphore(%arg12 : memref<!tpu.dma_semaphore, #tpu.memory_space<semaphore_mem>>)
      %dma_wait3A_618 = arith.constant 0 : i32
      %dma_wait3A_619 = arith.constant 0 : i32
      %dma_wait3A_620 = arith.constant 0 : i32
      %dma_wait3A_621 = tpu.memref_slice %arg6[%dma_wait3A_618, %dma_wait3A_619, %dma_wait3A_620] : memref<4x2x128xi32, #tpu.memory_space<vmem>> -> memref<1x1x128xi32, #tpu.memory_space<vmem>>
      %dma_wait3A_622 = tpu.memref_squeeze %dma_wait3A_621 : memref<1x1x128xi32, #tpu.memory_space<vmem>> -> memref<128xi32, #tpu.memory_space<vmem>>
      %dma_wait3A_623 = arith.constant 0 : i32
      %dma_wait3A_624 = arith.constant 0 : i32
      %dma_wait3A_625 = tpu.memref_slice %arg10[%dma_wait3A_623, %dma_wait3A_624] : memref<10240x64xf32, #tpu.memory_space<vmem_shared>> -> memref<10240x64xf32, #tpu.memory_space<vmem_shared>>
      tpu.wait_indirect_dma semaphore(%arg14 : memref<!tpu.dma_semaphore, #tpu.memory_space<semaphore_mem>>) src(%dma_wait3A_625 : memref<10240x64xf32, #tpu.memory_space<vmem_shared>>) dst(%arg7 : memref<128x64xf32, #tpu.memory_space<vmem>>)
      %dma_start3A_626 = arith.constant 0 : i32
      %dma_start3A_627 = arith.constant 1 : i32
      %dma_start3A_628 = arith.constant 0 : i32
      %dma_start3A_629 = tpu.memref_slice %arg6[%dma_start3A_626, %dma_start3A_627, %dma_start3A_628] : memref<4x2x128xi32, #tpu.memory_space<vmem>> -> memref<1x1x128xi32, #tpu.memory_space<vmem>>
      %dma_start3A_630 = tpu.memref_squeeze %dma_start3A_629 : memref<1x1x128xi32, #tpu.memory_space<vmem>> -> memref<128xi32, #tpu.memory_space<vmem>>
      %dma_start3A_631 = arith.constant 0 : i32
      %dma_start3A_632 = arith.constant 0 : i32
      %dma_start3A_633 = tpu.memref_slice %arg11[%dma_start3A_631, %dma_start3A_632] : memref<10240x64xf32, #tpu.memory_space<vmem_shared>> -> memref<10240x64xf32, #tpu.memory_space<vmem_shared>>
      tpu.enqueue_indirect_dma source(%arg7 : memref<128x64xf32, #tpu.memory_space<vmem>>) target(%dma_start3A_633 : memref<10240x64xf32, #tpu.memory_space<vmem_shared>>) offsets(%dma_start3A_630 : memref<128xi32, #tpu.memory_space<vmem>>) semaphore(%arg16 : memref<!tpu.dma_semaphore, #tpu.memory_space<semaphore_mem>>) {add = true}
      %dma_wait3A_634 = arith.constant 1 : i32
      %dma_wait3A_635 = arith.constant 0 : i32
      %dma_wait3A_636 = arith.constant 0 : i32
      %dma_wait3A_637 = tpu.memref_slice %arg6[%dma_wait3A_634, %dma_wait3A_635, %dma_wait3A_636] : memref<4x2x128xi32, #tpu.memory_space<vmem>> -> memref<1x1x128xi32, #tpu.memory_space<vmem>>
      %dma_wait3A_638 = tpu.memref_squeeze %dma_wait3A_637 : memref<1x1x128xi32, #tpu.memory_space<vmem>> -> memref<128xi32, #tpu.memory_space<vmem>>
      %dma_wait3A_639 = arith.constant 0 : i32
      %dma_wait3A_640 = arith.constant 0 : i32
      %dma_wait3A_641 = tpu.memref_slice %arg10[%dma_wait3A_639, %dma_wait3A_640] : memref<10240x64xf32, #tpu.memory_space<vmem_shared>> -> memref<10240x64xf32, #tpu.memory_space<vmem_shared>>
      tpu.wait_indirect_dma semaphore(%arg15 : memref<!tpu.dma_semaphore, #tpu.memory_space<semaphore_mem>>) src(%dma_wait3A_641 : memref<10240x64xf32, #tpu.memory_space<vmem_shared>>) dst(%arg8 : memref<128x64xf32, #tpu.memory_space<vmem>>)
      %dma_start3A_642 = arith.constant 1 : i32
      %dma_start3A_643 = arith.constant 1 : i32
      %dma_start3A_644 = arith.constant 0 : i32
      %dma_start3A_645 = tpu.memref_slice %arg6[%dma_start3A_642, %dma_start3A_643, %dma_start3A_644] : memref<4x2x128xi32, #tpu.memory_space<vmem>> -> memref<1x1x128xi32, #tpu.memory_space<vmem>>
      %dma_start3A_646 = tpu.memref_squeeze %dma_start3A_645 : memref<1x1x128xi32, #tpu.memory_space<vmem>> -> memref<128xi32, #tpu.memory_space<vmem>>
      %dma_start3A_647 = arith.constant 0 : i32
      %dma_start3A_648 = arith.constant 0 : i32
      %dma_start3A_649 = tpu.memref_slice %arg11[%dma_start3A_647, %dma_start3A_648] : memref<10240x64xf32, #tpu.memory_space<vmem_shared>> -> memref<10240x64xf32, #tpu.memory_space<vmem_shared>>
      tpu.enqueue_indirect_dma source(%arg8 : memref<128x64xf32, #tpu.memory_space<vmem>>) target(%dma_start3A_649 : memref<10240x64xf32, #tpu.memory_space<vmem_shared>>) offsets(%dma_start3A_646 : memref<128xi32, #tpu.memory_space<vmem>>) semaphore(%arg17 : memref<!tpu.dma_semaphore, #tpu.memory_space<semaphore_mem>>) {add = true}
      %dma_wait3A_650 = arith.constant 0 : i32
      %dma_wait3A_651 = arith.constant 1 : i32
      %dma_wait3A_652 = arith.constant 0 : i32
      %dma_wait3A_653 = tpu.memref_slice %arg6[%dma_wait3A_650, %dma_wait3A_651, %dma_wait3A_652] : memref<4x2x128xi32, #tpu.memory_space<vmem>> -> memref<1x1x128xi32, #tpu.memory_space<vmem>>
      %dma_wait3A_654 = tpu.memref_squeeze %dma_wait3A_653 : memref<1x1x128xi32, #tpu.memory_space<vmem>> -> memref<128xi32, #tpu.memory_space<vmem>>
      %dma_wait3A_655 = arith.constant 0 : i32
      %dma_wait3A_656 = arith.constant 0 : i32
      %dma_wait3A_657 = tpu.memref_slice %arg11[%dma_wait3A_655, %dma_wait3A_656] : memref<10240x64xf32, #tpu.memory_space<vmem_shared>> -> memref<10240x64xf32, #tpu.memory_space<vmem_shared>>
      tpu.wait_indirect_dma semaphore(%arg16 : memref<!tpu.dma_semaphore, #tpu.memory_space<semaphore_mem>>) src(%arg7 : memref<128x64xf32, #tpu.memory_space<vmem>>) dst(%dma_wait3A_657 : memref<10240x64xf32, #tpu.memory_space<vmem_shared>>)
      %dma_start3A_658 = arith.constant 2 : i32
      %dma_start3A_659 = arith.constant 0 : i32
      %dma_start3A_660 = arith.constant 0 : i32
      %dma_start3A_661 = tpu.memref_slice %arg6[%dma_start3A_658, %dma_start3A_659, %dma_start3A_660] : memref<4x2x128xi32, #tpu.memory_space<vmem>> -> memref<1x1x128xi32, #tpu.memory_space<vmem>>
      %dma_start3A_662 = tpu.memref_squeeze %dma_start3A_661 : memref<1x1x128xi32, #tpu.memory_space<vmem>> -> memref<128xi32, #tpu.memory_space<vmem>>
      %dma_start3A_663 = arith.constant 0 : i32
      %dma_start3A_664 = arith.constant 0 : i32
      %dma_start3A_665 = tpu.memref_slice %arg10[%dma_start3A_663, %dma_start3A_664] : memref<10240x64xf32, #tpu.memory_space<vmem_shared>> -> memref<10240x64xf32, #tpu.memory_space<vmem_shared>>
      tpu.enqueue_indirect_dma source(%dma_start3A_665 : memref<10240x64xf32, #tpu.memory_space<vmem_shared>>) target(%arg7 : memref<128x64xf32, #tpu.memory_space<vmem>>) offsets(%dma_start3A_662 : memref<128xi32, #tpu.memory_space<vmem>>) semaphore(%arg14 : memref<!tpu.dma_semaphore, #tpu.memory_space<semaphore_mem>>)
      %dma_wait3A_666 = arith.constant 1 : i32
      %dma_wait3A_667 = arith.constant 1 : i32
      %dma_wait3A_668 = arith.constant 0 : i32
      %dma_wait3A_669 = tpu.memref_slice %arg6[%dma_wait3A_666, %dma_wait3A_667, %dma_wait3A_668] : memref<4x2x128xi32, #tpu.memory_space<vmem>> -> memref<1x1x128xi32, #tpu.memory_space<vmem>>
      %dma_wait3A_670 = tpu.memref_squeeze %dma_wait3A_669 : memref<1x1x128xi32, #tpu.memory_space<vmem>> -> memref<128xi32, #tpu.memory_space<vmem>>
      %dma_wait3A_671 = arith.constant 0 : i32
      %dma_wait3A_672 = arith.constant 0 : i32
      %dma_wait3A_673 = tpu.memref_slice %arg11[%dma_wait3A_671, %dma_wait3A_672] : memref<10240x64xf32, #tpu.memory_space<vmem_shared>> -> memref<10240x64xf32, #tpu.memory_space<vmem_shared>>
      tpu.wait_indirect_dma semaphore(%arg17 : memref<!tpu.dma_semaphore, #tpu.memory_space<semaphore_mem>>) src(%arg8 : memref<128x64xf32, #tpu.memory_space<vmem>>) dst(%dma_wait3A_673 : memref<10240x64xf32, #tpu.memory_space<vmem_shared>>)
      %dma_start3A_674 = arith.constant 3 : i32
      %dma_start3A_675 = arith.constant 0 : i32
      %dma_start3A_676 = arith.constant 0 : i32
      %dma_start3A_677 = tpu.memref_slice %arg6[%dma_start3A_674, %dma_start3A_675, %dma_start3A_676] : memref<4x2x128xi32, #tpu.memory_space<vmem>> -> memref<1x1x128xi32, #tpu.memory_space<vmem>>
      %dma_start3A_678 = tpu.memref_squeeze %dma_start3A_677 : memref<1x1x128xi32, #tpu.memory_space<vmem>> -> memref<128xi32, #tpu.memory_space<vmem>>
      %dma_start3A_679 = arith.constant 0 : i32
      %dma_start3A_680 = arith.constant 0 : i32
      %dma_start3A_681 = tpu.memref_slice %arg10[%dma_start3A_679, %dma_start3A_680] : memref<10240x64xf32, #tpu.memory_space<vmem_shared>> -> memref<10240x64xf32, #tpu.memory_space<vmem_shared>>
      tpu.enqueue_indirect_dma source(%dma_start3A_681 : memref<10240x64xf32, #tpu.memory_space<vmem_shared>>) target(%arg8 : memref<128x64xf32, #tpu.memory_space<vmem>>) offsets(%dma_start3A_678 : memref<128xi32, #tpu.memory_space<vmem>>) semaphore(%arg15 : memref<!tpu.dma_semaphore, #tpu.memory_space<semaphore_mem>>)
      %dma_wait3A_682 = arith.constant 2 : i32
      %dma_wait3A_683 = arith.constant 0 : i32
      %dma_wait3A_684 = arith.constant 0 : i32
      %dma_wait3A_685 = tpu.memref_slice %arg6[%dma_wait3A_682, %dma_wait3A_683, %dma_wait3A_684] : memref<4x2x128xi32, #tpu.memory_space<vmem>> -> memref<1x1x128xi32, #tpu.memory_space<vmem>>
      %dma_wait3A_686 = tpu.memref_squeeze %dma_wait3A_685 : memref<1x1x128xi32, #tpu.memory_space<vmem>> -> memref<128xi32, #tpu.memory_space<vmem>>
      %dma_wait3A_687 = arith.constant 0 : i32
      %dma_wait3A_688 = arith.constant 0 : i32
      %dma_wait3A_689 = tpu.memref_slice %arg10[%dma_wait3A_687, %dma_wait3A_688] : memref<10240x64xf32, #tpu.memory_space<vmem_shared>> -> memref<10240x64xf32, #tpu.memory_space<vmem_shared>>
      tpu.wait_indirect_dma semaphore(%arg14 : memref<!tpu.dma_semaphore, #tpu.memory_space<semaphore_mem>>) src(%dma_wait3A_689 : memref<10240x64xf32, #tpu.memory_space<vmem_shared>>) dst(%arg7 : memref<128x64xf32, #tpu.memory_space<vmem>>)
      %dma_start3A_690 = arith.constant 2 : i32
      %dma_start3A_691 = arith.constant 1 : i32
      %dma_start3A_692 = arith.constant 0 : i32
      %dma_start3A_693 = tpu.memref_slice %arg6[%dma_start3A_690, %dma_start3A_691, %dma_start3A_692] : memref<4x2x128xi32, #tpu.memory_space<vmem>> -> memref<1x1x128xi32, #tpu.memory_space<vmem>>
      %dma_start3A_694 = tpu.memref_squeeze %dma_start3A_693 : memref<1x1x128xi32, #tpu.memory_space<vmem>> -> memref<128xi32, #tpu.memory_space<vmem>>
      %dma_start3A_695 = arith.constant 0 : i32
      %dma_start3A_696 = arith.constant 0 : i32
      %dma_start3A_697 = tpu.memref_slice %arg11[%dma_start3A_695, %dma_start3A_696] : memref<10240x64xf32, #tpu.memory_space<vmem_shared>> -> memref<10240x64xf32, #tpu.memory_space<vmem_shared>>
      tpu.enqueue_indirect_dma source(%arg7 : memref<128x64xf32, #tpu.memory_space<vmem>>) target(%dma_start3A_697 : memref<10240x64xf32, #tpu.memory_space<vmem_shared>>) offsets(%dma_start3A_694 : memref<128xi32, #tpu.memory_space<vmem>>) semaphore(%arg16 : memref<!tpu.dma_semaphore, #tpu.memory_space<semaphore_mem>>) {add = true}
      %dma_wait3A_698 = arith.constant 3 : i32
      %dma_wait3A_699 = arith.constant 0 : i32
      %dma_wait3A_700 = arith.constant 0 : i32
      %dma_wait3A_701 = tpu.memref_slice %arg6[%dma_wait3A_698, %dma_wait3A_699, %dma_wait3A_700] : memref<4x2x128xi32, #tpu.memory_space<vmem>> -> memref<1x1x128xi32, #tpu.memory_space<vmem>>
      %dma_wait3A_702 = tpu.memref_squeeze %dma_wait3A_701 : memref<1x1x128xi32, #tpu.memory_space<vmem>> -> memref<128xi32, #tpu.memory_space<vmem>>
      %dma_wait3A_703 = arith.constant 0 : i32
      %dma_wait3A_704 = arith.constant 0 : i32
      %dma_wait3A_705 = tpu.memref_slice %arg10[%dma_wait3A_703, %dma_wait3A_704] : memref<10240x64xf32, #tpu.memory_space<vmem_shared>> -> memref<10240x64xf32, #tpu.memory_space<vmem_shared>>
      tpu.wait_indirect_dma semaphore(%arg15 : memref<!tpu.dma_semaphore, #tpu.memory_space<semaphore_mem>>) src(%dma_wait3A_705 : memref<10240x64xf32, #tpu.memory_space<vmem_shared>>) dst(%arg8 : memref<128x64xf32, #tpu.memory_space<vmem>>)
      %dma_start3A_706 = arith.constant 3 : i32
      %dma_start3A_707 = arith.constant 1 : i32
      %dma_start3A_708 = arith.constant 0 : i32
      %dma_start3A_709 = tpu.memref_slice %arg6[%dma_start3A_706, %dma_start3A_707, %dma_start3A_708] : memref<4x2x128xi32, #tpu.memory_space<vmem>> -> memref<1x1x128xi32, #tpu.memory_space<vmem>>
      %dma_start3A_710 = tpu.memref_squeeze %dma_start3A_709 : memref<1x1x128xi32, #tpu.memory_space<vmem>> -> memref<128xi32, #tpu.memory_space<vmem>>
      %dma_start3A_711 = arith.constant 0 : i32
      %dma_start3A_712 = arith.constant 0 : i32
      %dma_start3A_713 = tpu.memref_slice %arg11[%dma_start3A_711, %dma_start3A_712] : memref<10240x64xf32, #tpu.memory_space<vmem_shared>> -> memref<10240x64xf32, #tpu.memory_space<vmem_shared>>
      tpu.enqueue_indirect_dma source(%arg8 : memref<128x64xf32, #tpu.memory_space<vmem>>) target(%dma_start3A_713 : memref<10240x64xf32, #tpu.memory_space<vmem_shared>>) offsets(%dma_start3A_710 : memref<128xi32, #tpu.memory_space<vmem>>) semaphore(%arg17 : memref<!tpu.dma_semaphore, #tpu.memory_space<semaphore_mem>>) {add = true}
      %mul3A_714 = arith.constant 2 : i32
      %mul3A_715 = arith.muli %mul3A_714, %scan3A_461 : i32
      %add3A_716 = arith.constant 2 : i32
      %add3A_717 = arith.addi %mul3A_715, %add3A_716 : i32
      %dma_wait3A_718 = arith.constant 0 : i32
      %dma_wait3A_719 = arith.constant 0 : i32
      %dma_wait3A_720 = arith.constant 0 : i32
      %dma_wait3A_721 = tpu.memref_slice %arg3[%arg1, %add3A_717, %dma_wait3A_718, %dma_wait3A_719, %dma_wait3A_720] : memref<16x40x4x2x128xi32, #tpu.memory_space<hbm>> -> memref<1x1x4x2x128xi32, #tpu.memory_space<hbm>>
      %dma_wait3A_722 = tpu.memref_squeeze %dma_wait3A_721 : memref<1x1x4x2x128xi32, #tpu.memory_space<hbm>> -> memref<4x2x128xi32, #tpu.memory_space<hbm>>
      %dma_wait3A_723 = arith.constant 0 : i32
      %dma_wait3A_724 = arith.constant 0 : i32
      %dma_wait3A_725 = arith.constant 0 : i32
      %dma_wait3A_726 = tpu.memref_slice %arg3[%arg1, %add3A_717, %dma_wait3A_723, %dma_wait3A_724, %dma_wait3A_725] : memref<16x40x4x2x128xi32, #tpu.memory_space<hbm>> -> memref<1x1x4x2x128xi32, #tpu.memory_space<hbm>>
      %dma_wait3A_727 = tpu.memref_squeeze %dma_wait3A_726 : memref<1x1x4x2x128xi32, #tpu.memory_space<hbm>> -> memref<4x2x128xi32, #tpu.memory_space<hbm>>
      tpu.wait_dma2 semaphore(%arg12 : memref<!tpu.dma_semaphore, #tpu.memory_space<semaphore_mem>>) src(%dma_wait3A_727 : memref<4x2x128xi32, #tpu.memory_space<hbm>>) dst(%arg5 : memref<4x2x128xi32, #tpu.memory_space<vmem>>)
      %dma_wait3A_728 = arith.constant 2 : i32
      %dma_wait3A_729 = arith.constant 1 : i32
      %dma_wait3A_730 = arith.constant 0 : i32
      %dma_wait3A_731 = tpu.memref_slice %arg6[%dma_wait3A_728, %dma_wait3A_729, %dma_wait3A_730] : memref<4x2x128xi32, #tpu.memory_space<vmem>> -> memref<1x1x128xi32, #tpu.memory_space<vmem>>
      %dma_wait3A_732 = tpu.memref_squeeze %dma_wait3A_731 : memref<1x1x128xi32, #tpu.memory_space<vmem>> -> memref<128xi32, #tpu.memory_space<vmem>>
      %dma_wait3A_733 = arith.constant 0 : i32
      %dma_wait3A_734 = arith.constant 0 : i32
      %dma_wait3A_735 = tpu.memref_slice %arg11[%dma_wait3A_733, %dma_wait3A_734] : memref<10240x64xf32, #tpu.memory_space<vmem_shared>> -> memref<10240x64xf32, #tpu.memory_space<vmem_shared>>
      tpu.wait_indirect_dma semaphore(%arg16 : memref<!tpu.dma_semaphore, #tpu.memory_space<semaphore_mem>>) src(%arg7 : memref<128x64xf32, #tpu.memory_space<vmem>>) dst(%dma_wait3A_735 : memref<10240x64xf32, #tpu.memory_space<vmem_shared>>)
      %dma_start3A_736 = arith.constant 0 : i32
      %dma_start3A_737 = arith.constant 0 : i32
      %dma_start3A_738 = arith.constant 0 : i32
      %dma_start3A_739 = tpu.memref_slice %arg5[%dma_start3A_736, %dma_start3A_737, %dma_start3A_738] : memref<4x2x128xi32, #tpu.memory_space<vmem>> -> memref<1x1x128xi32, #tpu.memory_space<vmem>>
      %dma_start3A_740 = tpu.memref_squeeze %dma_start3A_739 : memref<1x1x128xi32, #tpu.memory_space<vmem>> -> memref<128xi32, #tpu.memory_space<vmem>>
      %dma_start3A_741 = arith.constant 0 : i32
      %dma_start3A_742 = arith.constant 0 : i32
      %dma_start3A_743 = tpu.memref_slice %arg10[%dma_start3A_741, %dma_start3A_742] : memref<10240x64xf32, #tpu.memory_space<vmem_shared>> -> memref<10240x64xf32, #tpu.memory_space<vmem_shared>>
      tpu.enqueue_indirect_dma source(%dma_start3A_743 : memref<10240x64xf32, #tpu.memory_space<vmem_shared>>) target(%arg7 : memref<128x64xf32, #tpu.memory_space<vmem>>) offsets(%dma_start3A_740 : memref<128xi32, #tpu.memory_space<vmem>>) semaphore(%arg14 : memref<!tpu.dma_semaphore, #tpu.memory_space<semaphore_mem>>)
      %dma_wait3A_744 = arith.constant 3 : i32
      %dma_wait3A_745 = arith.constant 1 : i32
      %dma_wait3A_746 = arith.constant 0 : i32
      %dma_wait3A_747 = tpu.memref_slice %arg6[%dma_wait3A_744, %dma_wait3A_745, %dma_wait3A_746] : memref<4x2x128xi32, #tpu.memory_space<vmem>> -> memref<1x1x128xi32, #tpu.memory_space<vmem>>
      %dma_wait3A_748 = tpu.memref_squeeze %dma_wait3A_747 : memref<1x1x128xi32, #tpu.memory_space<vmem>> -> memref<128xi32, #tpu.memory_space<vmem>>
      %dma_wait3A_749 = arith.constant 0 : i32
      %dma_wait3A_750 = arith.constant 0 : i32
      %dma_wait3A_751 = tpu.memref_slice %arg11[%dma_wait3A_749, %dma_wait3A_750] : memref<10240x64xf32, #tpu.memory_space<vmem_shared>> -> memref<10240x64xf32, #tpu.memory_space<vmem_shared>>
      tpu.wait_indirect_dma semaphore(%arg17 : memref<!tpu.dma_semaphore, #tpu.memory_space<semaphore_mem>>) src(%arg8 : memref<128x64xf32, #tpu.memory_space<vmem>>) dst(%dma_wait3A_751 : memref<10240x64xf32, #tpu.memory_space<vmem_shared>>)
      %dma_start3A_752 = arith.constant 1 : i32
      %dma_start3A_753 = arith.constant 0 : i32
      %dma_start3A_754 = arith.constant 0 : i32
      %dma_start3A_755 = tpu.memref_slice %arg5[%dma_start3A_752, %dma_start3A_753, %dma_start3A_754] : memref<4x2x128xi32, #tpu.memory_space<vmem>> -> memref<1x1x128xi32, #tpu.memory_space<vmem>>
      %dma_start3A_756 = tpu.memref_squeeze %dma_start3A_755 : memref<1x1x128xi32, #tpu.memory_space<vmem>> -> memref<128xi32, #tpu.memory_space<vmem>>
      %dma_start3A_757 = arith.constant 0 : i32
      %dma_start3A_758 = arith.constant 0 : i32
      %dma_start3A_759 = tpu.memref_slice %arg10[%dma_start3A_757, %dma_start3A_758] : memref<10240x64xf32, #tpu.memory_space<vmem_shared>> -> memref<10240x64xf32, #tpu.memory_space<vmem_shared>>
      tpu.enqueue_indirect_dma source(%dma_start3A_759 : memref<10240x64xf32, #tpu.memory_space<vmem_shared>>) target(%arg8 : memref<128x64xf32, #tpu.memory_space<vmem>>) offsets(%dma_start3A_756 : memref<128xi32, #tpu.memory_space<vmem>>) semaphore(%arg15 : memref<!tpu.dma_semaphore, #tpu.memory_space<semaphore_mem>>)
      %mul3A_760 = arith.constant 2 : i32
      %mul3A_761 = arith.muli %mul3A_760, %scan3A_461 : i32
      %add3A_762 = arith.constant 3 : i32
      %add3A_763 = arith.addi %mul3A_761, %add3A_762 : i32
      %dma_start3A_764 = arith.constant 0 : i32
      %dma_start3A_765 = arith.constant 0 : i32
      %dma_start3A_766 = arith.constant 0 : i32
      %dma_start3A_767 = tpu.memref_slice %arg3[%arg1, %add3A_763, %dma_start3A_764, %dma_start3A_765, %dma_start3A_766] : memref<16x40x4x2x128xi32, #tpu.memory_space<hbm>> -> memref<1x1x4x2x128xi32, #tpu.memory_space<hbm>>
      %dma_start3A_768 = tpu.memref_squeeze %dma_start3A_767 : memref<1x1x4x2x128xi32, #tpu.memory_space<hbm>> -> memref<4x2x128xi32, #tpu.memory_space<hbm>>
      %dma_start3A_769 = arith.constant 0 : i32
      %dma_start3A_770 = arith.constant 0 : i32
      %dma_start3A_771 = arith.constant 0 : i32
      %dma_start3A_772 = tpu.memref_slice %arg3[%arg1, %add3A_763, %dma_start3A_769, %dma_start3A_770, %dma_start3A_771] : memref<16x40x4x2x128xi32, #tpu.memory_space<hbm>> -> memref<1x1x4x2x128xi32, #tpu.memory_space<hbm>>
      %dma_start3A_773 = tpu.memref_squeeze %dma_start3A_772 : memref<1x1x4x2x128xi32, #tpu.memory_space<hbm>> -> memref<4x2x128xi32, #tpu.memory_space<hbm>>
      tpu.enqueue_dma source(%dma_start3A_773 : memref<4x2x128xi32, #tpu.memory_space<hbm>>) target(%arg6 : memref<4x2x128xi32, #tpu.memory_space<vmem>>) target_semaphore(%arg13 : memref<!tpu.dma_semaphore, #tpu.memory_space<semaphore_mem>>)
    }
    %scan3A_208 = arith.constant 19 : i32
    %dma_wait3A_209 = arith.constant 0 : i32
    %dma_wait3A_210 = arith.constant 0 : i32
    %dma_wait3A_211 = arith.constant 0 : i32
    %dma_wait3A_212 = tpu.memref_slice %arg5[%dma_wait3A_209, %dma_wait3A_210, %dma_wait3A_211] : memref<4x2x128xi32, #tpu.memory_space<vmem>> -> memref<1x1x128xi32, #tpu.memory_space<vmem>>
    %dma_wait3A_213 = tpu.memref_squeeze %dma_wait3A_212 : memref<1x1x128xi32, #tpu.memory_space<vmem>> -> memref<128xi32, #tpu.memory_space<vmem>>
    %dma_wait3A_214 = arith.constant 0 : i32
    %dma_wait3A_215 = arith.constant 0 : i32
    %dma_wait3A_216 = tpu.memref_slice %arg10[%dma_wait3A_214, %dma_wait3A_215] : memref<10240x64xf32, #tpu.memory_space<vmem_shared>> -> memref<10240x64xf32, #tpu.memory_space<vmem_shared>>
    tpu.wait_indirect_dma semaphore(%arg14 : memref<!tpu.dma_semaphore, #tpu.memory_space<semaphore_mem>>) src(%dma_wait3A_216 : memref<10240x64xf32, #tpu.memory_space<vmem_shared>>) dst(%arg7 : memref<128x64xf32, #tpu.memory_space<vmem>>)
    %dma_start3A_217 = arith.constant 0 : i32
    %dma_start3A_218 = arith.constant 1 : i32
    %dma_start3A_219 = arith.constant 0 : i32
    %dma_start3A_220 = tpu.memref_slice %arg5[%dma_start3A_217, %dma_start3A_218, %dma_start3A_219] : memref<4x2x128xi32, #tpu.memory_space<vmem>> -> memref<1x1x128xi32, #tpu.memory_space<vmem>>
    %dma_start3A_221 = tpu.memref_squeeze %dma_start3A_220 : memref<1x1x128xi32, #tpu.memory_space<vmem>> -> memref<128xi32, #tpu.memory_space<vmem>>
    %dma_start3A_222 = arith.constant 0 : i32
    %dma_start3A_223 = arith.constant 0 : i32
    %dma_start3A_224 = tpu.memref_slice %arg11[%dma_start3A_222, %dma_start3A_223] : memref<10240x64xf32, #tpu.memory_space<vmem_shared>> -> memref<10240x64xf32, #tpu.memory_space<vmem_shared>>
    tpu.enqueue_indirect_dma source(%arg7 : memref<128x64xf32, #tpu.memory_space<vmem>>) target(%dma_start3A_224 : memref<10240x64xf32, #tpu.memory_space<vmem_shared>>) offsets(%dma_start3A_221 : memref<128xi32, #tpu.memory_space<vmem>>) semaphore(%arg16 : memref<!tpu.dma_semaphore, #tpu.memory_space<semaphore_mem>>) {add = true}
    %dma_wait3A_225 = arith.constant 1 : i32
    %dma_wait3A_226 = arith.constant 0 : i32
    %dma_wait3A_227 = arith.constant 0 : i32
    %dma_wait3A_228 = tpu.memref_slice %arg5[%dma_wait3A_225, %dma_wait3A_226, %dma_wait3A_227] : memref<4x2x128xi32, #tpu.memory_space<vmem>> -> memref<1x1x128xi32, #tpu.memory_space<vmem>>
    %dma_wait3A_229 = tpu.memref_squeeze %dma_wait3A_228 : memref<1x1x128xi32, #tpu.memory_space<vmem>> -> memref<128xi32, #tpu.memory_space<vmem>>
    %dma_wait3A_230 = arith.constant 0 : i32
    %dma_wait3A_231 = arith.constant 0 : i32
    %dma_wait3A_232 = tpu.memref_slice %arg10[%dma_wait3A_230, %dma_wait3A_231] : memref<10240x64xf32, #tpu.memory_space<vmem_shared>> -> memref<10240x64xf32, #tpu.memory_space<vmem_shared>>
    tpu.wait_indirect_dma semaphore(%arg15 : memref<!tpu.dma_semaphore, #tpu.memory_space<semaphore_mem>>) src(%dma_wait3A_232 : memref<10240x64xf32, #tpu.memory_space<vmem_shared>>) dst(%arg8 : memref<128x64xf32, #tpu.memory_space<vmem>>)
    %dma_start3A_233 = arith.constant 1 : i32
    %dma_start3A_234 = arith.constant 1 : i32
    %dma_start3A_235 = arith.constant 0 : i32
    %dma_start3A_236 = tpu.memref_slice %arg5[%dma_start3A_233, %dma_start3A_234, %dma_start3A_235] : memref<4x2x128xi32, #tpu.memory_space<vmem>> -> memref<1x1x128xi32, #tpu.memory_space<vmem>>
    %dma_start3A_237 = tpu.memref_squeeze %dma_start3A_236 : memref<1x1x128xi32, #tpu.memory_space<vmem>> -> memref<128xi32, #tpu.memory_space<vmem>>
    %dma_start3A_238 = arith.constant 0 : i32
    %dma_start3A_239 = arith.constant 0 : i32
    %dma_start3A_240 = tpu.memref_slice %arg11[%dma_start3A_238, %dma_start3A_239] : memref<10240x64xf32, #tpu.memory_space<vmem_shared>> -> memref<10240x64xf32, #tpu.memory_space<vmem_shared>>
    tpu.enqueue_indirect_dma source(%arg8 : memref<128x64xf32, #tpu.memory_space<vmem>>) target(%dma_start3A_240 : memref<10240x64xf32, #tpu.memory_space<vmem_shared>>) offsets(%dma_start3A_237 : memref<128xi32, #tpu.memory_space<vmem>>) semaphore(%arg17 : memref<!tpu.dma_semaphore, #tpu.memory_space<semaphore_mem>>) {add = true}
    %dma_wait3A_241 = arith.constant 0 : i32
    %dma_wait3A_242 = arith.constant 1 : i32
    %dma_wait3A_243 = arith.constant 0 : i32
    %dma_wait3A_244 = tpu.memref_slice %arg5[%dma_wait3A_241, %dma_wait3A_242, %dma_wait3A_243] : memref<4x2x128xi32, #tpu.memory_space<vmem>> -> memref<1x1x128xi32, #tpu.memory_space<vmem>>
    %dma_wait3A_245 = tpu.memref_squeeze %dma_wait3A_244 : memref<1x1x128xi32, #tpu.memory_space<vmem>> -> memref<128xi32, #tpu.memory_space<vmem>>
    %dma_wait3A_246 = arith.constant 0 : i32
    %dma_wait3A_247 = arith.constant 0 : i32
    %dma_wait3A_248 = tpu.memref_slice %arg11[%dma_wait3A_246, %dma_wait3A_247] : memref<10240x64xf32, #tpu.memory_space<vmem_shared>> -> memref<10240x64xf32, #tpu.memory_space<vmem_shared>>
    tpu.wait_indirect_dma semaphore(%arg16 : memref<!tpu.dma_semaphore, #tpu.memory_space<semaphore_mem>>) src(%arg7 : memref<128x64xf32, #tpu.memory_space<vmem>>) dst(%dma_wait3A_248 : memref<10240x64xf32, #tpu.memory_space<vmem_shared>>)
    %dma_start3A_249 = arith.constant 2 : i32
    %dma_start3A_250 = arith.constant 0 : i32
    %dma_start3A_251 = arith.constant 0 : i32
    %dma_start3A_252 = tpu.memref_slice %arg5[%dma_start3A_249, %dma_start3A_250, %dma_start3A_251] : memref<4x2x128xi32, #tpu.memory_space<vmem>> -> memref<1x1x128xi32, #tpu.memory_space<vmem>>
    %dma_start3A_253 = tpu.memref_squeeze %dma_start3A_252 : memref<1x1x128xi32, #tpu.memory_space<vmem>> -> memref<128xi32, #tpu.memory_space<vmem>>
    %dma_start3A_254 = arith.constant 0 : i32
    %dma_start3A_255 = arith.constant 0 : i32
    %dma_start3A_256 = tpu.memref_slice %arg10[%dma_start3A_254, %dma_start3A_255] : memref<10240x64xf32, #tpu.memory_space<vmem_shared>> -> memref<10240x64xf32, #tpu.memory_space<vmem_shared>>
    tpu.enqueue_indirect_dma source(%dma_start3A_256 : memref<10240x64xf32, #tpu.memory_space<vmem_shared>>) target(%arg7 : memref<128x64xf32, #tpu.memory_space<vmem>>) offsets(%dma_start3A_253 : memref<128xi32, #tpu.memory_space<vmem>>) semaphore(%arg14 : memref<!tpu.dma_semaphore, #tpu.memory_space<semaphore_mem>>)
    %dma_wait3A_257 = arith.constant 1 : i32
    %dma_wait3A_258 = arith.constant 1 : i32
    %dma_wait3A_259 = arith.constant 0 : i32
    %dma_wait3A_260 = tpu.memref_slice %arg5[%dma_wait3A_257, %dma_wait3A_258, %dma_wait3A_259] : memref<4x2x128xi32, #tpu.memory_space<vmem>> -> memref<1x1x128xi32, #tpu.memory_space<vmem>>
    %dma_wait3A_261 = tpu.memref_squeeze %dma_wait3A_260 : memref<1x1x128xi32, #tpu.memory_space<vmem>> -> memref<128xi32, #tpu.memory_space<vmem>>
    %dma_wait3A_262 = arith.constant 0 : i32
    %dma_wait3A_263 = arith.constant 0 : i32
    %dma_wait3A_264 = tpu.memref_slice %arg11[%dma_wait3A_262, %dma_wait3A_263] : memref<10240x64xf32, #tpu.memory_space<vmem_shared>> -> memref<10240x64xf32, #tpu.memory_space<vmem_shared>>
    tpu.wait_indirect_dma semaphore(%arg17 : memref<!tpu.dma_semaphore, #tpu.memory_space<semaphore_mem>>) src(%arg8 : memref<128x64xf32, #tpu.memory_space<vmem>>) dst(%dma_wait3A_264 : memref<10240x64xf32, #tpu.memory_space<vmem_shared>>)
    %dma_start3A_265 = arith.constant 3 : i32
    %dma_start3A_266 = arith.constant 0 : i32
    %dma_start3A_267 = arith.constant 0 : i32
    %dma_start3A_268 = tpu.memref_slice %arg5[%dma_start3A_265, %dma_start3A_266, %dma_start3A_267] : memref<4x2x128xi32, #tpu.memory_space<vmem>> -> memref<1x1x128xi32, #tpu.memory_space<vmem>>
    %dma_start3A_269 = tpu.memref_squeeze %dma_start3A_268 : memref<1x1x128xi32, #tpu.memory_space<vmem>> -> memref<128xi32, #tpu.memory_space<vmem>>
    %dma_start3A_270 = arith.constant 0 : i32
    %dma_start3A_271 = arith.constant 0 : i32
    %dma_start3A_272 = tpu.memref_slice %arg10[%dma_start3A_270, %dma_start3A_271] : memref<10240x64xf32, #tpu.memory_space<vmem_shared>> -> memref<10240x64xf32, #tpu.memory_space<vmem_shared>>
    tpu.enqueue_indirect_dma source(%dma_start3A_272 : memref<10240x64xf32, #tpu.memory_space<vmem_shared>>) target(%arg8 : memref<128x64xf32, #tpu.memory_space<vmem>>) offsets(%dma_start3A_269 : memref<128xi32, #tpu.memory_space<vmem>>) semaphore(%arg15 : memref<!tpu.dma_semaphore, #tpu.memory_space<semaphore_mem>>)
    %dma_wait3A_273 = arith.constant 2 : i32
    %dma_wait3A_274 = arith.constant 0 : i32
    %dma_wait3A_275 = arith.constant 0 : i32
    %dma_wait3A_276 = tpu.memref_slice %arg5[%dma_wait3A_273, %dma_wait3A_274, %dma_wait3A_275] : memref<4x2x128xi32, #tpu.memory_space<vmem>> -> memref<1x1x128xi32, #tpu.memory_space<vmem>>
    %dma_wait3A_277 = tpu.memref_squeeze %dma_wait3A_276 : memref<1x1x128xi32, #tpu.memory_space<vmem>> -> memref<128xi32, #tpu.memory_space<vmem>>
    %dma_wait3A_278 = arith.constant 0 : i32
    %dma_wait3A_279 = arith.constant 0 : i32
    %dma_wait3A_280 = tpu.memref_slice %arg10[%dma_wait3A_278, %dma_wait3A_279] : memref<10240x64xf32, #tpu.memory_space<vmem_shared>> -> memref<10240x64xf32, #tpu.memory_space<vmem_shared>>
    tpu.wait_indirect_dma semaphore(%arg14 : memref<!tpu.dma_semaphore, #tpu.memory_space<semaphore_mem>>) src(%dma_wait3A_280 : memref<10240x64xf32, #tpu.memory_space<vmem_shared>>) dst(%arg7 : memref<128x64xf32, #tpu.memory_space<vmem>>)
    %dma_start3A_281 = arith.constant 2 : i32
    %dma_start3A_282 = arith.constant 1 : i32
    %dma_start3A_283 = arith.constant 0 : i32
    %dma_start3A_284 = tpu.memref_slice %arg5[%dma_start3A_281, %dma_start3A_282, %dma_start3A_283] : memref<4x2x128xi32, #tpu.memory_space<vmem>> -> memref<1x1x128xi32, #tpu.memory_space<vmem>>
    %dma_start3A_285 = tpu.memref_squeeze %dma_start3A_284 : memref<1x1x128xi32, #tpu.memory_space<vmem>> -> memref<128xi32, #tpu.memory_space<vmem>>
    %dma_start3A_286 = arith.constant 0 : i32
    %dma_start3A_287 = arith.constant 0 : i32
    %dma_start3A_288 = tpu.memref_slice %arg11[%dma_start3A_286, %dma_start3A_287] : memref<10240x64xf32, #tpu.memory_space<vmem_shared>> -> memref<10240x64xf32, #tpu.memory_space<vmem_shared>>
    tpu.enqueue_indirect_dma source(%arg7 : memref<128x64xf32, #tpu.memory_space<vmem>>) target(%dma_start3A_288 : memref<10240x64xf32, #tpu.memory_space<vmem_shared>>) offsets(%dma_start3A_285 : memref<128xi32, #tpu.memory_space<vmem>>) semaphore(%arg16 : memref<!tpu.dma_semaphore, #tpu.memory_space<semaphore_mem>>) {add = true}
    %dma_wait3A_289 = arith.constant 3 : i32
    %dma_wait3A_290 = arith.constant 0 : i32
    %dma_wait3A_291 = arith.constant 0 : i32
    %dma_wait3A_292 = tpu.memref_slice %arg5[%dma_wait3A_289, %dma_wait3A_290, %dma_wait3A_291] : memref<4x2x128xi32, #tpu.memory_space<vmem>> -> memref<1x1x128xi32, #tpu.memory_space<vmem>>
    %dma_wait3A_293 = tpu.memref_squeeze %dma_wait3A_292 : memref<1x1x128xi32, #tpu.memory_space<vmem>> -> memref<128xi32, #tpu.memory_space<vmem>>
    %dma_wait3A_294 = arith.constant 0 : i32
    %dma_wait3A_295 = arith.constant 0 : i32
    %dma_wait3A_296 = tpu.memref_slice %arg10[%dma_wait3A_294, %dma_wait3A_295] : memref<10240x64xf32, #tpu.memory_space<vmem_shared>> -> memref<10240x64xf32, #tpu.memory_space<vmem_shared>>
    tpu.wait_indirect_dma semaphore(%arg15 : memref<!tpu.dma_semaphore, #tpu.memory_space<semaphore_mem>>) src(%dma_wait3A_296 : memref<10240x64xf32, #tpu.memory_space<vmem_shared>>) dst(%arg8 : memref<128x64xf32, #tpu.memory_space<vmem>>)
    %dma_start3A_297 = arith.constant 3 : i32
    %dma_start3A_298 = arith.constant 1 : i32
    %dma_start3A_299 = arith.constant 0 : i32
    %dma_start3A_300 = tpu.memref_slice %arg5[%dma_start3A_297, %dma_start3A_298, %dma_start3A_299] : memref<4x2x128xi32, #tpu.memory_space<vmem>> -> memref<1x1x128xi32, #tpu.memory_space<vmem>>
    %dma_start3A_301 = tpu.memref_squeeze %dma_start3A_300 : memref<1x1x128xi32, #tpu.memory_space<vmem>> -> memref<128xi32, #tpu.memory_space<vmem>>
    %dma_start3A_302 = arith.constant 0 : i32
    %dma_start3A_303 = arith.constant 0 : i32
    %dma_start3A_304 = tpu.memref_slice %arg11[%dma_start3A_302, %dma_start3A_303] : memref<10240x64xf32, #tpu.memory_space<vmem_shared>> -> memref<10240x64xf32, #tpu.memory_space<vmem_shared>>
    tpu.enqueue_indirect_dma source(%arg8 : memref<128x64xf32, #tpu.memory_space<vmem>>) target(%dma_start3A_304 : memref<10240x64xf32, #tpu.memory_space<vmem_shared>>) offsets(%dma_start3A_301 : memref<128xi32, #tpu.memory_space<vmem>>) semaphore(%arg17 : memref<!tpu.dma_semaphore, #tpu.memory_space<semaphore_mem>>) {add = true}
    %dma_wait3A_305 = arith.constant 39 : i32
    %dma_wait3A_306 = arith.constant 0 : i32
    %dma_wait3A_307 = arith.constant 0 : i32
    %dma_wait3A_308 = arith.constant 0 : i32
    %dma_wait3A_309 = tpu.memref_slice %arg3[%arg1, %dma_wait3A_305, %dma_wait3A_306, %dma_wait3A_307, %dma_wait3A_308] : memref<16x40x4x2x128xi32, #tpu.memory_space<hbm>> -> memref<1x1x4x2x128xi32, #tpu.memory_space<hbm>>
    %dma_wait3A_310 = tpu.memref_squeeze %dma_wait3A_309 : memref<1x1x4x2x128xi32, #tpu.memory_space<hbm>> -> memref<4x2x128xi32, #tpu.memory_space<hbm>>
    %dma_wait3A_311 = arith.constant 0 : i32
    %dma_wait3A_312 = arith.constant 0 : i32
    %dma_wait3A_313 = arith.constant 0 : i32
    %dma_wait3A_314 = tpu.memref_slice %arg3[%arg1, %dma_wait3A_305, %dma_wait3A_311, %dma_wait3A_312, %dma_wait3A_313] : memref<16x40x4x2x128xi32, #tpu.memory_space<hbm>> -> memref<1x1x4x2x128xi32, #tpu.memory_space<hbm>>
    %dma_wait3A_315 = tpu.memref_squeeze %dma_wait3A_314 : memref<1x1x4x2x128xi32, #tpu.memory_space<hbm>> -> memref<4x2x128xi32, #tpu.memory_space<hbm>>
    tpu.wait_dma2 semaphore(%arg13 : memref<!tpu.dma_semaphore, #tpu.memory_space<semaphore_mem>>) src(%dma_wait3A_315 : memref<4x2x128xi32, #tpu.memory_space<hbm>>) dst(%arg6 : memref<4x2x128xi32, #tpu.memory_space<vmem>>)
    %dma_wait3A_316 = arith.constant 2 : i32
    %dma_wait3A_317 = arith.constant 1 : i32
    %dma_wait3A_318 = arith.constant 0 : i32
    %dma_wait3A_319 = tpu.memref_slice %arg5[%dma_wait3A_316, %dma_wait3A_317, %dma_wait3A_318] : memref<4x2x128xi32, #tpu.memory_space<vmem>> -> memref<1x1x128xi32, #tpu.memory_space<vmem>>
    %dma_wait3A_320 = tpu.memref_squeeze %dma_wait3A_319 : memref<1x1x128xi32, #tpu.memory_space<vmem>> -> memref<128xi32, #tpu.memory_space<vmem>>
    %dma_wait3A_321 = arith.constant 0 : i32
    %dma_wait3A_322 = arith.constant 0 : i32
    %dma_wait3A_323 = tpu.memref_slice %arg11[%dma_wait3A_321, %dma_wait3A_322] : memref<10240x64xf32, #tpu.memory_space<vmem_shared>> -> memref<10240x64xf32, #tpu.memory_space<vmem_shared>>
    tpu.wait_indirect_dma semaphore(%arg16 : memref<!tpu.dma_semaphore, #tpu.memory_space<semaphore_mem>>) src(%arg7 : memref<128x64xf32, #tpu.memory_space<vmem>>) dst(%dma_wait3A_323 : memref<10240x64xf32, #tpu.memory_space<vmem_shared>>)
    %dma_start3A_324 = arith.constant 0 : i32
    %dma_start3A_325 = arith.constant 0 : i32
    %dma_start3A_326 = arith.constant 0 : i32
    %dma_start3A_327 = tpu.memref_slice %arg6[%dma_start3A_324, %dma_start3A_325, %dma_start3A_326] : memref<4x2x128xi32, #tpu.memory_space<vmem>> -> memref<1x1x128xi32, #tpu.memory_space<vmem>>
    %dma_start3A_328 = tpu.memref_squeeze %dma_start3A_327 : memref<1x1x128xi32, #tpu.memory_space<vmem>> -> memref<128xi32, #tpu.memory_space<vmem>>
    %dma_start3A_329 = arith.constant 0 : i32
    %dma_start3A_330 = arith.constant 0 : i32
    %dma_start3A_331 = tpu.memref_slice %arg10[%dma_start3A_329, %dma_start3A_330] : memref<10240x64xf32, #tpu.memory_space<vmem_shared>> -> memref<10240x64xf32, #tpu.memory_space<vmem_shared>>
    tpu.enqueue_indirect_dma source(%dma_start3A_331 : memref<10240x64xf32, #tpu.memory_space<vmem_shared>>) target(%arg7 : memref<128x64xf32, #tpu.memory_space<vmem>>) offsets(%dma_start3A_328 : memref<128xi32, #tpu.memory_space<vmem>>) semaphore(%arg14 : memref<!tpu.dma_semaphore, #tpu.memory_space<semaphore_mem>>)
    %dma_wait3A_332 = arith.constant 3 : i32
    %dma_wait3A_333 = arith.constant 1 : i32
    %dma_wait3A_334 = arith.constant 0 : i32
    %dma_wait3A_335 = tpu.memref_slice %arg5[%dma_wait3A_332, %dma_wait3A_333, %dma_wait3A_334] : memref<4x2x128xi32, #tpu.memory_space<vmem>> -> memref<1x1x128xi32, #tpu.memory_space<vmem>>
    %dma_wait3A_336 = tpu.memref_squeeze %dma_wait3A_335 : memref<1x1x128xi32, #tpu.memory_space<vmem>> -> memref<128xi32, #tpu.memory_space<vmem>>
    %dma_wait3A_337 = arith.constant 0 : i32
    %dma_wait3A_338 = arith.constant 0 : i32
    %dma_wait3A_339 = tpu.memref_slice %arg11[%dma_wait3A_337, %dma_wait3A_338] : memref<10240x64xf32, #tpu.memory_space<vmem_shared>> -> memref<10240x64xf32, #tpu.memory_space<vmem_shared>>
    tpu.wait_indirect_dma semaphore(%arg17 : memref<!tpu.dma_semaphore, #tpu.memory_space<semaphore_mem>>) src(%arg8 : memref<128x64xf32, #tpu.memory_space<vmem>>) dst(%dma_wait3A_339 : memref<10240x64xf32, #tpu.memory_space<vmem_shared>>)
    %dma_start3A_340 = arith.constant 1 : i32
    %dma_start3A_341 = arith.constant 0 : i32
    %dma_start3A_342 = arith.constant 0 : i32
    %dma_start3A_343 = tpu.memref_slice %arg6[%dma_start3A_340, %dma_start3A_341, %dma_start3A_342] : memref<4x2x128xi32, #tpu.memory_space<vmem>> -> memref<1x1x128xi32, #tpu.memory_space<vmem>>
    %dma_start3A_344 = tpu.memref_squeeze %dma_start3A_343 : memref<1x1x128xi32, #tpu.memory_space<vmem>> -> memref<128xi32, #tpu.memory_space<vmem>>
    %dma_start3A_345 = arith.constant 0 : i32
    %dma_start3A_346 = arith.constant 0 : i32
    %dma_start3A_347 = tpu.memref_slice %arg10[%dma_start3A_345, %dma_start3A_346] : memref<10240x64xf32, #tpu.memory_space<vmem_shared>> -> memref<10240x64xf32, #tpu.memory_space<vmem_shared>>
    tpu.enqueue_indirect_dma source(%dma_start3A_347 : memref<10240x64xf32, #tpu.memory_space<vmem_shared>>) target(%arg8 : memref<128x64xf32, #tpu.memory_space<vmem>>) offsets(%dma_start3A_344 : memref<128xi32, #tpu.memory_space<vmem>>) semaphore(%arg15 : memref<!tpu.dma_semaphore, #tpu.memory_space<semaphore_mem>>)
    %dma_wait3A_348 = arith.constant 0 : i32
    %dma_wait3A_349 = arith.constant 0 : i32
    %dma_wait3A_350 = arith.constant 0 : i32
    %dma_wait3A_351 = tpu.memref_slice %arg6[%dma_wait3A_348, %dma_wait3A_349, %dma_wait3A_350] : memref<4x2x128xi32, #tpu.memory_space<vmem>> -> memref<1x1x128xi32, #tpu.memory_space<vmem>>
    %dma_wait3A_352 = tpu.memref_squeeze %dma_wait3A_351 : memref<1x1x128xi32, #tpu.memory_space<vmem>> -> memref<128xi32, #tpu.memory_space<vmem>>
    %dma_wait3A_353 = arith.constant 0 : i32
    %dma_wait3A_354 = arith.constant 0 : i32
    %dma_wait3A_355 = tpu.memref_slice %arg10[%dma_wait3A_353, %dma_wait3A_354] : memref<10240x64xf32, #tpu.memory_space<vmem_shared>> -> memref<10240x64xf32, #tpu.memory_space<vmem_shared>>
    tpu.wait_indirect_dma semaphore(%arg14 : memref<!tpu.dma_semaphore, #tpu.memory_space<semaphore_mem>>) src(%dma_wait3A_355 : memref<10240x64xf32, #tpu.memory_space<vmem_shared>>) dst(%arg7 : memref<128x64xf32, #tpu.memory_space<vmem>>)
    %dma_start3A_356 = arith.constant 0 : i32
    %dma_start3A_357 = arith.constant 1 : i32
    %dma_start3A_358 = arith.constant 0 : i32
    %dma_start3A_359 = tpu.memref_slice %arg6[%dma_start3A_356, %dma_start3A_357, %dma_start3A_358] : memref<4x2x128xi32, #tpu.memory_space<vmem>> -> memref<1x1x128xi32, #tpu.memory_space<vmem>>
    %dma_start3A_360 = tpu.memref_squeeze %dma_start3A_359 : memref<1x1x128xi32, #tpu.memory_space<vmem>> -> memref<128xi32, #tpu.memory_space<vmem>>
    %dma_start3A_361 = arith.constant 0 : i32
    %dma_start3A_362 = arith.constant 0 : i32
    %dma_start3A_363 = tpu.memref_slice %arg11[%dma_start3A_361, %dma_start3A_362] : memref<10240x64xf32, #tpu.memory_space<vmem_shared>> -> memref<10240x64xf32, #tpu.memory_space<vmem_shared>>
    tpu.enqueue_indirect_dma source(%arg7 : memref<128x64xf32, #tpu.memory_space<vmem>>) target(%dma_start3A_363 : memref<10240x64xf32, #tpu.memory_space<vmem_shared>>) offsets(%dma_start3A_360 : memref<128xi32, #tpu.memory_space<vmem>>) semaphore(%arg16 : memref<!tpu.dma_semaphore, #tpu.memory_space<semaphore_mem>>) {add = true}
    %dma_wait3A_364 = arith.constant 1 : i32
    %dma_wait3A_365 = arith.constant 0 : i32
    %dma_wait3A_366 = arith.constant 0 : i32
    %dma_wait3A_367 = tpu.memref_slice %arg6[%dma_wait3A_364, %dma_wait3A_365, %dma_wait3A_366] : memref<4x2x128xi32, #tpu.memory_space<vmem>> -> memref<1x1x128xi32, #tpu.memory_space<vmem>>
    %dma_wait3A_368 = tpu.memref_squeeze %dma_wait3A_367 : memref<1x1x128xi32, #tpu.memory_space<vmem>> -> memref<128xi32, #tpu.memory_space<vmem>>
    %dma_wait3A_369 = arith.constant 0 : i32
    %dma_wait3A_370 = arith.constant 0 : i32
    %dma_wait3A_371 = tpu.memref_slice %arg10[%dma_wait3A_369, %dma_wait3A_370] : memref<10240x64xf32, #tpu.memory_space<vmem_shared>> -> memref<10240x64xf32, #tpu.memory_space<vmem_shared>>
    tpu.wait_indirect_dma semaphore(%arg15 : memref<!tpu.dma_semaphore, #tpu.memory_space<semaphore_mem>>) src(%dma_wait3A_371 : memref<10240x64xf32, #tpu.memory_space<vmem_shared>>) dst(%arg8 : memref<128x64xf32, #tpu.memory_space<vmem>>)
    %dma_start3A_372 = arith.constant 1 : i32
    %dma_start3A_373 = arith.constant 1 : i32
    %dma_start3A_374 = arith.constant 0 : i32
    %dma_start3A_375 = tpu.memref_slice %arg6[%dma_start3A_372, %dma_start3A_373, %dma_start3A_374] : memref<4x2x128xi32, #tpu.memory_space<vmem>> -> memref<1x1x128xi32, #tpu.memory_space<vmem>>
    %dma_start3A_376 = tpu.memref_squeeze %dma_start3A_375 : memref<1x1x128xi32, #tpu.memory_space<vmem>> -> memref<128xi32, #tpu.memory_space<vmem>>
    %dma_start3A_377 = arith.constant 0 : i32
    %dma_start3A_378 = arith.constant 0 : i32
    %dma_start3A_379 = tpu.memref_slice %arg11[%dma_start3A_377, %dma_start3A_378] : memref<10240x64xf32, #tpu.memory_space<vmem_shared>> -> memref<10240x64xf32, #tpu.memory_space<vmem_shared>>
    tpu.enqueue_indirect_dma source(%arg8 : memref<128x64xf32, #tpu.memory_space<vmem>>) target(%dma_start3A_379 : memref<10240x64xf32, #tpu.memory_space<vmem_shared>>) offsets(%dma_start3A_376 : memref<128xi32, #tpu.memory_space<vmem>>) semaphore(%arg17 : memref<!tpu.dma_semaphore, #tpu.memory_space<semaphore_mem>>) {add = true}
    %dma_wait3A_380 = arith.constant 0 : i32
    %dma_wait3A_381 = arith.constant 1 : i32
    %dma_wait3A_382 = arith.constant 0 : i32
    %dma_wait3A_383 = tpu.memref_slice %arg6[%dma_wait3A_380, %dma_wait3A_381, %dma_wait3A_382] : memref<4x2x128xi32, #tpu.memory_space<vmem>> -> memref<1x1x128xi32, #tpu.memory_space<vmem>>
    %dma_wait3A_384 = tpu.memref_squeeze %dma_wait3A_383 : memref<1x1x128xi32, #tpu.memory_space<vmem>> -> memref<128xi32, #tpu.memory_space<vmem>>
    %dma_wait3A_385 = arith.constant 0 : i32
    %dma_wait3A_386 = arith.constant 0 : i32
    %dma_wait3A_387 = tpu.memref_slice %arg11[%dma_wait3A_385, %dma_wait3A_386] : memref<10240x64xf32, #tpu.memory_space<vmem_shared>> -> memref<10240x64xf32, #tpu.memory_space<vmem_shared>>
    tpu.wait_indirect_dma semaphore(%arg16 : memref<!tpu.dma_semaphore, #tpu.memory_space<semaphore_mem>>) src(%arg7 : memref<128x64xf32, #tpu.memory_space<vmem>>) dst(%dma_wait3A_387 : memref<10240x64xf32, #tpu.memory_space<vmem_shared>>)
    %dma_start3A_388 = arith.constant 2 : i32
    %dma_start3A_389 = arith.constant 0 : i32
    %dma_start3A_390 = arith.constant 0 : i32
    %dma_start3A_391 = tpu.memref_slice %arg6[%dma_start3A_388, %dma_start3A_389, %dma_start3A_390] : memref<4x2x128xi32, #tpu.memory_space<vmem>> -> memref<1x1x128xi32, #tpu.memory_space<vmem>>
    %dma_start3A_392 = tpu.memref_squeeze %dma_start3A_391 : memref<1x1x128xi32, #tpu.memory_space<vmem>> -> memref<128xi32, #tpu.memory_space<vmem>>
    %dma_start3A_393 = arith.constant 0 : i32
    %dma_start3A_394 = arith.constant 0 : i32
    %dma_start3A_395 = tpu.memref_slice %arg10[%dma_start3A_393, %dma_start3A_394] : memref<10240x64xf32, #tpu.memory_space<vmem_shared>> -> memref<10240x64xf32, #tpu.memory_space<vmem_shared>>
    tpu.enqueue_indirect_dma source(%dma_start3A_395 : memref<10240x64xf32, #tpu.memory_space<vmem_shared>>) target(%arg7 : memref<128x64xf32, #tpu.memory_space<vmem>>) offsets(%dma_start3A_392 : memref<128xi32, #tpu.memory_space<vmem>>) semaphore(%arg14 : memref<!tpu.dma_semaphore, #tpu.memory_space<semaphore_mem>>)
    %dma_wait3A_396 = arith.constant 1 : i32
    %dma_wait3A_397 = arith.constant 1 : i32
    %dma_wait3A_398 = arith.constant 0 : i32
    %dma_wait3A_399 = tpu.memref_slice %arg6[%dma_wait3A_396, %dma_wait3A_397, %dma_wait3A_398] : memref<4x2x128xi32, #tpu.memory_space<vmem>> -> memref<1x1x128xi32, #tpu.memory_space<vmem>>
    %dma_wait3A_400 = tpu.memref_squeeze %dma_wait3A_399 : memref<1x1x128xi32, #tpu.memory_space<vmem>> -> memref<128xi32, #tpu.memory_space<vmem>>
    %dma_wait3A_401 = arith.constant 0 : i32
    %dma_wait3A_402 = arith.constant 0 : i32
    %dma_wait3A_403 = tpu.memref_slice %arg11[%dma_wait3A_401, %dma_wait3A_402] : memref<10240x64xf32, #tpu.memory_space<vmem_shared>> -> memref<10240x64xf32, #tpu.memory_space<vmem_shared>>
    tpu.wait_indirect_dma semaphore(%arg17 : memref<!tpu.dma_semaphore, #tpu.memory_space<semaphore_mem>>) src(%arg8 : memref<128x64xf32, #tpu.memory_space<vmem>>) dst(%dma_wait3A_403 : memref<10240x64xf32, #tpu.memory_space<vmem_shared>>)
    %dma_start3A_404 = arith.constant 3 : i32
    %dma_start3A_405 = arith.constant 0 : i32
    %dma_start3A_406 = arith.constant 0 : i32
    %dma_start3A_407 = tpu.memref_slice %arg6[%dma_start3A_404, %dma_start3A_405, %dma_start3A_406] : memref<4x2x128xi32, #tpu.memory_space<vmem>> -> memref<1x1x128xi32, #tpu.memory_space<vmem>>
    %dma_start3A_408 = tpu.memref_squeeze %dma_start3A_407 : memref<1x1x128xi32, #tpu.memory_space<vmem>> -> memref<128xi32, #tpu.memory_space<vmem>>
    %dma_start3A_409 = arith.constant 0 : i32
    %dma_start3A_410 = arith.constant 0 : i32
    %dma_start3A_411 = tpu.memref_slice %arg10[%dma_start3A_409, %dma_start3A_410] : memref<10240x64xf32, #tpu.memory_space<vmem_shared>> -> memref<10240x64xf32, #tpu.memory_space<vmem_shared>>
    tpu.enqueue_indirect_dma source(%dma_start3A_411 : memref<10240x64xf32, #tpu.memory_space<vmem_shared>>) target(%arg8 : memref<128x64xf32, #tpu.memory_space<vmem>>) offsets(%dma_start3A_408 : memref<128xi32, #tpu.memory_space<vmem>>) semaphore(%arg15 : memref<!tpu.dma_semaphore, #tpu.memory_space<semaphore_mem>>)
    %dma_wait3A_412 = arith.constant 2 : i32
    %dma_wait3A_413 = arith.constant 0 : i32
    %dma_wait3A_414 = arith.constant 0 : i32
    %dma_wait3A_415 = tpu.memref_slice %arg6[%dma_wait3A_412, %dma_wait3A_413, %dma_wait3A_414] : memref<4x2x128xi32, #tpu.memory_space<vmem>> -> memref<1x1x128xi32, #tpu.memory_space<vmem>>
    %dma_wait3A_416 = tpu.memref_squeeze %dma_wait3A_415 : memref<1x1x128xi32, #tpu.memory_space<vmem>> -> memref<128xi32, #tpu.memory_space<vmem>>
    %dma_wait3A_417 = arith.constant 0 : i32
    %dma_wait3A_418 = arith.constant 0 : i32
    %dma_wait3A_419 = tpu.memref_slice %arg10[%dma_wait3A_417, %dma_wait3A_418] : memref<10240x64xf32, #tpu.memory_space<vmem_shared>> -> memref<10240x64xf32, #tpu.memory_space<vmem_shared>>
    tpu.wait_indirect_dma semaphore(%arg14 : memref<!tpu.dma_semaphore, #tpu.memory_space<semaphore_mem>>) src(%dma_wait3A_419 : memref<10240x64xf32, #tpu.memory_space<vmem_shared>>) dst(%arg7 : memref<128x64xf32, #tpu.memory_space<vmem>>)
    %dma_start3A_420 = arith.constant 2 : i32
    %dma_start3A_421 = arith.constant 1 : i32
    %dma_start3A_422 = arith.constant 0 : i32
    %dma_start3A_423 = tpu.memref_slice %arg6[%dma_start3A_420, %dma_start3A_421, %dma_start3A_422] : memref<4x2x128xi32, #tpu.memory_space<vmem>> -> memref<1x1x128xi32, #tpu.memory_space<vmem>>
    %dma_start3A_424 = tpu.memref_squeeze %dma_start3A_423 : memref<1x1x128xi32, #tpu.memory_space<vmem>> -> memref<128xi32, #tpu.memory_space<vmem>>
    %dma_start3A_425 = arith.constant 0 : i32
    %dma_start3A_426 = arith.constant 0 : i32
    %dma_start3A_427 = tpu.memref_slice %arg11[%dma_start3A_425, %dma_start3A_426] : memref<10240x64xf32, #tpu.memory_space<vmem_shared>> -> memref<10240x64xf32, #tpu.memory_space<vmem_shared>>
    tpu.enqueue_indirect_dma source(%arg7 : memref<128x64xf32, #tpu.memory_space<vmem>>) target(%dma_start3A_427 : memref<10240x64xf32, #tpu.memory_space<vmem_shared>>) offsets(%dma_start3A_424 : memref<128xi32, #tpu.memory_space<vmem>>) semaphore(%arg16 : memref<!tpu.dma_semaphore, #tpu.memory_space<semaphore_mem>>) {add = true}
    %dma_wait3A_428 = arith.constant 3 : i32
    %dma_wait3A_429 = arith.constant 0 : i32
    %dma_wait3A_430 = arith.constant 0 : i32
    %dma_wait3A_431 = tpu.memref_slice %arg6[%dma_wait3A_428, %dma_wait3A_429, %dma_wait3A_430] : memref<4x2x128xi32, #tpu.memory_space<vmem>> -> memref<1x1x128xi32, #tpu.memory_space<vmem>>
    %dma_wait3A_432 = tpu.memref_squeeze %dma_wait3A_431 : memref<1x1x128xi32, #tpu.memory_space<vmem>> -> memref<128xi32, #tpu.memory_space<vmem>>
    %dma_wait3A_433 = arith.constant 0 : i32
    %dma_wait3A_434 = arith.constant 0 : i32
    %dma_wait3A_435 = tpu.memref_slice %arg10[%dma_wait3A_433, %dma_wait3A_434] : memref<10240x64xf32, #tpu.memory_space<vmem_shared>> -> memref<10240x64xf32, #tpu.memory_space<vmem_shared>>
    tpu.wait_indirect_dma semaphore(%arg15 : memref<!tpu.dma_semaphore, #tpu.memory_space<semaphore_mem>>) src(%dma_wait3A_435 : memref<10240x64xf32, #tpu.memory_space<vmem_shared>>) dst(%arg8 : memref<128x64xf32, #tpu.memory_space<vmem>>)
    %dma_start3A_436 = arith.constant 3 : i32
    %dma_start3A_437 = arith.constant 1 : i32
    %dma_start3A_438 = arith.constant 0 : i32
    %dma_start3A_439 = tpu.memref_slice %arg6[%dma_start3A_436, %dma_start3A_437, %dma_start3A_438] : memref<4x2x128xi32, #tpu.memory_space<vmem>> -> memref<1x1x128xi32, #tpu.memory_space<vmem>>
    %dma_start3A_440 = tpu.memref_squeeze %dma_start3A_439 : memref<1x1x128xi32, #tpu.memory_space<vmem>> -> memref<128xi32, #tpu.memory_space<vmem>>
    %dma_start3A_441 = arith.constant 0 : i32
    %dma_start3A_442 = arith.constant 0 : i32
    %dma_start3A_443 = tpu.memref_slice %arg11[%dma_start3A_441, %dma_start3A_442] : memref<10240x64xf32, #tpu.memory_space<vmem_shared>> -> memref<10240x64xf32, #tpu.memory_space<vmem_shared>>
    tpu.enqueue_indirect_dma source(%arg8 : memref<128x64xf32, #tpu.memory_space<vmem>>) target(%dma_start3A_443 : memref<10240x64xf32, #tpu.memory_space<vmem_shared>>) offsets(%dma_start3A_440 : memref<128xi32, #tpu.memory_space<vmem>>) semaphore(%arg17 : memref<!tpu.dma_semaphore, #tpu.memory_space<semaphore_mem>>) {add = true}
    %dma_wait3A_444 = arith.constant 2 : i32
    %dma_wait3A_445 = arith.constant 1 : i32
    %dma_wait3A_446 = arith.constant 0 : i32
    %dma_wait3A_447 = tpu.memref_slice %arg6[%dma_wait3A_444, %dma_wait3A_445, %dma_wait3A_446] : memref<4x2x128xi32, #tpu.memory_space<vmem>> -> memref<1x1x128xi32, #tpu.memory_space<vmem>>
    %dma_wait3A_448 = tpu.memref_squeeze %dma_wait3A_447 : memref<1x1x128xi32, #tpu.memory_space<vmem>> -> memref<128xi32, #tpu.memory_space<vmem>>
    %dma_wait3A_449 = arith.constant 0 : i32
    %dma_wait3A_450 = arith.constant 0 : i32
    %dma_wait3A_451 = tpu.memref_slice %arg11[%dma_wait3A_449, %dma_wait3A_450] : memref<10240x64xf32, #tpu.memory_space<vmem_shared>> -> memref<10240x64xf32, #tpu.memory_space<vmem_shared>>
    tpu.wait_indirect_dma semaphore(%arg16 : memref<!tpu.dma_semaphore, #tpu.memory_space<semaphore_mem>>) src(%arg7 : memref<128x64xf32, #tpu.memory_space<vmem>>) dst(%dma_wait3A_451 : memref<10240x64xf32, #tpu.memory_space<vmem_shared>>)
    %dma_wait3A_452 = arith.constant 3 : i32
    %dma_wait3A_453 = arith.constant 1 : i32
    %dma_wait3A_454 = arith.constant 0 : i32
    %dma_wait3A_455 = tpu.memref_slice %arg6[%dma_wait3A_452, %dma_wait3A_453, %dma_wait3A_454] : memref<4x2x128xi32, #tpu.memory_space<vmem>> -> memref<1x1x128xi32, #tpu.memory_space<vmem>>
    %dma_wait3A_456 = tpu.memref_squeeze %dma_wait3A_455 : memref<1x1x128xi32, #tpu.memory_space<vmem>> -> memref<128xi32, #tpu.memory_space<vmem>>
    %dma_wait3A_457 = arith.constant 0 : i32
    %dma_wait3A_458 = arith.constant 0 : i32
    %dma_wait3A_459 = tpu.memref_slice %arg11[%dma_wait3A_457, %dma_wait3A_458] : memref<10240x64xf32, #tpu.memory_space<vmem_shared>> -> memref<10240x64xf32, #tpu.memory_space<vmem_shared>>
    tpu.wait_indirect_dma semaphore(%arg17 : memref<!tpu.dma_semaphore, #tpu.memory_space<semaphore_mem>>) src(%arg8 : memref<128x64xf32, #tpu.memory_space<vmem>>) dst(%dma_wait3A_459 : memref<10240x64xf32, #tpu.memory_space<vmem_shared>>)
    %barrier3A_460 = arith.constant 0 : index
    tpu.barrier barrier_id(%barrier3A_460)
    "tpu.region"() ({
      %run_scoped3A = tpu.sem_alloc : memref<!tpu.dma_semaphore, #tpu.memory_space<semaphore_mem>>
      %dma_start3A_461 = arith.constant 0 : i32
      %dma_start3A_462 = tpu.memref_slice %arg4[%arg0, %mul3A_0, %dma_start3A_461] : memref<2x10240x64xf32, #tpu.memory_space<hbm>> -> memref<1x640x64xf32, #tpu.memory_space<hbm>>
      %dma_start3A_463 = tpu.memref_squeeze %dma_start3A_462 : memref<1x640x64xf32, #tpu.memory_space<hbm>> -> memref<640x64xf32, #tpu.memory_space<hbm>>
      %dma_start3A_464 = arith.constant 0 : i32
      %dma_start3A_465 = tpu.memref_slice %arg11[%mul3A_0, %dma_start3A_464] : memref<10240x64xf32, #tpu.memory_space<vmem_shared>> -> memref<640x64xf32, #tpu.memory_space<vmem_shared>>
      tpu.enqueue_dma source(%dma_start3A_465 : memref<640x64xf32, #tpu.memory_space<vmem_shared>>) target(%dma_start3A_463 : memref<640x64xf32, #tpu.memory_space<hbm>>) target_semaphore(%run_scoped3A : memref<!tpu.dma_semaphore, #tpu.memory_space<semaphore_mem>>)
      %dma_wait3A_466 = arith.constant 0 : i32
      %dma_wait3A_467 = tpu.memref_slice %arg4[%arg0, %mul3A_0, %dma_wait3A_466] : memref<2x10240x64xf32, #tpu.memory_space<hbm>> -> memref<1x640x64xf32, #tpu.memory_space<hbm>>
      %dma_wait3A_468 = tpu.memref_squeeze %dma_wait3A_467 : memref<1x640x64xf32, #tpu.memory_space<hbm>> -> memref<640x64xf32, #tpu.memory_space<hbm>>
      %dma_wait3A_469 = arith.constant 0 : i32
      %dma_wait3A_470 = tpu.memref_slice %arg11[%mul3A_0, %dma_wait3A_469] : memref<10240x64xf32, #tpu.memory_space<vmem_shared>> -> memref<640x64xf32, #tpu.memory_space<vmem_shared>>
      tpu.wait_dma2 semaphore(%run_scoped3A : memref<!tpu.dma_semaphore, #tpu.memory_space<semaphore_mem>>) src(%dma_wait3A_470 : memref<640x64xf32, #tpu.memory_space<vmem_shared>>) dst(%dma_wait3A_468 : memref<640x64xf32, #tpu.memory_space<hbm>>)
      tpu.yield
    }) : () -> ()
    return
  }
}

#map = affine_map<(d0, d1) -> (0, 0, 0)>
module attributes {stable_mosaic.version = 14 : i64} {
  func.func @_deg_kernel(%arg0: i32, %arg1: i32, %arg2: memref<32x80x128xi32, #tpu.memory_space<hbm>>, %arg3: memref<2x10240x16xf32, #tpu.memory_space<hbm>>, %arg4: memref<80x128xi32, #tpu.memory_space<vmem>>, %arg5: memref<128x16xf32, #tpu.memory_space<vmem>>, %arg6: memref<128x16xf32, #tpu.memory_space<vmem>>, %arg7: memref<10240x16xf32, #tpu.memory_space<vmem_shared>>) attributes {dimension_semantics = [#tpu.dimension_semantics<core_parallel>, #tpu.dimension_semantics<subcore_parallel>], iteration_bounds = array<i64: 2, 16>, scalar_prefetch = 0 : i64, scratch_operands = 4 : i64, tpu.core_type = #tpu.core_type<sc_vector_subcore>, window_params = [{transform_indices = #map}, {transform_indices = #map}]} {
    %mul3A = arith.constant 16 : i32
    %mul3A_0 = arith.muli %arg0, %mul3A : i32
    %add3A = arith.addi %mul3A_0, %arg1 : i32
    %mul3A_1 = arith.constant 640 : i32
    %mul3A_2 = arith.muli %arg1, %mul3A_1 : i32
    %broadcast_in_dim3A = arith.constant 1.000000e+00 : f32
    %broadcast_in_dim3A_3 = vector.broadcast %broadcast_in_dim3A : f32 to vector<16xf32>
    %broadcast_in_dim3A_4 = arith.constant 0.000000e+00 : f32
    %broadcast_in_dim3A_5 = vector.broadcast %broadcast_in_dim3A_4 : f32 to vector<16xf32>
    %scan3A = arith.constant 0 : i32
    %scan3A_6 = arith.constant 0 : i32
    %scan3A_7 = arith.constant 128 : i32
    %scan3A_8 = arith.addi %scan3A_6, %scan3A_7 : i32
    %scan3A_9 = arith.constant 1 : i32
    scf.for %scan3A_24 = %scan3A_6 to %scan3A_8 step %scan3A_9  : i32 {
      %swap3A = arith.index_cast %scan3A_24 : i32 to index
      %swap3A_25 = arith.constant 0 : index
      %swap3A_26 = tpu.vector_load %arg5[%swap3A, %swap3A_25] {strides = array<i32>} : memref<128x16xf32, #tpu.memory_space<vmem>>, vector<1x16xf32>,
      %swap3A_27 = vector.shape_cast %swap3A_26 : vector<1x16xf32> to vector<16xf32>
      %swap3A_28 = vector.shape_cast %broadcast_in_dim3A_3 : vector<16xf32> to vector<1x16xf32>
      tpu.vector_store %arg5[%swap3A, %swap3A_25], %swap3A_28 {strides = array<i32>} : memref<128x16xf32, #tpu.memory_space<vmem>>, vector<1x16xf32>,
      %swap3A_29 = arith.index_cast %scan3A_24 : i32 to index
      %swap3A_30 = arith.constant 0 : index
      %swap3A_31 = tpu.vector_load %arg6[%swap3A_29, %swap3A_30] {strides = array<i32>} : memref<128x16xf32, #tpu.memory_space<vmem>>, vector<1x16xf32>,
      %swap3A_32 = vector.shape_cast %swap3A_31 : vector<1x16xf32> to vector<16xf32>
      %swap3A_33 = vector.shape_cast %broadcast_in_dim3A_5 : vector<16xf32> to vector<1x16xf32>
      tpu.vector_store %arg6[%swap3A_29, %swap3A_30], %swap3A_33 {strides = array<i32>} : memref<128x16xf32, #tpu.memory_space<vmem>>, vector<1x16xf32>,
    }
    %scan3A_10 = arith.constant 128 : i32
    %scan3A_11 = arith.constant 0 : i32
    %scan3A_12 = arith.constant 0 : i32
    %scan3A_13 = arith.constant 5 : i32
    %scan3A_14 = arith.addi %scan3A_12, %scan3A_13 : i32
    %scan3A_15 = arith.constant 1 : i32
    scf.for %scan3A_24 = %scan3A_12 to %scan3A_14 step %scan3A_15  : i32 {
      %mul3A_25 = arith.constant 128 : i32
      %mul3A_26 = arith.muli %scan3A_24, %mul3A_25 : i32
      %add3A_27 = arith.addi %mul3A_2, %mul3A_26 : i32
      "tpu.region"() ({
        %run_scoped3A = tpu.sem_alloc : memref<!tpu.dma_semaphore, #tpu.memory_space<semaphore_mem>>
        %dma_start3A = arith.constant 0 : i32
        %dma_start3A_28 = tpu.memref_slice %arg7[%add3A_27, %dma_start3A] : memref<10240x16xf32, #tpu.memory_space<vmem_shared>> -> memref<128x16xf32, #tpu.memory_space<vmem_shared>>
        %dma_start3A_29 = arith.constant 0 : i32
        %dma_start3A_30 = tpu.memref_slice %arg7[%add3A_27, %dma_start3A_29] : memref<10240x16xf32, #tpu.memory_space<vmem_shared>> -> memref<128x16xf32, #tpu.memory_space<vmem_shared>>
        tpu.enqueue_dma source(%arg6 : memref<128x16xf32, #tpu.memory_space<vmem>>) target(%dma_start3A_30 : memref<128x16xf32, #tpu.memory_space<vmem_shared>>) target_semaphore(%run_scoped3A : memref<!tpu.dma_semaphore, #tpu.memory_space<semaphore_mem>>)
        %dma_wait3A = arith.constant 0 : i32
        %dma_wait3A_31 = tpu.memref_slice %arg7[%add3A_27, %dma_wait3A] : memref<10240x16xf32, #tpu.memory_space<vmem_shared>> -> memref<128x16xf32, #tpu.memory_space<vmem_shared>>
        %dma_wait3A_32 = arith.constant 0 : i32
        %dma_wait3A_33 = tpu.memref_slice %arg7[%add3A_27, %dma_wait3A_32] : memref<10240x16xf32, #tpu.memory_space<vmem_shared>> -> memref<128x16xf32, #tpu.memory_space<vmem_shared>>
        tpu.wait_dma2 semaphore(%run_scoped3A : memref<!tpu.dma_semaphore, #tpu.memory_space<semaphore_mem>>) src(%arg6 : memref<128x16xf32, #tpu.memory_space<vmem>>) dst(%dma_wait3A_33 : memref<128x16xf32, #tpu.memory_space<vmem_shared>>)
        tpu.yield
      }) : () -> ()
    }
    %scan3A_16 = arith.constant 5 : i32
    "tpu.region"() ({
      %run_scoped3A = tpu.sem_alloc : memref<!tpu.dma_semaphore, #tpu.memory_space<semaphore_mem>>
      %dma_start3A = arith.constant 0 : i32
      %dma_start3A_24 = arith.constant 0 : i32
      %dma_start3A_25 = tpu.memref_slice %arg2[%add3A, %dma_start3A, %dma_start3A_24] : memref<32x80x128xi32, #tpu.memory_space<hbm>> -> memref<1x80x128xi32, #tpu.memory_space<hbm>>
      %dma_start3A_26 = tpu.memref_squeeze %dma_start3A_25 : memref<1x80x128xi32, #tpu.memory_space<hbm>> -> memref<80x128xi32, #tpu.memory_space<hbm>>
      %dma_start3A_27 = arith.constant 0 : i32
      %dma_start3A_28 = arith.constant 0 : i32
      %dma_start3A_29 = tpu.memref_slice %arg2[%add3A, %dma_start3A_27, %dma_start3A_28] : memref<32x80x128xi32, #tpu.memory_space<hbm>> -> memref<1x80x128xi32, #tpu.memory_space<hbm>>
      %dma_start3A_30 = tpu.memref_squeeze %dma_start3A_29 : memref<1x80x128xi32, #tpu.memory_space<hbm>> -> memref<80x128xi32, #tpu.memory_space<hbm>>
      tpu.enqueue_dma source(%dma_start3A_30 : memref<80x128xi32, #tpu.memory_space<hbm>>) target(%arg4 : memref<80x128xi32, #tpu.memory_space<vmem>>) target_semaphore(%run_scoped3A : memref<!tpu.dma_semaphore, #tpu.memory_space<semaphore_mem>>)
      %dma_wait3A = arith.constant 0 : i32
      %dma_wait3A_31 = arith.constant 0 : i32
      %dma_wait3A_32 = tpu.memref_slice %arg2[%add3A, %dma_wait3A, %dma_wait3A_31] : memref<32x80x128xi32, #tpu.memory_space<hbm>> -> memref<1x80x128xi32, #tpu.memory_space<hbm>>
      %dma_wait3A_33 = tpu.memref_squeeze %dma_wait3A_32 : memref<1x80x128xi32, #tpu.memory_space<hbm>> -> memref<80x128xi32, #tpu.memory_space<hbm>>
      %dma_wait3A_34 = arith.constant 0 : i32
      %dma_wait3A_35 = arith.constant 0 : i32
      %dma_wait3A_36 = tpu.memref_slice %arg2[%add3A, %dma_wait3A_34, %dma_wait3A_35] : memref<32x80x128xi32, #tpu.memory_space<hbm>> -> memref<1x80x128xi32, #tpu.memory_space<hbm>>
      %dma_wait3A_37 = tpu.memref_squeeze %dma_wait3A_36 : memref<1x80x128xi32, #tpu.memory_space<hbm>> -> memref<80x128xi32, #tpu.memory_space<hbm>>
      tpu.wait_dma2 semaphore(%run_scoped3A : memref<!tpu.dma_semaphore, #tpu.memory_space<semaphore_mem>>) src(%dma_wait3A_37 : memref<80x128xi32, #tpu.memory_space<hbm>>) dst(%arg4 : memref<80x128xi32, #tpu.memory_space<vmem>>)
      tpu.yield
    }) : () -> ()
    %barrier3A = arith.constant 0 : index
    tpu.barrier barrier_id(%barrier3A)
    %scan3A_17 = arith.constant 0 : i32
    %scan3A_18 = arith.constant 0 : i32
    %scan3A_19 = arith.constant 80 : i32
    %scan3A_20 = arith.addi %scan3A_18, %scan3A_19 : i32
    %scan3A_21 = arith.constant 1 : i32
    scf.for %scan3A_24 = %scan3A_18 to %scan3A_20 step %scan3A_21  : i32 {
      "tpu.region"() ({
        %run_scoped3A = tpu.sem_alloc : memref<!tpu.dma_semaphore, #tpu.memory_space<semaphore_mem>>
        %dma_start3A = arith.constant 0 : i32
        %dma_start3A_25 = tpu.memref_slice %arg4[%scan3A_24, %dma_start3A] : memref<80x128xi32, #tpu.memory_space<vmem>> -> memref<1x128xi32, #tpu.memory_space<vmem>>
        %dma_start3A_26 = tpu.memref_squeeze %dma_start3A_25 : memref<1x128xi32, #tpu.memory_space<vmem>> -> memref<128xi32, #tpu.memory_space<vmem>>
        %dma_start3A_27 = arith.constant 0 : i32
        %dma_start3A_28 = arith.constant 0 : i32
        %dma_start3A_29 = tpu.memref_slice %arg7[%dma_start3A_27, %dma_start3A_28] : memref<10240x16xf32, #tpu.memory_space<vmem_shared>> -> memref<10240x16xf32, #tpu.memory_space<vmem_shared>>
        tpu.enqueue_indirect_dma source(%arg5 : memref<128x16xf32, #tpu.memory_space<vmem>>) target(%dma_start3A_29 : memref<10240x16xf32, #tpu.memory_space<vmem_shared>>) offsets(%dma_start3A_26 : memref<128xi32, #tpu.memory_space<vmem>>) semaphore(%run_scoped3A : memref<!tpu.dma_semaphore, #tpu.memory_space<semaphore_mem>>) {add = true}
        %dma_wait3A = arith.constant 0 : i32
        %dma_wait3A_30 = tpu.memref_slice %arg4[%scan3A_24, %dma_wait3A] : memref<80x128xi32, #tpu.memory_space<vmem>> -> memref<1x128xi32, #tpu.memory_space<vmem>>
        %dma_wait3A_31 = tpu.memref_squeeze %dma_wait3A_30 : memref<1x128xi32, #tpu.memory_space<vmem>> -> memref<128xi32, #tpu.memory_space<vmem>>
        %dma_wait3A_32 = arith.constant 0 : i32
        %dma_wait3A_33 = arith.constant 0 : i32
        %dma_wait3A_34 = tpu.memref_slice %arg7[%dma_wait3A_32, %dma_wait3A_33] : memref<10240x16xf32, #tpu.memory_space<vmem_shared>> -> memref<10240x16xf32, #tpu.memory_space<vmem_shared>>
        tpu.wait_indirect_dma semaphore(%run_scoped3A : memref<!tpu.dma_semaphore, #tpu.memory_space<semaphore_mem>>) src(%arg5 : memref<128x16xf32, #tpu.memory_space<vmem>>) dst(%dma_wait3A_34 : memref<10240x16xf32, #tpu.memory_space<vmem_shared>>)
        tpu.yield
      }) : () -> ()
    }
    %scan3A_22 = arith.constant 80 : i32
    %barrier3A_23 = arith.constant 0 : index
    tpu.barrier barrier_id(%barrier3A_23)
    "tpu.region"() ({
      %run_scoped3A = tpu.sem_alloc : memref<!tpu.dma_semaphore, #tpu.memory_space<semaphore_mem>>
      %dma_start3A = arith.constant 0 : i32
      %dma_start3A_24 = tpu.memref_slice %arg3[%arg0, %mul3A_2, %dma_start3A] : memref<2x10240x16xf32, #tpu.memory_space<hbm>> -> memref<1x640x16xf32, #tpu.memory_space<hbm>>
      %dma_start3A_25 = tpu.memref_squeeze %dma_start3A_24 : memref<1x640x16xf32, #tpu.memory_space<hbm>> -> memref<640x16xf32, #tpu.memory_space<hbm>>
      %dma_start3A_26 = arith.constant 0 : i32
      %dma_start3A_27 = tpu.memref_slice %arg7[%mul3A_2, %dma_start3A_26] : memref<10240x16xf32, #tpu.memory_space<vmem_shared>> -> memref<640x16xf32, #tpu.memory_space<vmem_shared>>
      tpu.enqueue_dma source(%dma_start3A_27 : memref<640x16xf32, #tpu.memory_space<vmem_shared>>) target(%dma_start3A_25 : memref<640x16xf32, #tpu.memory_space<hbm>>) target_semaphore(%run_scoped3A : memref<!tpu.dma_semaphore, #tpu.memory_space<semaphore_mem>>)
      %dma_wait3A = arith.constant 0 : i32
      %dma_wait3A_28 = tpu.memref_slice %arg3[%arg0, %mul3A_2, %dma_wait3A] : memref<2x10240x16xf32, #tpu.memory_space<hbm>> -> memref<1x640x16xf32, #tpu.memory_space<hbm>>
      %dma_wait3A_29 = tpu.memref_squeeze %dma_wait3A_28 : memref<1x640x16xf32, #tpu.memory_space<hbm>> -> memref<640x16xf32, #tpu.memory_space<hbm>>
      %dma_wait3A_30 = arith.constant 0 : i32
      %dma_wait3A_31 = tpu.memref_slice %arg7[%mul3A_2, %dma_wait3A_30] : memref<10240x16xf32, #tpu.memory_space<vmem_shared>> -> memref<640x16xf32, #tpu.memory_space<vmem_shared>>
      tpu.wait_dma2 semaphore(%run_scoped3A : memref<!tpu.dma_semaphore, #tpu.memory_space<semaphore_mem>>) src(%dma_wait3A_31 : memref<640x16xf32, #tpu.memory_space<vmem_shared>>) dst(%dma_wait3A_29 : memref<640x16xf32, #tpu.memory_space<hbm>>)
      tpu.yield
    }) : () -> ()
    return
  }
}

#map = affine_map<(d0, d1) -> (0, 0, 0)>
#map1 = affine_map<(d0, d1) -> (0, 0, 0, 0, 0)>
module attributes {stable_mosaic.version = 14 : i64} {
  func.func @_agg_kernel(%arg0: i32, %arg1: i32, %arg2: memref<2x10240x64xf32, #tpu.memory_space<hbm>>, %arg3: memref<16x40x4x2x128xi32, #tpu.memory_space<hbm>>, %arg4: memref<2x10240x64xf32, #tpu.memory_space<hbm>>, %arg5: memref<4x2x128xi32, #tpu.memory_space<vmem>>, %arg6: memref<4x2x128xi32, #tpu.memory_space<vmem>>, %arg7: memref<128x64xf32, #tpu.memory_space<vmem>>, %arg8: memref<128x64xf32, #tpu.memory_space<vmem>>, %arg9: memref<128x64xf32, #tpu.memory_space<vmem>>, %arg10: memref<10240x64xf32, #tpu.memory_space<vmem_shared>>, %arg11: memref<10240x64xf32, #tpu.memory_space<vmem_shared>>, %arg12: memref<!tpu.dma_semaphore, #tpu.memory_space<semaphore_mem>>, %arg13: memref<!tpu.dma_semaphore, #tpu.memory_space<semaphore_mem>>, %arg14: memref<!tpu.dma_semaphore, #tpu.memory_space<semaphore_mem>>, %arg15: memref<!tpu.dma_semaphore, #tpu.memory_space<semaphore_mem>>, %arg16: memref<!tpu.dma_semaphore, #tpu.memory_space<semaphore_mem>>, %arg17: memref<!tpu.dma_semaphore, #tpu.memory_space<semaphore_mem>>, %arg18: memref<!tpu.dma_semaphore, #tpu.memory_space<semaphore_mem>>, %arg19: memref<!tpu.dma_semaphore, #tpu.memory_space<semaphore_mem>>, %arg20: memref<!tpu.dma_semaphore, #tpu.memory_space<semaphore_mem>>) attributes {dimension_semantics = [#tpu.dimension_semantics<core_parallel>, #tpu.dimension_semantics<subcore_parallel>], iteration_bounds = array<i64: 2, 16>, scalar_prefetch = 0 : i64, scratch_operands = 16 : i64, tpu.core_type = #tpu.core_type<sc_vector_subcore>, window_params = [{transform_indices = #map}, {transform_indices = #map1}, {transform_indices = #map}]} {
    %mul3A = arith.constant 640 : i32
    %mul3A_0 = arith.muli %arg1, %mul3A : i32
    %broadcast_in_dim3A = arith.constant 0.000000e+00 : f32
    %broadcast_in_dim3A_1 = vector.broadcast %broadcast_in_dim3A : f32 to vector<16xf32>
    %dma_start3A = arith.constant 0 : i32
    %dma_start3A_2 = arith.constant 0 : i32
    %dma_start3A_3 = arith.constant 0 : i32
    %dma_start3A_4 = arith.constant 0 : i32
    %dma_start3A_5 = tpu.memref_slice %arg3[%arg1, %dma_start3A, %dma_start3A_2, %dma_start3A_3, %dma_start3A_4] : memref<16x40x4x2x128xi32, #tpu.memory_space<hbm>> -> memref<1x1x4x2x128xi32, #tpu.memory_space<hbm>>
    %dma_start3A_6 = tpu.memref_squeeze %dma_start3A_5 : memref<1x1x4x2x128xi32, #tpu.memory_space<hbm>> -> memref<4x2x128xi32, #tpu.memory_space<hbm>>
    %dma_start3A_7 = arith.constant 0 : i32
    %dma_start3A_8 = arith.constant 0 : i32
    %dma_start3A_9 = arith.constant 0 : i32
    %dma_start3A_10 = tpu.memref_slice %arg3[%arg1, %dma_start3A, %dma_start3A_7, %dma_start3A_8, %dma_start3A_9] : memref<16x40x4x2x128xi32, #tpu.memory_space<hbm>> -> memref<1x1x4x2x128xi32, #tpu.memory_space<hbm>>
    %dma_start3A_11 = tpu.memref_squeeze %dma_start3A_10 : memref<1x1x4x2x128xi32, #tpu.memory_space<hbm>> -> memref<4x2x128xi32, #tpu.memory_space<hbm>>
    tpu.enqueue_dma source(%dma_start3A_11 : memref<4x2x128xi32, #tpu.memory_space<hbm>>) target(%arg5 : memref<4x2x128xi32, #tpu.memory_space<vmem>>) target_semaphore(%arg12 : memref<!tpu.dma_semaphore, #tpu.memory_space<semaphore_mem>>)
    %dma_start3A_12 = arith.constant 1 : i32
    %dma_start3A_13 = arith.constant 0 : i32
    %dma_start3A_14 = arith.constant 0 : i32
    %dma_start3A_15 = arith.constant 0 : i32
    %dma_start3A_16 = tpu.memref_slice %arg3[%arg1, %dma_start3A_12, %dma_start3A_13, %dma_start3A_14, %dma_start3A_15] : memref<16x40x4x2x128xi32, #tpu.memory_space<hbm>> -> memref<1x1x4x2x128xi32, #tpu.memory_space<hbm>>
    %dma_start3A_17 = tpu.memref_squeeze %dma_start3A_16 : memref<1x1x4x2x128xi32, #tpu.memory_space<hbm>> -> memref<4x2x128xi32, #tpu.memory_space<hbm>>
    %dma_start3A_18 = arith.constant 0 : i32
    %dma_start3A_19 = arith.constant 0 : i32
    %dma_start3A_20 = arith.constant 0 : i32
    %dma_start3A_21 = tpu.memref_slice %arg3[%arg1, %dma_start3A_12, %dma_start3A_18, %dma_start3A_19, %dma_start3A_20] : memref<16x40x4x2x128xi32, #tpu.memory_space<hbm>> -> memref<1x1x4x2x128xi32, #tpu.memory_space<hbm>>
    %dma_start3A_22 = tpu.memref_squeeze %dma_start3A_21 : memref<1x1x4x2x128xi32, #tpu.memory_space<hbm>> -> memref<4x2x128xi32, #tpu.memory_space<hbm>>
    tpu.enqueue_dma source(%dma_start3A_22 : memref<4x2x128xi32, #tpu.memory_space<hbm>>) target(%arg6 : memref<4x2x128xi32, #tpu.memory_space<vmem>>) target_semaphore(%arg13 : memref<!tpu.dma_semaphore, #tpu.memory_space<semaphore_mem>>)
    %scan3A = arith.constant 0 : i32
    %scan3A_23 = arith.constant 0 : i32
    %scan3A_24 = arith.constant 128 : i32
    %scan3A_25 = arith.addi %scan3A_23, %scan3A_24 : i32
    %scan3A_26 = arith.constant 1 : i32
    scf.for %scan3A_461 = %scan3A_23 to %scan3A_25 step %scan3A_26  : i32 {
      %swap3A = arith.index_cast %scan3A_461 : i32 to index
      %swap3A_462 = arith.constant 0 : index
      %swap3A_463 = tpu.vector_load %arg7[%swap3A, %swap3A_462] {strides = array<i32>} : memref<128x64xf32, #tpu.memory_space<vmem>>, vector<1x16xf32>,
      %swap3A_464 = vector.shape_cast %swap3A_463 : vector<1x16xf32> to vector<16xf32>
      %swap3A_465 = vector.shape_cast %broadcast_in_dim3A_1 : vector<16xf32> to vector<1x16xf32>
      tpu.vector_store %arg7[%swap3A, %swap3A_462], %swap3A_465 {strides = array<i32>} : memref<128x64xf32, #tpu.memory_space<vmem>>, vector<1x16xf32>,
      %swap3A_466 = arith.index_cast %scan3A_461 : i32 to index
      %swap3A_467 = arith.constant 16 : index
      %swap3A_468 = tpu.vector_load %arg7[%swap3A_466, %swap3A_467] {strides = array<i32>} : memref<128x64xf32, #tpu.memory_space<vmem>>, vector<1x16xf32>,
      %swap3A_469 = vector.shape_cast %swap3A_468 : vector<1x16xf32> to vector<16xf32>
      %swap3A_470 = vector.shape_cast %broadcast_in_dim3A_1 : vector<16xf32> to vector<1x16xf32>
      tpu.vector_store %arg7[%swap3A_466, %swap3A_467], %swap3A_470 {strides = array<i32>} : memref<128x64xf32, #tpu.memory_space<vmem>>, vector<1x16xf32>,
      %swap3A_471 = arith.index_cast %scan3A_461 : i32 to index
      %swap3A_472 = arith.constant 32 : index
      %swap3A_473 = tpu.vector_load %arg7[%swap3A_471, %swap3A_472] {strides = array<i32>} : memref<128x64xf32, #tpu.memory_space<vmem>>, vector<1x16xf32>,
      %swap3A_474 = vector.shape_cast %swap3A_473 : vector<1x16xf32> to vector<16xf32>
      %swap3A_475 = vector.shape_cast %broadcast_in_dim3A_1 : vector<16xf32> to vector<1x16xf32>
      tpu.vector_store %arg7[%swap3A_471, %swap3A_472], %swap3A_475 {strides = array<i32>} : memref<128x64xf32, #tpu.memory_space<vmem>>, vector<1x16xf32>,
      %swap3A_476 = arith.index_cast %scan3A_461 : i32 to index
      %swap3A_477 = arith.constant 48 : index
      %swap3A_478 = tpu.vector_load %arg7[%swap3A_476, %swap3A_477] {strides = array<i32>} : memref<128x64xf32, #tpu.memory_space<vmem>>, vector<1x16xf32>,
      %swap3A_479 = vector.shape_cast %swap3A_478 : vector<1x16xf32> to vector<16xf32>
      %swap3A_480 = vector.shape_cast %broadcast_in_dim3A_1 : vector<16xf32> to vector<1x16xf32>
      tpu.vector_store %arg7[%swap3A_476, %swap3A_477], %swap3A_480 {strides = array<i32>} : memref<128x64xf32, #tpu.memory_space<vmem>>, vector<1x16xf32>,
    }
    %scan3A_27 = arith.constant 128 : i32
    %add3A = arith.constant 0 : i32
    %add3A_28 = arith.addi %mul3A_0, %add3A : i32
    %dma_start3A_29 = arith.constant 0 : i32
    %dma_start3A_30 = tpu.memref_slice %arg11[%add3A_28, %dma_start3A_29] : memref<10240x64xf32, #tpu.memory_space<vmem_shared>> -> memref<128x64xf32, #tpu.memory_space<vmem_shared>>
    %dma_start3A_31 = arith.constant 0 : i32
    %dma_start3A_32 = tpu.memref_slice %arg11[%add3A_28, %dma_start3A_31] : memref<10240x64xf32, #tpu.memory_space<vmem_shared>> -> memref<128x64xf32, #tpu.memory_space<vmem_shared>>
    tpu.enqueue_dma source(%arg7 : memref<128x64xf32, #tpu.memory_space<vmem>>) target(%dma_start3A_32 : memref<128x64xf32, #tpu.memory_space<vmem_shared>>) target_semaphore(%arg18 : memref<!tpu.dma_semaphore, #tpu.memory_space<semaphore_mem>>)
    %add3A_33 = arith.constant 128 : i32
    %add3A_34 = arith.addi %mul3A_0, %add3A_33 : i32
    %dma_start3A_35 = arith.constant 0 : i32
    %dma_start3A_36 = tpu.memref_slice %arg11[%add3A_34, %dma_start3A_35] : memref<10240x64xf32, #tpu.memory_space<vmem_shared>> -> memref<128x64xf32, #tpu.memory_space<vmem_shared>>
    %dma_start3A_37 = arith.constant 0 : i32
    %dma_start3A_38 = tpu.memref_slice %arg11[%add3A_34, %dma_start3A_37] : memref<10240x64xf32, #tpu.memory_space<vmem_shared>> -> memref<128x64xf32, #tpu.memory_space<vmem_shared>>
    tpu.enqueue_dma source(%arg7 : memref<128x64xf32, #tpu.memory_space<vmem>>) target(%dma_start3A_38 : memref<128x64xf32, #tpu.memory_space<vmem_shared>>) target_semaphore(%arg18 : memref<!tpu.dma_semaphore, #tpu.memory_space<semaphore_mem>>)
    %add3A_39 = arith.constant 256 : i32
    %add3A_40 = arith.addi %mul3A_0, %add3A_39 : i32
    %dma_start3A_41 = arith.constant 0 : i32
    %dma_start3A_42 = tpu.memref_slice %arg11[%add3A_40, %dma_start3A_41] : memref<10240x64xf32, #tpu.memory_space<vmem_shared>> -> memref<128x64xf32, #tpu.memory_space<vmem_shared>>
    %dma_start3A_43 = arith.constant 0 : i32
    %dma_start3A_44 = tpu.memref_slice %arg11[%add3A_40, %dma_start3A_43] : memref<10240x64xf32, #tpu.memory_space<vmem_shared>> -> memref<128x64xf32, #tpu.memory_space<vmem_shared>>
    tpu.enqueue_dma source(%arg7 : memref<128x64xf32, #tpu.memory_space<vmem>>) target(%dma_start3A_44 : memref<128x64xf32, #tpu.memory_space<vmem_shared>>) target_semaphore(%arg18 : memref<!tpu.dma_semaphore, #tpu.memory_space<semaphore_mem>>)
    %add3A_45 = arith.constant 384 : i32
    %add3A_46 = arith.addi %mul3A_0, %add3A_45 : i32
    %dma_start3A_47 = arith.constant 0 : i32
    %dma_start3A_48 = tpu.memref_slice %arg11[%add3A_46, %dma_start3A_47] : memref<10240x64xf32, #tpu.memory_space<vmem_shared>> -> memref<128x64xf32, #tpu.memory_space<vmem_shared>>
    %dma_start3A_49 = arith.constant 0 : i32
    %dma_start3A_50 = tpu.memref_slice %arg11[%add3A_46, %dma_start3A_49] : memref<10240x64xf32, #tpu.memory_space<vmem_shared>> -> memref<128x64xf32, #tpu.memory_space<vmem_shared>>
    tpu.enqueue_dma source(%arg7 : memref<128x64xf32, #tpu.memory_space<vmem>>) target(%dma_start3A_50 : memref<128x64xf32, #tpu.memory_space<vmem_shared>>) target_semaphore(%arg18 : memref<!tpu.dma_semaphore, #tpu.memory_space<semaphore_mem>>)
    %add3A_51 = arith.constant 512 : i32
    %add3A_52 = arith.addi %mul3A_0, %add3A_51 : i32
    %dma_start3A_53 = arith.constant 0 : i32
    %dma_start3A_54 = tpu.memref_slice %arg11[%add3A_52, %dma_start3A_53] : memref<10240x64xf32, #tpu.memory_space<vmem_shared>> -> memref<128x64xf32, #tpu.memory_space<vmem_shared>>
    %dma_start3A_55 = arith.constant 0 : i32
    %dma_start3A_56 = tpu.memref_slice %arg11[%add3A_52, %dma_start3A_55] : memref<10240x64xf32, #tpu.memory_space<vmem_shared>> -> memref<128x64xf32, #tpu.memory_space<vmem_shared>>
    tpu.enqueue_dma source(%arg7 : memref<128x64xf32, #tpu.memory_space<vmem>>) target(%dma_start3A_56 : memref<128x64xf32, #tpu.memory_space<vmem_shared>>) target_semaphore(%arg18 : memref<!tpu.dma_semaphore, #tpu.memory_space<semaphore_mem>>)
    %add3A_57 = arith.constant 0 : i32
    %add3A_58 = arith.addi %mul3A_0, %add3A_57 : i32
    %dma_start3A_59 = arith.constant 0 : i32
    %dma_start3A_60 = tpu.memref_slice %arg2[%arg0, %add3A_58, %dma_start3A_59] : memref<2x10240x64xf32, #tpu.memory_space<hbm>> -> memref<1x128x64xf32, #tpu.memory_space<hbm>>
    %dma_start3A_61 = tpu.memref_squeeze %dma_start3A_60 : memref<1x128x64xf32, #tpu.memory_space<hbm>> -> memref<128x64xf32, #tpu.memory_space<hbm>>
    %dma_start3A_62 = arith.constant 0 : i32
    %dma_start3A_63 = tpu.memref_slice %arg2[%arg0, %add3A_58, %dma_start3A_62] : memref<2x10240x64xf32, #tpu.memory_space<hbm>> -> memref<1x128x64xf32, #tpu.memory_space<hbm>>
    %dma_start3A_64 = tpu.memref_squeeze %dma_start3A_63 : memref<1x128x64xf32, #tpu.memory_space<hbm>> -> memref<128x64xf32, #tpu.memory_space<hbm>>
    tpu.enqueue_dma source(%dma_start3A_64 : memref<128x64xf32, #tpu.memory_space<hbm>>) target(%arg9 : memref<128x64xf32, #tpu.memory_space<vmem>>) target_semaphore(%arg19 : memref<!tpu.dma_semaphore, #tpu.memory_space<semaphore_mem>>)
    %add3A_65 = arith.constant 128 : i32
    %add3A_66 = arith.addi %mul3A_0, %add3A_65 : i32
    %dma_start3A_67 = arith.constant 0 : i32
    %dma_start3A_68 = tpu.memref_slice %arg2[%arg0, %add3A_66, %dma_start3A_67] : memref<2x10240x64xf32, #tpu.memory_space<hbm>> -> memref<1x128x64xf32, #tpu.memory_space<hbm>>
    %dma_start3A_69 = tpu.memref_squeeze %dma_start3A_68 : memref<1x128x64xf32, #tpu.memory_space<hbm>> -> memref<128x64xf32, #tpu.memory_space<hbm>>
    %dma_start3A_70 = arith.constant 0 : i32
    %dma_start3A_71 = tpu.memref_slice %arg2[%arg0, %add3A_66, %dma_start3A_70] : memref<2x10240x64xf32, #tpu.memory_space<hbm>> -> memref<1x128x64xf32, #tpu.memory_space<hbm>>
    %dma_start3A_72 = tpu.memref_squeeze %dma_start3A_71 : memref<1x128x64xf32, #tpu.memory_space<hbm>> -> memref<128x64xf32, #tpu.memory_space<hbm>>
    tpu.enqueue_dma source(%dma_start3A_72 : memref<128x64xf32, #tpu.memory_space<hbm>>) target(%arg8 : memref<128x64xf32, #tpu.memory_space<vmem>>) target_semaphore(%arg20 : memref<!tpu.dma_semaphore, #tpu.memory_space<semaphore_mem>>)
    %add3A_73 = arith.constant 0 : i32
    %add3A_74 = arith.addi %mul3A_0, %add3A_73 : i32
    %dma_wait3A = arith.constant 0 : i32
    %dma_wait3A_75 = tpu.memref_slice %arg2[%arg0, %add3A_74, %dma_wait3A] : memref<2x10240x64xf32, #tpu.memory_space<hbm>> -> memref<1x128x64xf32, #tpu.memory_space<hbm>>
    %dma_wait3A_76 = tpu.memref_squeeze %dma_wait3A_75 : memref<1x128x64xf32, #tpu.memory_space<hbm>> -> memref<128x64xf32, #tpu.memory_space<hbm>>
    %dma_wait3A_77 = arith.constant 0 : i32
    %dma_wait3A_78 = tpu.memref_slice %arg2[%arg0, %add3A_74, %dma_wait3A_77] : memref<2x10240x64xf32, #tpu.memory_space<hbm>> -> memref<1x128x64xf32, #tpu.memory_space<hbm>>
    %dma_wait3A_79 = tpu.memref_squeeze %dma_wait3A_78 : memref<1x128x64xf32, #tpu.memory_space<hbm>> -> memref<128x64xf32, #tpu.memory_space<hbm>>
    tpu.wait_dma2 semaphore(%arg19 : memref<!tpu.dma_semaphore, #tpu.memory_space<semaphore_mem>>) src(%dma_wait3A_79 : memref<128x64xf32, #tpu.memory_space<hbm>>) dst(%arg9 : memref<128x64xf32, #tpu.memory_space<vmem>>)
    %add3A_80 = arith.constant 0 : i32
    %add3A_81 = arith.addi %mul3A_0, %add3A_80 : i32
    "tpu.region"() ({
      %run_scoped3A = tpu.sem_alloc : memref<!tpu.dma_semaphore, #tpu.memory_space<semaphore_mem>>
      %dma_start3A_461 = arith.constant 0 : i32
      %dma_start3A_462 = tpu.memref_slice %arg10[%add3A_81, %dma_start3A_461] : memref<10240x64xf32, #tpu.memory_space<vmem_shared>> -> memref<128x64xf32, #tpu.memory_space<vmem_shared>>
      %dma_start3A_463 = arith.constant 0 : i32
      %dma_start3A_464 = tpu.memref_slice %arg10[%add3A_81, %dma_start3A_463] : memref<10240x64xf32, #tpu.memory_space<vmem_shared>> -> memref<128x64xf32, #tpu.memory_space<vmem_shared>>
      tpu.enqueue_dma source(%arg9 : memref<128x64xf32, #tpu.memory_space<vmem>>) target(%dma_start3A_464 : memref<128x64xf32, #tpu.memory_space<vmem_shared>>) target_semaphore(%run_scoped3A : memref<!tpu.dma_semaphore, #tpu.memory_space<semaphore_mem>>)
      %dma_wait3A_465 = arith.constant 0 : i32
      %dma_wait3A_466 = tpu.memref_slice %arg10[%add3A_81, %dma_wait3A_465] : memref<10240x64xf32, #tpu.memory_space<vmem_shared>> -> memref<128x64xf32, #tpu.memory_space<vmem_shared>>
      %dma_wait3A_467 = arith.constant 0 : i32
      %dma_wait3A_468 = tpu.memref_slice %arg10[%add3A_81, %dma_wait3A_467] : memref<10240x64xf32, #tpu.memory_space<vmem_shared>> -> memref<128x64xf32, #tpu.memory_space<vmem_shared>>
      tpu.wait_dma2 semaphore(%run_scoped3A : memref<!tpu.dma_semaphore, #tpu.memory_space<semaphore_mem>>) src(%arg9 : memref<128x64xf32, #tpu.memory_space<vmem>>) dst(%dma_wait3A_468 : memref<128x64xf32, #tpu.memory_space<vmem_shared>>)
      tpu.yield
    }) : () -> ()
    %add3A_82 = arith.constant 256 : i32
    %add3A_83 = arith.addi %mul3A_0, %add3A_82 : i32
    %dma_start3A_84 = arith.constant 0 : i32
    %dma_start3A_85 = tpu.memref_slice %arg2[%arg0, %add3A_83, %dma_start3A_84] : memref<2x10240x64xf32, #tpu.memory_space<hbm>> -> memref<1x128x64xf32, #tpu.memory_space<hbm>>
    %dma_start3A_86 = tpu.memref_squeeze %dma_start3A_85 : memref<1x128x64xf32, #tpu.memory_space<hbm>> -> memref<128x64xf32, #tpu.memory_space<hbm>>
    %dma_start3A_87 = arith.constant 0 : i32
    %dma_start3A_88 = tpu.memref_slice %arg2[%arg0, %add3A_83, %dma_start3A_87] : memref<2x10240x64xf32, #tpu.memory_space<hbm>> -> memref<1x128x64xf32, #tpu.memory_space<hbm>>
    %dma_start3A_89 = tpu.memref_squeeze %dma_start3A_88 : memref<1x128x64xf32, #tpu.memory_space<hbm>> -> memref<128x64xf32, #tpu.memory_space<hbm>>
    tpu.enqueue_dma source(%dma_start3A_89 : memref<128x64xf32, #tpu.memory_space<hbm>>) target(%arg9 : memref<128x64xf32, #tpu.memory_space<vmem>>) target_semaphore(%arg19 : memref<!tpu.dma_semaphore, #tpu.memory_space<semaphore_mem>>)
    %add3A_90 = arith.constant 128 : i32
    %add3A_91 = arith.addi %mul3A_0, %add3A_90 : i32
    %dma_wait3A_92 = arith.constant 0 : i32
    %dma_wait3A_93 = tpu.memref_slice %arg2[%arg0, %add3A_91, %dma_wait3A_92] : memref<2x10240x64xf32, #tpu.memory_space<hbm>> -> memref<1x128x64xf32, #tpu.memory_space<hbm>>
    %dma_wait3A_94 = tpu.memref_squeeze %dma_wait3A_93 : memref<1x128x64xf32, #tpu.memory_space<hbm>> -> memref<128x64xf32, #tpu.memory_space<hbm>>
    %dma_wait3A_95 = arith.constant 0 : i32
    %dma_wait3A_96 = tpu.memref_slice %arg2[%arg0, %add3A_91, %dma_wait3A_95] : memref<2x10240x64xf32, #tpu.memory_space<hbm>> -> memref<1x128x64xf32, #tpu.memory_space<hbm>>
    %dma_wait3A_97 = tpu.memref_squeeze %dma_wait3A_96 : memref<1x128x64xf32, #tpu.memory_space<hbm>> -> memref<128x64xf32, #tpu.memory_space<hbm>>
    tpu.wait_dma2 semaphore(%arg20 : memref<!tpu.dma_semaphore, #tpu.memory_space<semaphore_mem>>) src(%dma_wait3A_97 : memref<128x64xf32, #tpu.memory_space<hbm>>) dst(%arg8 : memref<128x64xf32, #tpu.memory_space<vmem>>)
    %add3A_98 = arith.constant 128 : i32
    %add3A_99 = arith.addi %mul3A_0, %add3A_98 : i32
    "tpu.region"() ({
      %run_scoped3A = tpu.sem_alloc : memref<!tpu.dma_semaphore, #tpu.memory_space<semaphore_mem>>
      %dma_start3A_461 = arith.constant 0 : i32
      %dma_start3A_462 = tpu.memref_slice %arg10[%add3A_99, %dma_start3A_461] : memref<10240x64xf32, #tpu.memory_space<vmem_shared>> -> memref<128x64xf32, #tpu.memory_space<vmem_shared>>
      %dma_start3A_463 = arith.constant 0 : i32
      %dma_start3A_464 = tpu.memref_slice %arg10[%add3A_99, %dma_start3A_463] : memref<10240x64xf32, #tpu.memory_space<vmem_shared>> -> memref<128x64xf32, #tpu.memory_space<vmem_shared>>
      tpu.enqueue_dma source(%arg8 : memref<128x64xf32, #tpu.memory_space<vmem>>) target(%dma_start3A_464 : memref<128x64xf32, #tpu.memory_space<vmem_shared>>) target_semaphore(%run_scoped3A : memref<!tpu.dma_semaphore, #tpu.memory_space<semaphore_mem>>)
      %dma_wait3A_465 = arith.constant 0 : i32
      %dma_wait3A_466 = tpu.memref_slice %arg10[%add3A_99, %dma_wait3A_465] : memref<10240x64xf32, #tpu.memory_space<vmem_shared>> -> memref<128x64xf32, #tpu.memory_space<vmem_shared>>
      %dma_wait3A_467 = arith.constant 0 : i32
      %dma_wait3A_468 = tpu.memref_slice %arg10[%add3A_99, %dma_wait3A_467] : memref<10240x64xf32, #tpu.memory_space<vmem_shared>> -> memref<128x64xf32, #tpu.memory_space<vmem_shared>>
      tpu.wait_dma2 semaphore(%run_scoped3A : memref<!tpu.dma_semaphore, #tpu.memory_space<semaphore_mem>>) src(%arg8 : memref<128x64xf32, #tpu.memory_space<vmem>>) dst(%dma_wait3A_468 : memref<128x64xf32, #tpu.memory_space<vmem_shared>>)
      tpu.yield
    }) : () -> ()
    %add3A_100 = arith.constant 384 : i32
    %add3A_101 = arith.addi %mul3A_0, %add3A_100 : i32
    %dma_start3A_102 = arith.constant 0 : i32
    %dma_start3A_103 = tpu.memref_slice %arg2[%arg0, %add3A_101, %dma_start3A_102] : memref<2x10240x64xf32, #tpu.memory_space<hbm>> -> memref<1x128x64xf32, #tpu.memory_space<hbm>>
    %dma_start3A_104 = tpu.memref_squeeze %dma_start3A_103 : memref<1x128x64xf32, #tpu.memory_space<hbm>> -> memref<128x64xf32, #tpu.memory_space<hbm>>
    %dma_start3A_105 = arith.constant 0 : i32
    %dma_start3A_106 = tpu.memref_slice %arg2[%arg0, %add3A_101, %dma_start3A_105] : memref<2x10240x64xf32, #tpu.memory_space<hbm>> -> memref<1x128x64xf32, #tpu.memory_space<hbm>>
    %dma_start3A_107 = tpu.memref_squeeze %dma_start3A_106 : memref<1x128x64xf32, #tpu.memory_space<hbm>> -> memref<128x64xf32, #tpu.memory_space<hbm>>
    tpu.enqueue_dma source(%dma_start3A_107 : memref<128x64xf32, #tpu.memory_space<hbm>>) target(%arg8 : memref<128x64xf32, #tpu.memory_space<vmem>>) target_semaphore(%arg20 : memref<!tpu.dma_semaphore, #tpu.memory_space<semaphore_mem>>)
    %add3A_108 = arith.constant 256 : i32
    %add3A_109 = arith.addi %mul3A_0, %add3A_108 : i32
    %dma_wait3A_110 = arith.constant 0 : i32
    %dma_wait3A_111 = tpu.memref_slice %arg2[%arg0, %add3A_109, %dma_wait3A_110] : memref<2x10240x64xf32, #tpu.memory_space<hbm>> -> memref<1x128x64xf32, #tpu.memory_space<hbm>>
    %dma_wait3A_112 = tpu.memref_squeeze %dma_wait3A_111 : memref<1x128x64xf32, #tpu.memory_space<hbm>> -> memref<128x64xf32, #tpu.memory_space<hbm>>
    %dma_wait3A_113 = arith.constant 0 : i32
    %dma_wait3A_114 = tpu.memref_slice %arg2[%arg0, %add3A_109, %dma_wait3A_113] : memref<2x10240x64xf32, #tpu.memory_space<hbm>> -> memref<1x128x64xf32, #tpu.memory_space<hbm>>
    %dma_wait3A_115 = tpu.memref_squeeze %dma_wait3A_114 : memref<1x128x64xf32, #tpu.memory_space<hbm>> -> memref<128x64xf32, #tpu.memory_space<hbm>>
    tpu.wait_dma2 semaphore(%arg19 : memref<!tpu.dma_semaphore, #tpu.memory_space<semaphore_mem>>) src(%dma_wait3A_115 : memref<128x64xf32, #tpu.memory_space<hbm>>) dst(%arg9 : memref<128x64xf32, #tpu.memory_space<vmem>>)
    %add3A_116 = arith.constant 256 : i32
    %add3A_117 = arith.addi %mul3A_0, %add3A_116 : i32
    "tpu.region"() ({
      %run_scoped3A = tpu.sem_alloc : memref<!tpu.dma_semaphore, #tpu.memory_space<semaphore_mem>>
      %dma_start3A_461 = arith.constant 0 : i32
      %dma_start3A_462 = tpu.memref_slice %arg10[%add3A_117, %dma_start3A_461] : memref<10240x64xf32, #tpu.memory_space<vmem_shared>> -> memref<128x64xf32, #tpu.memory_space<vmem_shared>>
      %dma_start3A_463 = arith.constant 0 : i32
      %dma_start3A_464 = tpu.memref_slice %arg10[%add3A_117, %dma_start3A_463] : memref<10240x64xf32, #tpu.memory_space<vmem_shared>> -> memref<128x64xf32, #tpu.memory_space<vmem_shared>>
      tpu.enqueue_dma source(%arg9 : memref<128x64xf32, #tpu.memory_space<vmem>>) target(%dma_start3A_464 : memref<128x64xf32, #tpu.memory_space<vmem_shared>>) target_semaphore(%run_scoped3A : memref<!tpu.dma_semaphore, #tpu.memory_space<semaphore_mem>>)
      %dma_wait3A_465 = arith.constant 0 : i32
      %dma_wait3A_466 = tpu.memref_slice %arg10[%add3A_117, %dma_wait3A_465] : memref<10240x64xf32, #tpu.memory_space<vmem_shared>> -> memref<128x64xf32, #tpu.memory_space<vmem_shared>>
      %dma_wait3A_467 = arith.constant 0 : i32
      %dma_wait3A_468 = tpu.memref_slice %arg10[%add3A_117, %dma_wait3A_467] : memref<10240x64xf32, #tpu.memory_space<vmem_shared>> -> memref<128x64xf32, #tpu.memory_space<vmem_shared>>
      tpu.wait_dma2 semaphore(%run_scoped3A : memref<!tpu.dma_semaphore, #tpu.memory_space<semaphore_mem>>) src(%arg9 : memref<128x64xf32, #tpu.memory_space<vmem>>) dst(%dma_wait3A_468 : memref<128x64xf32, #tpu.memory_space<vmem_shared>>)
      tpu.yield
    }) : () -> ()
    %add3A_118 = arith.constant 512 : i32
    %add3A_119 = arith.addi %mul3A_0, %add3A_118 : i32
    %dma_start3A_120 = arith.constant 0 : i32
    %dma_start3A_121 = tpu.memref_slice %arg2[%arg0, %add3A_119, %dma_start3A_120] : memref<2x10240x64xf32, #tpu.memory_space<hbm>> -> memref<1x128x64xf32, #tpu.memory_space<hbm>>
    %dma_start3A_122 = tpu.memref_squeeze %dma_start3A_121 : memref<1x128x64xf32, #tpu.memory_space<hbm>> -> memref<128x64xf32, #tpu.memory_space<hbm>>
    %dma_start3A_123 = arith.constant 0 : i32
    %dma_start3A_124 = tpu.memref_slice %arg2[%arg0, %add3A_119, %dma_start3A_123] : memref<2x10240x64xf32, #tpu.memory_space<hbm>> -> memref<1x128x64xf32, #tpu.memory_space<hbm>>
    %dma_start3A_125 = tpu.memref_squeeze %dma_start3A_124 : memref<1x128x64xf32, #tpu.memory_space<hbm>> -> memref<128x64xf32, #tpu.memory_space<hbm>>
    tpu.enqueue_dma source(%dma_start3A_125 : memref<128x64xf32, #tpu.memory_space<hbm>>) target(%arg9 : memref<128x64xf32, #tpu.memory_space<vmem>>) target_semaphore(%arg19 : memref<!tpu.dma_semaphore, #tpu.memory_space<semaphore_mem>>)
    %add3A_126 = arith.constant 384 : i32
    %add3A_127 = arith.addi %mul3A_0, %add3A_126 : i32
    %dma_wait3A_128 = arith.constant 0 : i32
    %dma_wait3A_129 = tpu.memref_slice %arg2[%arg0, %add3A_127, %dma_wait3A_128] : memref<2x10240x64xf32, #tpu.memory_space<hbm>> -> memref<1x128x64xf32, #tpu.memory_space<hbm>>
    %dma_wait3A_130 = tpu.memref_squeeze %dma_wait3A_129 : memref<1x128x64xf32, #tpu.memory_space<hbm>> -> memref<128x64xf32, #tpu.memory_space<hbm>>
    %dma_wait3A_131 = arith.constant 0 : i32
    %dma_wait3A_132 = tpu.memref_slice %arg2[%arg0, %add3A_127, %dma_wait3A_131] : memref<2x10240x64xf32, #tpu.memory_space<hbm>> -> memref<1x128x64xf32, #tpu.memory_space<hbm>>
    %dma_wait3A_133 = tpu.memref_squeeze %dma_wait3A_132 : memref<1x128x64xf32, #tpu.memory_space<hbm>> -> memref<128x64xf32, #tpu.memory_space<hbm>>
    tpu.wait_dma2 semaphore(%arg20 : memref<!tpu.dma_semaphore, #tpu.memory_space<semaphore_mem>>) src(%dma_wait3A_133 : memref<128x64xf32, #tpu.memory_space<hbm>>) dst(%arg8 : memref<128x64xf32, #tpu.memory_space<vmem>>)
    %add3A_134 = arith.constant 384 : i32
    %add3A_135 = arith.addi %mul3A_0, %add3A_134 : i32
    "tpu.region"() ({
      %run_scoped3A = tpu.sem_alloc : memref<!tpu.dma_semaphore, #tpu.memory_space<semaphore_mem>>
      %dma_start3A_461 = arith.constant 0 : i32
      %dma_start3A_462 = tpu.memref_slice %arg10[%add3A_135, %dma_start3A_461] : memref<10240x64xf32, #tpu.memory_space<vmem_shared>> -> memref<128x64xf32, #tpu.memory_space<vmem_shared>>
      %dma_start3A_463 = arith.constant 0 : i32
      %dma_start3A_464 = tpu.memref_slice %arg10[%add3A_135, %dma_start3A_463] : memref<10240x64xf32, #tpu.memory_space<vmem_shared>> -> memref<128x64xf32, #tpu.memory_space<vmem_shared>>
      tpu.enqueue_dma source(%arg8 : memref<128x64xf32, #tpu.memory_space<vmem>>) target(%dma_start3A_464 : memref<128x64xf32, #tpu.memory_space<vmem_shared>>) target_semaphore(%run_scoped3A : memref<!tpu.dma_semaphore, #tpu.memory_space<semaphore_mem>>)
      %dma_wait3A_465 = arith.constant 0 : i32
      %dma_wait3A_466 = tpu.memref_slice %arg10[%add3A_135, %dma_wait3A_465] : memref<10240x64xf32, #tpu.memory_space<vmem_shared>> -> memref<128x64xf32, #tpu.memory_space<vmem_shared>>
      %dma_wait3A_467 = arith.constant 0 : i32
      %dma_wait3A_468 = tpu.memref_slice %arg10[%add3A_135, %dma_wait3A_467] : memref<10240x64xf32, #tpu.memory_space<vmem_shared>> -> memref<128x64xf32, #tpu.memory_space<vmem_shared>>
      tpu.wait_dma2 semaphore(%run_scoped3A : memref<!tpu.dma_semaphore, #tpu.memory_space<semaphore_mem>>) src(%arg8 : memref<128x64xf32, #tpu.memory_space<vmem>>) dst(%dma_wait3A_468 : memref<128x64xf32, #tpu.memory_space<vmem_shared>>)
      tpu.yield
    }) : () -> ()
    %add3A_136 = arith.constant 512 : i32
    %add3A_137 = arith.addi %mul3A_0, %add3A_136 : i32
    %dma_wait3A_138 = arith.constant 0 : i32
    %dma_wait3A_139 = tpu.memref_slice %arg2[%arg0, %add3A_137, %dma_wait3A_138] : memref<2x10240x64xf32, #tpu.memory_space<hbm>> -> memref<1x128x64xf32, #tpu.memory_space<hbm>>
    %dma_wait3A_140 = tpu.memref_squeeze %dma_wait3A_139 : memref<1x128x64xf32, #tpu.memory_space<hbm>> -> memref<128x64xf32, #tpu.memory_space<hbm>>
    %dma_wait3A_141 = arith.constant 0 : i32
    %dma_wait3A_142 = tpu.memref_slice %arg2[%arg0, %add3A_137, %dma_wait3A_141] : memref<2x10240x64xf32, #tpu.memory_space<hbm>> -> memref<1x128x64xf32, #tpu.memory_space<hbm>>
    %dma_wait3A_143 = tpu.memref_squeeze %dma_wait3A_142 : memref<1x128x64xf32, #tpu.memory_space<hbm>> -> memref<128x64xf32, #tpu.memory_space<hbm>>
    tpu.wait_dma2 semaphore(%arg19 : memref<!tpu.dma_semaphore, #tpu.memory_space<semaphore_mem>>) src(%dma_wait3A_143 : memref<128x64xf32, #tpu.memory_space<hbm>>) dst(%arg9 : memref<128x64xf32, #tpu.memory_space<vmem>>)
    %add3A_144 = arith.constant 512 : i32
    %add3A_145 = arith.addi %mul3A_0, %add3A_144 : i32
    "tpu.region"() ({
      %run_scoped3A = tpu.sem_alloc : memref<!tpu.dma_semaphore, #tpu.memory_space<semaphore_mem>>
      %dma_start3A_461 = arith.constant 0 : i32
      %dma_start3A_462 = tpu.memref_slice %arg10[%add3A_145, %dma_start3A_461] : memref<10240x64xf32, #tpu.memory_space<vmem_shared>> -> memref<128x64xf32, #tpu.memory_space<vmem_shared>>
      %dma_start3A_463 = arith.constant 0 : i32
      %dma_start3A_464 = tpu.memref_slice %arg10[%add3A_145, %dma_start3A_463] : memref<10240x64xf32, #tpu.memory_space<vmem_shared>> -> memref<128x64xf32, #tpu.memory_space<vmem_shared>>
      tpu.enqueue_dma source(%arg9 : memref<128x64xf32, #tpu.memory_space<vmem>>) target(%dma_start3A_464 : memref<128x64xf32, #tpu.memory_space<vmem_shared>>) target_semaphore(%run_scoped3A : memref<!tpu.dma_semaphore, #tpu.memory_space<semaphore_mem>>)
      %dma_wait3A_465 = arith.constant 0 : i32
      %dma_wait3A_466 = tpu.memref_slice %arg10[%add3A_145, %dma_wait3A_465] : memref<10240x64xf32, #tpu.memory_space<vmem_shared>> -> memref<128x64xf32, #tpu.memory_space<vmem_shared>>
      %dma_wait3A_467 = arith.constant 0 : i32
      %dma_wait3A_468 = tpu.memref_slice %arg10[%add3A_145, %dma_wait3A_467] : memref<10240x64xf32, #tpu.memory_space<vmem_shared>> -> memref<128x64xf32, #tpu.memory_space<vmem_shared>>
      tpu.wait_dma2 semaphore(%run_scoped3A : memref<!tpu.dma_semaphore, #tpu.memory_space<semaphore_mem>>) src(%arg9 : memref<128x64xf32, #tpu.memory_space<vmem>>) dst(%dma_wait3A_468 : memref<128x64xf32, #tpu.memory_space<vmem_shared>>)
      tpu.yield
    }) : () -> ()
    %add3A_146 = arith.constant 0 : i32
    %add3A_147 = arith.addi %mul3A_0, %add3A_146 : i32
    %dma_wait3A_148 = arith.constant 0 : i32
    %dma_wait3A_149 = tpu.memref_slice %arg11[%add3A_147, %dma_wait3A_148] : memref<10240x64xf32, #tpu.memory_space<vmem_shared>> -> memref<128x64xf32, #tpu.memory_space<vmem_shared>>
    %dma_wait3A_150 = arith.constant 0 : i32
    %dma_wait3A_151 = tpu.memref_slice %arg11[%add3A_147, %dma_wait3A_150] : memref<10240x64xf32, #tpu.memory_space<vmem_shared>> -> memref<128x64xf32, #tpu.memory_space<vmem_shared>>
    tpu.wait_dma2 semaphore(%arg18 : memref<!tpu.dma_semaphore, #tpu.memory_space<semaphore_mem>>) src(%arg7 : memref<128x64xf32, #tpu.memory_space<vmem>>) dst(%dma_wait3A_151 : memref<128x64xf32, #tpu.memory_space<vmem_shared>>)
    %add3A_152 = arith.constant 128 : i32
    %add3A_153 = arith.addi %mul3A_0, %add3A_152 : i32
    %dma_wait3A_154 = arith.constant 0 : i32
    %dma_wait3A_155 = tpu.memref_slice %arg11[%add3A_153, %dma_wait3A_154] : memref<10240x64xf32, #tpu.memory_space<vmem_shared>> -> memref<128x64xf32, #tpu.memory_space<vmem_shared>>
    %dma_wait3A_156 = arith.constant 0 : i32
    %dma_wait3A_157 = tpu.memref_slice %arg11[%add3A_153, %dma_wait3A_156] : memref<10240x64xf32, #tpu.memory_space<vmem_shared>> -> memref<128x64xf32, #tpu.memory_space<vmem_shared>>
    tpu.wait_dma2 semaphore(%arg18 : memref<!tpu.dma_semaphore, #tpu.memory_space<semaphore_mem>>) src(%arg7 : memref<128x64xf32, #tpu.memory_space<vmem>>) dst(%dma_wait3A_157 : memref<128x64xf32, #tpu.memory_space<vmem_shared>>)
    %add3A_158 = arith.constant 256 : i32
    %add3A_159 = arith.addi %mul3A_0, %add3A_158 : i32
    %dma_wait3A_160 = arith.constant 0 : i32
    %dma_wait3A_161 = tpu.memref_slice %arg11[%add3A_159, %dma_wait3A_160] : memref<10240x64xf32, #tpu.memory_space<vmem_shared>> -> memref<128x64xf32, #tpu.memory_space<vmem_shared>>
    %dma_wait3A_162 = arith.constant 0 : i32
    %dma_wait3A_163 = tpu.memref_slice %arg11[%add3A_159, %dma_wait3A_162] : memref<10240x64xf32, #tpu.memory_space<vmem_shared>> -> memref<128x64xf32, #tpu.memory_space<vmem_shared>>
    tpu.wait_dma2 semaphore(%arg18 : memref<!tpu.dma_semaphore, #tpu.memory_space<semaphore_mem>>) src(%arg7 : memref<128x64xf32, #tpu.memory_space<vmem>>) dst(%dma_wait3A_163 : memref<128x64xf32, #tpu.memory_space<vmem_shared>>)
    %add3A_164 = arith.constant 384 : i32
    %add3A_165 = arith.addi %mul3A_0, %add3A_164 : i32
    %dma_wait3A_166 = arith.constant 0 : i32
    %dma_wait3A_167 = tpu.memref_slice %arg11[%add3A_165, %dma_wait3A_166] : memref<10240x64xf32, #tpu.memory_space<vmem_shared>> -> memref<128x64xf32, #tpu.memory_space<vmem_shared>>
    %dma_wait3A_168 = arith.constant 0 : i32
    %dma_wait3A_169 = tpu.memref_slice %arg11[%add3A_165, %dma_wait3A_168] : memref<10240x64xf32, #tpu.memory_space<vmem_shared>> -> memref<128x64xf32, #tpu.memory_space<vmem_shared>>
    tpu.wait_dma2 semaphore(%arg18 : memref<!tpu.dma_semaphore, #tpu.memory_space<semaphore_mem>>) src(%arg7 : memref<128x64xf32, #tpu.memory_space<vmem>>) dst(%dma_wait3A_169 : memref<128x64xf32, #tpu.memory_space<vmem_shared>>)
    %add3A_170 = arith.constant 512 : i32
    %add3A_171 = arith.addi %mul3A_0, %add3A_170 : i32
    %dma_wait3A_172 = arith.constant 0 : i32
    %dma_wait3A_173 = tpu.memref_slice %arg11[%add3A_171, %dma_wait3A_172] : memref<10240x64xf32, #tpu.memory_space<vmem_shared>> -> memref<128x64xf32, #tpu.memory_space<vmem_shared>>
    %dma_wait3A_174 = arith.constant 0 : i32
    %dma_wait3A_175 = tpu.memref_slice %arg11[%add3A_171, %dma_wait3A_174] : memref<10240x64xf32, #tpu.memory_space<vmem_shared>> -> memref<128x64xf32, #tpu.memory_space<vmem_shared>>
    tpu.wait_dma2 semaphore(%arg18 : memref<!tpu.dma_semaphore, #tpu.memory_space<semaphore_mem>>) src(%arg7 : memref<128x64xf32, #tpu.memory_space<vmem>>) dst(%dma_wait3A_175 : memref<128x64xf32, #tpu.memory_space<vmem_shared>>)
    %barrier3A = arith.constant 0 : index
    tpu.barrier barrier_id(%barrier3A)
    %dma_wait3A_176 = arith.constant 0 : i32
    %dma_wait3A_177 = arith.constant 0 : i32
    %dma_wait3A_178 = arith.constant 0 : i32
    %dma_wait3A_179 = arith.constant 0 : i32
    %dma_wait3A_180 = tpu.memref_slice %arg3[%arg1, %dma_wait3A_176, %dma_wait3A_177, %dma_wait3A_178, %dma_wait3A_179] : memref<16x40x4x2x128xi32, #tpu.memory_space<hbm>> -> memref<1x1x4x2x128xi32, #tpu.memory_space<hbm>>
    %dma_wait3A_181 = tpu.memref_squeeze %dma_wait3A_180 : memref<1x1x4x2x128xi32, #tpu.memory_space<hbm>> -> memref<4x2x128xi32, #tpu.memory_space<hbm>>
    %dma_wait3A_182 = arith.constant 0 : i32
    %dma_wait3A_183 = arith.constant 0 : i32
    %dma_wait3A_184 = arith.constant 0 : i32
    %dma_wait3A_185 = tpu.memref_slice %arg3[%arg1, %dma_wait3A_176, %dma_wait3A_182, %dma_wait3A_183, %dma_wait3A_184] : memref<16x40x4x2x128xi32, #tpu.memory_space<hbm>> -> memref<1x1x4x2x128xi32, #tpu.memory_space<hbm>>
    %dma_wait3A_186 = tpu.memref_squeeze %dma_wait3A_185 : memref<1x1x4x2x128xi32, #tpu.memory_space<hbm>> -> memref<4x2x128xi32, #tpu.memory_space<hbm>>
    tpu.wait_dma2 semaphore(%arg12 : memref<!tpu.dma_semaphore, #tpu.memory_space<semaphore_mem>>) src(%dma_wait3A_186 : memref<4x2x128xi32, #tpu.memory_space<hbm>>) dst(%arg5 : memref<4x2x128xi32, #tpu.memory_space<vmem>>)
    %dma_start3A_187 = arith.constant 0 : i32
    %dma_start3A_188 = arith.constant 0 : i32
    %dma_start3A_189 = arith.constant 0 : i32
    %dma_start3A_190 = tpu.memref_slice %arg5[%dma_start3A_187, %dma_start3A_188, %dma_start3A_189] : memref<4x2x128xi32, #tpu.memory_space<vmem>> -> memref<1x1x128xi32, #tpu.memory_space<vmem>>
    %dma_start3A_191 = tpu.memref_squeeze %dma_start3A_190 : memref<1x1x128xi32, #tpu.memory_space<vmem>> -> memref<128xi32, #tpu.memory_space<vmem>>
    %dma_start3A_192 = arith.constant 0 : i32
    %dma_start3A_193 = arith.constant 0 : i32
    %dma_start3A_194 = tpu.memref_slice %arg10[%dma_start3A_192, %dma_start3A_193] : memref<10240x64xf32, #tpu.memory_space<vmem_shared>> -> memref<10240x64xf32, #tpu.memory_space<vmem_shared>>
    tpu.enqueue_indirect_dma source(%dma_start3A_194 : memref<10240x64xf32, #tpu.memory_space<vmem_shared>>) target(%arg7 : memref<128x64xf32, #tpu.memory_space<vmem>>) offsets(%dma_start3A_191 : memref<128xi32, #tpu.memory_space<vmem>>) semaphore(%arg14 : memref<!tpu.dma_semaphore, #tpu.memory_space<semaphore_mem>>)
    %dma_start3A_195 = arith.constant 1 : i32
    %dma_start3A_196 = arith.constant 0 : i32
    %dma_start3A_197 = arith.constant 0 : i32
    %dma_start3A_198 = tpu.memref_slice %arg5[%dma_start3A_195, %dma_start3A_196, %dma_start3A_197] : memref<4x2x128xi32, #tpu.memory_space<vmem>> -> memref<1x1x128xi32, #tpu.memory_space<vmem>>
    %dma_start3A_199 = tpu.memref_squeeze %dma_start3A_198 : memref<1x1x128xi32, #tpu.memory_space<vmem>> -> memref<128xi32, #tpu.memory_space<vmem>>
    %dma_start3A_200 = arith.constant 0 : i32
    %dma_start3A_201 = arith.constant 0 : i32
    %dma_start3A_202 = tpu.memref_slice %arg10[%dma_start3A_200, %dma_start3A_201] : memref<10240x64xf32, #tpu.memory_space<vmem_shared>> -> memref<10240x64xf32, #tpu.memory_space<vmem_shared>>
    tpu.enqueue_indirect_dma source(%dma_start3A_202 : memref<10240x64xf32, #tpu.memory_space<vmem_shared>>) target(%arg8 : memref<128x64xf32, #tpu.memory_space<vmem>>) offsets(%dma_start3A_199 : memref<128xi32, #tpu.memory_space<vmem>>) semaphore(%arg15 : memref<!tpu.dma_semaphore, #tpu.memory_space<semaphore_mem>>)
    %scan3A_203 = arith.constant 0 : i32
    %scan3A_204 = arith.constant 0 : i32
    %scan3A_205 = arith.constant 19 : i32
    %scan3A_206 = arith.addi %scan3A_204, %scan3A_205 : i32
    %scan3A_207 = arith.constant 1 : i32
    scf.for %scan3A_461 = %scan3A_204 to %scan3A_206 step %scan3A_207  : i32 {
      %dma_wait3A_462 = arith.constant 0 : i32
      %dma_wait3A_463 = arith.constant 0 : i32
      %dma_wait3A_464 = arith.constant 0 : i32
      %dma_wait3A_465 = tpu.memref_slice %arg5[%dma_wait3A_462, %dma_wait3A_463, %dma_wait3A_464] : memref<4x2x128xi32, #tpu.memory_space<vmem>> -> memref<1x1x128xi32, #tpu.memory_space<vmem>>
      %dma_wait3A_466 = tpu.memref_squeeze %dma_wait3A_465 : memref<1x1x128xi32, #tpu.memory_space<vmem>> -> memref<128xi32, #tpu.memory_space<vmem>>
      %dma_wait3A_467 = arith.constant 0 : i32
      %dma_wait3A_468 = arith.constant 0 : i32
      %dma_wait3A_469 = tpu.memref_slice %arg10[%dma_wait3A_467, %dma_wait3A_468] : memref<10240x64xf32, #tpu.memory_space<vmem_shared>> -> memref<10240x64xf32, #tpu.memory_space<vmem_shared>>
      tpu.wait_indirect_dma semaphore(%arg14 : memref<!tpu.dma_semaphore, #tpu.memory_space<semaphore_mem>>) src(%dma_wait3A_469 : memref<10240x64xf32, #tpu.memory_space<vmem_shared>>) dst(%arg7 : memref<128x64xf32, #tpu.memory_space<vmem>>)
      %dma_start3A_470 = arith.constant 0 : i32
      %dma_start3A_471 = arith.constant 1 : i32
      %dma_start3A_472 = arith.constant 0 : i32
      %dma_start3A_473 = tpu.memref_slice %arg5[%dma_start3A_470, %dma_start3A_471, %dma_start3A_472] : memref<4x2x128xi32, #tpu.memory_space<vmem>> -> memref<1x1x128xi32, #tpu.memory_space<vmem>>
      %dma_start3A_474 = tpu.memref_squeeze %dma_start3A_473 : memref<1x1x128xi32, #tpu.memory_space<vmem>> -> memref<128xi32, #tpu.memory_space<vmem>>
      %dma_start3A_475 = arith.constant 0 : i32
      %dma_start3A_476 = arith.constant 0 : i32
      %dma_start3A_477 = tpu.memref_slice %arg11[%dma_start3A_475, %dma_start3A_476] : memref<10240x64xf32, #tpu.memory_space<vmem_shared>> -> memref<10240x64xf32, #tpu.memory_space<vmem_shared>>
      tpu.enqueue_indirect_dma source(%arg7 : memref<128x64xf32, #tpu.memory_space<vmem>>) target(%dma_start3A_477 : memref<10240x64xf32, #tpu.memory_space<vmem_shared>>) offsets(%dma_start3A_474 : memref<128xi32, #tpu.memory_space<vmem>>) semaphore(%arg16 : memref<!tpu.dma_semaphore, #tpu.memory_space<semaphore_mem>>) {add = true}
      %dma_wait3A_478 = arith.constant 1 : i32
      %dma_wait3A_479 = arith.constant 0 : i32
      %dma_wait3A_480 = arith.constant 0 : i32
      %dma_wait3A_481 = tpu.memref_slice %arg5[%dma_wait3A_478, %dma_wait3A_479, %dma_wait3A_480] : memref<4x2x128xi32, #tpu.memory_space<vmem>> -> memref<1x1x128xi32, #tpu.memory_space<vmem>>
      %dma_wait3A_482 = tpu.memref_squeeze %dma_wait3A_481 : memref<1x1x128xi32, #tpu.memory_space<vmem>> -> memref<128xi32, #tpu.memory_space<vmem>>
      %dma_wait3A_483 = arith.constant 0 : i32
      %dma_wait3A_484 = arith.constant 0 : i32
      %dma_wait3A_485 = tpu.memref_slice %arg10[%dma_wait3A_483, %dma_wait3A_484] : memref<10240x64xf32, #tpu.memory_space<vmem_shared>> -> memref<10240x64xf32, #tpu.memory_space<vmem_shared>>
      tpu.wait_indirect_dma semaphore(%arg15 : memref<!tpu.dma_semaphore, #tpu.memory_space<semaphore_mem>>) src(%dma_wait3A_485 : memref<10240x64xf32, #tpu.memory_space<vmem_shared>>) dst(%arg8 : memref<128x64xf32, #tpu.memory_space<vmem>>)
      %dma_start3A_486 = arith.constant 1 : i32
      %dma_start3A_487 = arith.constant 1 : i32
      %dma_start3A_488 = arith.constant 0 : i32
      %dma_start3A_489 = tpu.memref_slice %arg5[%dma_start3A_486, %dma_start3A_487, %dma_start3A_488] : memref<4x2x128xi32, #tpu.memory_space<vmem>> -> memref<1x1x128xi32, #tpu.memory_space<vmem>>
      %dma_start3A_490 = tpu.memref_squeeze %dma_start3A_489 : memref<1x1x128xi32, #tpu.memory_space<vmem>> -> memref<128xi32, #tpu.memory_space<vmem>>
      %dma_start3A_491 = arith.constant 0 : i32
      %dma_start3A_492 = arith.constant 0 : i32
      %dma_start3A_493 = tpu.memref_slice %arg11[%dma_start3A_491, %dma_start3A_492] : memref<10240x64xf32, #tpu.memory_space<vmem_shared>> -> memref<10240x64xf32, #tpu.memory_space<vmem_shared>>
      tpu.enqueue_indirect_dma source(%arg8 : memref<128x64xf32, #tpu.memory_space<vmem>>) target(%dma_start3A_493 : memref<10240x64xf32, #tpu.memory_space<vmem_shared>>) offsets(%dma_start3A_490 : memref<128xi32, #tpu.memory_space<vmem>>) semaphore(%arg17 : memref<!tpu.dma_semaphore, #tpu.memory_space<semaphore_mem>>) {add = true}
      %dma_wait3A_494 = arith.constant 0 : i32
      %dma_wait3A_495 = arith.constant 1 : i32
      %dma_wait3A_496 = arith.constant 0 : i32
      %dma_wait3A_497 = tpu.memref_slice %arg5[%dma_wait3A_494, %dma_wait3A_495, %dma_wait3A_496] : memref<4x2x128xi32, #tpu.memory_space<vmem>> -> memref<1x1x128xi32, #tpu.memory_space<vmem>>
      %dma_wait3A_498 = tpu.memref_squeeze %dma_wait3A_497 : memref<1x1x128xi32, #tpu.memory_space<vmem>> -> memref<128xi32, #tpu.memory_space<vmem>>
      %dma_wait3A_499 = arith.constant 0 : i32
      %dma_wait3A_500 = arith.constant 0 : i32
      %dma_wait3A_501 = tpu.memref_slice %arg11[%dma_wait3A_499, %dma_wait3A_500] : memref<10240x64xf32, #tpu.memory_space<vmem_shared>> -> memref<10240x64xf32, #tpu.memory_space<vmem_shared>>
      tpu.wait_indirect_dma semaphore(%arg16 : memref<!tpu.dma_semaphore, #tpu.memory_space<semaphore_mem>>) src(%arg7 : memref<128x64xf32, #tpu.memory_space<vmem>>) dst(%dma_wait3A_501 : memref<10240x64xf32, #tpu.memory_space<vmem_shared>>)
      %dma_start3A_502 = arith.constant 2 : i32
      %dma_start3A_503 = arith.constant 0 : i32
      %dma_start3A_504 = arith.constant 0 : i32
      %dma_start3A_505 = tpu.memref_slice %arg5[%dma_start3A_502, %dma_start3A_503, %dma_start3A_504] : memref<4x2x128xi32, #tpu.memory_space<vmem>> -> memref<1x1x128xi32, #tpu.memory_space<vmem>>
      %dma_start3A_506 = tpu.memref_squeeze %dma_start3A_505 : memref<1x1x128xi32, #tpu.memory_space<vmem>> -> memref<128xi32, #tpu.memory_space<vmem>>
      %dma_start3A_507 = arith.constant 0 : i32
      %dma_start3A_508 = arith.constant 0 : i32
      %dma_start3A_509 = tpu.memref_slice %arg10[%dma_start3A_507, %dma_start3A_508] : memref<10240x64xf32, #tpu.memory_space<vmem_shared>> -> memref<10240x64xf32, #tpu.memory_space<vmem_shared>>
      tpu.enqueue_indirect_dma source(%dma_start3A_509 : memref<10240x64xf32, #tpu.memory_space<vmem_shared>>) target(%arg7 : memref<128x64xf32, #tpu.memory_space<vmem>>) offsets(%dma_start3A_506 : memref<128xi32, #tpu.memory_space<vmem>>) semaphore(%arg14 : memref<!tpu.dma_semaphore, #tpu.memory_space<semaphore_mem>>)
      %dma_wait3A_510 = arith.constant 1 : i32
      %dma_wait3A_511 = arith.constant 1 : i32
      %dma_wait3A_512 = arith.constant 0 : i32
      %dma_wait3A_513 = tpu.memref_slice %arg5[%dma_wait3A_510, %dma_wait3A_511, %dma_wait3A_512] : memref<4x2x128xi32, #tpu.memory_space<vmem>> -> memref<1x1x128xi32, #tpu.memory_space<vmem>>
      %dma_wait3A_514 = tpu.memref_squeeze %dma_wait3A_513 : memref<1x1x128xi32, #tpu.memory_space<vmem>> -> memref<128xi32, #tpu.memory_space<vmem>>
      %dma_wait3A_515 = arith.constant 0 : i32
      %dma_wait3A_516 = arith.constant 0 : i32
      %dma_wait3A_517 = tpu.memref_slice %arg11[%dma_wait3A_515, %dma_wait3A_516] : memref<10240x64xf32, #tpu.memory_space<vmem_shared>> -> memref<10240x64xf32, #tpu.memory_space<vmem_shared>>
      tpu.wait_indirect_dma semaphore(%arg17 : memref<!tpu.dma_semaphore, #tpu.memory_space<semaphore_mem>>) src(%arg8 : memref<128x64xf32, #tpu.memory_space<vmem>>) dst(%dma_wait3A_517 : memref<10240x64xf32, #tpu.memory_space<vmem_shared>>)
      %dma_start3A_518 = arith.constant 3 : i32
      %dma_start3A_519 = arith.constant 0 : i32
      %dma_start3A_520 = arith.constant 0 : i32
      %dma_start3A_521 = tpu.memref_slice %arg5[%dma_start3A_518, %dma_start3A_519, %dma_start3A_520] : memref<4x2x128xi32, #tpu.memory_space<vmem>> -> memref<1x1x128xi32, #tpu.memory_space<vmem>>
      %dma_start3A_522 = tpu.memref_squeeze %dma_start3A_521 : memref<1x1x128xi32, #tpu.memory_space<vmem>> -> memref<128xi32, #tpu.memory_space<vmem>>
      %dma_start3A_523 = arith.constant 0 : i32
      %dma_start3A_524 = arith.constant 0 : i32
      %dma_start3A_525 = tpu.memref_slice %arg10[%dma_start3A_523, %dma_start3A_524] : memref<10240x64xf32, #tpu.memory_space<vmem_shared>> -> memref<10240x64xf32, #tpu.memory_space<vmem_shared>>
      tpu.enqueue_indirect_dma source(%dma_start3A_525 : memref<10240x64xf32, #tpu.memory_space<vmem_shared>>) target(%arg8 : memref<128x64xf32, #tpu.memory_space<vmem>>) offsets(%dma_start3A_522 : memref<128xi32, #tpu.memory_space<vmem>>) semaphore(%arg15 : memref<!tpu.dma_semaphore, #tpu.memory_space<semaphore_mem>>)
      %dma_wait3A_526 = arith.constant 2 : i32
      %dma_wait3A_527 = arith.constant 0 : i32
      %dma_wait3A_528 = arith.constant 0 : i32
      %dma_wait3A_529 = tpu.memref_slice %arg5[%dma_wait3A_526, %dma_wait3A_527, %dma_wait3A_528] : memref<4x2x128xi32, #tpu.memory_space<vmem>> -> memref<1x1x128xi32, #tpu.memory_space<vmem>>
      %dma_wait3A_530 = tpu.memref_squeeze %dma_wait3A_529 : memref<1x1x128xi32, #tpu.memory_space<vmem>> -> memref<128xi32, #tpu.memory_space<vmem>>
      %dma_wait3A_531 = arith.constant 0 : i32
      %dma_wait3A_532 = arith.constant 0 : i32
      %dma_wait3A_533 = tpu.memref_slice %arg10[%dma_wait3A_531, %dma_wait3A_532] : memref<10240x64xf32, #tpu.memory_space<vmem_shared>> -> memref<10240x64xf32, #tpu.memory_space<vmem_shared>>
      tpu.wait_indirect_dma semaphore(%arg14 : memref<!tpu.dma_semaphore, #tpu.memory_space<semaphore_mem>>) src(%dma_wait3A_533 : memref<10240x64xf32, #tpu.memory_space<vmem_shared>>) dst(%arg7 : memref<128x64xf32, #tpu.memory_space<vmem>>)
      %dma_start3A_534 = arith.constant 2 : i32
      %dma_start3A_535 = arith.constant 1 : i32
      %dma_start3A_536 = arith.constant 0 : i32
      %dma_start3A_537 = tpu.memref_slice %arg5[%dma_start3A_534, %dma_start3A_535, %dma_start3A_536] : memref<4x2x128xi32, #tpu.memory_space<vmem>> -> memref<1x1x128xi32, #tpu.memory_space<vmem>>
      %dma_start3A_538 = tpu.memref_squeeze %dma_start3A_537 : memref<1x1x128xi32, #tpu.memory_space<vmem>> -> memref<128xi32, #tpu.memory_space<vmem>>
      %dma_start3A_539 = arith.constant 0 : i32
      %dma_start3A_540 = arith.constant 0 : i32
      %dma_start3A_541 = tpu.memref_slice %arg11[%dma_start3A_539, %dma_start3A_540] : memref<10240x64xf32, #tpu.memory_space<vmem_shared>> -> memref<10240x64xf32, #tpu.memory_space<vmem_shared>>
      tpu.enqueue_indirect_dma source(%arg7 : memref<128x64xf32, #tpu.memory_space<vmem>>) target(%dma_start3A_541 : memref<10240x64xf32, #tpu.memory_space<vmem_shared>>) offsets(%dma_start3A_538 : memref<128xi32, #tpu.memory_space<vmem>>) semaphore(%arg16 : memref<!tpu.dma_semaphore, #tpu.memory_space<semaphore_mem>>) {add = true}
      %dma_wait3A_542 = arith.constant 3 : i32
      %dma_wait3A_543 = arith.constant 0 : i32
      %dma_wait3A_544 = arith.constant 0 : i32
      %dma_wait3A_545 = tpu.memref_slice %arg5[%dma_wait3A_542, %dma_wait3A_543, %dma_wait3A_544] : memref<4x2x128xi32, #tpu.memory_space<vmem>> -> memref<1x1x128xi32, #tpu.memory_space<vmem>>
      %dma_wait3A_546 = tpu.memref_squeeze %dma_wait3A_545 : memref<1x1x128xi32, #tpu.memory_space<vmem>> -> memref<128xi32, #tpu.memory_space<vmem>>
      %dma_wait3A_547 = arith.constant 0 : i32
      %dma_wait3A_548 = arith.constant 0 : i32
      %dma_wait3A_549 = tpu.memref_slice %arg10[%dma_wait3A_547, %dma_wait3A_548] : memref<10240x64xf32, #tpu.memory_space<vmem_shared>> -> memref<10240x64xf32, #tpu.memory_space<vmem_shared>>
      tpu.wait_indirect_dma semaphore(%arg15 : memref<!tpu.dma_semaphore, #tpu.memory_space<semaphore_mem>>) src(%dma_wait3A_549 : memref<10240x64xf32, #tpu.memory_space<vmem_shared>>) dst(%arg8 : memref<128x64xf32, #tpu.memory_space<vmem>>)
      %dma_start3A_550 = arith.constant 3 : i32
      %dma_start3A_551 = arith.constant 1 : i32
      %dma_start3A_552 = arith.constant 0 : i32
      %dma_start3A_553 = tpu.memref_slice %arg5[%dma_start3A_550, %dma_start3A_551, %dma_start3A_552] : memref<4x2x128xi32, #tpu.memory_space<vmem>> -> memref<1x1x128xi32, #tpu.memory_space<vmem>>
      %dma_start3A_554 = tpu.memref_squeeze %dma_start3A_553 : memref<1x1x128xi32, #tpu.memory_space<vmem>> -> memref<128xi32, #tpu.memory_space<vmem>>
      %dma_start3A_555 = arith.constant 0 : i32
      %dma_start3A_556 = arith.constant 0 : i32
      %dma_start3A_557 = tpu.memref_slice %arg11[%dma_start3A_555, %dma_start3A_556] : memref<10240x64xf32, #tpu.memory_space<vmem_shared>> -> memref<10240x64xf32, #tpu.memory_space<vmem_shared>>
      tpu.enqueue_indirect_dma source(%arg8 : memref<128x64xf32, #tpu.memory_space<vmem>>) target(%dma_start3A_557 : memref<10240x64xf32, #tpu.memory_space<vmem_shared>>) offsets(%dma_start3A_554 : memref<128xi32, #tpu.memory_space<vmem>>) semaphore(%arg17 : memref<!tpu.dma_semaphore, #tpu.memory_space<semaphore_mem>>) {add = true}
      %mul3A_558 = arith.constant 2 : i32
      %mul3A_559 = arith.muli %mul3A_558, %scan3A_461 : i32
      %add3A_560 = arith.constant 1 : i32
      %add3A_561 = arith.addi %mul3A_559, %add3A_560 : i32
      %dma_wait3A_562 = arith.constant 0 : i32
      %dma_wait3A_563 = arith.constant 0 : i32
      %dma_wait3A_564 = arith.constant 0 : i32
      %dma_wait3A_565 = tpu.memref_slice %arg3[%arg1, %add3A_561, %dma_wait3A_562, %dma_wait3A_563, %dma_wait3A_564] : memref<16x40x4x2x128xi32, #tpu.memory_space<hbm>> -> memref<1x1x4x2x128xi32, #tpu.memory_space<hbm>>
      %dma_wait3A_566 = tpu.memref_squeeze %dma_wait3A_565 : memref<1x1x4x2x128xi32, #tpu.memory_space<hbm>> -> memref<4x2x128xi32, #tpu.memory_space<hbm>>
      %dma_wait3A_567 = arith.constant 0 : i32
      %dma_wait3A_568 = arith.constant 0 : i32
      %dma_wait3A_569 = arith.constant 0 : i32
      %dma_wait3A_570 = tpu.memref_slice %arg3[%arg1, %add3A_561, %dma_wait3A_567, %dma_wait3A_568, %dma_wait3A_569] : memref<16x40x4x2x128xi32, #tpu.memory_space<hbm>> -> memref<1x1x4x2x128xi32, #tpu.memory_space<hbm>>
      %dma_wait3A_571 = tpu.memref_squeeze %dma_wait3A_570 : memref<1x1x4x2x128xi32, #tpu.memory_space<hbm>> -> memref<4x2x128xi32, #tpu.memory_space<hbm>>
      tpu.wait_dma2 semaphore(%arg13 : memref<!tpu.dma_semaphore, #tpu.memory_space<semaphore_mem>>) src(%dma_wait3A_571 : memref<4x2x128xi32, #tpu.memory_space<hbm>>) dst(%arg6 : memref<4x2x128xi32, #tpu.memory_space<vmem>>)
      %dma_wait3A_572 = arith.constant 2 : i32
      %dma_wait3A_573 = arith.constant 1 : i32
      %dma_wait3A_574 = arith.constant 0 : i32
      %dma_wait3A_575 = tpu.memref_slice %arg5[%dma_wait3A_572, %dma_wait3A_573, %dma_wait3A_574] : memref<4x2x128xi32, #tpu.memory_space<vmem>> -> memref<1x1x128xi32, #tpu.memory_space<vmem>>
      %dma_wait3A_576 = tpu.memref_squeeze %dma_wait3A_575 : memref<1x1x128xi32, #tpu.memory_space<vmem>> -> memref<128xi32, #tpu.memory_space<vmem>>
      %dma_wait3A_577 = arith.constant 0 : i32
      %dma_wait3A_578 = arith.constant 0 : i32
      %dma_wait3A_579 = tpu.memref_slice %arg11[%dma_wait3A_577, %dma_wait3A_578] : memref<10240x64xf32, #tpu.memory_space<vmem_shared>> -> memref<10240x64xf32, #tpu.memory_space<vmem_shared>>
      tpu.wait_indirect_dma semaphore(%arg16 : memref<!tpu.dma_semaphore, #tpu.memory_space<semaphore_mem>>) src(%arg7 : memref<128x64xf32, #tpu.memory_space<vmem>>) dst(%dma_wait3A_579 : memref<10240x64xf32, #tpu.memory_space<vmem_shared>>)
      %dma_start3A_580 = arith.constant 0 : i32
      %dma_start3A_581 = arith.constant 0 : i32
      %dma_start3A_582 = arith.constant 0 : i32
      %dma_start3A_583 = tpu.memref_slice %arg6[%dma_start3A_580, %dma_start3A_581, %dma_start3A_582] : memref<4x2x128xi32, #tpu.memory_space<vmem>> -> memref<1x1x128xi32, #tpu.memory_space<vmem>>
      %dma_start3A_584 = tpu.memref_squeeze %dma_start3A_583 : memref<1x1x128xi32, #tpu.memory_space<vmem>> -> memref<128xi32, #tpu.memory_space<vmem>>
      %dma_start3A_585 = arith.constant 0 : i32
      %dma_start3A_586 = arith.constant 0 : i32
      %dma_start3A_587 = tpu.memref_slice %arg10[%dma_start3A_585, %dma_start3A_586] : memref<10240x64xf32, #tpu.memory_space<vmem_shared>> -> memref<10240x64xf32, #tpu.memory_space<vmem_shared>>
      tpu.enqueue_indirect_dma source(%dma_start3A_587 : memref<10240x64xf32, #tpu.memory_space<vmem_shared>>) target(%arg7 : memref<128x64xf32, #tpu.memory_space<vmem>>) offsets(%dma_start3A_584 : memref<128xi32, #tpu.memory_space<vmem>>) semaphore(%arg14 : memref<!tpu.dma_semaphore, #tpu.memory_space<semaphore_mem>>)
      %dma_wait3A_588 = arith.constant 3 : i32
      %dma_wait3A_589 = arith.constant 1 : i32
      %dma_wait3A_590 = arith.constant 0 : i32
      %dma_wait3A_591 = tpu.memref_slice %arg5[%dma_wait3A_588, %dma_wait3A_589, %dma_wait3A_590] : memref<4x2x128xi32, #tpu.memory_space<vmem>> -> memref<1x1x128xi32, #tpu.memory_space<vmem>>
      %dma_wait3A_592 = tpu.memref_squeeze %dma_wait3A_591 : memref<1x1x128xi32, #tpu.memory_space<vmem>> -> memref<128xi32, #tpu.memory_space<vmem>>
      %dma_wait3A_593 = arith.constant 0 : i32
      %dma_wait3A_594 = arith.constant 0 : i32
      %dma_wait3A_595 = tpu.memref_slice %arg11[%dma_wait3A_593, %dma_wait3A_594] : memref<10240x64xf32, #tpu.memory_space<vmem_shared>> -> memref<10240x64xf32, #tpu.memory_space<vmem_shared>>
      tpu.wait_indirect_dma semaphore(%arg17 : memref<!tpu.dma_semaphore, #tpu.memory_space<semaphore_mem>>) src(%arg8 : memref<128x64xf32, #tpu.memory_space<vmem>>) dst(%dma_wait3A_595 : memref<10240x64xf32, #tpu.memory_space<vmem_shared>>)
      %dma_start3A_596 = arith.constant 1 : i32
      %dma_start3A_597 = arith.constant 0 : i32
      %dma_start3A_598 = arith.constant 0 : i32
      %dma_start3A_599 = tpu.memref_slice %arg6[%dma_start3A_596, %dma_start3A_597, %dma_start3A_598] : memref<4x2x128xi32, #tpu.memory_space<vmem>> -> memref<1x1x128xi32, #tpu.memory_space<vmem>>
      %dma_start3A_600 = tpu.memref_squeeze %dma_start3A_599 : memref<1x1x128xi32, #tpu.memory_space<vmem>> -> memref<128xi32, #tpu.memory_space<vmem>>
      %dma_start3A_601 = arith.constant 0 : i32
      %dma_start3A_602 = arith.constant 0 : i32
      %dma_start3A_603 = tpu.memref_slice %arg10[%dma_start3A_601, %dma_start3A_602] : memref<10240x64xf32, #tpu.memory_space<vmem_shared>> -> memref<10240x64xf32, #tpu.memory_space<vmem_shared>>
      tpu.enqueue_indirect_dma source(%dma_start3A_603 : memref<10240x64xf32, #tpu.memory_space<vmem_shared>>) target(%arg8 : memref<128x64xf32, #tpu.memory_space<vmem>>) offsets(%dma_start3A_600 : memref<128xi32, #tpu.memory_space<vmem>>) semaphore(%arg15 : memref<!tpu.dma_semaphore, #tpu.memory_space<semaphore_mem>>)
      %mul3A_604 = arith.constant 2 : i32
      %mul3A_605 = arith.muli %mul3A_604, %scan3A_461 : i32
      %add3A_606 = arith.constant 2 : i32
      %add3A_607 = arith.addi %mul3A_605, %add3A_606 : i32
      %dma_start3A_608 = arith.constant 0 : i32
      %dma_start3A_609 = arith.constant 0 : i32
      %dma_start3A_610 = arith.constant 0 : i32
      %dma_start3A_611 = tpu.memref_slice %arg3[%arg1, %add3A_607, %dma_start3A_608, %dma_start3A_609, %dma_start3A_610] : memref<16x40x4x2x128xi32, #tpu.memory_space<hbm>> -> memref<1x1x4x2x128xi32, #tpu.memory_space<hbm>>
      %dma_start3A_612 = tpu.memref_squeeze %dma_start3A_611 : memref<1x1x4x2x128xi32, #tpu.memory_space<hbm>> -> memref<4x2x128xi32, #tpu.memory_space<hbm>>
      %dma_start3A_613 = arith.constant 0 : i32
      %dma_start3A_614 = arith.constant 0 : i32
      %dma_start3A_615 = arith.constant 0 : i32
      %dma_start3A_616 = tpu.memref_slice %arg3[%arg1, %add3A_607, %dma_start3A_613, %dma_start3A_614, %dma_start3A_615] : memref<16x40x4x2x128xi32, #tpu.memory_space<hbm>> -> memref<1x1x4x2x128xi32, #tpu.memory_space<hbm>>
      %dma_start3A_617 = tpu.memref_squeeze %dma_start3A_616 : memref<1x1x4x2x128xi32, #tpu.memory_space<hbm>> -> memref<4x2x128xi32, #tpu.memory_space<hbm>>
      tpu.enqueue_dma source(%dma_start3A_617 : memref<4x2x128xi32, #tpu.memory_space<hbm>>) target(%arg5 : memref<4x2x128xi32, #tpu.memory_space<vmem>>) target_semaphore(%arg12 : memref<!tpu.dma_semaphore, #tpu.memory_space<semaphore_mem>>)
      %dma_wait3A_618 = arith.constant 0 : i32
      %dma_wait3A_619 = arith.constant 0 : i32
      %dma_wait3A_620 = arith.constant 0 : i32
      %dma_wait3A_621 = tpu.memref_slice %arg6[%dma_wait3A_618, %dma_wait3A_619, %dma_wait3A_620] : memref<4x2x128xi32, #tpu.memory_space<vmem>> -> memref<1x1x128xi32, #tpu.memory_space<vmem>>
      %dma_wait3A_622 = tpu.memref_squeeze %dma_wait3A_621 : memref<1x1x128xi32, #tpu.memory_space<vmem>> -> memref<128xi32, #tpu.memory_space<vmem>>
      %dma_wait3A_623 = arith.constant 0 : i32
      %dma_wait3A_624 = arith.constant 0 : i32
      %dma_wait3A_625 = tpu.memref_slice %arg10[%dma_wait3A_623, %dma_wait3A_624] : memref<10240x64xf32, #tpu.memory_space<vmem_shared>> -> memref<10240x64xf32, #tpu.memory_space<vmem_shared>>
      tpu.wait_indirect_dma semaphore(%arg14 : memref<!tpu.dma_semaphore, #tpu.memory_space<semaphore_mem>>) src(%dma_wait3A_625 : memref<10240x64xf32, #tpu.memory_space<vmem_shared>>) dst(%arg7 : memref<128x64xf32, #tpu.memory_space<vmem>>)
      %dma_start3A_626 = arith.constant 0 : i32
      %dma_start3A_627 = arith.constant 1 : i32
      %dma_start3A_628 = arith.constant 0 : i32
      %dma_start3A_629 = tpu.memref_slice %arg6[%dma_start3A_626, %dma_start3A_627, %dma_start3A_628] : memref<4x2x128xi32, #tpu.memory_space<vmem>> -> memref<1x1x128xi32, #tpu.memory_space<vmem>>
      %dma_start3A_630 = tpu.memref_squeeze %dma_start3A_629 : memref<1x1x128xi32, #tpu.memory_space<vmem>> -> memref<128xi32, #tpu.memory_space<vmem>>
      %dma_start3A_631 = arith.constant 0 : i32
      %dma_start3A_632 = arith.constant 0 : i32
      %dma_start3A_633 = tpu.memref_slice %arg11[%dma_start3A_631, %dma_start3A_632] : memref<10240x64xf32, #tpu.memory_space<vmem_shared>> -> memref<10240x64xf32, #tpu.memory_space<vmem_shared>>
      tpu.enqueue_indirect_dma source(%arg7 : memref<128x64xf32, #tpu.memory_space<vmem>>) target(%dma_start3A_633 : memref<10240x64xf32, #tpu.memory_space<vmem_shared>>) offsets(%dma_start3A_630 : memref<128xi32, #tpu.memory_space<vmem>>) semaphore(%arg16 : memref<!tpu.dma_semaphore, #tpu.memory_space<semaphore_mem>>) {add = true}
      %dma_wait3A_634 = arith.constant 1 : i32
      %dma_wait3A_635 = arith.constant 0 : i32
      %dma_wait3A_636 = arith.constant 0 : i32
      %dma_wait3A_637 = tpu.memref_slice %arg6[%dma_wait3A_634, %dma_wait3A_635, %dma_wait3A_636] : memref<4x2x128xi32, #tpu.memory_space<vmem>> -> memref<1x1x128xi32, #tpu.memory_space<vmem>>
      %dma_wait3A_638 = tpu.memref_squeeze %dma_wait3A_637 : memref<1x1x128xi32, #tpu.memory_space<vmem>> -> memref<128xi32, #tpu.memory_space<vmem>>
      %dma_wait3A_639 = arith.constant 0 : i32
      %dma_wait3A_640 = arith.constant 0 : i32
      %dma_wait3A_641 = tpu.memref_slice %arg10[%dma_wait3A_639, %dma_wait3A_640] : memref<10240x64xf32, #tpu.memory_space<vmem_shared>> -> memref<10240x64xf32, #tpu.memory_space<vmem_shared>>
      tpu.wait_indirect_dma semaphore(%arg15 : memref<!tpu.dma_semaphore, #tpu.memory_space<semaphore_mem>>) src(%dma_wait3A_641 : memref<10240x64xf32, #tpu.memory_space<vmem_shared>>) dst(%arg8 : memref<128x64xf32, #tpu.memory_space<vmem>>)
      %dma_start3A_642 = arith.constant 1 : i32
      %dma_start3A_643 = arith.constant 1 : i32
      %dma_start3A_644 = arith.constant 0 : i32
      %dma_start3A_645 = tpu.memref_slice %arg6[%dma_start3A_642, %dma_start3A_643, %dma_start3A_644] : memref<4x2x128xi32, #tpu.memory_space<vmem>> -> memref<1x1x128xi32, #tpu.memory_space<vmem>>
      %dma_start3A_646 = tpu.memref_squeeze %dma_start3A_645 : memref<1x1x128xi32, #tpu.memory_space<vmem>> -> memref<128xi32, #tpu.memory_space<vmem>>
      %dma_start3A_647 = arith.constant 0 : i32
      %dma_start3A_648 = arith.constant 0 : i32
      %dma_start3A_649 = tpu.memref_slice %arg11[%dma_start3A_647, %dma_start3A_648] : memref<10240x64xf32, #tpu.memory_space<vmem_shared>> -> memref<10240x64xf32, #tpu.memory_space<vmem_shared>>
      tpu.enqueue_indirect_dma source(%arg8 : memref<128x64xf32, #tpu.memory_space<vmem>>) target(%dma_start3A_649 : memref<10240x64xf32, #tpu.memory_space<vmem_shared>>) offsets(%dma_start3A_646 : memref<128xi32, #tpu.memory_space<vmem>>) semaphore(%arg17 : memref<!tpu.dma_semaphore, #tpu.memory_space<semaphore_mem>>) {add = true}
      %dma_wait3A_650 = arith.constant 0 : i32
      %dma_wait3A_651 = arith.constant 1 : i32
      %dma_wait3A_652 = arith.constant 0 : i32
      %dma_wait3A_653 = tpu.memref_slice %arg6[%dma_wait3A_650, %dma_wait3A_651, %dma_wait3A_652] : memref<4x2x128xi32, #tpu.memory_space<vmem>> -> memref<1x1x128xi32, #tpu.memory_space<vmem>>
      %dma_wait3A_654 = tpu.memref_squeeze %dma_wait3A_653 : memref<1x1x128xi32, #tpu.memory_space<vmem>> -> memref<128xi32, #tpu.memory_space<vmem>>
      %dma_wait3A_655 = arith.constant 0 : i32
      %dma_wait3A_656 = arith.constant 0 : i32
      %dma_wait3A_657 = tpu.memref_slice %arg11[%dma_wait3A_655, %dma_wait3A_656] : memref<10240x64xf32, #tpu.memory_space<vmem_shared>> -> memref<10240x64xf32, #tpu.memory_space<vmem_shared>>
      tpu.wait_indirect_dma semaphore(%arg16 : memref<!tpu.dma_semaphore, #tpu.memory_space<semaphore_mem>>) src(%arg7 : memref<128x64xf32, #tpu.memory_space<vmem>>) dst(%dma_wait3A_657 : memref<10240x64xf32, #tpu.memory_space<vmem_shared>>)
      %dma_start3A_658 = arith.constant 2 : i32
      %dma_start3A_659 = arith.constant 0 : i32
      %dma_start3A_660 = arith.constant 0 : i32
      %dma_start3A_661 = tpu.memref_slice %arg6[%dma_start3A_658, %dma_start3A_659, %dma_start3A_660] : memref<4x2x128xi32, #tpu.memory_space<vmem>> -> memref<1x1x128xi32, #tpu.memory_space<vmem>>
      %dma_start3A_662 = tpu.memref_squeeze %dma_start3A_661 : memref<1x1x128xi32, #tpu.memory_space<vmem>> -> memref<128xi32, #tpu.memory_space<vmem>>
      %dma_start3A_663 = arith.constant 0 : i32
      %dma_start3A_664 = arith.constant 0 : i32
      %dma_start3A_665 = tpu.memref_slice %arg10[%dma_start3A_663, %dma_start3A_664] : memref<10240x64xf32, #tpu.memory_space<vmem_shared>> -> memref<10240x64xf32, #tpu.memory_space<vmem_shared>>
      tpu.enqueue_indirect_dma source(%dma_start3A_665 : memref<10240x64xf32, #tpu.memory_space<vmem_shared>>) target(%arg7 : memref<128x64xf32, #tpu.memory_space<vmem>>) offsets(%dma_start3A_662 : memref<128xi32, #tpu.memory_space<vmem>>) semaphore(%arg14 : memref<!tpu.dma_semaphore, #tpu.memory_space<semaphore_mem>>)
      %dma_wait3A_666 = arith.constant 1 : i32
      %dma_wait3A_667 = arith.constant 1 : i32
      %dma_wait3A_668 = arith.constant 0 : i32
      %dma_wait3A_669 = tpu.memref_slice %arg6[%dma_wait3A_666, %dma_wait3A_667, %dma_wait3A_668] : memref<4x2x128xi32, #tpu.memory_space<vmem>> -> memref<1x1x128xi32, #tpu.memory_space<vmem>>
      %dma_wait3A_670 = tpu.memref_squeeze %dma_wait3A_669 : memref<1x1x128xi32, #tpu.memory_space<vmem>> -> memref<128xi32, #tpu.memory_space<vmem>>
      %dma_wait3A_671 = arith.constant 0 : i32
      %dma_wait3A_672 = arith.constant 0 : i32
      %dma_wait3A_673 = tpu.memref_slice %arg11[%dma_wait3A_671, %dma_wait3A_672] : memref<10240x64xf32, #tpu.memory_space<vmem_shared>> -> memref<10240x64xf32, #tpu.memory_space<vmem_shared>>
      tpu.wait_indirect_dma semaphore(%arg17 : memref<!tpu.dma_semaphore, #tpu.memory_space<semaphore_mem>>) src(%arg8 : memref<128x64xf32, #tpu.memory_space<vmem>>) dst(%dma_wait3A_673 : memref<10240x64xf32, #tpu.memory_space<vmem_shared>>)
      %dma_start3A_674 = arith.constant 3 : i32
      %dma_start3A_675 = arith.constant 0 : i32
      %dma_start3A_676 = arith.constant 0 : i32
      %dma_start3A_677 = tpu.memref_slice %arg6[%dma_start3A_674, %dma_start3A_675, %dma_start3A_676] : memref<4x2x128xi32, #tpu.memory_space<vmem>> -> memref<1x1x128xi32, #tpu.memory_space<vmem>>
      %dma_start3A_678 = tpu.memref_squeeze %dma_start3A_677 : memref<1x1x128xi32, #tpu.memory_space<vmem>> -> memref<128xi32, #tpu.memory_space<vmem>>
      %dma_start3A_679 = arith.constant 0 : i32
      %dma_start3A_680 = arith.constant 0 : i32
      %dma_start3A_681 = tpu.memref_slice %arg10[%dma_start3A_679, %dma_start3A_680] : memref<10240x64xf32, #tpu.memory_space<vmem_shared>> -> memref<10240x64xf32, #tpu.memory_space<vmem_shared>>
      tpu.enqueue_indirect_dma source(%dma_start3A_681 : memref<10240x64xf32, #tpu.memory_space<vmem_shared>>) target(%arg8 : memref<128x64xf32, #tpu.memory_space<vmem>>) offsets(%dma_start3A_678 : memref<128xi32, #tpu.memory_space<vmem>>) semaphore(%arg15 : memref<!tpu.dma_semaphore, #tpu.memory_space<semaphore_mem>>)
      %dma_wait3A_682 = arith.constant 2 : i32
      %dma_wait3A_683 = arith.constant 0 : i32
      %dma_wait3A_684 = arith.constant 0 : i32
      %dma_wait3A_685 = tpu.memref_slice %arg6[%dma_wait3A_682, %dma_wait3A_683, %dma_wait3A_684] : memref<4x2x128xi32, #tpu.memory_space<vmem>> -> memref<1x1x128xi32, #tpu.memory_space<vmem>>
      %dma_wait3A_686 = tpu.memref_squeeze %dma_wait3A_685 : memref<1x1x128xi32, #tpu.memory_space<vmem>> -> memref<128xi32, #tpu.memory_space<vmem>>
      %dma_wait3A_687 = arith.constant 0 : i32
      %dma_wait3A_688 = arith.constant 0 : i32
      %dma_wait3A_689 = tpu.memref_slice %arg10[%dma_wait3A_687, %dma_wait3A_688] : memref<10240x64xf32, #tpu.memory_space<vmem_shared>> -> memref<10240x64xf32, #tpu.memory_space<vmem_shared>>
      tpu.wait_indirect_dma semaphore(%arg14 : memref<!tpu.dma_semaphore, #tpu.memory_space<semaphore_mem>>) src(%dma_wait3A_689 : memref<10240x64xf32, #tpu.memory_space<vmem_shared>>) dst(%arg7 : memref<128x64xf32, #tpu.memory_space<vmem>>)
      %dma_start3A_690 = arith.constant 2 : i32
      %dma_start3A_691 = arith.constant 1 : i32
      %dma_start3A_692 = arith.constant 0 : i32
      %dma_start3A_693 = tpu.memref_slice %arg6[%dma_start3A_690, %dma_start3A_691, %dma_start3A_692] : memref<4x2x128xi32, #tpu.memory_space<vmem>> -> memref<1x1x128xi32, #tpu.memory_space<vmem>>
      %dma_start3A_694 = tpu.memref_squeeze %dma_start3A_693 : memref<1x1x128xi32, #tpu.memory_space<vmem>> -> memref<128xi32, #tpu.memory_space<vmem>>
      %dma_start3A_695 = arith.constant 0 : i32
      %dma_start3A_696 = arith.constant 0 : i32
      %dma_start3A_697 = tpu.memref_slice %arg11[%dma_start3A_695, %dma_start3A_696] : memref<10240x64xf32, #tpu.memory_space<vmem_shared>> -> memref<10240x64xf32, #tpu.memory_space<vmem_shared>>
      tpu.enqueue_indirect_dma source(%arg7 : memref<128x64xf32, #tpu.memory_space<vmem>>) target(%dma_start3A_697 : memref<10240x64xf32, #tpu.memory_space<vmem_shared>>) offsets(%dma_start3A_694 : memref<128xi32, #tpu.memory_space<vmem>>) semaphore(%arg16 : memref<!tpu.dma_semaphore, #tpu.memory_space<semaphore_mem>>) {add = true}
      %dma_wait3A_698 = arith.constant 3 : i32
      %dma_wait3A_699 = arith.constant 0 : i32
      %dma_wait3A_700 = arith.constant 0 : i32
      %dma_wait3A_701 = tpu.memref_slice %arg6[%dma_wait3A_698, %dma_wait3A_699, %dma_wait3A_700] : memref<4x2x128xi32, #tpu.memory_space<vmem>> -> memref<1x1x128xi32, #tpu.memory_space<vmem>>
      %dma_wait3A_702 = tpu.memref_squeeze %dma_wait3A_701 : memref<1x1x128xi32, #tpu.memory_space<vmem>> -> memref<128xi32, #tpu.memory_space<vmem>>
      %dma_wait3A_703 = arith.constant 0 : i32
      %dma_wait3A_704 = arith.constant 0 : i32
      %dma_wait3A_705 = tpu.memref_slice %arg10[%dma_wait3A_703, %dma_wait3A_704] : memref<10240x64xf32, #tpu.memory_space<vmem_shared>> -> memref<10240x64xf32, #tpu.memory_space<vmem_shared>>
      tpu.wait_indirect_dma semaphore(%arg15 : memref<!tpu.dma_semaphore, #tpu.memory_space<semaphore_mem>>) src(%dma_wait3A_705 : memref<10240x64xf32, #tpu.memory_space<vmem_shared>>) dst(%arg8 : memref<128x64xf32, #tpu.memory_space<vmem>>)
      %dma_start3A_706 = arith.constant 3 : i32
      %dma_start3A_707 = arith.constant 1 : i32
      %dma_start3A_708 = arith.constant 0 : i32
      %dma_start3A_709 = tpu.memref_slice %arg6[%dma_start3A_706, %dma_start3A_707, %dma_start3A_708] : memref<4x2x128xi32, #tpu.memory_space<vmem>> -> memref<1x1x128xi32, #tpu.memory_space<vmem>>
      %dma_start3A_710 = tpu.memref_squeeze %dma_start3A_709 : memref<1x1x128xi32, #tpu.memory_space<vmem>> -> memref<128xi32, #tpu.memory_space<vmem>>
      %dma_start3A_711 = arith.constant 0 : i32
      %dma_start3A_712 = arith.constant 0 : i32
      %dma_start3A_713 = tpu.memref_slice %arg11[%dma_start3A_711, %dma_start3A_712] : memref<10240x64xf32, #tpu.memory_space<vmem_shared>> -> memref<10240x64xf32, #tpu.memory_space<vmem_shared>>
      tpu.enqueue_indirect_dma source(%arg8 : memref<128x64xf32, #tpu.memory_space<vmem>>) target(%dma_start3A_713 : memref<10240x64xf32, #tpu.memory_space<vmem_shared>>) offsets(%dma_start3A_710 : memref<128xi32, #tpu.memory_space<vmem>>) semaphore(%arg17 : memref<!tpu.dma_semaphore, #tpu.memory_space<semaphore_mem>>) {add = true}
      %mul3A_714 = arith.constant 2 : i32
      %mul3A_715 = arith.muli %mul3A_714, %scan3A_461 : i32
      %add3A_716 = arith.constant 2 : i32
      %add3A_717 = arith.addi %mul3A_715, %add3A_716 : i32
      %dma_wait3A_718 = arith.constant 0 : i32
      %dma_wait3A_719 = arith.constant 0 : i32
      %dma_wait3A_720 = arith.constant 0 : i32
      %dma_wait3A_721 = tpu.memref_slice %arg3[%arg1, %add3A_717, %dma_wait3A_718, %dma_wait3A_719, %dma_wait3A_720] : memref<16x40x4x2x128xi32, #tpu.memory_space<hbm>> -> memref<1x1x4x2x128xi32, #tpu.memory_space<hbm>>
      %dma_wait3A_722 = tpu.memref_squeeze %dma_wait3A_721 : memref<1x1x4x2x128xi32, #tpu.memory_space<hbm>> -> memref<4x2x128xi32, #tpu.memory_space<hbm>>
      %dma_wait3A_723 = arith.constant 0 : i32
      %dma_wait3A_724 = arith.constant 0 : i32
      %dma_wait3A_725 = arith.constant 0 : i32
      %dma_wait3A_726 = tpu.memref_slice %arg3[%arg1, %add3A_717, %dma_wait3A_723, %dma_wait3A_724, %dma_wait3A_725] : memref<16x40x4x2x128xi32, #tpu.memory_space<hbm>> -> memref<1x1x4x2x128xi32, #tpu.memory_space<hbm>>
      %dma_wait3A_727 = tpu.memref_squeeze %dma_wait3A_726 : memref<1x1x4x2x128xi32, #tpu.memory_space<hbm>> -> memref<4x2x128xi32, #tpu.memory_space<hbm>>
      tpu.wait_dma2 semaphore(%arg12 : memref<!tpu.dma_semaphore, #tpu.memory_space<semaphore_mem>>) src(%dma_wait3A_727 : memref<4x2x128xi32, #tpu.memory_space<hbm>>) dst(%arg5 : memref<4x2x128xi32, #tpu.memory_space<vmem>>)
      %dma_wait3A_728 = arith.constant 2 : i32
      %dma_wait3A_729 = arith.constant 1 : i32
      %dma_wait3A_730 = arith.constant 0 : i32
      %dma_wait3A_731 = tpu.memref_slice %arg6[%dma_wait3A_728, %dma_wait3A_729, %dma_wait3A_730] : memref<4x2x128xi32, #tpu.memory_space<vmem>> -> memref<1x1x128xi32, #tpu.memory_space<vmem>>
      %dma_wait3A_732 = tpu.memref_squeeze %dma_wait3A_731 : memref<1x1x128xi32, #tpu.memory_space<vmem>> -> memref<128xi32, #tpu.memory_space<vmem>>
      %dma_wait3A_733 = arith.constant 0 : i32
      %dma_wait3A_734 = arith.constant 0 : i32
      %dma_wait3A_735 = tpu.memref_slice %arg11[%dma_wait3A_733, %dma_wait3A_734] : memref<10240x64xf32, #tpu.memory_space<vmem_shared>> -> memref<10240x64xf32, #tpu.memory_space<vmem_shared>>
      tpu.wait_indirect_dma semaphore(%arg16 : memref<!tpu.dma_semaphore, #tpu.memory_space<semaphore_mem>>) src(%arg7 : memref<128x64xf32, #tpu.memory_space<vmem>>) dst(%dma_wait3A_735 : memref<10240x64xf32, #tpu.memory_space<vmem_shared>>)
      %dma_start3A_736 = arith.constant 0 : i32
      %dma_start3A_737 = arith.constant 0 : i32
      %dma_start3A_738 = arith.constant 0 : i32
      %dma_start3A_739 = tpu.memref_slice %arg5[%dma_start3A_736, %dma_start3A_737, %dma_start3A_738] : memref<4x2x128xi32, #tpu.memory_space<vmem>> -> memref<1x1x128xi32, #tpu.memory_space<vmem>>
      %dma_start3A_740 = tpu.memref_squeeze %dma_start3A_739 : memref<1x1x128xi32, #tpu.memory_space<vmem>> -> memref<128xi32, #tpu.memory_space<vmem>>
      %dma_start3A_741 = arith.constant 0 : i32
      %dma_start3A_742 = arith.constant 0 : i32
      %dma_start3A_743 = tpu.memref_slice %arg10[%dma_start3A_741, %dma_start3A_742] : memref<10240x64xf32, #tpu.memory_space<vmem_shared>> -> memref<10240x64xf32, #tpu.memory_space<vmem_shared>>
      tpu.enqueue_indirect_dma source(%dma_start3A_743 : memref<10240x64xf32, #tpu.memory_space<vmem_shared>>) target(%arg7 : memref<128x64xf32, #tpu.memory_space<vmem>>) offsets(%dma_start3A_740 : memref<128xi32, #tpu.memory_space<vmem>>) semaphore(%arg14 : memref<!tpu.dma_semaphore, #tpu.memory_space<semaphore_mem>>)
      %dma_wait3A_744 = arith.constant 3 : i32
      %dma_wait3A_745 = arith.constant 1 : i32
      %dma_wait3A_746 = arith.constant 0 : i32
      %dma_wait3A_747 = tpu.memref_slice %arg6[%dma_wait3A_744, %dma_wait3A_745, %dma_wait3A_746] : memref<4x2x128xi32, #tpu.memory_space<vmem>> -> memref<1x1x128xi32, #tpu.memory_space<vmem>>
      %dma_wait3A_748 = tpu.memref_squeeze %dma_wait3A_747 : memref<1x1x128xi32, #tpu.memory_space<vmem>> -> memref<128xi32, #tpu.memory_space<vmem>>
      %dma_wait3A_749 = arith.constant 0 : i32
      %dma_wait3A_750 = arith.constant 0 : i32
      %dma_wait3A_751 = tpu.memref_slice %arg11[%dma_wait3A_749, %dma_wait3A_750] : memref<10240x64xf32, #tpu.memory_space<vmem_shared>> -> memref<10240x64xf32, #tpu.memory_space<vmem_shared>>
      tpu.wait_indirect_dma semaphore(%arg17 : memref<!tpu.dma_semaphore, #tpu.memory_space<semaphore_mem>>) src(%arg8 : memref<128x64xf32, #tpu.memory_space<vmem>>) dst(%dma_wait3A_751 : memref<10240x64xf32, #tpu.memory_space<vmem_shared>>)
      %dma_start3A_752 = arith.constant 1 : i32
      %dma_start3A_753 = arith.constant 0 : i32
      %dma_start3A_754 = arith.constant 0 : i32
      %dma_start3A_755 = tpu.memref_slice %arg5[%dma_start3A_752, %dma_start3A_753, %dma_start3A_754] : memref<4x2x128xi32, #tpu.memory_space<vmem>> -> memref<1x1x128xi32, #tpu.memory_space<vmem>>
      %dma_start3A_756 = tpu.memref_squeeze %dma_start3A_755 : memref<1x1x128xi32, #tpu.memory_space<vmem>> -> memref<128xi32, #tpu.memory_space<vmem>>
      %dma_start3A_757 = arith.constant 0 : i32
      %dma_start3A_758 = arith.constant 0 : i32
      %dma_start3A_759 = tpu.memref_slice %arg10[%dma_start3A_757, %dma_start3A_758] : memref<10240x64xf32, #tpu.memory_space<vmem_shared>> -> memref<10240x64xf32, #tpu.memory_space<vmem_shared>>
      tpu.enqueue_indirect_dma source(%dma_start3A_759 : memref<10240x64xf32, #tpu.memory_space<vmem_shared>>) target(%arg8 : memref<128x64xf32, #tpu.memory_space<vmem>>) offsets(%dma_start3A_756 : memref<128xi32, #tpu.memory_space<vmem>>) semaphore(%arg15 : memref<!tpu.dma_semaphore, #tpu.memory_space<semaphore_mem>>)
      %mul3A_760 = arith.constant 2 : i32
      %mul3A_761 = arith.muli %mul3A_760, %scan3A_461 : i32
      %add3A_762 = arith.constant 3 : i32
      %add3A_763 = arith.addi %mul3A_761, %add3A_762 : i32
      %dma_start3A_764 = arith.constant 0 : i32
      %dma_start3A_765 = arith.constant 0 : i32
      %dma_start3A_766 = arith.constant 0 : i32
      %dma_start3A_767 = tpu.memref_slice %arg3[%arg1, %add3A_763, %dma_start3A_764, %dma_start3A_765, %dma_start3A_766] : memref<16x40x4x2x128xi32, #tpu.memory_space<hbm>> -> memref<1x1x4x2x128xi32, #tpu.memory_space<hbm>>
      %dma_start3A_768 = tpu.memref_squeeze %dma_start3A_767 : memref<1x1x4x2x128xi32, #tpu.memory_space<hbm>> -> memref<4x2x128xi32, #tpu.memory_space<hbm>>
      %dma_start3A_769 = arith.constant 0 : i32
      %dma_start3A_770 = arith.constant 0 : i32
      %dma_start3A_771 = arith.constant 0 : i32
      %dma_start3A_772 = tpu.memref_slice %arg3[%arg1, %add3A_763, %dma_start3A_769, %dma_start3A_770, %dma_start3A_771] : memref<16x40x4x2x128xi32, #tpu.memory_space<hbm>> -> memref<1x1x4x2x128xi32, #tpu.memory_space<hbm>>
      %dma_start3A_773 = tpu.memref_squeeze %dma_start3A_772 : memref<1x1x4x2x128xi32, #tpu.memory_space<hbm>> -> memref<4x2x128xi32, #tpu.memory_space<hbm>>
      tpu.enqueue_dma source(%dma_start3A_773 : memref<4x2x128xi32, #tpu.memory_space<hbm>>) target(%arg6 : memref<4x2x128xi32, #tpu.memory_space<vmem>>) target_semaphore(%arg13 : memref<!tpu.dma_semaphore, #tpu.memory_space<semaphore_mem>>)
    }
    %scan3A_208 = arith.constant 19 : i32
    %dma_wait3A_209 = arith.constant 0 : i32
    %dma_wait3A_210 = arith.constant 0 : i32
    %dma_wait3A_211 = arith.constant 0 : i32
    %dma_wait3A_212 = tpu.memref_slice %arg5[%dma_wait3A_209, %dma_wait3A_210, %dma_wait3A_211] : memref<4x2x128xi32, #tpu.memory_space<vmem>> -> memref<1x1x128xi32, #tpu.memory_space<vmem>>
    %dma_wait3A_213 = tpu.memref_squeeze %dma_wait3A_212 : memref<1x1x128xi32, #tpu.memory_space<vmem>> -> memref<128xi32, #tpu.memory_space<vmem>>
    %dma_wait3A_214 = arith.constant 0 : i32
    %dma_wait3A_215 = arith.constant 0 : i32
    %dma_wait3A_216 = tpu.memref_slice %arg10[%dma_wait3A_214, %dma_wait3A_215] : memref<10240x64xf32, #tpu.memory_space<vmem_shared>> -> memref<10240x64xf32, #tpu.memory_space<vmem_shared>>
    tpu.wait_indirect_dma semaphore(%arg14 : memref<!tpu.dma_semaphore, #tpu.memory_space<semaphore_mem>>) src(%dma_wait3A_216 : memref<10240x64xf32, #tpu.memory_space<vmem_shared>>) dst(%arg7 : memref<128x64xf32, #tpu.memory_space<vmem>>)
    %dma_start3A_217 = arith.constant 0 : i32
    %dma_start3A_218 = arith.constant 1 : i32
    %dma_start3A_219 = arith.constant 0 : i32
    %dma_start3A_220 = tpu.memref_slice %arg5[%dma_start3A_217, %dma_start3A_218, %dma_start3A_219] : memref<4x2x128xi32, #tpu.memory_space<vmem>> -> memref<1x1x128xi32, #tpu.memory_space<vmem>>
    %dma_start3A_221 = tpu.memref_squeeze %dma_start3A_220 : memref<1x1x128xi32, #tpu.memory_space<vmem>> -> memref<128xi32, #tpu.memory_space<vmem>>
    %dma_start3A_222 = arith.constant 0 : i32
    %dma_start3A_223 = arith.constant 0 : i32
    %dma_start3A_224 = tpu.memref_slice %arg11[%dma_start3A_222, %dma_start3A_223] : memref<10240x64xf32, #tpu.memory_space<vmem_shared>> -> memref<10240x64xf32, #tpu.memory_space<vmem_shared>>
    tpu.enqueue_indirect_dma source(%arg7 : memref<128x64xf32, #tpu.memory_space<vmem>>) target(%dma_start3A_224 : memref<10240x64xf32, #tpu.memory_space<vmem_shared>>) offsets(%dma_start3A_221 : memref<128xi32, #tpu.memory_space<vmem>>) semaphore(%arg16 : memref<!tpu.dma_semaphore, #tpu.memory_space<semaphore_mem>>) {add = true}
    %dma_wait3A_225 = arith.constant 1 : i32
    %dma_wait3A_226 = arith.constant 0 : i32
    %dma_wait3A_227 = arith.constant 0 : i32
    %dma_wait3A_228 = tpu.memref_slice %arg5[%dma_wait3A_225, %dma_wait3A_226, %dma_wait3A_227] : memref<4x2x128xi32, #tpu.memory_space<vmem>> -> memref<1x1x128xi32, #tpu.memory_space<vmem>>
    %dma_wait3A_229 = tpu.memref_squeeze %dma_wait3A_228 : memref<1x1x128xi32, #tpu.memory_space<vmem>> -> memref<128xi32, #tpu.memory_space<vmem>>
    %dma_wait3A_230 = arith.constant 0 : i32
    %dma_wait3A_231 = arith.constant 0 : i32
    %dma_wait3A_232 = tpu.memref_slice %arg10[%dma_wait3A_230, %dma_wait3A_231] : memref<10240x64xf32, #tpu.memory_space<vmem_shared>> -> memref<10240x64xf32, #tpu.memory_space<vmem_shared>>
    tpu.wait_indirect_dma semaphore(%arg15 : memref<!tpu.dma_semaphore, #tpu.memory_space<semaphore_mem>>) src(%dma_wait3A_232 : memref<10240x64xf32, #tpu.memory_space<vmem_shared>>) dst(%arg8 : memref<128x64xf32, #tpu.memory_space<vmem>>)
    %dma_start3A_233 = arith.constant 1 : i32
    %dma_start3A_234 = arith.constant 1 : i32
    %dma_start3A_235 = arith.constant 0 : i32
    %dma_start3A_236 = tpu.memref_slice %arg5[%dma_start3A_233, %dma_start3A_234, %dma_start3A_235] : memref<4x2x128xi32, #tpu.memory_space<vmem>> -> memref<1x1x128xi32, #tpu.memory_space<vmem>>
    %dma_start3A_237 = tpu.memref_squeeze %dma_start3A_236 : memref<1x1x128xi32, #tpu.memory_space<vmem>> -> memref<128xi32, #tpu.memory_space<vmem>>
    %dma_start3A_238 = arith.constant 0 : i32
    %dma_start3A_239 = arith.constant 0 : i32
    %dma_start3A_240 = tpu.memref_slice %arg11[%dma_start3A_238, %dma_start3A_239] : memref<10240x64xf32, #tpu.memory_space<vmem_shared>> -> memref<10240x64xf32, #tpu.memory_space<vmem_shared>>
    tpu.enqueue_indirect_dma source(%arg8 : memref<128x64xf32, #tpu.memory_space<vmem>>) target(%dma_start3A_240 : memref<10240x64xf32, #tpu.memory_space<vmem_shared>>) offsets(%dma_start3A_237 : memref<128xi32, #tpu.memory_space<vmem>>) semaphore(%arg17 : memref<!tpu.dma_semaphore, #tpu.memory_space<semaphore_mem>>) {add = true}
    %dma_wait3A_241 = arith.constant 0 : i32
    %dma_wait3A_242 = arith.constant 1 : i32
    %dma_wait3A_243 = arith.constant 0 : i32
    %dma_wait3A_244 = tpu.memref_slice %arg5[%dma_wait3A_241, %dma_wait3A_242, %dma_wait3A_243] : memref<4x2x128xi32, #tpu.memory_space<vmem>> -> memref<1x1x128xi32, #tpu.memory_space<vmem>>
    %dma_wait3A_245 = tpu.memref_squeeze %dma_wait3A_244 : memref<1x1x128xi32, #tpu.memory_space<vmem>> -> memref<128xi32, #tpu.memory_space<vmem>>
    %dma_wait3A_246 = arith.constant 0 : i32
    %dma_wait3A_247 = arith.constant 0 : i32
    %dma_wait3A_248 = tpu.memref_slice %arg11[%dma_wait3A_246, %dma_wait3A_247] : memref<10240x64xf32, #tpu.memory_space<vmem_shared>> -> memref<10240x64xf32, #tpu.memory_space<vmem_shared>>
    tpu.wait_indirect_dma semaphore(%arg16 : memref<!tpu.dma_semaphore, #tpu.memory_space<semaphore_mem>>) src(%arg7 : memref<128x64xf32, #tpu.memory_space<vmem>>) dst(%dma_wait3A_248 : memref<10240x64xf32, #tpu.memory_space<vmem_shared>>)
    %dma_start3A_249 = arith.constant 2 : i32
    %dma_start3A_250 = arith.constant 0 : i32
    %dma_start3A_251 = arith.constant 0 : i32
    %dma_start3A_252 = tpu.memref_slice %arg5[%dma_start3A_249, %dma_start3A_250, %dma_start3A_251] : memref<4x2x128xi32, #tpu.memory_space<vmem>> -> memref<1x1x128xi32, #tpu.memory_space<vmem>>
    %dma_start3A_253 = tpu.memref_squeeze %dma_start3A_252 : memref<1x1x128xi32, #tpu.memory_space<vmem>> -> memref<128xi32, #tpu.memory_space<vmem>>
    %dma_start3A_254 = arith.constant 0 : i32
    %dma_start3A_255 = arith.constant 0 : i32
    %dma_start3A_256 = tpu.memref_slice %arg10[%dma_start3A_254, %dma_start3A_255] : memref<10240x64xf32, #tpu.memory_space<vmem_shared>> -> memref<10240x64xf32, #tpu.memory_space<vmem_shared>>
    tpu.enqueue_indirect_dma source(%dma_start3A_256 : memref<10240x64xf32, #tpu.memory_space<vmem_shared>>) target(%arg7 : memref<128x64xf32, #tpu.memory_space<vmem>>) offsets(%dma_start3A_253 : memref<128xi32, #tpu.memory_space<vmem>>) semaphore(%arg14 : memref<!tpu.dma_semaphore, #tpu.memory_space<semaphore_mem>>)
    %dma_wait3A_257 = arith.constant 1 : i32
    %dma_wait3A_258 = arith.constant 1 : i32
    %dma_wait3A_259 = arith.constant 0 : i32
    %dma_wait3A_260 = tpu.memref_slice %arg5[%dma_wait3A_257, %dma_wait3A_258, %dma_wait3A_259] : memref<4x2x128xi32, #tpu.memory_space<vmem>> -> memref<1x1x128xi32, #tpu.memory_space<vmem>>
    %dma_wait3A_261 = tpu.memref_squeeze %dma_wait3A_260 : memref<1x1x128xi32, #tpu.memory_space<vmem>> -> memref<128xi32, #tpu.memory_space<vmem>>
    %dma_wait3A_262 = arith.constant 0 : i32
    %dma_wait3A_263 = arith.constant 0 : i32
    %dma_wait3A_264 = tpu.memref_slice %arg11[%dma_wait3A_262, %dma_wait3A_263] : memref<10240x64xf32, #tpu.memory_space<vmem_shared>> -> memref<10240x64xf32, #tpu.memory_space<vmem_shared>>
    tpu.wait_indirect_dma semaphore(%arg17 : memref<!tpu.dma_semaphore, #tpu.memory_space<semaphore_mem>>) src(%arg8 : memref<128x64xf32, #tpu.memory_space<vmem>>) dst(%dma_wait3A_264 : memref<10240x64xf32, #tpu.memory_space<vmem_shared>>)
    %dma_start3A_265 = arith.constant 3 : i32
    %dma_start3A_266 = arith.constant 0 : i32
    %dma_start3A_267 = arith.constant 0 : i32
    %dma_start3A_268 = tpu.memref_slice %arg5[%dma_start3A_265, %dma_start3A_266, %dma_start3A_267] : memref<4x2x128xi32, #tpu.memory_space<vmem>> -> memref<1x1x128xi32, #tpu.memory_space<vmem>>
    %dma_start3A_269 = tpu.memref_squeeze %dma_start3A_268 : memref<1x1x128xi32, #tpu.memory_space<vmem>> -> memref<128xi32, #tpu.memory_space<vmem>>
    %dma_start3A_270 = arith.constant 0 : i32
    %dma_start3A_271 = arith.constant 0 : i32
    %dma_start3A_272 = tpu.memref_slice %arg10[%dma_start3A_270, %dma_start3A_271] : memref<10240x64xf32, #tpu.memory_space<vmem_shared>> -> memref<10240x64xf32, #tpu.memory_space<vmem_shared>>
    tpu.enqueue_indirect_dma source(%dma_start3A_272 : memref<10240x64xf32, #tpu.memory_space<vmem_shared>>) target(%arg8 : memref<128x64xf32, #tpu.memory_space<vmem>>) offsets(%dma_start3A_269 : memref<128xi32, #tpu.memory_space<vmem>>) semaphore(%arg15 : memref<!tpu.dma_semaphore, #tpu.memory_space<semaphore_mem>>)
    %dma_wait3A_273 = arith.constant 2 : i32
    %dma_wait3A_274 = arith.constant 0 : i32
    %dma_wait3A_275 = arith.constant 0 : i32
    %dma_wait3A_276 = tpu.memref_slice %arg5[%dma_wait3A_273, %dma_wait3A_274, %dma_wait3A_275] : memref<4x2x128xi32, #tpu.memory_space<vmem>> -> memref<1x1x128xi32, #tpu.memory_space<vmem>>
    %dma_wait3A_277 = tpu.memref_squeeze %dma_wait3A_276 : memref<1x1x128xi32, #tpu.memory_space<vmem>> -> memref<128xi32, #tpu.memory_space<vmem>>
    %dma_wait3A_278 = arith.constant 0 : i32
    %dma_wait3A_279 = arith.constant 0 : i32
    %dma_wait3A_280 = tpu.memref_slice %arg10[%dma_wait3A_278, %dma_wait3A_279] : memref<10240x64xf32, #tpu.memory_space<vmem_shared>> -> memref<10240x64xf32, #tpu.memory_space<vmem_shared>>
    tpu.wait_indirect_dma semaphore(%arg14 : memref<!tpu.dma_semaphore, #tpu.memory_space<semaphore_mem>>) src(%dma_wait3A_280 : memref<10240x64xf32, #tpu.memory_space<vmem_shared>>) dst(%arg7 : memref<128x64xf32, #tpu.memory_space<vmem>>)
    %dma_start3A_281 = arith.constant 2 : i32
    %dma_start3A_282 = arith.constant 1 : i32
    %dma_start3A_283 = arith.constant 0 : i32
    %dma_start3A_284 = tpu.memref_slice %arg5[%dma_start3A_281, %dma_start3A_282, %dma_start3A_283] : memref<4x2x128xi32, #tpu.memory_space<vmem>> -> memref<1x1x128xi32, #tpu.memory_space<vmem>>
    %dma_start3A_285 = tpu.memref_squeeze %dma_start3A_284 : memref<1x1x128xi32, #tpu.memory_space<vmem>> -> memref<128xi32, #tpu.memory_space<vmem>>
    %dma_start3A_286 = arith.constant 0 : i32
    %dma_start3A_287 = arith.constant 0 : i32
    %dma_start3A_288 = tpu.memref_slice %arg11[%dma_start3A_286, %dma_start3A_287] : memref<10240x64xf32, #tpu.memory_space<vmem_shared>> -> memref<10240x64xf32, #tpu.memory_space<vmem_shared>>
    tpu.enqueue_indirect_dma source(%arg7 : memref<128x64xf32, #tpu.memory_space<vmem>>) target(%dma_start3A_288 : memref<10240x64xf32, #tpu.memory_space<vmem_shared>>) offsets(%dma_start3A_285 : memref<128xi32, #tpu.memory_space<vmem>>) semaphore(%arg16 : memref<!tpu.dma_semaphore, #tpu.memory_space<semaphore_mem>>) {add = true}
    %dma_wait3A_289 = arith.constant 3 : i32
    %dma_wait3A_290 = arith.constant 0 : i32
    %dma_wait3A_291 = arith.constant 0 : i32
    %dma_wait3A_292 = tpu.memref_slice %arg5[%dma_wait3A_289, %dma_wait3A_290, %dma_wait3A_291] : memref<4x2x128xi32, #tpu.memory_space<vmem>> -> memref<1x1x128xi32, #tpu.memory_space<vmem>>
    %dma_wait3A_293 = tpu.memref_squeeze %dma_wait3A_292 : memref<1x1x128xi32, #tpu.memory_space<vmem>> -> memref<128xi32, #tpu.memory_space<vmem>>
    %dma_wait3A_294 = arith.constant 0 : i32
    %dma_wait3A_295 = arith.constant 0 : i32
    %dma_wait3A_296 = tpu.memref_slice %arg10[%dma_wait3A_294, %dma_wait3A_295] : memref<10240x64xf32, #tpu.memory_space<vmem_shared>> -> memref<10240x64xf32, #tpu.memory_space<vmem_shared>>
    tpu.wait_indirect_dma semaphore(%arg15 : memref<!tpu.dma_semaphore, #tpu.memory_space<semaphore_mem>>) src(%dma_wait3A_296 : memref<10240x64xf32, #tpu.memory_space<vmem_shared>>) dst(%arg8 : memref<128x64xf32, #tpu.memory_space<vmem>>)
    %dma_start3A_297 = arith.constant 3 : i32
    %dma_start3A_298 = arith.constant 1 : i32
    %dma_start3A_299 = arith.constant 0 : i32
    %dma_start3A_300 = tpu.memref_slice %arg5[%dma_start3A_297, %dma_start3A_298, %dma_start3A_299] : memref<4x2x128xi32, #tpu.memory_space<vmem>> -> memref<1x1x128xi32, #tpu.memory_space<vmem>>
    %dma_start3A_301 = tpu.memref_squeeze %dma_start3A_300 : memref<1x1x128xi32, #tpu.memory_space<vmem>> -> memref<128xi32, #tpu.memory_space<vmem>>
    %dma_start3A_302 = arith.constant 0 : i32
    %dma_start3A_303 = arith.constant 0 : i32
    %dma_start3A_304 = tpu.memref_slice %arg11[%dma_start3A_302, %dma_start3A_303] : memref<10240x64xf32, #tpu.memory_space<vmem_shared>> -> memref<10240x64xf32, #tpu.memory_space<vmem_shared>>
    tpu.enqueue_indirect_dma source(%arg8 : memref<128x64xf32, #tpu.memory_space<vmem>>) target(%dma_start3A_304 : memref<10240x64xf32, #tpu.memory_space<vmem_shared>>) offsets(%dma_start3A_301 : memref<128xi32, #tpu.memory_space<vmem>>) semaphore(%arg17 : memref<!tpu.dma_semaphore, #tpu.memory_space<semaphore_mem>>) {add = true}
    %dma_wait3A_305 = arith.constant 39 : i32
    %dma_wait3A_306 = arith.constant 0 : i32
    %dma_wait3A_307 = arith.constant 0 : i32
    %dma_wait3A_308 = arith.constant 0 : i32
    %dma_wait3A_309 = tpu.memref_slice %arg3[%arg1, %dma_wait3A_305, %dma_wait3A_306, %dma_wait3A_307, %dma_wait3A_308] : memref<16x40x4x2x128xi32, #tpu.memory_space<hbm>> -> memref<1x1x4x2x128xi32, #tpu.memory_space<hbm>>
    %dma_wait3A_310 = tpu.memref_squeeze %dma_wait3A_309 : memref<1x1x4x2x128xi32, #tpu.memory_space<hbm>> -> memref<4x2x128xi32, #tpu.memory_space<hbm>>
    %dma_wait3A_311 = arith.constant 0 : i32
    %dma_wait3A_312 = arith.constant 0 : i32
    %dma_wait3A_313 = arith.constant 0 : i32
    %dma_wait3A_314 = tpu.memref_slice %arg3[%arg1, %dma_wait3A_305, %dma_wait3A_311, %dma_wait3A_312, %dma_wait3A_313] : memref<16x40x4x2x128xi32, #tpu.memory_space<hbm>> -> memref<1x1x4x2x128xi32, #tpu.memory_space<hbm>>
    %dma_wait3A_315 = tpu.memref_squeeze %dma_wait3A_314 : memref<1x1x4x2x128xi32, #tpu.memory_space<hbm>> -> memref<4x2x128xi32, #tpu.memory_space<hbm>>
    tpu.wait_dma2 semaphore(%arg13 : memref<!tpu.dma_semaphore, #tpu.memory_space<semaphore_mem>>) src(%dma_wait3A_315 : memref<4x2x128xi32, #tpu.memory_space<hbm>>) dst(%arg6 : memref<4x2x128xi32, #tpu.memory_space<vmem>>)
    %dma_wait3A_316 = arith.constant 2 : i32
    %dma_wait3A_317 = arith.constant 1 : i32
    %dma_wait3A_318 = arith.constant 0 : i32
    %dma_wait3A_319 = tpu.memref_slice %arg5[%dma_wait3A_316, %dma_wait3A_317, %dma_wait3A_318] : memref<4x2x128xi32, #tpu.memory_space<vmem>> -> memref<1x1x128xi32, #tpu.memory_space<vmem>>
    %dma_wait3A_320 = tpu.memref_squeeze %dma_wait3A_319 : memref<1x1x128xi32, #tpu.memory_space<vmem>> -> memref<128xi32, #tpu.memory_space<vmem>>
    %dma_wait3A_321 = arith.constant 0 : i32
    %dma_wait3A_322 = arith.constant 0 : i32
    %dma_wait3A_323 = tpu.memref_slice %arg11[%dma_wait3A_321, %dma_wait3A_322] : memref<10240x64xf32, #tpu.memory_space<vmem_shared>> -> memref<10240x64xf32, #tpu.memory_space<vmem_shared>>
    tpu.wait_indirect_dma semaphore(%arg16 : memref<!tpu.dma_semaphore, #tpu.memory_space<semaphore_mem>>) src(%arg7 : memref<128x64xf32, #tpu.memory_space<vmem>>) dst(%dma_wait3A_323 : memref<10240x64xf32, #tpu.memory_space<vmem_shared>>)
    %dma_start3A_324 = arith.constant 0 : i32
    %dma_start3A_325 = arith.constant 0 : i32
    %dma_start3A_326 = arith.constant 0 : i32
    %dma_start3A_327 = tpu.memref_slice %arg6[%dma_start3A_324, %dma_start3A_325, %dma_start3A_326] : memref<4x2x128xi32, #tpu.memory_space<vmem>> -> memref<1x1x128xi32, #tpu.memory_space<vmem>>
    %dma_start3A_328 = tpu.memref_squeeze %dma_start3A_327 : memref<1x1x128xi32, #tpu.memory_space<vmem>> -> memref<128xi32, #tpu.memory_space<vmem>>
    %dma_start3A_329 = arith.constant 0 : i32
    %dma_start3A_330 = arith.constant 0 : i32
    %dma_start3A_331 = tpu.memref_slice %arg10[%dma_start3A_329, %dma_start3A_330] : memref<10240x64xf32, #tpu.memory_space<vmem_shared>> -> memref<10240x64xf32, #tpu.memory_space<vmem_shared>>
    tpu.enqueue_indirect_dma source(%dma_start3A_331 : memref<10240x64xf32, #tpu.memory_space<vmem_shared>>) target(%arg7 : memref<128x64xf32, #tpu.memory_space<vmem>>) offsets(%dma_start3A_328 : memref<128xi32, #tpu.memory_space<vmem>>) semaphore(%arg14 : memref<!tpu.dma_semaphore, #tpu.memory_space<semaphore_mem>>)
    %dma_wait3A_332 = arith.constant 3 : i32
    %dma_wait3A_333 = arith.constant 1 : i32
    %dma_wait3A_334 = arith.constant 0 : i32
    %dma_wait3A_335 = tpu.memref_slice %arg5[%dma_wait3A_332, %dma_wait3A_333, %dma_wait3A_334] : memref<4x2x128xi32, #tpu.memory_space<vmem>> -> memref<1x1x128xi32, #tpu.memory_space<vmem>>
    %dma_wait3A_336 = tpu.memref_squeeze %dma_wait3A_335 : memref<1x1x128xi32, #tpu.memory_space<vmem>> -> memref<128xi32, #tpu.memory_space<vmem>>
    %dma_wait3A_337 = arith.constant 0 : i32
    %dma_wait3A_338 = arith.constant 0 : i32
    %dma_wait3A_339 = tpu.memref_slice %arg11[%dma_wait3A_337, %dma_wait3A_338] : memref<10240x64xf32, #tpu.memory_space<vmem_shared>> -> memref<10240x64xf32, #tpu.memory_space<vmem_shared>>
    tpu.wait_indirect_dma semaphore(%arg17 : memref<!tpu.dma_semaphore, #tpu.memory_space<semaphore_mem>>) src(%arg8 : memref<128x64xf32, #tpu.memory_space<vmem>>) dst(%dma_wait3A_339 : memref<10240x64xf32, #tpu.memory_space<vmem_shared>>)
    %dma_start3A_340 = arith.constant 1 : i32
    %dma_start3A_341 = arith.constant 0 : i32
    %dma_start3A_342 = arith.constant 0 : i32
    %dma_start3A_343 = tpu.memref_slice %arg6[%dma_start3A_340, %dma_start3A_341, %dma_start3A_342] : memref<4x2x128xi32, #tpu.memory_space<vmem>> -> memref<1x1x128xi32, #tpu.memory_space<vmem>>
    %dma_start3A_344 = tpu.memref_squeeze %dma_start3A_343 : memref<1x1x128xi32, #tpu.memory_space<vmem>> -> memref<128xi32, #tpu.memory_space<vmem>>
    %dma_start3A_345 = arith.constant 0 : i32
    %dma_start3A_346 = arith.constant 0 : i32
    %dma_start3A_347 = tpu.memref_slice %arg10[%dma_start3A_345, %dma_start3A_346] : memref<10240x64xf32, #tpu.memory_space<vmem_shared>> -> memref<10240x64xf32, #tpu.memory_space<vmem_shared>>
    tpu.enqueue_indirect_dma source(%dma_start3A_347 : memref<10240x64xf32, #tpu.memory_space<vmem_shared>>) target(%arg8 : memref<128x64xf32, #tpu.memory_space<vmem>>) offsets(%dma_start3A_344 : memref<128xi32, #tpu.memory_space<vmem>>) semaphore(%arg15 : memref<!tpu.dma_semaphore, #tpu.memory_space<semaphore_mem>>)
    %dma_wait3A_348 = arith.constant 0 : i32
    %dma_wait3A_349 = arith.constant 0 : i32
    %dma_wait3A_350 = arith.constant 0 : i32
    %dma_wait3A_351 = tpu.memref_slice %arg6[%dma_wait3A_348, %dma_wait3A_349, %dma_wait3A_350] : memref<4x2x128xi32, #tpu.memory_space<vmem>> -> memref<1x1x128xi32, #tpu.memory_space<vmem>>
    %dma_wait3A_352 = tpu.memref_squeeze %dma_wait3A_351 : memref<1x1x128xi32, #tpu.memory_space<vmem>> -> memref<128xi32, #tpu.memory_space<vmem>>
    %dma_wait3A_353 = arith.constant 0 : i32
    %dma_wait3A_354 = arith.constant 0 : i32
    %dma_wait3A_355 = tpu.memref_slice %arg10[%dma_wait3A_353, %dma_wait3A_354] : memref<10240x64xf32, #tpu.memory_space<vmem_shared>> -> memref<10240x64xf32, #tpu.memory_space<vmem_shared>>
    tpu.wait_indirect_dma semaphore(%arg14 : memref<!tpu.dma_semaphore, #tpu.memory_space<semaphore_mem>>) src(%dma_wait3A_355 : memref<10240x64xf32, #tpu.memory_space<vmem_shared>>) dst(%arg7 : memref<128x64xf32, #tpu.memory_space<vmem>>)
    %dma_start3A_356 = arith.constant 0 : i32
    %dma_start3A_357 = arith.constant 1 : i32
    %dma_start3A_358 = arith.constant 0 : i32
    %dma_start3A_359 = tpu.memref_slice %arg6[%dma_start3A_356, %dma_start3A_357, %dma_start3A_358] : memref<4x2x128xi32, #tpu.memory_space<vmem>> -> memref<1x1x128xi32, #tpu.memory_space<vmem>>
    %dma_start3A_360 = tpu.memref_squeeze %dma_start3A_359 : memref<1x1x128xi32, #tpu.memory_space<vmem>> -> memref<128xi32, #tpu.memory_space<vmem>>
    %dma_start3A_361 = arith.constant 0 : i32
    %dma_start3A_362 = arith.constant 0 : i32
    %dma_start3A_363 = tpu.memref_slice %arg11[%dma_start3A_361, %dma_start3A_362] : memref<10240x64xf32, #tpu.memory_space<vmem_shared>> -> memref<10240x64xf32, #tpu.memory_space<vmem_shared>>
    tpu.enqueue_indirect_dma source(%arg7 : memref<128x64xf32, #tpu.memory_space<vmem>>) target(%dma_start3A_363 : memref<10240x64xf32, #tpu.memory_space<vmem_shared>>) offsets(%dma_start3A_360 : memref<128xi32, #tpu.memory_space<vmem>>) semaphore(%arg16 : memref<!tpu.dma_semaphore, #tpu.memory_space<semaphore_mem>>) {add = true}
    %dma_wait3A_364 = arith.constant 1 : i32
    %dma_wait3A_365 = arith.constant 0 : i32
    %dma_wait3A_366 = arith.constant 0 : i32
    %dma_wait3A_367 = tpu.memref_slice %arg6[%dma_wait3A_364, %dma_wait3A_365, %dma_wait3A_366] : memref<4x2x128xi32, #tpu.memory_space<vmem>> -> memref<1x1x128xi32, #tpu.memory_space<vmem>>
    %dma_wait3A_368 = tpu.memref_squeeze %dma_wait3A_367 : memref<1x1x128xi32, #tpu.memory_space<vmem>> -> memref<128xi32, #tpu.memory_space<vmem>>
    %dma_wait3A_369 = arith.constant 0 : i32
    %dma_wait3A_370 = arith.constant 0 : i32
    %dma_wait3A_371 = tpu.memref_slice %arg10[%dma_wait3A_369, %dma_wait3A_370] : memref<10240x64xf32, #tpu.memory_space<vmem_shared>> -> memref<10240x64xf32, #tpu.memory_space<vmem_shared>>
    tpu.wait_indirect_dma semaphore(%arg15 : memref<!tpu.dma_semaphore, #tpu.memory_space<semaphore_mem>>) src(%dma_wait3A_371 : memref<10240x64xf32, #tpu.memory_space<vmem_shared>>) dst(%arg8 : memref<128x64xf32, #tpu.memory_space<vmem>>)
    %dma_start3A_372 = arith.constant 1 : i32
    %dma_start3A_373 = arith.constant 1 : i32
    %dma_start3A_374 = arith.constant 0 : i32
    %dma_start3A_375 = tpu.memref_slice %arg6[%dma_start3A_372, %dma_start3A_373, %dma_start3A_374] : memref<4x2x128xi32, #tpu.memory_space<vmem>> -> memref<1x1x128xi32, #tpu.memory_space<vmem>>
    %dma_start3A_376 = tpu.memref_squeeze %dma_start3A_375 : memref<1x1x128xi32, #tpu.memory_space<vmem>> -> memref<128xi32, #tpu.memory_space<vmem>>
    %dma_start3A_377 = arith.constant 0 : i32
    %dma_start3A_378 = arith.constant 0 : i32
    %dma_start3A_379 = tpu.memref_slice %arg11[%dma_start3A_377, %dma_start3A_378] : memref<10240x64xf32, #tpu.memory_space<vmem_shared>> -> memref<10240x64xf32, #tpu.memory_space<vmem_shared>>
    tpu.enqueue_indirect_dma source(%arg8 : memref<128x64xf32, #tpu.memory_space<vmem>>) target(%dma_start3A_379 : memref<10240x64xf32, #tpu.memory_space<vmem_shared>>) offsets(%dma_start3A_376 : memref<128xi32, #tpu.memory_space<vmem>>) semaphore(%arg17 : memref<!tpu.dma_semaphore, #tpu.memory_space<semaphore_mem>>) {add = true}
    %dma_wait3A_380 = arith.constant 0 : i32
    %dma_wait3A_381 = arith.constant 1 : i32
    %dma_wait3A_382 = arith.constant 0 : i32
    %dma_wait3A_383 = tpu.memref_slice %arg6[%dma_wait3A_380, %dma_wait3A_381, %dma_wait3A_382] : memref<4x2x128xi32, #tpu.memory_space<vmem>> -> memref<1x1x128xi32, #tpu.memory_space<vmem>>
    %dma_wait3A_384 = tpu.memref_squeeze %dma_wait3A_383 : memref<1x1x128xi32, #tpu.memory_space<vmem>> -> memref<128xi32, #tpu.memory_space<vmem>>
    %dma_wait3A_385 = arith.constant 0 : i32
    %dma_wait3A_386 = arith.constant 0 : i32
    %dma_wait3A_387 = tpu.memref_slice %arg11[%dma_wait3A_385, %dma_wait3A_386] : memref<10240x64xf32, #tpu.memory_space<vmem_shared>> -> memref<10240x64xf32, #tpu.memory_space<vmem_shared>>
    tpu.wait_indirect_dma semaphore(%arg16 : memref<!tpu.dma_semaphore, #tpu.memory_space<semaphore_mem>>) src(%arg7 : memref<128x64xf32, #tpu.memory_space<vmem>>) dst(%dma_wait3A_387 : memref<10240x64xf32, #tpu.memory_space<vmem_shared>>)
    %dma_start3A_388 = arith.constant 2 : i32
    %dma_start3A_389 = arith.constant 0 : i32
    %dma_start3A_390 = arith.constant 0 : i32
    %dma_start3A_391 = tpu.memref_slice %arg6[%dma_start3A_388, %dma_start3A_389, %dma_start3A_390] : memref<4x2x128xi32, #tpu.memory_space<vmem>> -> memref<1x1x128xi32, #tpu.memory_space<vmem>>
    %dma_start3A_392 = tpu.memref_squeeze %dma_start3A_391 : memref<1x1x128xi32, #tpu.memory_space<vmem>> -> memref<128xi32, #tpu.memory_space<vmem>>
    %dma_start3A_393 = arith.constant 0 : i32
    %dma_start3A_394 = arith.constant 0 : i32
    %dma_start3A_395 = tpu.memref_slice %arg10[%dma_start3A_393, %dma_start3A_394] : memref<10240x64xf32, #tpu.memory_space<vmem_shared>> -> memref<10240x64xf32, #tpu.memory_space<vmem_shared>>
    tpu.enqueue_indirect_dma source(%dma_start3A_395 : memref<10240x64xf32, #tpu.memory_space<vmem_shared>>) target(%arg7 : memref<128x64xf32, #tpu.memory_space<vmem>>) offsets(%dma_start3A_392 : memref<128xi32, #tpu.memory_space<vmem>>) semaphore(%arg14 : memref<!tpu.dma_semaphore, #tpu.memory_space<semaphore_mem>>)
    %dma_wait3A_396 = arith.constant 1 : i32
    %dma_wait3A_397 = arith.constant 1 : i32
    %dma_wait3A_398 = arith.constant 0 : i32
    %dma_wait3A_399 = tpu.memref_slice %arg6[%dma_wait3A_396, %dma_wait3A_397, %dma_wait3A_398] : memref<4x2x128xi32, #tpu.memory_space<vmem>> -> memref<1x1x128xi32, #tpu.memory_space<vmem>>
    %dma_wait3A_400 = tpu.memref_squeeze %dma_wait3A_399 : memref<1x1x128xi32, #tpu.memory_space<vmem>> -> memref<128xi32, #tpu.memory_space<vmem>>
    %dma_wait3A_401 = arith.constant 0 : i32
    %dma_wait3A_402 = arith.constant 0 : i32
    %dma_wait3A_403 = tpu.memref_slice %arg11[%dma_wait3A_401, %dma_wait3A_402] : memref<10240x64xf32, #tpu.memory_space<vmem_shared>> -> memref<10240x64xf32, #tpu.memory_space<vmem_shared>>
    tpu.wait_indirect_dma semaphore(%arg17 : memref<!tpu.dma_semaphore, #tpu.memory_space<semaphore_mem>>) src(%arg8 : memref<128x64xf32, #tpu.memory_space<vmem>>) dst(%dma_wait3A_403 : memref<10240x64xf32, #tpu.memory_space<vmem_shared>>)
    %dma_start3A_404 = arith.constant 3 : i32
    %dma_start3A_405 = arith.constant 0 : i32
    %dma_start3A_406 = arith.constant 0 : i32
    %dma_start3A_407 = tpu.memref_slice %arg6[%dma_start3A_404, %dma_start3A_405, %dma_start3A_406] : memref<4x2x128xi32, #tpu.memory_space<vmem>> -> memref<1x1x128xi32, #tpu.memory_space<vmem>>
    %dma_start3A_408 = tpu.memref_squeeze %dma_start3A_407 : memref<1x1x128xi32, #tpu.memory_space<vmem>> -> memref<128xi32, #tpu.memory_space<vmem>>
    %dma_start3A_409 = arith.constant 0 : i32
    %dma_start3A_410 = arith.constant 0 : i32
    %dma_start3A_411 = tpu.memref_slice %arg10[%dma_start3A_409, %dma_start3A_410] : memref<10240x64xf32, #tpu.memory_space<vmem_shared>> -> memref<10240x64xf32, #tpu.memory_space<vmem_shared>>
    tpu.enqueue_indirect_dma source(%dma_start3A_411 : memref<10240x64xf32, #tpu.memory_space<vmem_shared>>) target(%arg8 : memref<128x64xf32, #tpu.memory_space<vmem>>) offsets(%dma_start3A_408 : memref<128xi32, #tpu.memory_space<vmem>>) semaphore(%arg15 : memref<!tpu.dma_semaphore, #tpu.memory_space<semaphore_mem>>)
    %dma_wait3A_412 = arith.constant 2 : i32
    %dma_wait3A_413 = arith.constant 0 : i32
    %dma_wait3A_414 = arith.constant 0 : i32
    %dma_wait3A_415 = tpu.memref_slice %arg6[%dma_wait3A_412, %dma_wait3A_413, %dma_wait3A_414] : memref<4x2x128xi32, #tpu.memory_space<vmem>> -> memref<1x1x128xi32, #tpu.memory_space<vmem>>
    %dma_wait3A_416 = tpu.memref_squeeze %dma_wait3A_415 : memref<1x1x128xi32, #tpu.memory_space<vmem>> -> memref<128xi32, #tpu.memory_space<vmem>>
    %dma_wait3A_417 = arith.constant 0 : i32
    %dma_wait3A_418 = arith.constant 0 : i32
    %dma_wait3A_419 = tpu.memref_slice %arg10[%dma_wait3A_417, %dma_wait3A_418] : memref<10240x64xf32, #tpu.memory_space<vmem_shared>> -> memref<10240x64xf32, #tpu.memory_space<vmem_shared>>
    tpu.wait_indirect_dma semaphore(%arg14 : memref<!tpu.dma_semaphore, #tpu.memory_space<semaphore_mem>>) src(%dma_wait3A_419 : memref<10240x64xf32, #tpu.memory_space<vmem_shared>>) dst(%arg7 : memref<128x64xf32, #tpu.memory_space<vmem>>)
    %dma_start3A_420 = arith.constant 2 : i32
    %dma_start3A_421 = arith.constant 1 : i32
    %dma_start3A_422 = arith.constant 0 : i32
    %dma_start3A_423 = tpu.memref_slice %arg6[%dma_start3A_420, %dma_start3A_421, %dma_start3A_422] : memref<4x2x128xi32, #tpu.memory_space<vmem>> -> memref<1x1x128xi32, #tpu.memory_space<vmem>>
    %dma_start3A_424 = tpu.memref_squeeze %dma_start3A_423 : memref<1x1x128xi32, #tpu.memory_space<vmem>> -> memref<128xi32, #tpu.memory_space<vmem>>
    %dma_start3A_425 = arith.constant 0 : i32
    %dma_start3A_426 = arith.constant 0 : i32
    %dma_start3A_427 = tpu.memref_slice %arg11[%dma_start3A_425, %dma_start3A_426] : memref<10240x64xf32, #tpu.memory_space<vmem_shared>> -> memref<10240x64xf32, #tpu.memory_space<vmem_shared>>
    tpu.enqueue_indirect_dma source(%arg7 : memref<128x64xf32, #tpu.memory_space<vmem>>) target(%dma_start3A_427 : memref<10240x64xf32, #tpu.memory_space<vmem_shared>>) offsets(%dma_start3A_424 : memref<128xi32, #tpu.memory_space<vmem>>) semaphore(%arg16 : memref<!tpu.dma_semaphore, #tpu.memory_space<semaphore_mem>>) {add = true}
    %dma_wait3A_428 = arith.constant 3 : i32
    %dma_wait3A_429 = arith.constant 0 : i32
    %dma_wait3A_430 = arith.constant 0 : i32
    %dma_wait3A_431 = tpu.memref_slice %arg6[%dma_wait3A_428, %dma_wait3A_429, %dma_wait3A_430] : memref<4x2x128xi32, #tpu.memory_space<vmem>> -> memref<1x1x128xi32, #tpu.memory_space<vmem>>
    %dma_wait3A_432 = tpu.memref_squeeze %dma_wait3A_431 : memref<1x1x128xi32, #tpu.memory_space<vmem>> -> memref<128xi32, #tpu.memory_space<vmem>>
    %dma_wait3A_433 = arith.constant 0 : i32
    %dma_wait3A_434 = arith.constant 0 : i32
    %dma_wait3A_435 = tpu.memref_slice %arg10[%dma_wait3A_433, %dma_wait3A_434] : memref<10240x64xf32, #tpu.memory_space<vmem_shared>> -> memref<10240x64xf32, #tpu.memory_space<vmem_shared>>
    tpu.wait_indirect_dma semaphore(%arg15 : memref<!tpu.dma_semaphore, #tpu.memory_space<semaphore_mem>>) src(%dma_wait3A_435 : memref<10240x64xf32, #tpu.memory_space<vmem_shared>>) dst(%arg8 : memref<128x64xf32, #tpu.memory_space<vmem>>)
    %dma_start3A_436 = arith.constant 3 : i32
    %dma_start3A_437 = arith.constant 1 : i32
    %dma_start3A_438 = arith.constant 0 : i32
    %dma_start3A_439 = tpu.memref_slice %arg6[%dma_start3A_436, %dma_start3A_437, %dma_start3A_438] : memref<4x2x128xi32, #tpu.memory_space<vmem>> -> memref<1x1x128xi32, #tpu.memory_space<vmem>>
    %dma_start3A_440 = tpu.memref_squeeze %dma_start3A_439 : memref<1x1x128xi32, #tpu.memory_space<vmem>> -> memref<128xi32, #tpu.memory_space<vmem>>
    %dma_start3A_441 = arith.constant 0 : i32
    %dma_start3A_442 = arith.constant 0 : i32
    %dma_start3A_443 = tpu.memref_slice %arg11[%dma_start3A_441, %dma_start3A_442] : memref<10240x64xf32, #tpu.memory_space<vmem_shared>> -> memref<10240x64xf32, #tpu.memory_space<vmem_shared>>
    tpu.enqueue_indirect_dma source(%arg8 : memref<128x64xf32, #tpu.memory_space<vmem>>) target(%dma_start3A_443 : memref<10240x64xf32, #tpu.memory_space<vmem_shared>>) offsets(%dma_start3A_440 : memref<128xi32, #tpu.memory_space<vmem>>) semaphore(%arg17 : memref<!tpu.dma_semaphore, #tpu.memory_space<semaphore_mem>>) {add = true}
    %dma_wait3A_444 = arith.constant 2 : i32
    %dma_wait3A_445 = arith.constant 1 : i32
    %dma_wait3A_446 = arith.constant 0 : i32
    %dma_wait3A_447 = tpu.memref_slice %arg6[%dma_wait3A_444, %dma_wait3A_445, %dma_wait3A_446] : memref<4x2x128xi32, #tpu.memory_space<vmem>> -> memref<1x1x128xi32, #tpu.memory_space<vmem>>
    %dma_wait3A_448 = tpu.memref_squeeze %dma_wait3A_447 : memref<1x1x128xi32, #tpu.memory_space<vmem>> -> memref<128xi32, #tpu.memory_space<vmem>>
    %dma_wait3A_449 = arith.constant 0 : i32
    %dma_wait3A_450 = arith.constant 0 : i32
    %dma_wait3A_451 = tpu.memref_slice %arg11[%dma_wait3A_449, %dma_wait3A_450] : memref<10240x64xf32, #tpu.memory_space<vmem_shared>> -> memref<10240x64xf32, #tpu.memory_space<vmem_shared>>
    tpu.wait_indirect_dma semaphore(%arg16 : memref<!tpu.dma_semaphore, #tpu.memory_space<semaphore_mem>>) src(%arg7 : memref<128x64xf32, #tpu.memory_space<vmem>>) dst(%dma_wait3A_451 : memref<10240x64xf32, #tpu.memory_space<vmem_shared>>)
    %dma_wait3A_452 = arith.constant 3 : i32
    %dma_wait3A_453 = arith.constant 1 : i32
    %dma_wait3A_454 = arith.constant 0 : i32
    %dma_wait3A_455 = tpu.memref_slice %arg6[%dma_wait3A_452, %dma_wait3A_453, %dma_wait3A_454] : memref<4x2x128xi32, #tpu.memory_space<vmem>> -> memref<1x1x128xi32, #tpu.memory_space<vmem>>
    %dma_wait3A_456 = tpu.memref_squeeze %dma_wait3A_455 : memref<1x1x128xi32, #tpu.memory_space<vmem>> -> memref<128xi32, #tpu.memory_space<vmem>>
    %dma_wait3A_457 = arith.constant 0 : i32
    %dma_wait3A_458 = arith.constant 0 : i32
    %dma_wait3A_459 = tpu.memref_slice %arg11[%dma_wait3A_457, %dma_wait3A_458] : memref<10240x64xf32, #tpu.memory_space<vmem_shared>> -> memref<10240x64xf32, #tpu.memory_space<vmem_shared>>
    tpu.wait_indirect_dma semaphore(%arg17 : memref<!tpu.dma_semaphore, #tpu.memory_space<semaphore_mem>>) src(%arg8 : memref<128x64xf32, #tpu.memory_space<vmem>>) dst(%dma_wait3A_459 : memref<10240x64xf32, #tpu.memory_space<vmem_shared>>)
    %barrier3A_460 = arith.constant 0 : index
    tpu.barrier barrier_id(%barrier3A_460)
    "tpu.region"() ({
      %run_scoped3A = tpu.sem_alloc : memref<!tpu.dma_semaphore, #tpu.memory_space<semaphore_mem>>
      %dma_start3A_461 = arith.constant 0 : i32
      %dma_start3A_462 = tpu.memref_slice %arg4[%arg0, %mul3A_0, %dma_start3A_461] : memref<2x10240x64xf32, #tpu.memory_space<hbm>> -> memref<1x640x64xf32, #tpu.memory_space<hbm>>
      %dma_start3A_463 = tpu.memref_squeeze %dma_start3A_462 : memref<1x640x64xf32, #tpu.memory_space<hbm>> -> memref<640x64xf32, #tpu.memory_space<hbm>>
      %dma_start3A_464 = arith.constant 0 : i32
      %dma_start3A_465 = tpu.memref_slice %arg11[%mul3A_0, %dma_start3A_464] : memref<10240x64xf32, #tpu.memory_space<vmem_shared>> -> memref<640x64xf32, #tpu.memory_space<vmem_shared>>
      tpu.enqueue_dma source(%dma_start3A_465 : memref<640x64xf32, #tpu.memory_space<vmem_shared>>) target(%dma_start3A_463 : memref<640x64xf32, #tpu.memory_space<hbm>>) target_semaphore(%run_scoped3A : memref<!tpu.dma_semaphore, #tpu.memory_space<semaphore_mem>>)
      %dma_wait3A_466 = arith.constant 0 : i32
      %dma_wait3A_467 = tpu.memref_slice %arg4[%arg0, %mul3A_0, %dma_wait3A_466] : memref<2x10240x64xf32, #tpu.memory_space<hbm>> -> memref<1x640x64xf32, #tpu.memory_space<hbm>>
      %dma_wait3A_468 = tpu.memref_squeeze %dma_wait3A_467 : memref<1x640x64xf32, #tpu.memory_space<hbm>> -> memref<640x64xf32, #tpu.memory_space<hbm>>
      %dma_wait3A_469 = arith.constant 0 : i32
      %dma_wait3A_470 = tpu.memref_slice %arg11[%mul3A_0, %dma_wait3A_469] : memref<10240x64xf32, #tpu.memory_space<vmem_shared>> -> memref<640x64xf32, #tpu.memory_space<vmem_shared>>
      tpu.wait_dma2 semaphore(%run_scoped3A : memref<!tpu.dma_semaphore, #tpu.memory_space<semaphore_mem>>) src(%dma_wait3A_470 : memref<640x64xf32, #tpu.memory_space<vmem_shared>>) dst(%dma_wait3A_468 : memref<640x64xf32, #tpu.memory_space<hbm>>)
      tpu.yield
    }) : () -> ()
    return
  }
}

#map = affine_map<(d0, d1) -> (0, 0, 0)>
#map1 = affine_map<(d0, d1) -> (0, 0, 0, 0, 0)>
module attributes {stable_mosaic.version = 14 : i64} {
  func.func @_agg_kernel(%arg0: i32, %arg1: i32, %arg2: memref<2x10240x64xf32, #tpu.memory_space<hbm>>, %arg3: memref<16x40x4x2x128xi32, #tpu.memory_space<hbm>>, %arg4: memref<2x10240x64xf32, #tpu.memory_space<hbm>>, %arg5: memref<4x2x128xi32, #tpu.memory_space<vmem>>, %arg6: memref<4x2x128xi32, #tpu.memory_space<vmem>>, %arg7: memref<128x64xf32, #tpu.memory_space<vmem>>, %arg8: memref<128x64xf32, #tpu.memory_space<vmem>>, %arg9: memref<128x64xf32, #tpu.memory_space<vmem>>, %arg10: memref<10240x64xf32, #tpu.memory_space<vmem_shared>>, %arg11: memref<10240x64xf32, #tpu.memory_space<vmem_shared>>, %arg12: memref<!tpu.dma_semaphore, #tpu.memory_space<semaphore_mem>>, %arg13: memref<!tpu.dma_semaphore, #tpu.memory_space<semaphore_mem>>, %arg14: memref<!tpu.dma_semaphore, #tpu.memory_space<semaphore_mem>>, %arg15: memref<!tpu.dma_semaphore, #tpu.memory_space<semaphore_mem>>, %arg16: memref<!tpu.dma_semaphore, #tpu.memory_space<semaphore_mem>>, %arg17: memref<!tpu.dma_semaphore, #tpu.memory_space<semaphore_mem>>, %arg18: memref<!tpu.dma_semaphore, #tpu.memory_space<semaphore_mem>>, %arg19: memref<!tpu.dma_semaphore, #tpu.memory_space<semaphore_mem>>, %arg20: memref<!tpu.dma_semaphore, #tpu.memory_space<semaphore_mem>>) attributes {dimension_semantics = [#tpu.dimension_semantics<core_parallel>, #tpu.dimension_semantics<subcore_parallel>], iteration_bounds = array<i64: 2, 16>, scalar_prefetch = 0 : i64, scratch_operands = 16 : i64, tpu.core_type = #tpu.core_type<sc_vector_subcore>, window_params = [{transform_indices = #map}, {transform_indices = #map1}, {transform_indices = #map}]} {
    %mul3A = arith.constant 640 : i32
    %mul3A_0 = arith.muli %arg1, %mul3A : i32
    %broadcast_in_dim3A = arith.constant 0.000000e+00 : f32
    %broadcast_in_dim3A_1 = vector.broadcast %broadcast_in_dim3A : f32 to vector<16xf32>
    %dma_start3A = arith.constant 0 : i32
    %dma_start3A_2 = arith.constant 0 : i32
    %dma_start3A_3 = arith.constant 0 : i32
    %dma_start3A_4 = arith.constant 0 : i32
    %dma_start3A_5 = tpu.memref_slice %arg3[%arg1, %dma_start3A, %dma_start3A_2, %dma_start3A_3, %dma_start3A_4] : memref<16x40x4x2x128xi32, #tpu.memory_space<hbm>> -> memref<1x1x4x2x128xi32, #tpu.memory_space<hbm>>
    %dma_start3A_6 = tpu.memref_squeeze %dma_start3A_5 : memref<1x1x4x2x128xi32, #tpu.memory_space<hbm>> -> memref<4x2x128xi32, #tpu.memory_space<hbm>>
    %dma_start3A_7 = arith.constant 0 : i32
    %dma_start3A_8 = arith.constant 0 : i32
    %dma_start3A_9 = arith.constant 0 : i32
    %dma_start3A_10 = tpu.memref_slice %arg3[%arg1, %dma_start3A, %dma_start3A_7, %dma_start3A_8, %dma_start3A_9] : memref<16x40x4x2x128xi32, #tpu.memory_space<hbm>> -> memref<1x1x4x2x128xi32, #tpu.memory_space<hbm>>
    %dma_start3A_11 = tpu.memref_squeeze %dma_start3A_10 : memref<1x1x4x2x128xi32, #tpu.memory_space<hbm>> -> memref<4x2x128xi32, #tpu.memory_space<hbm>>
    tpu.enqueue_dma source(%dma_start3A_11 : memref<4x2x128xi32, #tpu.memory_space<hbm>>) target(%arg5 : memref<4x2x128xi32, #tpu.memory_space<vmem>>) target_semaphore(%arg12 : memref<!tpu.dma_semaphore, #tpu.memory_space<semaphore_mem>>)
    %dma_start3A_12 = arith.constant 1 : i32
    %dma_start3A_13 = arith.constant 0 : i32
    %dma_start3A_14 = arith.constant 0 : i32
    %dma_start3A_15 = arith.constant 0 : i32
    %dma_start3A_16 = tpu.memref_slice %arg3[%arg1, %dma_start3A_12, %dma_start3A_13, %dma_start3A_14, %dma_start3A_15] : memref<16x40x4x2x128xi32, #tpu.memory_space<hbm>> -> memref<1x1x4x2x128xi32, #tpu.memory_space<hbm>>
    %dma_start3A_17 = tpu.memref_squeeze %dma_start3A_16 : memref<1x1x4x2x128xi32, #tpu.memory_space<hbm>> -> memref<4x2x128xi32, #tpu.memory_space<hbm>>
    %dma_start3A_18 = arith.constant 0 : i32
    %dma_start3A_19 = arith.constant 0 : i32
    %dma_start3A_20 = arith.constant 0 : i32
    %dma_start3A_21 = tpu.memref_slice %arg3[%arg1, %dma_start3A_12, %dma_start3A_18, %dma_start3A_19, %dma_start3A_20] : memref<16x40x4x2x128xi32, #tpu.memory_space<hbm>> -> memref<1x1x4x2x128xi32, #tpu.memory_space<hbm>>
    %dma_start3A_22 = tpu.memref_squeeze %dma_start3A_21 : memref<1x1x4x2x128xi32, #tpu.memory_space<hbm>> -> memref<4x2x128xi32, #tpu.memory_space<hbm>>
    tpu.enqueue_dma source(%dma_start3A_22 : memref<4x2x128xi32, #tpu.memory_space<hbm>>) target(%arg6 : memref<4x2x128xi32, #tpu.memory_space<vmem>>) target_semaphore(%arg13 : memref<!tpu.dma_semaphore, #tpu.memory_space<semaphore_mem>>)
    %scan3A = arith.constant 0 : i32
    %scan3A_23 = arith.constant 0 : i32
    %scan3A_24 = arith.constant 128 : i32
    %scan3A_25 = arith.addi %scan3A_23, %scan3A_24 : i32
    %scan3A_26 = arith.constant 1 : i32
    scf.for %scan3A_461 = %scan3A_23 to %scan3A_25 step %scan3A_26  : i32 {
      %swap3A = arith.index_cast %scan3A_461 : i32 to index
      %swap3A_462 = arith.constant 0 : index
      %swap3A_463 = tpu.vector_load %arg7[%swap3A, %swap3A_462] {strides = array<i32>} : memref<128x64xf32, #tpu.memory_space<vmem>>, vector<1x16xf32>,
      %swap3A_464 = vector.shape_cast %swap3A_463 : vector<1x16xf32> to vector<16xf32>
      %swap3A_465 = vector.shape_cast %broadcast_in_dim3A_1 : vector<16xf32> to vector<1x16xf32>
      tpu.vector_store %arg7[%swap3A, %swap3A_462], %swap3A_465 {strides = array<i32>} : memref<128x64xf32, #tpu.memory_space<vmem>>, vector<1x16xf32>,
      %swap3A_466 = arith.index_cast %scan3A_461 : i32 to index
      %swap3A_467 = arith.constant 16 : index
      %swap3A_468 = tpu.vector_load %arg7[%swap3A_466, %swap3A_467] {strides = array<i32>} : memref<128x64xf32, #tpu.memory_space<vmem>>, vector<1x16xf32>,
      %swap3A_469 = vector.shape_cast %swap3A_468 : vector<1x16xf32> to vector<16xf32>
      %swap3A_470 = vector.shape_cast %broadcast_in_dim3A_1 : vector<16xf32> to vector<1x16xf32>
      tpu.vector_store %arg7[%swap3A_466, %swap3A_467], %swap3A_470 {strides = array<i32>} : memref<128x64xf32, #tpu.memory_space<vmem>>, vector<1x16xf32>,
      %swap3A_471 = arith.index_cast %scan3A_461 : i32 to index
      %swap3A_472 = arith.constant 32 : index
      %swap3A_473 = tpu.vector_load %arg7[%swap3A_471, %swap3A_472] {strides = array<i32>} : memref<128x64xf32, #tpu.memory_space<vmem>>, vector<1x16xf32>,
      %swap3A_474 = vector.shape_cast %swap3A_473 : vector<1x16xf32> to vector<16xf32>
      %swap3A_475 = vector.shape_cast %broadcast_in_dim3A_1 : vector<16xf32> to vector<1x16xf32>
      tpu.vector_store %arg7[%swap3A_471, %swap3A_472], %swap3A_475 {strides = array<i32>} : memref<128x64xf32, #tpu.memory_space<vmem>>, vector<1x16xf32>,
      %swap3A_476 = arith.index_cast %scan3A_461 : i32 to index
      %swap3A_477 = arith.constant 48 : index
      %swap3A_478 = tpu.vector_load %arg7[%swap3A_476, %swap3A_477] {strides = array<i32>} : memref<128x64xf32, #tpu.memory_space<vmem>>, vector<1x16xf32>,
      %swap3A_479 = vector.shape_cast %swap3A_478 : vector<1x16xf32> to vector<16xf32>
      %swap3A_480 = vector.shape_cast %broadcast_in_dim3A_1 : vector<16xf32> to vector<1x16xf32>
      tpu.vector_store %arg7[%swap3A_476, %swap3A_477], %swap3A_480 {strides = array<i32>} : memref<128x64xf32, #tpu.memory_space<vmem>>, vector<1x16xf32>,
    }
    %scan3A_27 = arith.constant 128 : i32
    %add3A = arith.constant 0 : i32
    %add3A_28 = arith.addi %mul3A_0, %add3A : i32
    %dma_start3A_29 = arith.constant 0 : i32
    %dma_start3A_30 = tpu.memref_slice %arg11[%add3A_28, %dma_start3A_29] : memref<10240x64xf32, #tpu.memory_space<vmem_shared>> -> memref<128x64xf32, #tpu.memory_space<vmem_shared>>
    %dma_start3A_31 = arith.constant 0 : i32
    %dma_start3A_32 = tpu.memref_slice %arg11[%add3A_28, %dma_start3A_31] : memref<10240x64xf32, #tpu.memory_space<vmem_shared>> -> memref<128x64xf32, #tpu.memory_space<vmem_shared>>
    tpu.enqueue_dma source(%arg7 : memref<128x64xf32, #tpu.memory_space<vmem>>) target(%dma_start3A_32 : memref<128x64xf32, #tpu.memory_space<vmem_shared>>) target_semaphore(%arg18 : memref<!tpu.dma_semaphore, #tpu.memory_space<semaphore_mem>>)
    %add3A_33 = arith.constant 128 : i32
    %add3A_34 = arith.addi %mul3A_0, %add3A_33 : i32
    %dma_start3A_35 = arith.constant 0 : i32
    %dma_start3A_36 = tpu.memref_slice %arg11[%add3A_34, %dma_start3A_35] : memref<10240x64xf32, #tpu.memory_space<vmem_shared>> -> memref<128x64xf32, #tpu.memory_space<vmem_shared>>
    %dma_start3A_37 = arith.constant 0 : i32
    %dma_start3A_38 = tpu.memref_slice %arg11[%add3A_34, %dma_start3A_37] : memref<10240x64xf32, #tpu.memory_space<vmem_shared>> -> memref<128x64xf32, #tpu.memory_space<vmem_shared>>
    tpu.enqueue_dma source(%arg7 : memref<128x64xf32, #tpu.memory_space<vmem>>) target(%dma_start3A_38 : memref<128x64xf32, #tpu.memory_space<vmem_shared>>) target_semaphore(%arg18 : memref<!tpu.dma_semaphore, #tpu.memory_space<semaphore_mem>>)
    %add3A_39 = arith.constant 256 : i32
    %add3A_40 = arith.addi %mul3A_0, %add3A_39 : i32
    %dma_start3A_41 = arith.constant 0 : i32
    %dma_start3A_42 = tpu.memref_slice %arg11[%add3A_40, %dma_start3A_41] : memref<10240x64xf32, #tpu.memory_space<vmem_shared>> -> memref<128x64xf32, #tpu.memory_space<vmem_shared>>
    %dma_start3A_43 = arith.constant 0 : i32
    %dma_start3A_44 = tpu.memref_slice %arg11[%add3A_40, %dma_start3A_43] : memref<10240x64xf32, #tpu.memory_space<vmem_shared>> -> memref<128x64xf32, #tpu.memory_space<vmem_shared>>
    tpu.enqueue_dma source(%arg7 : memref<128x64xf32, #tpu.memory_space<vmem>>) target(%dma_start3A_44 : memref<128x64xf32, #tpu.memory_space<vmem_shared>>) target_semaphore(%arg18 : memref<!tpu.dma_semaphore, #tpu.memory_space<semaphore_mem>>)
    %add3A_45 = arith.constant 384 : i32
    %add3A_46 = arith.addi %mul3A_0, %add3A_45 : i32
    %dma_start3A_47 = arith.constant 0 : i32
    %dma_start3A_48 = tpu.memref_slice %arg11[%add3A_46, %dma_start3A_47] : memref<10240x64xf32, #tpu.memory_space<vmem_shared>> -> memref<128x64xf32, #tpu.memory_space<vmem_shared>>
    %dma_start3A_49 = arith.constant 0 : i32
    %dma_start3A_50 = tpu.memref_slice %arg11[%add3A_46, %dma_start3A_49] : memref<10240x64xf32, #tpu.memory_space<vmem_shared>> -> memref<128x64xf32, #tpu.memory_space<vmem_shared>>
    tpu.enqueue_dma source(%arg7 : memref<128x64xf32, #tpu.memory_space<vmem>>) target(%dma_start3A_50 : memref<128x64xf32, #tpu.memory_space<vmem_shared>>) target_semaphore(%arg18 : memref<!tpu.dma_semaphore, #tpu.memory_space<semaphore_mem>>)
    %add3A_51 = arith.constant 512 : i32
    %add3A_52 = arith.addi %mul3A_0, %add3A_51 : i32
    %dma_start3A_53 = arith.constant 0 : i32
    %dma_start3A_54 = tpu.memref_slice %arg11[%add3A_52, %dma_start3A_53] : memref<10240x64xf32, #tpu.memory_space<vmem_shared>> -> memref<128x64xf32, #tpu.memory_space<vmem_shared>>
    %dma_start3A_55 = arith.constant 0 : i32
    %dma_start3A_56 = tpu.memref_slice %arg11[%add3A_52, %dma_start3A_55] : memref<10240x64xf32, #tpu.memory_space<vmem_shared>> -> memref<128x64xf32, #tpu.memory_space<vmem_shared>>
    tpu.enqueue_dma source(%arg7 : memref<128x64xf32, #tpu.memory_space<vmem>>) target(%dma_start3A_56 : memref<128x64xf32, #tpu.memory_space<vmem_shared>>) target_semaphore(%arg18 : memref<!tpu.dma_semaphore, #tpu.memory_space<semaphore_mem>>)
    %add3A_57 = arith.constant 0 : i32
    %add3A_58 = arith.addi %mul3A_0, %add3A_57 : i32
    %dma_start3A_59 = arith.constant 0 : i32
    %dma_start3A_60 = tpu.memref_slice %arg2[%arg0, %add3A_58, %dma_start3A_59] : memref<2x10240x64xf32, #tpu.memory_space<hbm>> -> memref<1x128x64xf32, #tpu.memory_space<hbm>>
    %dma_start3A_61 = tpu.memref_squeeze %dma_start3A_60 : memref<1x128x64xf32, #tpu.memory_space<hbm>> -> memref<128x64xf32, #tpu.memory_space<hbm>>
    %dma_start3A_62 = arith.constant 0 : i32
    %dma_start3A_63 = tpu.memref_slice %arg2[%arg0, %add3A_58, %dma_start3A_62] : memref<2x10240x64xf32, #tpu.memory_space<hbm>> -> memref<1x128x64xf32, #tpu.memory_space<hbm>>
    %dma_start3A_64 = tpu.memref_squeeze %dma_start3A_63 : memref<1x128x64xf32, #tpu.memory_space<hbm>> -> memref<128x64xf32, #tpu.memory_space<hbm>>
    tpu.enqueue_dma source(%dma_start3A_64 : memref<128x64xf32, #tpu.memory_space<hbm>>) target(%arg9 : memref<128x64xf32, #tpu.memory_space<vmem>>) target_semaphore(%arg19 : memref<!tpu.dma_semaphore, #tpu.memory_space<semaphore_mem>>)
    %add3A_65 = arith.constant 128 : i32
    %add3A_66 = arith.addi %mul3A_0, %add3A_65 : i32
    %dma_start3A_67 = arith.constant 0 : i32
    %dma_start3A_68 = tpu.memref_slice %arg2[%arg0, %add3A_66, %dma_start3A_67] : memref<2x10240x64xf32, #tpu.memory_space<hbm>> -> memref<1x128x64xf32, #tpu.memory_space<hbm>>
    %dma_start3A_69 = tpu.memref_squeeze %dma_start3A_68 : memref<1x128x64xf32, #tpu.memory_space<hbm>> -> memref<128x64xf32, #tpu.memory_space<hbm>>
    %dma_start3A_70 = arith.constant 0 : i32
    %dma_start3A_71 = tpu.memref_slice %arg2[%arg0, %add3A_66, %dma_start3A_70] : memref<2x10240x64xf32, #tpu.memory_space<hbm>> -> memref<1x128x64xf32, #tpu.memory_space<hbm>>
    %dma_start3A_72 = tpu.memref_squeeze %dma_start3A_71 : memref<1x128x64xf32, #tpu.memory_space<hbm>> -> memref<128x64xf32, #tpu.memory_space<hbm>>
    tpu.enqueue_dma source(%dma_start3A_72 : memref<128x64xf32, #tpu.memory_space<hbm>>) target(%arg8 : memref<128x64xf32, #tpu.memory_space<vmem>>) target_semaphore(%arg20 : memref<!tpu.dma_semaphore, #tpu.memory_space<semaphore_mem>>)
    %add3A_73 = arith.constant 0 : i32
    %add3A_74 = arith.addi %mul3A_0, %add3A_73 : i32
    %dma_wait3A = arith.constant 0 : i32
    %dma_wait3A_75 = tpu.memref_slice %arg2[%arg0, %add3A_74, %dma_wait3A] : memref<2x10240x64xf32, #tpu.memory_space<hbm>> -> memref<1x128x64xf32, #tpu.memory_space<hbm>>
    %dma_wait3A_76 = tpu.memref_squeeze %dma_wait3A_75 : memref<1x128x64xf32, #tpu.memory_space<hbm>> -> memref<128x64xf32, #tpu.memory_space<hbm>>
    %dma_wait3A_77 = arith.constant 0 : i32
    %dma_wait3A_78 = tpu.memref_slice %arg2[%arg0, %add3A_74, %dma_wait3A_77] : memref<2x10240x64xf32, #tpu.memory_space<hbm>> -> memref<1x128x64xf32, #tpu.memory_space<hbm>>
    %dma_wait3A_79 = tpu.memref_squeeze %dma_wait3A_78 : memref<1x128x64xf32, #tpu.memory_space<hbm>> -> memref<128x64xf32, #tpu.memory_space<hbm>>
    tpu.wait_dma2 semaphore(%arg19 : memref<!tpu.dma_semaphore, #tpu.memory_space<semaphore_mem>>) src(%dma_wait3A_79 : memref<128x64xf32, #tpu.memory_space<hbm>>) dst(%arg9 : memref<128x64xf32, #tpu.memory_space<vmem>>)
    %add3A_80 = arith.constant 0 : i32
    %add3A_81 = arith.addi %mul3A_0, %add3A_80 : i32
    "tpu.region"() ({
      %run_scoped3A = tpu.sem_alloc : memref<!tpu.dma_semaphore, #tpu.memory_space<semaphore_mem>>
      %dma_start3A_461 = arith.constant 0 : i32
      %dma_start3A_462 = tpu.memref_slice %arg10[%add3A_81, %dma_start3A_461] : memref<10240x64xf32, #tpu.memory_space<vmem_shared>> -> memref<128x64xf32, #tpu.memory_space<vmem_shared>>
      %dma_start3A_463 = arith.constant 0 : i32
      %dma_start3A_464 = tpu.memref_slice %arg10[%add3A_81, %dma_start3A_463] : memref<10240x64xf32, #tpu.memory_space<vmem_shared>> -> memref<128x64xf32, #tpu.memory_space<vmem_shared>>
      tpu.enqueue_dma source(%arg9 : memref<128x64xf32, #tpu.memory_space<vmem>>) target(%dma_start3A_464 : memref<128x64xf32, #tpu.memory_space<vmem_shared>>) target_semaphore(%run_scoped3A : memref<!tpu.dma_semaphore, #tpu.memory_space<semaphore_mem>>)
      %dma_wait3A_465 = arith.constant 0 : i32
      %dma_wait3A_466 = tpu.memref_slice %arg10[%add3A_81, %dma_wait3A_465] : memref<10240x64xf32, #tpu.memory_space<vmem_shared>> -> memref<128x64xf32, #tpu.memory_space<vmem_shared>>
      %dma_wait3A_467 = arith.constant 0 : i32
      %dma_wait3A_468 = tpu.memref_slice %arg10[%add3A_81, %dma_wait3A_467] : memref<10240x64xf32, #tpu.memory_space<vmem_shared>> -> memref<128x64xf32, #tpu.memory_space<vmem_shared>>
      tpu.wait_dma2 semaphore(%run_scoped3A : memref<!tpu.dma_semaphore, #tpu.memory_space<semaphore_mem>>) src(%arg9 : memref<128x64xf32, #tpu.memory_space<vmem>>) dst(%dma_wait3A_468 : memref<128x64xf32, #tpu.memory_space<vmem_shared>>)
      tpu.yield
    }) : () -> ()
    %add3A_82 = arith.constant 256 : i32
    %add3A_83 = arith.addi %mul3A_0, %add3A_82 : i32
    %dma_start3A_84 = arith.constant 0 : i32
    %dma_start3A_85 = tpu.memref_slice %arg2[%arg0, %add3A_83, %dma_start3A_84] : memref<2x10240x64xf32, #tpu.memory_space<hbm>> -> memref<1x128x64xf32, #tpu.memory_space<hbm>>
    %dma_start3A_86 = tpu.memref_squeeze %dma_start3A_85 : memref<1x128x64xf32, #tpu.memory_space<hbm>> -> memref<128x64xf32, #tpu.memory_space<hbm>>
    %dma_start3A_87 = arith.constant 0 : i32
    %dma_start3A_88 = tpu.memref_slice %arg2[%arg0, %add3A_83, %dma_start3A_87] : memref<2x10240x64xf32, #tpu.memory_space<hbm>> -> memref<1x128x64xf32, #tpu.memory_space<hbm>>
    %dma_start3A_89 = tpu.memref_squeeze %dma_start3A_88 : memref<1x128x64xf32, #tpu.memory_space<hbm>> -> memref<128x64xf32, #tpu.memory_space<hbm>>
    tpu.enqueue_dma source(%dma_start3A_89 : memref<128x64xf32, #tpu.memory_space<hbm>>) target(%arg9 : memref<128x64xf32, #tpu.memory_space<vmem>>) target_semaphore(%arg19 : memref<!tpu.dma_semaphore, #tpu.memory_space<semaphore_mem>>)
    %add3A_90 = arith.constant 128 : i32
    %add3A_91 = arith.addi %mul3A_0, %add3A_90 : i32
    %dma_wait3A_92 = arith.constant 0 : i32
    %dma_wait3A_93 = tpu.memref_slice %arg2[%arg0, %add3A_91, %dma_wait3A_92] : memref<2x10240x64xf32, #tpu.memory_space<hbm>> -> memref<1x128x64xf32, #tpu.memory_space<hbm>>
    %dma_wait3A_94 = tpu.memref_squeeze %dma_wait3A_93 : memref<1x128x64xf32, #tpu.memory_space<hbm>> -> memref<128x64xf32, #tpu.memory_space<hbm>>
    %dma_wait3A_95 = arith.constant 0 : i32
    %dma_wait3A_96 = tpu.memref_slice %arg2[%arg0, %add3A_91, %dma_wait3A_95] : memref<2x10240x64xf32, #tpu.memory_space<hbm>> -> memref<1x128x64xf32, #tpu.memory_space<hbm>>
    %dma_wait3A_97 = tpu.memref_squeeze %dma_wait3A_96 : memref<1x128x64xf32, #tpu.memory_space<hbm>> -> memref<128x64xf32, #tpu.memory_space<hbm>>
    tpu.wait_dma2 semaphore(%arg20 : memref<!tpu.dma_semaphore, #tpu.memory_space<semaphore_mem>>) src(%dma_wait3A_97 : memref<128x64xf32, #tpu.memory_space<hbm>>) dst(%arg8 : memref<128x64xf32, #tpu.memory_space<vmem>>)
    %add3A_98 = arith.constant 128 : i32
    %add3A_99 = arith.addi %mul3A_0, %add3A_98 : i32
    "tpu.region"() ({
      %run_scoped3A = tpu.sem_alloc : memref<!tpu.dma_semaphore, #tpu.memory_space<semaphore_mem>>
      %dma_start3A_461 = arith.constant 0 : i32
      %dma_start3A_462 = tpu.memref_slice %arg10[%add3A_99, %dma_start3A_461] : memref<10240x64xf32, #tpu.memory_space<vmem_shared>> -> memref<128x64xf32, #tpu.memory_space<vmem_shared>>
      %dma_start3A_463 = arith.constant 0 : i32
      %dma_start3A_464 = tpu.memref_slice %arg10[%add3A_99, %dma_start3A_463] : memref<10240x64xf32, #tpu.memory_space<vmem_shared>> -> memref<128x64xf32, #tpu.memory_space<vmem_shared>>
      tpu.enqueue_dma source(%arg8 : memref<128x64xf32, #tpu.memory_space<vmem>>) target(%dma_start3A_464 : memref<128x64xf32, #tpu.memory_space<vmem_shared>>) target_semaphore(%run_scoped3A : memref<!tpu.dma_semaphore, #tpu.memory_space<semaphore_mem>>)
      %dma_wait3A_465 = arith.constant 0 : i32
      %dma_wait3A_466 = tpu.memref_slice %arg10[%add3A_99, %dma_wait3A_465] : memref<10240x64xf32, #tpu.memory_space<vmem_shared>> -> memref<128x64xf32, #tpu.memory_space<vmem_shared>>
      %dma_wait3A_467 = arith.constant 0 : i32
      %dma_wait3A_468 = tpu.memref_slice %arg10[%add3A_99, %dma_wait3A_467] : memref<10240x64xf32, #tpu.memory_space<vmem_shared>> -> memref<128x64xf32, #tpu.memory_space<vmem_shared>>
      tpu.wait_dma2 semaphore(%run_scoped3A : memref<!tpu.dma_semaphore, #tpu.memory_space<semaphore_mem>>) src(%arg8 : memref<128x64xf32, #tpu.memory_space<vmem>>) dst(%dma_wait3A_468 : memref<128x64xf32, #tpu.memory_space<vmem_shared>>)
      tpu.yield
    }) : () -> ()
    %add3A_100 = arith.constant 384 : i32
    %add3A_101 = arith.addi %mul3A_0, %add3A_100 : i32
    %dma_start3A_102 = arith.constant 0 : i32
    %dma_start3A_103 = tpu.memref_slice %arg2[%arg0, %add3A_101, %dma_start3A_102] : memref<2x10240x64xf32, #tpu.memory_space<hbm>> -> memref<1x128x64xf32, #tpu.memory_space<hbm>>
    %dma_start3A_104 = tpu.memref_squeeze %dma_start3A_103 : memref<1x128x64xf32, #tpu.memory_space<hbm>> -> memref<128x64xf32, #tpu.memory_space<hbm>>
    %dma_start3A_105 = arith.constant 0 : i32
    %dma_start3A_106 = tpu.memref_slice %arg2[%arg0, %add3A_101, %dma_start3A_105] : memref<2x10240x64xf32, #tpu.memory_space<hbm>> -> memref<1x128x64xf32, #tpu.memory_space<hbm>>
    %dma_start3A_107 = tpu.memref_squeeze %dma_start3A_106 : memref<1x128x64xf32, #tpu.memory_space<hbm>> -> memref<128x64xf32, #tpu.memory_space<hbm>>
    tpu.enqueue_dma source(%dma_start3A_107 : memref<128x64xf32, #tpu.memory_space<hbm>>) target(%arg8 : memref<128x64xf32, #tpu.memory_space<vmem>>) target_semaphore(%arg20 : memref<!tpu.dma_semaphore, #tpu.memory_space<semaphore_mem>>)
    %add3A_108 = arith.constant 256 : i32
    %add3A_109 = arith.addi %mul3A_0, %add3A_108 : i32
    %dma_wait3A_110 = arith.constant 0 : i32
    %dma_wait3A_111 = tpu.memref_slice %arg2[%arg0, %add3A_109, %dma_wait3A_110] : memref<2x10240x64xf32, #tpu.memory_space<hbm>> -> memref<1x128x64xf32, #tpu.memory_space<hbm>>
    %dma_wait3A_112 = tpu.memref_squeeze %dma_wait3A_111 : memref<1x128x64xf32, #tpu.memory_space<hbm>> -> memref<128x64xf32, #tpu.memory_space<hbm>>
    %dma_wait3A_113 = arith.constant 0 : i32
    %dma_wait3A_114 = tpu.memref_slice %arg2[%arg0, %add3A_109, %dma_wait3A_113] : memref<2x10240x64xf32, #tpu.memory_space<hbm>> -> memref<1x128x64xf32, #tpu.memory_space<hbm>>
    %dma_wait3A_115 = tpu.memref_squeeze %dma_wait3A_114 : memref<1x128x64xf32, #tpu.memory_space<hbm>> -> memref<128x64xf32, #tpu.memory_space<hbm>>
    tpu.wait_dma2 semaphore(%arg19 : memref<!tpu.dma_semaphore, #tpu.memory_space<semaphore_mem>>) src(%dma_wait3A_115 : memref<128x64xf32, #tpu.memory_space<hbm>>) dst(%arg9 : memref<128x64xf32, #tpu.memory_space<vmem>>)
    %add3A_116 = arith.constant 256 : i32
    %add3A_117 = arith.addi %mul3A_0, %add3A_116 : i32
    "tpu.region"() ({
      %run_scoped3A = tpu.sem_alloc : memref<!tpu.dma_semaphore, #tpu.memory_space<semaphore_mem>>
      %dma_start3A_461 = arith.constant 0 : i32
      %dma_start3A_462 = tpu.memref_slice %arg10[%add3A_117, %dma_start3A_461] : memref<10240x64xf32, #tpu.memory_space<vmem_shared>> -> memref<128x64xf32, #tpu.memory_space<vmem_shared>>
      %dma_start3A_463 = arith.constant 0 : i32
      %dma_start3A_464 = tpu.memref_slice %arg10[%add3A_117, %dma_start3A_463] : memref<10240x64xf32, #tpu.memory_space<vmem_shared>> -> memref<128x64xf32, #tpu.memory_space<vmem_shared>>
      tpu.enqueue_dma source(%arg9 : memref<128x64xf32, #tpu.memory_space<vmem>>) target(%dma_start3A_464 : memref<128x64xf32, #tpu.memory_space<vmem_shared>>) target_semaphore(%run_scoped3A : memref<!tpu.dma_semaphore, #tpu.memory_space<semaphore_mem>>)
      %dma_wait3A_465 = arith.constant 0 : i32
      %dma_wait3A_466 = tpu.memref_slice %arg10[%add3A_117, %dma_wait3A_465] : memref<10240x64xf32, #tpu.memory_space<vmem_shared>> -> memref<128x64xf32, #tpu.memory_space<vmem_shared>>
      %dma_wait3A_467 = arith.constant 0 : i32
      %dma_wait3A_468 = tpu.memref_slice %arg10[%add3A_117, %dma_wait3A_467] : memref<10240x64xf32, #tpu.memory_space<vmem_shared>> -> memref<128x64xf32, #tpu.memory_space<vmem_shared>>
      tpu.wait_dma2 semaphore(%run_scoped3A : memref<!tpu.dma_semaphore, #tpu.memory_space<semaphore_mem>>) src(%arg9 : memref<128x64xf32, #tpu.memory_space<vmem>>) dst(%dma_wait3A_468 : memref<128x64xf32, #tpu.memory_space<vmem_shared>>)
      tpu.yield
    }) : () -> ()
    %add3A_118 = arith.constant 512 : i32
    %add3A_119 = arith.addi %mul3A_0, %add3A_118 : i32
    %dma_start3A_120 = arith.constant 0 : i32
    %dma_start3A_121 = tpu.memref_slice %arg2[%arg0, %add3A_119, %dma_start3A_120] : memref<2x10240x64xf32, #tpu.memory_space<hbm>> -> memref<1x128x64xf32, #tpu.memory_space<hbm>>
    %dma_start3A_122 = tpu.memref_squeeze %dma_start3A_121 : memref<1x128x64xf32, #tpu.memory_space<hbm>> -> memref<128x64xf32, #tpu.memory_space<hbm>>
    %dma_start3A_123 = arith.constant 0 : i32
    %dma_start3A_124 = tpu.memref_slice %arg2[%arg0, %add3A_119, %dma_start3A_123] : memref<2x10240x64xf32, #tpu.memory_space<hbm>> -> memref<1x128x64xf32, #tpu.memory_space<hbm>>
    %dma_start3A_125 = tpu.memref_squeeze %dma_start3A_124 : memref<1x128x64xf32, #tpu.memory_space<hbm>> -> memref<128x64xf32, #tpu.memory_space<hbm>>
    tpu.enqueue_dma source(%dma_start3A_125 : memref<128x64xf32, #tpu.memory_space<hbm>>) target(%arg9 : memref<128x64xf32, #tpu.memory_space<vmem>>) target_semaphore(%arg19 : memref<!tpu.dma_semaphore, #tpu.memory_space<semaphore_mem>>)
    %add3A_126 = arith.constant 384 : i32
    %add3A_127 = arith.addi %mul3A_0, %add3A_126 : i32
    %dma_wait3A_128 = arith.constant 0 : i32
    %dma_wait3A_129 = tpu.memref_slice %arg2[%arg0, %add3A_127, %dma_wait3A_128] : memref<2x10240x64xf32, #tpu.memory_space<hbm>> -> memref<1x128x64xf32, #tpu.memory_space<hbm>>
    %dma_wait3A_130 = tpu.memref_squeeze %dma_wait3A_129 : memref<1x128x64xf32, #tpu.memory_space<hbm>> -> memref<128x64xf32, #tpu.memory_space<hbm>>
    %dma_wait3A_131 = arith.constant 0 : i32
    %dma_wait3A_132 = tpu.memref_slice %arg2[%arg0, %add3A_127, %dma_wait3A_131] : memref<2x10240x64xf32, #tpu.memory_space<hbm>> -> memref<1x128x64xf32, #tpu.memory_space<hbm>>
    %dma_wait3A_133 = tpu.memref_squeeze %dma_wait3A_132 : memref<1x128x64xf32, #tpu.memory_space<hbm>> -> memref<128x64xf32, #tpu.memory_space<hbm>>
    tpu.wait_dma2 semaphore(%arg20 : memref<!tpu.dma_semaphore, #tpu.memory_space<semaphore_mem>>) src(%dma_wait3A_133 : memref<128x64xf32, #tpu.memory_space<hbm>>) dst(%arg8 : memref<128x64xf32, #tpu.memory_space<vmem>>)
    %add3A_134 = arith.constant 384 : i32
    %add3A_135 = arith.addi %mul3A_0, %add3A_134 : i32
    "tpu.region"() ({
      %run_scoped3A = tpu.sem_alloc : memref<!tpu.dma_semaphore, #tpu.memory_space<semaphore_mem>>
      %dma_start3A_461 = arith.constant 0 : i32
      %dma_start3A_462 = tpu.memref_slice %arg10[%add3A_135, %dma_start3A_461] : memref<10240x64xf32, #tpu.memory_space<vmem_shared>> -> memref<128x64xf32, #tpu.memory_space<vmem_shared>>
      %dma_start3A_463 = arith.constant 0 : i32
      %dma_start3A_464 = tpu.memref_slice %arg10[%add3A_135, %dma_start3A_463] : memref<10240x64xf32, #tpu.memory_space<vmem_shared>> -> memref<128x64xf32, #tpu.memory_space<vmem_shared>>
      tpu.enqueue_dma source(%arg8 : memref<128x64xf32, #tpu.memory_space<vmem>>) target(%dma_start3A_464 : memref<128x64xf32, #tpu.memory_space<vmem_shared>>) target_semaphore(%run_scoped3A : memref<!tpu.dma_semaphore, #tpu.memory_space<semaphore_mem>>)
      %dma_wait3A_465 = arith.constant 0 : i32
      %dma_wait3A_466 = tpu.memref_slice %arg10[%add3A_135, %dma_wait3A_465] : memref<10240x64xf32, #tpu.memory_space<vmem_shared>> -> memref<128x64xf32, #tpu.memory_space<vmem_shared>>
      %dma_wait3A_467 = arith.constant 0 : i32
      %dma_wait3A_468 = tpu.memref_slice %arg10[%add3A_135, %dma_wait3A_467] : memref<10240x64xf32, #tpu.memory_space<vmem_shared>> -> memref<128x64xf32, #tpu.memory_space<vmem_shared>>
      tpu.wait_dma2 semaphore(%run_scoped3A : memref<!tpu.dma_semaphore, #tpu.memory_space<semaphore_mem>>) src(%arg8 : memref<128x64xf32, #tpu.memory_space<vmem>>) dst(%dma_wait3A_468 : memref<128x64xf32, #tpu.memory_space<vmem_shared>>)
      tpu.yield
    }) : () -> ()
    %add3A_136 = arith.constant 512 : i32
    %add3A_137 = arith.addi %mul3A_0, %add3A_136 : i32
    %dma_wait3A_138 = arith.constant 0 : i32
    %dma_wait3A_139 = tpu.memref_slice %arg2[%arg0, %add3A_137, %dma_wait3A_138] : memref<2x10240x64xf32, #tpu.memory_space<hbm>> -> memref<1x128x64xf32, #tpu.memory_space<hbm>>
    %dma_wait3A_140 = tpu.memref_squeeze %dma_wait3A_139 : memref<1x128x64xf32, #tpu.memory_space<hbm>> -> memref<128x64xf32, #tpu.memory_space<hbm>>
    %dma_wait3A_141 = arith.constant 0 : i32
    %dma_wait3A_142 = tpu.memref_slice %arg2[%arg0, %add3A_137, %dma_wait3A_141] : memref<2x10240x64xf32, #tpu.memory_space<hbm>> -> memref<1x128x64xf32, #tpu.memory_space<hbm>>
    %dma_wait3A_143 = tpu.memref_squeeze %dma_wait3A_142 : memref<1x128x64xf32, #tpu.memory_space<hbm>> -> memref<128x64xf32, #tpu.memory_space<hbm>>
    tpu.wait_dma2 semaphore(%arg19 : memref<!tpu.dma_semaphore, #tpu.memory_space<semaphore_mem>>) src(%dma_wait3A_143 : memref<128x64xf32, #tpu.memory_space<hbm>>) dst(%arg9 : memref<128x64xf32, #tpu.memory_space<vmem>>)
    %add3A_144 = arith.constant 512 : i32
    %add3A_145 = arith.addi %mul3A_0, %add3A_144 : i32
    "tpu.region"() ({
      %run_scoped3A = tpu.sem_alloc : memref<!tpu.dma_semaphore, #tpu.memory_space<semaphore_mem>>
      %dma_start3A_461 = arith.constant 0 : i32
      %dma_start3A_462 = tpu.memref_slice %arg10[%add3A_145, %dma_start3A_461] : memref<10240x64xf32, #tpu.memory_space<vmem_shared>> -> memref<128x64xf32, #tpu.memory_space<vmem_shared>>
      %dma_start3A_463 = arith.constant 0 : i32
      %dma_start3A_464 = tpu.memref_slice %arg10[%add3A_145, %dma_start3A_463] : memref<10240x64xf32, #tpu.memory_space<vmem_shared>> -> memref<128x64xf32, #tpu.memory_space<vmem_shared>>
      tpu.enqueue_dma source(%arg9 : memref<128x64xf32, #tpu.memory_space<vmem>>) target(%dma_start3A_464 : memref<128x64xf32, #tpu.memory_space<vmem_shared>>) target_semaphore(%run_scoped3A : memref<!tpu.dma_semaphore, #tpu.memory_space<semaphore_mem>>)
      %dma_wait3A_465 = arith.constant 0 : i32
      %dma_wait3A_466 = tpu.memref_slice %arg10[%add3A_145, %dma_wait3A_465] : memref<10240x64xf32, #tpu.memory_space<vmem_shared>> -> memref<128x64xf32, #tpu.memory_space<vmem_shared>>
      %dma_wait3A_467 = arith.constant 0 : i32
      %dma_wait3A_468 = tpu.memref_slice %arg10[%add3A_145, %dma_wait3A_467] : memref<10240x64xf32, #tpu.memory_space<vmem_shared>> -> memref<128x64xf32, #tpu.memory_space<vmem_shared>>
      tpu.wait_dma2 semaphore(%run_scoped3A : memref<!tpu.dma_semaphore, #tpu.memory_space<semaphore_mem>>) src(%arg9 : memref<128x64xf32, #tpu.memory_space<vmem>>) dst(%dma_wait3A_468 : memref<128x64xf32, #tpu.memory_space<vmem_shared>>)
      tpu.yield
    }) : () -> ()
    %add3A_146 = arith.constant 0 : i32
    %add3A_147 = arith.addi %mul3A_0, %add3A_146 : i32
    %dma_wait3A_148 = arith.constant 0 : i32
    %dma_wait3A_149 = tpu.memref_slice %arg11[%add3A_147, %dma_wait3A_148] : memref<10240x64xf32, #tpu.memory_space<vmem_shared>> -> memref<128x64xf32, #tpu.memory_space<vmem_shared>>
    %dma_wait3A_150 = arith.constant 0 : i32
    %dma_wait3A_151 = tpu.memref_slice %arg11[%add3A_147, %dma_wait3A_150] : memref<10240x64xf32, #tpu.memory_space<vmem_shared>> -> memref<128x64xf32, #tpu.memory_space<vmem_shared>>
    tpu.wait_dma2 semaphore(%arg18 : memref<!tpu.dma_semaphore, #tpu.memory_space<semaphore_mem>>) src(%arg7 : memref<128x64xf32, #tpu.memory_space<vmem>>) dst(%dma_wait3A_151 : memref<128x64xf32, #tpu.memory_space<vmem_shared>>)
    %add3A_152 = arith.constant 128 : i32
    %add3A_153 = arith.addi %mul3A_0, %add3A_152 : i32
    %dma_wait3A_154 = arith.constant 0 : i32
    %dma_wait3A_155 = tpu.memref_slice %arg11[%add3A_153, %dma_wait3A_154] : memref<10240x64xf32, #tpu.memory_space<vmem_shared>> -> memref<128x64xf32, #tpu.memory_space<vmem_shared>>
    %dma_wait3A_156 = arith.constant 0 : i32
    %dma_wait3A_157 = tpu.memref_slice %arg11[%add3A_153, %dma_wait3A_156] : memref<10240x64xf32, #tpu.memory_space<vmem_shared>> -> memref<128x64xf32, #tpu.memory_space<vmem_shared>>
    tpu.wait_dma2 semaphore(%arg18 : memref<!tpu.dma_semaphore, #tpu.memory_space<semaphore_mem>>) src(%arg7 : memref<128x64xf32, #tpu.memory_space<vmem>>) dst(%dma_wait3A_157 : memref<128x64xf32, #tpu.memory_space<vmem_shared>>)
    %add3A_158 = arith.constant 256 : i32
    %add3A_159 = arith.addi %mul3A_0, %add3A_158 : i32
    %dma_wait3A_160 = arith.constant 0 : i32
    %dma_wait3A_161 = tpu.memref_slice %arg11[%add3A_159, %dma_wait3A_160] : memref<10240x64xf32, #tpu.memory_space<vmem_shared>> -> memref<128x64xf32, #tpu.memory_space<vmem_shared>>
    %dma_wait3A_162 = arith.constant 0 : i32
    %dma_wait3A_163 = tpu.memref_slice %arg11[%add3A_159, %dma_wait3A_162] : memref<10240x64xf32, #tpu.memory_space<vmem_shared>> -> memref<128x64xf32, #tpu.memory_space<vmem_shared>>
    tpu.wait_dma2 semaphore(%arg18 : memref<!tpu.dma_semaphore, #tpu.memory_space<semaphore_mem>>) src(%arg7 : memref<128x64xf32, #tpu.memory_space<vmem>>) dst(%dma_wait3A_163 : memref<128x64xf32, #tpu.memory_space<vmem_shared>>)
    %add3A_164 = arith.constant 384 : i32
    %add3A_165 = arith.addi %mul3A_0, %add3A_164 : i32
    %dma_wait3A_166 = arith.constant 0 : i32
    %dma_wait3A_167 = tpu.memref_slice %arg11[%add3A_165, %dma_wait3A_166] : memref<10240x64xf32, #tpu.memory_space<vmem_shared>> -> memref<128x64xf32, #tpu.memory_space<vmem_shared>>
    %dma_wait3A_168 = arith.constant 0 : i32
    %dma_wait3A_169 = tpu.memref_slice %arg11[%add3A_165, %dma_wait3A_168] : memref<10240x64xf32, #tpu.memory_space<vmem_shared>> -> memref<128x64xf32, #tpu.memory_space<vmem_shared>>
    tpu.wait_dma2 semaphore(%arg18 : memref<!tpu.dma_semaphore, #tpu.memory_space<semaphore_mem>>) src(%arg7 : memref<128x64xf32, #tpu.memory_space<vmem>>) dst(%dma_wait3A_169 : memref<128x64xf32, #tpu.memory_space<vmem_shared>>)
    %add3A_170 = arith.constant 512 : i32
    %add3A_171 = arith.addi %mul3A_0, %add3A_170 : i32
    %dma_wait3A_172 = arith.constant 0 : i32
    %dma_wait3A_173 = tpu.memref_slice %arg11[%add3A_171, %dma_wait3A_172] : memref<10240x64xf32, #tpu.memory_space<vmem_shared>> -> memref<128x64xf32, #tpu.memory_space<vmem_shared>>
    %dma_wait3A_174 = arith.constant 0 : i32
    %dma_wait3A_175 = tpu.memref_slice %arg11[%add3A_171, %dma_wait3A_174] : memref<10240x64xf32, #tpu.memory_space<vmem_shared>> -> memref<128x64xf32, #tpu.memory_space<vmem_shared>>
    tpu.wait_dma2 semaphore(%arg18 : memref<!tpu.dma_semaphore, #tpu.memory_space<semaphore_mem>>) src(%arg7 : memref<128x64xf32, #tpu.memory_space<vmem>>) dst(%dma_wait3A_175 : memref<128x64xf32, #tpu.memory_space<vmem_shared>>)
    %barrier3A = arith.constant 0 : index
    tpu.barrier barrier_id(%barrier3A)
    %dma_wait3A_176 = arith.constant 0 : i32
    %dma_wait3A_177 = arith.constant 0 : i32
    %dma_wait3A_178 = arith.constant 0 : i32
    %dma_wait3A_179 = arith.constant 0 : i32
    %dma_wait3A_180 = tpu.memref_slice %arg3[%arg1, %dma_wait3A_176, %dma_wait3A_177, %dma_wait3A_178, %dma_wait3A_179] : memref<16x40x4x2x128xi32, #tpu.memory_space<hbm>> -> memref<1x1x4x2x128xi32, #tpu.memory_space<hbm>>
    %dma_wait3A_181 = tpu.memref_squeeze %dma_wait3A_180 : memref<1x1x4x2x128xi32, #tpu.memory_space<hbm>> -> memref<4x2x128xi32, #tpu.memory_space<hbm>>
    %dma_wait3A_182 = arith.constant 0 : i32
    %dma_wait3A_183 = arith.constant 0 : i32
    %dma_wait3A_184 = arith.constant 0 : i32
    %dma_wait3A_185 = tpu.memref_slice %arg3[%arg1, %dma_wait3A_176, %dma_wait3A_182, %dma_wait3A_183, %dma_wait3A_184] : memref<16x40x4x2x128xi32, #tpu.memory_space<hbm>> -> memref<1x1x4x2x128xi32, #tpu.memory_space<hbm>>
    %dma_wait3A_186 = tpu.memref_squeeze %dma_wait3A_185 : memref<1x1x4x2x128xi32, #tpu.memory_space<hbm>> -> memref<4x2x128xi32, #tpu.memory_space<hbm>>
    tpu.wait_dma2 semaphore(%arg12 : memref<!tpu.dma_semaphore, #tpu.memory_space<semaphore_mem>>) src(%dma_wait3A_186 : memref<4x2x128xi32, #tpu.memory_space<hbm>>) dst(%arg5 : memref<4x2x128xi32, #tpu.memory_space<vmem>>)
    %dma_start3A_187 = arith.constant 0 : i32
    %dma_start3A_188 = arith.constant 0 : i32
    %dma_start3A_189 = arith.constant 0 : i32
    %dma_start3A_190 = tpu.memref_slice %arg5[%dma_start3A_187, %dma_start3A_188, %dma_start3A_189] : memref<4x2x128xi32, #tpu.memory_space<vmem>> -> memref<1x1x128xi32, #tpu.memory_space<vmem>>
    %dma_start3A_191 = tpu.memref_squeeze %dma_start3A_190 : memref<1x1x128xi32, #tpu.memory_space<vmem>> -> memref<128xi32, #tpu.memory_space<vmem>>
    %dma_start3A_192 = arith.constant 0 : i32
    %dma_start3A_193 = arith.constant 0 : i32
    %dma_start3A_194 = tpu.memref_slice %arg10[%dma_start3A_192, %dma_start3A_193] : memref<10240x64xf32, #tpu.memory_space<vmem_shared>> -> memref<10240x64xf32, #tpu.memory_space<vmem_shared>>
    tpu.enqueue_indirect_dma source(%dma_start3A_194 : memref<10240x64xf32, #tpu.memory_space<vmem_shared>>) target(%arg7 : memref<128x64xf32, #tpu.memory_space<vmem>>) offsets(%dma_start3A_191 : memref<128xi32, #tpu.memory_space<vmem>>) semaphore(%arg14 : memref<!tpu.dma_semaphore, #tpu.memory_space<semaphore_mem>>)
    %dma_start3A_195 = arith.constant 1 : i32
    %dma_start3A_196 = arith.constant 0 : i32
    %dma_start3A_197 = arith.constant 0 : i32
    %dma_start3A_198 = tpu.memref_slice %arg5[%dma_start3A_195, %dma_start3A_196, %dma_start3A_197] : memref<4x2x128xi32, #tpu.memory_space<vmem>> -> memref<1x1x128xi32, #tpu.memory_space<vmem>>
    %dma_start3A_199 = tpu.memref_squeeze %dma_start3A_198 : memref<1x1x128xi32, #tpu.memory_space<vmem>> -> memref<128xi32, #tpu.memory_space<vmem>>
    %dma_start3A_200 = arith.constant 0 : i32
    %dma_start3A_201 = arith.constant 0 : i32
    %dma_start3A_202 = tpu.memref_slice %arg10[%dma_start3A_200, %dma_start3A_201] : memref<10240x64xf32, #tpu.memory_space<vmem_shared>> -> memref<10240x64xf32, #tpu.memory_space<vmem_shared>>
    tpu.enqueue_indirect_dma source(%dma_start3A_202 : memref<10240x64xf32, #tpu.memory_space<vmem_shared>>) target(%arg8 : memref<128x64xf32, #tpu.memory_space<vmem>>) offsets(%dma_start3A_199 : memref<128xi32, #tpu.memory_space<vmem>>) semaphore(%arg15 : memref<!tpu.dma_semaphore, #tpu.memory_space<semaphore_mem>>)
    %scan3A_203 = arith.constant 0 : i32
    %scan3A_204 = arith.constant 0 : i32
    %scan3A_205 = arith.constant 19 : i32
    %scan3A_206 = arith.addi %scan3A_204, %scan3A_205 : i32
    %scan3A_207 = arith.constant 1 : i32
    scf.for %scan3A_461 = %scan3A_204 to %scan3A_206 step %scan3A_207  : i32 {
      %dma_wait3A_462 = arith.constant 0 : i32
      %dma_wait3A_463 = arith.constant 0 : i32
      %dma_wait3A_464 = arith.constant 0 : i32
      %dma_wait3A_465 = tpu.memref_slice %arg5[%dma_wait3A_462, %dma_wait3A_463, %dma_wait3A_464] : memref<4x2x128xi32, #tpu.memory_space<vmem>> -> memref<1x1x128xi32, #tpu.memory_space<vmem>>
      %dma_wait3A_466 = tpu.memref_squeeze %dma_wait3A_465 : memref<1x1x128xi32, #tpu.memory_space<vmem>> -> memref<128xi32, #tpu.memory_space<vmem>>
      %dma_wait3A_467 = arith.constant 0 : i32
      %dma_wait3A_468 = arith.constant 0 : i32
      %dma_wait3A_469 = tpu.memref_slice %arg10[%dma_wait3A_467, %dma_wait3A_468] : memref<10240x64xf32, #tpu.memory_space<vmem_shared>> -> memref<10240x64xf32, #tpu.memory_space<vmem_shared>>
      tpu.wait_indirect_dma semaphore(%arg14 : memref<!tpu.dma_semaphore, #tpu.memory_space<semaphore_mem>>) src(%dma_wait3A_469 : memref<10240x64xf32, #tpu.memory_space<vmem_shared>>) dst(%arg7 : memref<128x64xf32, #tpu.memory_space<vmem>>)
      %dma_start3A_470 = arith.constant 0 : i32
      %dma_start3A_471 = arith.constant 1 : i32
      %dma_start3A_472 = arith.constant 0 : i32
      %dma_start3A_473 = tpu.memref_slice %arg5[%dma_start3A_470, %dma_start3A_471, %dma_start3A_472] : memref<4x2x128xi32, #tpu.memory_space<vmem>> -> memref<1x1x128xi32, #tpu.memory_space<vmem>>
      %dma_start3A_474 = tpu.memref_squeeze %dma_start3A_473 : memref<1x1x128xi32, #tpu.memory_space<vmem>> -> memref<128xi32, #tpu.memory_space<vmem>>
      %dma_start3A_475 = arith.constant 0 : i32
      %dma_start3A_476 = arith.constant 0 : i32
      %dma_start3A_477 = tpu.memref_slice %arg11[%dma_start3A_475, %dma_start3A_476] : memref<10240x64xf32, #tpu.memory_space<vmem_shared>> -> memref<10240x64xf32, #tpu.memory_space<vmem_shared>>
      tpu.enqueue_indirect_dma source(%arg7 : memref<128x64xf32, #tpu.memory_space<vmem>>) target(%dma_start3A_477 : memref<10240x64xf32, #tpu.memory_space<vmem_shared>>) offsets(%dma_start3A_474 : memref<128xi32, #tpu.memory_space<vmem>>) semaphore(%arg16 : memref<!tpu.dma_semaphore, #tpu.memory_space<semaphore_mem>>) {add = true}
      %dma_wait3A_478 = arith.constant 1 : i32
      %dma_wait3A_479 = arith.constant 0 : i32
      %dma_wait3A_480 = arith.constant 0 : i32
      %dma_wait3A_481 = tpu.memref_slice %arg5[%dma_wait3A_478, %dma_wait3A_479, %dma_wait3A_480] : memref<4x2x128xi32, #tpu.memory_space<vmem>> -> memref<1x1x128xi32, #tpu.memory_space<vmem>>
      %dma_wait3A_482 = tpu.memref_squeeze %dma_wait3A_481 : memref<1x1x128xi32, #tpu.memory_space<vmem>> -> memref<128xi32, #tpu.memory_space<vmem>>
      %dma_wait3A_483 = arith.constant 0 : i32
      %dma_wait3A_484 = arith.constant 0 : i32
      %dma_wait3A_485 = tpu.memref_slice %arg10[%dma_wait3A_483, %dma_wait3A_484] : memref<10240x64xf32, #tpu.memory_space<vmem_shared>> -> memref<10240x64xf32, #tpu.memory_space<vmem_shared>>
      tpu.wait_indirect_dma semaphore(%arg15 : memref<!tpu.dma_semaphore, #tpu.memory_space<semaphore_mem>>) src(%dma_wait3A_485 : memref<10240x64xf32, #tpu.memory_space<vmem_shared>>) dst(%arg8 : memref<128x64xf32, #tpu.memory_space<vmem>>)
      %dma_start3A_486 = arith.constant 1 : i32
      %dma_start3A_487 = arith.constant 1 : i32
      %dma_start3A_488 = arith.constant 0 : i32
      %dma_start3A_489 = tpu.memref_slice %arg5[%dma_start3A_486, %dma_start3A_487, %dma_start3A_488] : memref<4x2x128xi32, #tpu.memory_space<vmem>> -> memref<1x1x128xi32, #tpu.memory_space<vmem>>
      %dma_start3A_490 = tpu.memref_squeeze %dma_start3A_489 : memref<1x1x128xi32, #tpu.memory_space<vmem>> -> memref<128xi32, #tpu.memory_space<vmem>>
      %dma_start3A_491 = arith.constant 0 : i32
      %dma_start3A_492 = arith.constant 0 : i32
      %dma_start3A_493 = tpu.memref_slice %arg11[%dma_start3A_491, %dma_start3A_492] : memref<10240x64xf32, #tpu.memory_space<vmem_shared>> -> memref<10240x64xf32, #tpu.memory_space<vmem_shared>>
      tpu.enqueue_indirect_dma source(%arg8 : memref<128x64xf32, #tpu.memory_space<vmem>>) target(%dma_start3A_493 : memref<10240x64xf32, #tpu.memory_space<vmem_shared>>) offsets(%dma_start3A_490 : memref<128xi32, #tpu.memory_space<vmem>>) semaphore(%arg17 : memref<!tpu.dma_semaphore, #tpu.memory_space<semaphore_mem>>) {add = true}
      %dma_wait3A_494 = arith.constant 0 : i32
      %dma_wait3A_495 = arith.constant 1 : i32
      %dma_wait3A_496 = arith.constant 0 : i32
      %dma_wait3A_497 = tpu.memref_slice %arg5[%dma_wait3A_494, %dma_wait3A_495, %dma_wait3A_496] : memref<4x2x128xi32, #tpu.memory_space<vmem>> -> memref<1x1x128xi32, #tpu.memory_space<vmem>>
      %dma_wait3A_498 = tpu.memref_squeeze %dma_wait3A_497 : memref<1x1x128xi32, #tpu.memory_space<vmem>> -> memref<128xi32, #tpu.memory_space<vmem>>
      %dma_wait3A_499 = arith.constant 0 : i32
      %dma_wait3A_500 = arith.constant 0 : i32
      %dma_wait3A_501 = tpu.memref_slice %arg11[%dma_wait3A_499, %dma_wait3A_500] : memref<10240x64xf32, #tpu.memory_space<vmem_shared>> -> memref<10240x64xf32, #tpu.memory_space<vmem_shared>>
      tpu.wait_indirect_dma semaphore(%arg16 : memref<!tpu.dma_semaphore, #tpu.memory_space<semaphore_mem>>) src(%arg7 : memref<128x64xf32, #tpu.memory_space<vmem>>) dst(%dma_wait3A_501 : memref<10240x64xf32, #tpu.memory_space<vmem_shared>>)
      %dma_start3A_502 = arith.constant 2 : i32
      %dma_start3A_503 = arith.constant 0 : i32
      %dma_start3A_504 = arith.constant 0 : i32
      %dma_start3A_505 = tpu.memref_slice %arg5[%dma_start3A_502, %dma_start3A_503, %dma_start3A_504] : memref<4x2x128xi32, #tpu.memory_space<vmem>> -> memref<1x1x128xi32, #tpu.memory_space<vmem>>
      %dma_start3A_506 = tpu.memref_squeeze %dma_start3A_505 : memref<1x1x128xi32, #tpu.memory_space<vmem>> -> memref<128xi32, #tpu.memory_space<vmem>>
      %dma_start3A_507 = arith.constant 0 : i32
      %dma_start3A_508 = arith.constant 0 : i32
      %dma_start3A_509 = tpu.memref_slice %arg10[%dma_start3A_507, %dma_start3A_508] : memref<10240x64xf32, #tpu.memory_space<vmem_shared>> -> memref<10240x64xf32, #tpu.memory_space<vmem_shared>>
      tpu.enqueue_indirect_dma source(%dma_start3A_509 : memref<10240x64xf32, #tpu.memory_space<vmem_shared>>) target(%arg7 : memref<128x64xf32, #tpu.memory_space<vmem>>) offsets(%dma_start3A_506 : memref<128xi32, #tpu.memory_space<vmem>>) semaphore(%arg14 : memref<!tpu.dma_semaphore, #tpu.memory_space<semaphore_mem>>)
      %dma_wait3A_510 = arith.constant 1 : i32
      %dma_wait3A_511 = arith.constant 1 : i32
      %dma_wait3A_512 = arith.constant 0 : i32
      %dma_wait3A_513 = tpu.memref_slice %arg5[%dma_wait3A_510, %dma_wait3A_511, %dma_wait3A_512] : memref<4x2x128xi32, #tpu.memory_space<vmem>> -> memref<1x1x128xi32, #tpu.memory_space<vmem>>
      %dma_wait3A_514 = tpu.memref_squeeze %dma_wait3A_513 : memref<1x1x128xi32, #tpu.memory_space<vmem>> -> memref<128xi32, #tpu.memory_space<vmem>>
      %dma_wait3A_515 = arith.constant 0 : i32
      %dma_wait3A_516 = arith.constant 0 : i32
      %dma_wait3A_517 = tpu.memref_slice %arg11[%dma_wait3A_515, %dma_wait3A_516] : memref<10240x64xf32, #tpu.memory_space<vmem_shared>> -> memref<10240x64xf32, #tpu.memory_space<vmem_shared>>
      tpu.wait_indirect_dma semaphore(%arg17 : memref<!tpu.dma_semaphore, #tpu.memory_space<semaphore_mem>>) src(%arg8 : memref<128x64xf32, #tpu.memory_space<vmem>>) dst(%dma_wait3A_517 : memref<10240x64xf32, #tpu.memory_space<vmem_shared>>)
      %dma_start3A_518 = arith.constant 3 : i32
      %dma_start3A_519 = arith.constant 0 : i32
      %dma_start3A_520 = arith.constant 0 : i32
      %dma_start3A_521 = tpu.memref_slice %arg5[%dma_start3A_518, %dma_start3A_519, %dma_start3A_520] : memref<4x2x128xi32, #tpu.memory_space<vmem>> -> memref<1x1x128xi32, #tpu.memory_space<vmem>>
      %dma_start3A_522 = tpu.memref_squeeze %dma_start3A_521 : memref<1x1x128xi32, #tpu.memory_space<vmem>> -> memref<128xi32, #tpu.memory_space<vmem>>
      %dma_start3A_523 = arith.constant 0 : i32
      %dma_start3A_524 = arith.constant 0 : i32
      %dma_start3A_525 = tpu.memref_slice %arg10[%dma_start3A_523, %dma_start3A_524] : memref<10240x64xf32, #tpu.memory_space<vmem_shared>> -> memref<10240x64xf32, #tpu.memory_space<vmem_shared>>
      tpu.enqueue_indirect_dma source(%dma_start3A_525 : memref<10240x64xf32, #tpu.memory_space<vmem_shared>>) target(%arg8 : memref<128x64xf32, #tpu.memory_space<vmem>>) offsets(%dma_start3A_522 : memref<128xi32, #tpu.memory_space<vmem>>) semaphore(%arg15 : memref<!tpu.dma_semaphore, #tpu.memory_space<semaphore_mem>>)
      %dma_wait3A_526 = arith.constant 2 : i32
      %dma_wait3A_527 = arith.constant 0 : i32
      %dma_wait3A_528 = arith.constant 0 : i32
      %dma_wait3A_529 = tpu.memref_slice %arg5[%dma_wait3A_526, %dma_wait3A_527, %dma_wait3A_528] : memref<4x2x128xi32, #tpu.memory_space<vmem>> -> memref<1x1x128xi32, #tpu.memory_space<vmem>>
      %dma_wait3A_530 = tpu.memref_squeeze %dma_wait3A_529 : memref<1x1x128xi32, #tpu.memory_space<vmem>> -> memref<128xi32, #tpu.memory_space<vmem>>
      %dma_wait3A_531 = arith.constant 0 : i32
      %dma_wait3A_532 = arith.constant 0 : i32
      %dma_wait3A_533 = tpu.memref_slice %arg10[%dma_wait3A_531, %dma_wait3A_532] : memref<10240x64xf32, #tpu.memory_space<vmem_shared>> -> memref<10240x64xf32, #tpu.memory_space<vmem_shared>>
      tpu.wait_indirect_dma semaphore(%arg14 : memref<!tpu.dma_semaphore, #tpu.memory_space<semaphore_mem>>) src(%dma_wait3A_533 : memref<10240x64xf32, #tpu.memory_space<vmem_shared>>) dst(%arg7 : memref<128x64xf32, #tpu.memory_space<vmem>>)
      %dma_start3A_534 = arith.constant 2 : i32
      %dma_start3A_535 = arith.constant 1 : i32
      %dma_start3A_536 = arith.constant 0 : i32
      %dma_start3A_537 = tpu.memref_slice %arg5[%dma_start3A_534, %dma_start3A_535, %dma_start3A_536] : memref<4x2x128xi32, #tpu.memory_space<vmem>> -> memref<1x1x128xi32, #tpu.memory_space<vmem>>
      %dma_start3A_538 = tpu.memref_squeeze %dma_start3A_537 : memref<1x1x128xi32, #tpu.memory_space<vmem>> -> memref<128xi32, #tpu.memory_space<vmem>>
      %dma_start3A_539 = arith.constant 0 : i32
      %dma_start3A_540 = arith.constant 0 : i32
      %dma_start3A_541 = tpu.memref_slice %arg11[%dma_start3A_539, %dma_start3A_540] : memref<10240x64xf32, #tpu.memory_space<vmem_shared>> -> memref<10240x64xf32, #tpu.memory_space<vmem_shared>>
      tpu.enqueue_indirect_dma source(%arg7 : memref<128x64xf32, #tpu.memory_space<vmem>>) target(%dma_start3A_541 : memref<10240x64xf32, #tpu.memory_space<vmem_shared>>) offsets(%dma_start3A_538 : memref<128xi32, #tpu.memory_space<vmem>>) semaphore(%arg16 : memref<!tpu.dma_semaphore, #tpu.memory_space<semaphore_mem>>) {add = true}
      %dma_wait3A_542 = arith.constant 3 : i32
      %dma_wait3A_543 = arith.constant 0 : i32
      %dma_wait3A_544 = arith.constant 0 : i32
      %dma_wait3A_545 = tpu.memref_slice %arg5[%dma_wait3A_542, %dma_wait3A_543, %dma_wait3A_544] : memref<4x2x128xi32, #tpu.memory_space<vmem>> -> memref<1x1x128xi32, #tpu.memory_space<vmem>>
      %dma_wait3A_546 = tpu.memref_squeeze %dma_wait3A_545 : memref<1x1x128xi32, #tpu.memory_space<vmem>> -> memref<128xi32, #tpu.memory_space<vmem>>
      %dma_wait3A_547 = arith.constant 0 : i32
      %dma_wait3A_548 = arith.constant 0 : i32
      %dma_wait3A_549 = tpu.memref_slice %arg10[%dma_wait3A_547, %dma_wait3A_548] : memref<10240x64xf32, #tpu.memory_space<vmem_shared>> -> memref<10240x64xf32, #tpu.memory_space<vmem_shared>>
      tpu.wait_indirect_dma semaphore(%arg15 : memref<!tpu.dma_semaphore, #tpu.memory_space<semaphore_mem>>) src(%dma_wait3A_549 : memref<10240x64xf32, #tpu.memory_space<vmem_shared>>) dst(%arg8 : memref<128x64xf32, #tpu.memory_space<vmem>>)
      %dma_start3A_550 = arith.constant 3 : i32
      %dma_start3A_551 = arith.constant 1 : i32
      %dma_start3A_552 = arith.constant 0 : i32
      %dma_start3A_553 = tpu.memref_slice %arg5[%dma_start3A_550, %dma_start3A_551, %dma_start3A_552] : memref<4x2x128xi32, #tpu.memory_space<vmem>> -> memref<1x1x128xi32, #tpu.memory_space<vmem>>
      %dma_start3A_554 = tpu.memref_squeeze %dma_start3A_553 : memref<1x1x128xi32, #tpu.memory_space<vmem>> -> memref<128xi32, #tpu.memory_space<vmem>>
      %dma_start3A_555 = arith.constant 0 : i32
      %dma_start3A_556 = arith.constant 0 : i32
      %dma_start3A_557 = tpu.memref_slice %arg11[%dma_start3A_555, %dma_start3A_556] : memref<10240x64xf32, #tpu.memory_space<vmem_shared>> -> memref<10240x64xf32, #tpu.memory_space<vmem_shared>>
      tpu.enqueue_indirect_dma source(%arg8 : memref<128x64xf32, #tpu.memory_space<vmem>>) target(%dma_start3A_557 : memref<10240x64xf32, #tpu.memory_space<vmem_shared>>) offsets(%dma_start3A_554 : memref<128xi32, #tpu.memory_space<vmem>>) semaphore(%arg17 : memref<!tpu.dma_semaphore, #tpu.memory_space<semaphore_mem>>) {add = true}
      %mul3A_558 = arith.constant 2 : i32
      %mul3A_559 = arith.muli %mul3A_558, %scan3A_461 : i32
      %add3A_560 = arith.constant 1 : i32
      %add3A_561 = arith.addi %mul3A_559, %add3A_560 : i32
      %dma_wait3A_562 = arith.constant 0 : i32
      %dma_wait3A_563 = arith.constant 0 : i32
      %dma_wait3A_564 = arith.constant 0 : i32
      %dma_wait3A_565 = tpu.memref_slice %arg3[%arg1, %add3A_561, %dma_wait3A_562, %dma_wait3A_563, %dma_wait3A_564] : memref<16x40x4x2x128xi32, #tpu.memory_space<hbm>> -> memref<1x1x4x2x128xi32, #tpu.memory_space<hbm>>
      %dma_wait3A_566 = tpu.memref_squeeze %dma_wait3A_565 : memref<1x1x4x2x128xi32, #tpu.memory_space<hbm>> -> memref<4x2x128xi32, #tpu.memory_space<hbm>>
      %dma_wait3A_567 = arith.constant 0 : i32
      %dma_wait3A_568 = arith.constant 0 : i32
      %dma_wait3A_569 = arith.constant 0 : i32
      %dma_wait3A_570 = tpu.memref_slice %arg3[%arg1, %add3A_561, %dma_wait3A_567, %dma_wait3A_568, %dma_wait3A_569] : memref<16x40x4x2x128xi32, #tpu.memory_space<hbm>> -> memref<1x1x4x2x128xi32, #tpu.memory_space<hbm>>
      %dma_wait3A_571 = tpu.memref_squeeze %dma_wait3A_570 : memref<1x1x4x2x128xi32, #tpu.memory_space<hbm>> -> memref<4x2x128xi32, #tpu.memory_space<hbm>>
      tpu.wait_dma2 semaphore(%arg13 : memref<!tpu.dma_semaphore, #tpu.memory_space<semaphore_mem>>) src(%dma_wait3A_571 : memref<4x2x128xi32, #tpu.memory_space<hbm>>) dst(%arg6 : memref<4x2x128xi32, #tpu.memory_space<vmem>>)
      %dma_wait3A_572 = arith.constant 2 : i32
      %dma_wait3A_573 = arith.constant 1 : i32
      %dma_wait3A_574 = arith.constant 0 : i32
      %dma_wait3A_575 = tpu.memref_slice %arg5[%dma_wait3A_572, %dma_wait3A_573, %dma_wait3A_574] : memref<4x2x128xi32, #tpu.memory_space<vmem>> -> memref<1x1x128xi32, #tpu.memory_space<vmem>>
      %dma_wait3A_576 = tpu.memref_squeeze %dma_wait3A_575 : memref<1x1x128xi32, #tpu.memory_space<vmem>> -> memref<128xi32, #tpu.memory_space<vmem>>
      %dma_wait3A_577 = arith.constant 0 : i32
      %dma_wait3A_578 = arith.constant 0 : i32
      %dma_wait3A_579 = tpu.memref_slice %arg11[%dma_wait3A_577, %dma_wait3A_578] : memref<10240x64xf32, #tpu.memory_space<vmem_shared>> -> memref<10240x64xf32, #tpu.memory_space<vmem_shared>>
      tpu.wait_indirect_dma semaphore(%arg16 : memref<!tpu.dma_semaphore, #tpu.memory_space<semaphore_mem>>) src(%arg7 : memref<128x64xf32, #tpu.memory_space<vmem>>) dst(%dma_wait3A_579 : memref<10240x64xf32, #tpu.memory_space<vmem_shared>>)
      %dma_start3A_580 = arith.constant 0 : i32
      %dma_start3A_581 = arith.constant 0 : i32
      %dma_start3A_582 = arith.constant 0 : i32
      %dma_start3A_583 = tpu.memref_slice %arg6[%dma_start3A_580, %dma_start3A_581, %dma_start3A_582] : memref<4x2x128xi32, #tpu.memory_space<vmem>> -> memref<1x1x128xi32, #tpu.memory_space<vmem>>
      %dma_start3A_584 = tpu.memref_squeeze %dma_start3A_583 : memref<1x1x128xi32, #tpu.memory_space<vmem>> -> memref<128xi32, #tpu.memory_space<vmem>>
      %dma_start3A_585 = arith.constant 0 : i32
      %dma_start3A_586 = arith.constant 0 : i32
      %dma_start3A_587 = tpu.memref_slice %arg10[%dma_start3A_585, %dma_start3A_586] : memref<10240x64xf32, #tpu.memory_space<vmem_shared>> -> memref<10240x64xf32, #tpu.memory_space<vmem_shared>>
      tpu.enqueue_indirect_dma source(%dma_start3A_587 : memref<10240x64xf32, #tpu.memory_space<vmem_shared>>) target(%arg7 : memref<128x64xf32, #tpu.memory_space<vmem>>) offsets(%dma_start3A_584 : memref<128xi32, #tpu.memory_space<vmem>>) semaphore(%arg14 : memref<!tpu.dma_semaphore, #tpu.memory_space<semaphore_mem>>)
      %dma_wait3A_588 = arith.constant 3 : i32
      %dma_wait3A_589 = arith.constant 1 : i32
      %dma_wait3A_590 = arith.constant 0 : i32
      %dma_wait3A_591 = tpu.memref_slice %arg5[%dma_wait3A_588, %dma_wait3A_589, %dma_wait3A_590] : memref<4x2x128xi32, #tpu.memory_space<vmem>> -> memref<1x1x128xi32, #tpu.memory_space<vmem>>
      %dma_wait3A_592 = tpu.memref_squeeze %dma_wait3A_591 : memref<1x1x128xi32, #tpu.memory_space<vmem>> -> memref<128xi32, #tpu.memory_space<vmem>>
      %dma_wait3A_593 = arith.constant 0 : i32
      %dma_wait3A_594 = arith.constant 0 : i32
      %dma_wait3A_595 = tpu.memref_slice %arg11[%dma_wait3A_593, %dma_wait3A_594] : memref<10240x64xf32, #tpu.memory_space<vmem_shared>> -> memref<10240x64xf32, #tpu.memory_space<vmem_shared>>
      tpu.wait_indirect_dma semaphore(%arg17 : memref<!tpu.dma_semaphore, #tpu.memory_space<semaphore_mem>>) src(%arg8 : memref<128x64xf32, #tpu.memory_space<vmem>>) dst(%dma_wait3A_595 : memref<10240x64xf32, #tpu.memory_space<vmem_shared>>)
      %dma_start3A_596 = arith.constant 1 : i32
      %dma_start3A_597 = arith.constant 0 : i32
      %dma_start3A_598 = arith.constant 0 : i32
      %dma_start3A_599 = tpu.memref_slice %arg6[%dma_start3A_596, %dma_start3A_597, %dma_start3A_598] : memref<4x2x128xi32, #tpu.memory_space<vmem>> -> memref<1x1x128xi32, #tpu.memory_space<vmem>>
      %dma_start3A_600 = tpu.memref_squeeze %dma_start3A_599 : memref<1x1x128xi32, #tpu.memory_space<vmem>> -> memref<128xi32, #tpu.memory_space<vmem>>
      %dma_start3A_601 = arith.constant 0 : i32
      %dma_start3A_602 = arith.constant 0 : i32
      %dma_start3A_603 = tpu.memref_slice %arg10[%dma_start3A_601, %dma_start3A_602] : memref<10240x64xf32, #tpu.memory_space<vmem_shared>> -> memref<10240x64xf32, #tpu.memory_space<vmem_shared>>
      tpu.enqueue_indirect_dma source(%dma_start3A_603 : memref<10240x64xf32, #tpu.memory_space<vmem_shared>>) target(%arg8 : memref<128x64xf32, #tpu.memory_space<vmem>>) offsets(%dma_start3A_600 : memref<128xi32, #tpu.memory_space<vmem>>) semaphore(%arg15 : memref<!tpu.dma_semaphore, #tpu.memory_space<semaphore_mem>>)
      %mul3A_604 = arith.constant 2 : i32
      %mul3A_605 = arith.muli %mul3A_604, %scan3A_461 : i32
      %add3A_606 = arith.constant 2 : i32
      %add3A_607 = arith.addi %mul3A_605, %add3A_606 : i32
      %dma_start3A_608 = arith.constant 0 : i32
      %dma_start3A_609 = arith.constant 0 : i32
      %dma_start3A_610 = arith.constant 0 : i32
      %dma_start3A_611 = tpu.memref_slice %arg3[%arg1, %add3A_607, %dma_start3A_608, %dma_start3A_609, %dma_start3A_610] : memref<16x40x4x2x128xi32, #tpu.memory_space<hbm>> -> memref<1x1x4x2x128xi32, #tpu.memory_space<hbm>>
      %dma_start3A_612 = tpu.memref_squeeze %dma_start3A_611 : memref<1x1x4x2x128xi32, #tpu.memory_space<hbm>> -> memref<4x2x128xi32, #tpu.memory_space<hbm>>
      %dma_start3A_613 = arith.constant 0 : i32
      %dma_start3A_614 = arith.constant 0 : i32
      %dma_start3A_615 = arith.constant 0 : i32
      %dma_start3A_616 = tpu.memref_slice %arg3[%arg1, %add3A_607, %dma_start3A_613, %dma_start3A_614, %dma_start3A_615] : memref<16x40x4x2x128xi32, #tpu.memory_space<hbm>> -> memref<1x1x4x2x128xi32, #tpu.memory_space<hbm>>
      %dma_start3A_617 = tpu.memref_squeeze %dma_start3A_616 : memref<1x1x4x2x128xi32, #tpu.memory_space<hbm>> -> memref<4x2x128xi32, #tpu.memory_space<hbm>>
      tpu.enqueue_dma source(%dma_start3A_617 : memref<4x2x128xi32, #tpu.memory_space<hbm>>) target(%arg5 : memref<4x2x128xi32, #tpu.memory_space<vmem>>) target_semaphore(%arg12 : memref<!tpu.dma_semaphore, #tpu.memory_space<semaphore_mem>>)
      %dma_wait3A_618 = arith.constant 0 : i32
      %dma_wait3A_619 = arith.constant 0 : i32
      %dma_wait3A_620 = arith.constant 0 : i32
      %dma_wait3A_621 = tpu.memref_slice %arg6[%dma_wait3A_618, %dma_wait3A_619, %dma_wait3A_620] : memref<4x2x128xi32, #tpu.memory_space<vmem>> -> memref<1x1x128xi32, #tpu.memory_space<vmem>>
      %dma_wait3A_622 = tpu.memref_squeeze %dma_wait3A_621 : memref<1x1x128xi32, #tpu.memory_space<vmem>> -> memref<128xi32, #tpu.memory_space<vmem>>
      %dma_wait3A_623 = arith.constant 0 : i32
      %dma_wait3A_624 = arith.constant 0 : i32
      %dma_wait3A_625 = tpu.memref_slice %arg10[%dma_wait3A_623, %dma_wait3A_624] : memref<10240x64xf32, #tpu.memory_space<vmem_shared>> -> memref<10240x64xf32, #tpu.memory_space<vmem_shared>>
      tpu.wait_indirect_dma semaphore(%arg14 : memref<!tpu.dma_semaphore, #tpu.memory_space<semaphore_mem>>) src(%dma_wait3A_625 : memref<10240x64xf32, #tpu.memory_space<vmem_shared>>) dst(%arg7 : memref<128x64xf32, #tpu.memory_space<vmem>>)
      %dma_start3A_626 = arith.constant 0 : i32
      %dma_start3A_627 = arith.constant 1 : i32
      %dma_start3A_628 = arith.constant 0 : i32
      %dma_start3A_629 = tpu.memref_slice %arg6[%dma_start3A_626, %dma_start3A_627, %dma_start3A_628] : memref<4x2x128xi32, #tpu.memory_space<vmem>> -> memref<1x1x128xi32, #tpu.memory_space<vmem>>
      %dma_start3A_630 = tpu.memref_squeeze %dma_start3A_629 : memref<1x1x128xi32, #tpu.memory_space<vmem>> -> memref<128xi32, #tpu.memory_space<vmem>>
      %dma_start3A_631 = arith.constant 0 : i32
      %dma_start3A_632 = arith.constant 0 : i32
      %dma_start3A_633 = tpu.memref_slice %arg11[%dma_start3A_631, %dma_start3A_632] : memref<10240x64xf32, #tpu.memory_space<vmem_shared>> -> memref<10240x64xf32, #tpu.memory_space<vmem_shared>>
      tpu.enqueue_indirect_dma source(%arg7 : memref<128x64xf32, #tpu.memory_space<vmem>>) target(%dma_start3A_633 : memref<10240x64xf32, #tpu.memory_space<vmem_shared>>) offsets(%dma_start3A_630 : memref<128xi32, #tpu.memory_space<vmem>>) semaphore(%arg16 : memref<!tpu.dma_semaphore, #tpu.memory_space<semaphore_mem>>) {add = true}
      %dma_wait3A_634 = arith.constant 1 : i32
      %dma_wait3A_635 = arith.constant 0 : i32
      %dma_wait3A_636 = arith.constant 0 : i32
      %dma_wait3A_637 = tpu.memref_slice %arg6[%dma_wait3A_634, %dma_wait3A_635, %dma_wait3A_636] : memref<4x2x128xi32, #tpu.memory_space<vmem>> -> memref<1x1x128xi32, #tpu.memory_space<vmem>>
      %dma_wait3A_638 = tpu.memref_squeeze %dma_wait3A_637 : memref<1x1x128xi32, #tpu.memory_space<vmem>> -> memref<128xi32, #tpu.memory_space<vmem>>
      %dma_wait3A_639 = arith.constant 0 : i32
      %dma_wait3A_640 = arith.constant 0 : i32
      %dma_wait3A_641 = tpu.memref_slice %arg10[%dma_wait3A_639, %dma_wait3A_640] : memref<10240x64xf32, #tpu.memory_space<vmem_shared>> -> memref<10240x64xf32, #tpu.memory_space<vmem_shared>>
      tpu.wait_indirect_dma semaphore(%arg15 : memref<!tpu.dma_semaphore, #tpu.memory_space<semaphore_mem>>) src(%dma_wait3A_641 : memref<10240x64xf32, #tpu.memory_space<vmem_shared>>) dst(%arg8 : memref<128x64xf32, #tpu.memory_space<vmem>>)
      %dma_start3A_642 = arith.constant 1 : i32
      %dma_start3A_643 = arith.constant 1 : i32
      %dma_start3A_644 = arith.constant 0 : i32
      %dma_start3A_645 = tpu.memref_slice %arg6[%dma_start3A_642, %dma_start3A_643, %dma_start3A_644] : memref<4x2x128xi32, #tpu.memory_space<vmem>> -> memref<1x1x128xi32, #tpu.memory_space<vmem>>
      %dma_start3A_646 = tpu.memref_squeeze %dma_start3A_645 : memref<1x1x128xi32, #tpu.memory_space<vmem>> -> memref<128xi32, #tpu.memory_space<vmem>>
      %dma_start3A_647 = arith.constant 0 : i32
      %dma_start3A_648 = arith.constant 0 : i32
      %dma_start3A_649 = tpu.memref_slice %arg11[%dma_start3A_647, %dma_start3A_648] : memref<10240x64xf32, #tpu.memory_space<vmem_shared>> -> memref<10240x64xf32, #tpu.memory_space<vmem_shared>>
      tpu.enqueue_indirect_dma source(%arg8 : memref<128x64xf32, #tpu.memory_space<vmem>>) target(%dma_start3A_649 : memref<10240x64xf32, #tpu.memory_space<vmem_shared>>) offsets(%dma_start3A_646 : memref<128xi32, #tpu.memory_space<vmem>>) semaphore(%arg17 : memref<!tpu.dma_semaphore, #tpu.memory_space<semaphore_mem>>) {add = true}
      %dma_wait3A_650 = arith.constant 0 : i32
      %dma_wait3A_651 = arith.constant 1 : i32
      %dma_wait3A_652 = arith.constant 0 : i32
      %dma_wait3A_653 = tpu.memref_slice %arg6[%dma_wait3A_650, %dma_wait3A_651, %dma_wait3A_652] : memref<4x2x128xi32, #tpu.memory_space<vmem>> -> memref<1x1x128xi32, #tpu.memory_space<vmem>>
      %dma_wait3A_654 = tpu.memref_squeeze %dma_wait3A_653 : memref<1x1x128xi32, #tpu.memory_space<vmem>> -> memref<128xi32, #tpu.memory_space<vmem>>
      %dma_wait3A_655 = arith.constant 0 : i32
      %dma_wait3A_656 = arith.constant 0 : i32
      %dma_wait3A_657 = tpu.memref_slice %arg11[%dma_wait3A_655, %dma_wait3A_656] : memref<10240x64xf32, #tpu.memory_space<vmem_shared>> -> memref<10240x64xf32, #tpu.memory_space<vmem_shared>>
      tpu.wait_indirect_dma semaphore(%arg16 : memref<!tpu.dma_semaphore, #tpu.memory_space<semaphore_mem>>) src(%arg7 : memref<128x64xf32, #tpu.memory_space<vmem>>) dst(%dma_wait3A_657 : memref<10240x64xf32, #tpu.memory_space<vmem_shared>>)
      %dma_start3A_658 = arith.constant 2 : i32
      %dma_start3A_659 = arith.constant 0 : i32
      %dma_start3A_660 = arith.constant 0 : i32
      %dma_start3A_661 = tpu.memref_slice %arg6[%dma_start3A_658, %dma_start3A_659, %dma_start3A_660] : memref<4x2x128xi32, #tpu.memory_space<vmem>> -> memref<1x1x128xi32, #tpu.memory_space<vmem>>
      %dma_start3A_662 = tpu.memref_squeeze %dma_start3A_661 : memref<1x1x128xi32, #tpu.memory_space<vmem>> -> memref<128xi32, #tpu.memory_space<vmem>>
      %dma_start3A_663 = arith.constant 0 : i32
      %dma_start3A_664 = arith.constant 0 : i32
      %dma_start3A_665 = tpu.memref_slice %arg10[%dma_start3A_663, %dma_start3A_664] : memref<10240x64xf32, #tpu.memory_space<vmem_shared>> -> memref<10240x64xf32, #tpu.memory_space<vmem_shared>>
      tpu.enqueue_indirect_dma source(%dma_start3A_665 : memref<10240x64xf32, #tpu.memory_space<vmem_shared>>) target(%arg7 : memref<128x64xf32, #tpu.memory_space<vmem>>) offsets(%dma_start3A_662 : memref<128xi32, #tpu.memory_space<vmem>>) semaphore(%arg14 : memref<!tpu.dma_semaphore, #tpu.memory_space<semaphore_mem>>)
      %dma_wait3A_666 = arith.constant 1 : i32
      %dma_wait3A_667 = arith.constant 1 : i32
      %dma_wait3A_668 = arith.constant 0 : i32
      %dma_wait3A_669 = tpu.memref_slice %arg6[%dma_wait3A_666, %dma_wait3A_667, %dma_wait3A_668] : memref<4x2x128xi32, #tpu.memory_space<vmem>> -> memref<1x1x128xi32, #tpu.memory_space<vmem>>
      %dma_wait3A_670 = tpu.memref_squeeze %dma_wait3A_669 : memref<1x1x128xi32, #tpu.memory_space<vmem>> -> memref<128xi32, #tpu.memory_space<vmem>>
      %dma_wait3A_671 = arith.constant 0 : i32
      %dma_wait3A_672 = arith.constant 0 : i32
      %dma_wait3A_673 = tpu.memref_slice %arg11[%dma_wait3A_671, %dma_wait3A_672] : memref<10240x64xf32, #tpu.memory_space<vmem_shared>> -> memref<10240x64xf32, #tpu.memory_space<vmem_shared>>
      tpu.wait_indirect_dma semaphore(%arg17 : memref<!tpu.dma_semaphore, #tpu.memory_space<semaphore_mem>>) src(%arg8 : memref<128x64xf32, #tpu.memory_space<vmem>>) dst(%dma_wait3A_673 : memref<10240x64xf32, #tpu.memory_space<vmem_shared>>)
      %dma_start3A_674 = arith.constant 3 : i32
      %dma_start3A_675 = arith.constant 0 : i32
      %dma_start3A_676 = arith.constant 0 : i32
      %dma_start3A_677 = tpu.memref_slice %arg6[%dma_start3A_674, %dma_start3A_675, %dma_start3A_676] : memref<4x2x128xi32, #tpu.memory_space<vmem>> -> memref<1x1x128xi32, #tpu.memory_space<vmem>>
      %dma_start3A_678 = tpu.memref_squeeze %dma_start3A_677 : memref<1x1x128xi32, #tpu.memory_space<vmem>> -> memref<128xi32, #tpu.memory_space<vmem>>
      %dma_start3A_679 = arith.constant 0 : i32
      %dma_start3A_680 = arith.constant 0 : i32
      %dma_start3A_681 = tpu.memref_slice %arg10[%dma_start3A_679, %dma_start3A_680] : memref<10240x64xf32, #tpu.memory_space<vmem_shared>> -> memref<10240x64xf32, #tpu.memory_space<vmem_shared>>
      tpu.enqueue_indirect_dma source(%dma_start3A_681 : memref<10240x64xf32, #tpu.memory_space<vmem_shared>>) target(%arg8 : memref<128x64xf32, #tpu.memory_space<vmem>>) offsets(%dma_start3A_678 : memref<128xi32, #tpu.memory_space<vmem>>) semaphore(%arg15 : memref<!tpu.dma_semaphore, #tpu.memory_space<semaphore_mem>>)
      %dma_wait3A_682 = arith.constant 2 : i32
      %dma_wait3A_683 = arith.constant 0 : i32
      %dma_wait3A_684 = arith.constant 0 : i32
      %dma_wait3A_685 = tpu.memref_slice %arg6[%dma_wait3A_682, %dma_wait3A_683, %dma_wait3A_684] : memref<4x2x128xi32, #tpu.memory_space<vmem>> -> memref<1x1x128xi32, #tpu.memory_space<vmem>>
      %dma_wait3A_686 = tpu.memref_squeeze %dma_wait3A_685 : memref<1x1x128xi32, #tpu.memory_space<vmem>> -> memref<128xi32, #tpu.memory_space<vmem>>
      %dma_wait3A_687 = arith.constant 0 : i32
      %dma_wait3A_688 = arith.constant 0 : i32
      %dma_wait3A_689 = tpu.memref_slice %arg10[%dma_wait3A_687, %dma_wait3A_688] : memref<10240x64xf32, #tpu.memory_space<vmem_shared>> -> memref<10240x64xf32, #tpu.memory_space<vmem_shared>>
      tpu.wait_indirect_dma semaphore(%arg14 : memref<!tpu.dma_semaphore, #tpu.memory_space<semaphore_mem>>) src(%dma_wait3A_689 : memref<10240x64xf32, #tpu.memory_space<vmem_shared>>) dst(%arg7 : memref<128x64xf32, #tpu.memory_space<vmem>>)
      %dma_start3A_690 = arith.constant 2 : i32
      %dma_start3A_691 = arith.constant 1 : i32
      %dma_start3A_692 = arith.constant 0 : i32
      %dma_start3A_693 = tpu.memref_slice %arg6[%dma_start3A_690, %dma_start3A_691, %dma_start3A_692] : memref<4x2x128xi32, #tpu.memory_space<vmem>> -> memref<1x1x128xi32, #tpu.memory_space<vmem>>
      %dma_start3A_694 = tpu.memref_squeeze %dma_start3A_693 : memref<1x1x128xi32, #tpu.memory_space<vmem>> -> memref<128xi32, #tpu.memory_space<vmem>>
      %dma_start3A_695 = arith.constant 0 : i32
      %dma_start3A_696 = arith.constant 0 : i32
      %dma_start3A_697 = tpu.memref_slice %arg11[%dma_start3A_695, %dma_start3A_696] : memref<10240x64xf32, #tpu.memory_space<vmem_shared>> -> memref<10240x64xf32, #tpu.memory_space<vmem_shared>>
      tpu.enqueue_indirect_dma source(%arg7 : memref<128x64xf32, #tpu.memory_space<vmem>>) target(%dma_start3A_697 : memref<10240x64xf32, #tpu.memory_space<vmem_shared>>) offsets(%dma_start3A_694 : memref<128xi32, #tpu.memory_space<vmem>>) semaphore(%arg16 : memref<!tpu.dma_semaphore, #tpu.memory_space<semaphore_mem>>) {add = true}
      %dma_wait3A_698 = arith.constant 3 : i32
      %dma_wait3A_699 = arith.constant 0 : i32
      %dma_wait3A_700 = arith.constant 0 : i32
      %dma_wait3A_701 = tpu.memref_slice %arg6[%dma_wait3A_698, %dma_wait3A_699, %dma_wait3A_700] : memref<4x2x128xi32, #tpu.memory_space<vmem>> -> memref<1x1x128xi32, #tpu.memory_space<vmem>>
      %dma_wait3A_702 = tpu.memref_squeeze %dma_wait3A_701 : memref<1x1x128xi32, #tpu.memory_space<vmem>> -> memref<128xi32, #tpu.memory_space<vmem>>
      %dma_wait3A_703 = arith.constant 0 : i32
      %dma_wait3A_704 = arith.constant 0 : i32
      %dma_wait3A_705 = tpu.memref_slice %arg10[%dma_wait3A_703, %dma_wait3A_704] : memref<10240x64xf32, #tpu.memory_space<vmem_shared>> -> memref<10240x64xf32, #tpu.memory_space<vmem_shared>>
      tpu.wait_indirect_dma semaphore(%arg15 : memref<!tpu.dma_semaphore, #tpu.memory_space<semaphore_mem>>) src(%dma_wait3A_705 : memref<10240x64xf32, #tpu.memory_space<vmem_shared>>) dst(%arg8 : memref<128x64xf32, #tpu.memory_space<vmem>>)
      %dma_start3A_706 = arith.constant 3 : i32
      %dma_start3A_707 = arith.constant 1 : i32
      %dma_start3A_708 = arith.constant 0 : i32
      %dma_start3A_709 = tpu.memref_slice %arg6[%dma_start3A_706, %dma_start3A_707, %dma_start3A_708] : memref<4x2x128xi32, #tpu.memory_space<vmem>> -> memref<1x1x128xi32, #tpu.memory_space<vmem>>
      %dma_start3A_710 = tpu.memref_squeeze %dma_start3A_709 : memref<1x1x128xi32, #tpu.memory_space<vmem>> -> memref<128xi32, #tpu.memory_space<vmem>>
      %dma_start3A_711 = arith.constant 0 : i32
      %dma_start3A_712 = arith.constant 0 : i32
      %dma_start3A_713 = tpu.memref_slice %arg11[%dma_start3A_711, %dma_start3A_712] : memref<10240x64xf32, #tpu.memory_space<vmem_shared>> -> memref<10240x64xf32, #tpu.memory_space<vmem_shared>>
      tpu.enqueue_indirect_dma source(%arg8 : memref<128x64xf32, #tpu.memory_space<vmem>>) target(%dma_start3A_713 : memref<10240x64xf32, #tpu.memory_space<vmem_shared>>) offsets(%dma_start3A_710 : memref<128xi32, #tpu.memory_space<vmem>>) semaphore(%arg17 : memref<!tpu.dma_semaphore, #tpu.memory_space<semaphore_mem>>) {add = true}
      %mul3A_714 = arith.constant 2 : i32
      %mul3A_715 = arith.muli %mul3A_714, %scan3A_461 : i32
      %add3A_716 = arith.constant 2 : i32
      %add3A_717 = arith.addi %mul3A_715, %add3A_716 : i32
      %dma_wait3A_718 = arith.constant 0 : i32
      %dma_wait3A_719 = arith.constant 0 : i32
      %dma_wait3A_720 = arith.constant 0 : i32
      %dma_wait3A_721 = tpu.memref_slice %arg3[%arg1, %add3A_717, %dma_wait3A_718, %dma_wait3A_719, %dma_wait3A_720] : memref<16x40x4x2x128xi32, #tpu.memory_space<hbm>> -> memref<1x1x4x2x128xi32, #tpu.memory_space<hbm>>
      %dma_wait3A_722 = tpu.memref_squeeze %dma_wait3A_721 : memref<1x1x4x2x128xi32, #tpu.memory_space<hbm>> -> memref<4x2x128xi32, #tpu.memory_space<hbm>>
      %dma_wait3A_723 = arith.constant 0 : i32
      %dma_wait3A_724 = arith.constant 0 : i32
      %dma_wait3A_725 = arith.constant 0 : i32
      %dma_wait3A_726 = tpu.memref_slice %arg3[%arg1, %add3A_717, %dma_wait3A_723, %dma_wait3A_724, %dma_wait3A_725] : memref<16x40x4x2x128xi32, #tpu.memory_space<hbm>> -> memref<1x1x4x2x128xi32, #tpu.memory_space<hbm>>
      %dma_wait3A_727 = tpu.memref_squeeze %dma_wait3A_726 : memref<1x1x4x2x128xi32, #tpu.memory_space<hbm>> -> memref<4x2x128xi32, #tpu.memory_space<hbm>>
      tpu.wait_dma2 semaphore(%arg12 : memref<!tpu.dma_semaphore, #tpu.memory_space<semaphore_mem>>) src(%dma_wait3A_727 : memref<4x2x128xi32, #tpu.memory_space<hbm>>) dst(%arg5 : memref<4x2x128xi32, #tpu.memory_space<vmem>>)
      %dma_wait3A_728 = arith.constant 2 : i32
      %dma_wait3A_729 = arith.constant 1 : i32
      %dma_wait3A_730 = arith.constant 0 : i32
      %dma_wait3A_731 = tpu.memref_slice %arg6[%dma_wait3A_728, %dma_wait3A_729, %dma_wait3A_730] : memref<4x2x128xi32, #tpu.memory_space<vmem>> -> memref<1x1x128xi32, #tpu.memory_space<vmem>>
      %dma_wait3A_732 = tpu.memref_squeeze %dma_wait3A_731 : memref<1x1x128xi32, #tpu.memory_space<vmem>> -> memref<128xi32, #tpu.memory_space<vmem>>
      %dma_wait3A_733 = arith.constant 0 : i32
      %dma_wait3A_734 = arith.constant 0 : i32
      %dma_wait3A_735 = tpu.memref_slice %arg11[%dma_wait3A_733, %dma_wait3A_734] : memref<10240x64xf32, #tpu.memory_space<vmem_shared>> -> memref<10240x64xf32, #tpu.memory_space<vmem_shared>>
      tpu.wait_indirect_dma semaphore(%arg16 : memref<!tpu.dma_semaphore, #tpu.memory_space<semaphore_mem>>) src(%arg7 : memref<128x64xf32, #tpu.memory_space<vmem>>) dst(%dma_wait3A_735 : memref<10240x64xf32, #tpu.memory_space<vmem_shared>>)
      %dma_start3A_736 = arith.constant 0 : i32
      %dma_start3A_737 = arith.constant 0 : i32
      %dma_start3A_738 = arith.constant 0 : i32
      %dma_start3A_739 = tpu.memref_slice %arg5[%dma_start3A_736, %dma_start3A_737, %dma_start3A_738] : memref<4x2x128xi32, #tpu.memory_space<vmem>> -> memref<1x1x128xi32, #tpu.memory_space<vmem>>
      %dma_start3A_740 = tpu.memref_squeeze %dma_start3A_739 : memref<1x1x128xi32, #tpu.memory_space<vmem>> -> memref<128xi32, #tpu.memory_space<vmem>>
      %dma_start3A_741 = arith.constant 0 : i32
      %dma_start3A_742 = arith.constant 0 : i32
      %dma_start3A_743 = tpu.memref_slice %arg10[%dma_start3A_741, %dma_start3A_742] : memref<10240x64xf32, #tpu.memory_space<vmem_shared>> -> memref<10240x64xf32, #tpu.memory_space<vmem_shared>>
      tpu.enqueue_indirect_dma source(%dma_start3A_743 : memref<10240x64xf32, #tpu.memory_space<vmem_shared>>) target(%arg7 : memref<128x64xf32, #tpu.memory_space<vmem>>) offsets(%dma_start3A_740 : memref<128xi32, #tpu.memory_space<vmem>>) semaphore(%arg14 : memref<!tpu.dma_semaphore, #tpu.memory_space<semaphore_mem>>)
      %dma_wait3A_744 = arith.constant 3 : i32
      %dma_wait3A_745 = arith.constant 1 : i32
      %dma_wait3A_746 = arith.constant 0 : i32
      %dma_wait3A_747 = tpu.memref_slice %arg6[%dma_wait3A_744, %dma_wait3A_745, %dma_wait3A_746] : memref<4x2x128xi32, #tpu.memory_space<vmem>> -> memref<1x1x128xi32, #tpu.memory_space<vmem>>
      %dma_wait3A_748 = tpu.memref_squeeze %dma_wait3A_747 : memref<1x1x128xi32, #tpu.memory_space<vmem>> -> memref<128xi32, #tpu.memory_space<vmem>>
      %dma_wait3A_749 = arith.constant 0 : i32
      %dma_wait3A_750 = arith.constant 0 : i32
      %dma_wait3A_751 = tpu.memref_slice %arg11[%dma_wait3A_749, %dma_wait3A_750] : memref<10240x64xf32, #tpu.memory_space<vmem_shared>> -> memref<10240x64xf32, #tpu.memory_space<vmem_shared>>
      tpu.wait_indirect_dma semaphore(%arg17 : memref<!tpu.dma_semaphore, #tpu.memory_space<semaphore_mem>>) src(%arg8 : memref<128x64xf32, #tpu.memory_space<vmem>>) dst(%dma_wait3A_751 : memref<10240x64xf32, #tpu.memory_space<vmem_shared>>)
      %dma_start3A_752 = arith.constant 1 : i32
      %dma_start3A_753 = arith.constant 0 : i32
      %dma_start3A_754 = arith.constant 0 : i32
      %dma_start3A_755 = tpu.memref_slice %arg5[%dma_start3A_752, %dma_start3A_753, %dma_start3A_754] : memref<4x2x128xi32, #tpu.memory_space<vmem>> -> memref<1x1x128xi32, #tpu.memory_space<vmem>>
      %dma_start3A_756 = tpu.memref_squeeze %dma_start3A_755 : memref<1x1x128xi32, #tpu.memory_space<vmem>> -> memref<128xi32, #tpu.memory_space<vmem>>
      %dma_start3A_757 = arith.constant 0 : i32
      %dma_start3A_758 = arith.constant 0 : i32
      %dma_start3A_759 = tpu.memref_slice %arg10[%dma_start3A_757, %dma_start3A_758] : memref<10240x64xf32, #tpu.memory_space<vmem_shared>> -> memref<10240x64xf32, #tpu.memory_space<vmem_shared>>
      tpu.enqueue_indirect_dma source(%dma_start3A_759 : memref<10240x64xf32, #tpu.memory_space<vmem_shared>>) target(%arg8 : memref<128x64xf32, #tpu.memory_space<vmem>>) offsets(%dma_start3A_756 : memref<128xi32, #tpu.memory_space<vmem>>) semaphore(%arg15 : memref<!tpu.dma_semaphore, #tpu.memory_space<semaphore_mem>>)
      %mul3A_760 = arith.constant 2 : i32
      %mul3A_761 = arith.muli %mul3A_760, %scan3A_461 : i32
      %add3A_762 = arith.constant 3 : i32
      %add3A_763 = arith.addi %mul3A_761, %add3A_762 : i32
      %dma_start3A_764 = arith.constant 0 : i32
      %dma_start3A_765 = arith.constant 0 : i32
      %dma_start3A_766 = arith.constant 0 : i32
      %dma_start3A_767 = tpu.memref_slice %arg3[%arg1, %add3A_763, %dma_start3A_764, %dma_start3A_765, %dma_start3A_766] : memref<16x40x4x2x128xi32, #tpu.memory_space<hbm>> -> memref<1x1x4x2x128xi32, #tpu.memory_space<hbm>>
      %dma_start3A_768 = tpu.memref_squeeze %dma_start3A_767 : memref<1x1x4x2x128xi32, #tpu.memory_space<hbm>> -> memref<4x2x128xi32, #tpu.memory_space<hbm>>
      %dma_start3A_769 = arith.constant 0 : i32
      %dma_start3A_770 = arith.constant 0 : i32
      %dma_start3A_771 = arith.constant 0 : i32
      %dma_start3A_772 = tpu.memref_slice %arg3[%arg1, %add3A_763, %dma_start3A_769, %dma_start3A_770, %dma_start3A_771] : memref<16x40x4x2x128xi32, #tpu.memory_space<hbm>> -> memref<1x1x4x2x128xi32, #tpu.memory_space<hbm>>
      %dma_start3A_773 = tpu.memref_squeeze %dma_start3A_772 : memref<1x1x4x2x128xi32, #tpu.memory_space<hbm>> -> memref<4x2x128xi32, #tpu.memory_space<hbm>>
      tpu.enqueue_dma source(%dma_start3A_773 : memref<4x2x128xi32, #tpu.memory_space<hbm>>) target(%arg6 : memref<4x2x128xi32, #tpu.memory_space<vmem>>) target_semaphore(%arg13 : memref<!tpu.dma_semaphore, #tpu.memory_space<semaphore_mem>>)
    }
    %scan3A_208 = arith.constant 19 : i32
    %dma_wait3A_209 = arith.constant 0 : i32
    %dma_wait3A_210 = arith.constant 0 : i32
    %dma_wait3A_211 = arith.constant 0 : i32
    %dma_wait3A_212 = tpu.memref_slice %arg5[%dma_wait3A_209, %dma_wait3A_210, %dma_wait3A_211] : memref<4x2x128xi32, #tpu.memory_space<vmem>> -> memref<1x1x128xi32, #tpu.memory_space<vmem>>
    %dma_wait3A_213 = tpu.memref_squeeze %dma_wait3A_212 : memref<1x1x128xi32, #tpu.memory_space<vmem>> -> memref<128xi32, #tpu.memory_space<vmem>>
    %dma_wait3A_214 = arith.constant 0 : i32
    %dma_wait3A_215 = arith.constant 0 : i32
    %dma_wait3A_216 = tpu.memref_slice %arg10[%dma_wait3A_214, %dma_wait3A_215] : memref<10240x64xf32, #tpu.memory_space<vmem_shared>> -> memref<10240x64xf32, #tpu.memory_space<vmem_shared>>
    tpu.wait_indirect_dma semaphore(%arg14 : memref<!tpu.dma_semaphore, #tpu.memory_space<semaphore_mem>>) src(%dma_wait3A_216 : memref<10240x64xf32, #tpu.memory_space<vmem_shared>>) dst(%arg7 : memref<128x64xf32, #tpu.memory_space<vmem>>)
    %dma_start3A_217 = arith.constant 0 : i32
    %dma_start3A_218 = arith.constant 1 : i32
    %dma_start3A_219 = arith.constant 0 : i32
    %dma_start3A_220 = tpu.memref_slice %arg5[%dma_start3A_217, %dma_start3A_218, %dma_start3A_219] : memref<4x2x128xi32, #tpu.memory_space<vmem>> -> memref<1x1x128xi32, #tpu.memory_space<vmem>>
    %dma_start3A_221 = tpu.memref_squeeze %dma_start3A_220 : memref<1x1x128xi32, #tpu.memory_space<vmem>> -> memref<128xi32, #tpu.memory_space<vmem>>
    %dma_start3A_222 = arith.constant 0 : i32
    %dma_start3A_223 = arith.constant 0 : i32
    %dma_start3A_224 = tpu.memref_slice %arg11[%dma_start3A_222, %dma_start3A_223] : memref<10240x64xf32, #tpu.memory_space<vmem_shared>> -> memref<10240x64xf32, #tpu.memory_space<vmem_shared>>
    tpu.enqueue_indirect_dma source(%arg7 : memref<128x64xf32, #tpu.memory_space<vmem>>) target(%dma_start3A_224 : memref<10240x64xf32, #tpu.memory_space<vmem_shared>>) offsets(%dma_start3A_221 : memref<128xi32, #tpu.memory_space<vmem>>) semaphore(%arg16 : memref<!tpu.dma_semaphore, #tpu.memory_space<semaphore_mem>>) {add = true}
    %dma_wait3A_225 = arith.constant 1 : i32
    %dma_wait3A_226 = arith.constant 0 : i32
    %dma_wait3A_227 = arith.constant 0 : i32
    %dma_wait3A_228 = tpu.memref_slice %arg5[%dma_wait3A_225, %dma_wait3A_226, %dma_wait3A_227] : memref<4x2x128xi32, #tpu.memory_space<vmem>> -> memref<1x1x128xi32, #tpu.memory_space<vmem>>
    %dma_wait3A_229 = tpu.memref_squeeze %dma_wait3A_228 : memref<1x1x128xi32, #tpu.memory_space<vmem>> -> memref<128xi32, #tpu.memory_space<vmem>>
    %dma_wait3A_230 = arith.constant 0 : i32
    %dma_wait3A_231 = arith.constant 0 : i32
    %dma_wait3A_232 = tpu.memref_slice %arg10[%dma_wait3A_230, %dma_wait3A_231] : memref<10240x64xf32, #tpu.memory_space<vmem_shared>> -> memref<10240x64xf32, #tpu.memory_space<vmem_shared>>
    tpu.wait_indirect_dma semaphore(%arg15 : memref<!tpu.dma_semaphore, #tpu.memory_space<semaphore_mem>>) src(%dma_wait3A_232 : memref<10240x64xf32, #tpu.memory_space<vmem_shared>>) dst(%arg8 : memref<128x64xf32, #tpu.memory_space<vmem>>)
    %dma_start3A_233 = arith.constant 1 : i32
    %dma_start3A_234 = arith.constant 1 : i32
    %dma_start3A_235 = arith.constant 0 : i32
    %dma_start3A_236 = tpu.memref_slice %arg5[%dma_start3A_233, %dma_start3A_234, %dma_start3A_235] : memref<4x2x128xi32, #tpu.memory_space<vmem>> -> memref<1x1x128xi32, #tpu.memory_space<vmem>>
    %dma_start3A_237 = tpu.memref_squeeze %dma_start3A_236 : memref<1x1x128xi32, #tpu.memory_space<vmem>> -> memref<128xi32, #tpu.memory_space<vmem>>
    %dma_start3A_238 = arith.constant 0 : i32
    %dma_start3A_239 = arith.constant 0 : i32
    %dma_start3A_240 = tpu.memref_slice %arg11[%dma_start3A_238, %dma_start3A_239] : memref<10240x64xf32, #tpu.memory_space<vmem_shared>> -> memref<10240x64xf32, #tpu.memory_space<vmem_shared>>
    tpu.enqueue_indirect_dma source(%arg8 : memref<128x64xf32, #tpu.memory_space<vmem>>) target(%dma_start3A_240 : memref<10240x64xf32, #tpu.memory_space<vmem_shared>>) offsets(%dma_start3A_237 : memref<128xi32, #tpu.memory_space<vmem>>) semaphore(%arg17 : memref<!tpu.dma_semaphore, #tpu.memory_space<semaphore_mem>>) {add = true}
    %dma_wait3A_241 = arith.constant 0 : i32
    %dma_wait3A_242 = arith.constant 1 : i32
    %dma_wait3A_243 = arith.constant 0 : i32
    %dma_wait3A_244 = tpu.memref_slice %arg5[%dma_wait3A_241, %dma_wait3A_242, %dma_wait3A_243] : memref<4x2x128xi32, #tpu.memory_space<vmem>> -> memref<1x1x128xi32, #tpu.memory_space<vmem>>
    %dma_wait3A_245 = tpu.memref_squeeze %dma_wait3A_244 : memref<1x1x128xi32, #tpu.memory_space<vmem>> -> memref<128xi32, #tpu.memory_space<vmem>>
    %dma_wait3A_246 = arith.constant 0 : i32
    %dma_wait3A_247 = arith.constant 0 : i32
    %dma_wait3A_248 = tpu.memref_slice %arg11[%dma_wait3A_246, %dma_wait3A_247] : memref<10240x64xf32, #tpu.memory_space<vmem_shared>> -> memref<10240x64xf32, #tpu.memory_space<vmem_shared>>
    tpu.wait_indirect_dma semaphore(%arg16 : memref<!tpu.dma_semaphore, #tpu.memory_space<semaphore_mem>>) src(%arg7 : memref<128x64xf32, #tpu.memory_space<vmem>>) dst(%dma_wait3A_248 : memref<10240x64xf32, #tpu.memory_space<vmem_shared>>)
    %dma_start3A_249 = arith.constant 2 : i32
    %dma_start3A_250 = arith.constant 0 : i32
    %dma_start3A_251 = arith.constant 0 : i32
    %dma_start3A_252 = tpu.memref_slice %arg5[%dma_start3A_249, %dma_start3A_250, %dma_start3A_251] : memref<4x2x128xi32, #tpu.memory_space<vmem>> -> memref<1x1x128xi32, #tpu.memory_space<vmem>>
    %dma_start3A_253 = tpu.memref_squeeze %dma_start3A_252 : memref<1x1x128xi32, #tpu.memory_space<vmem>> -> memref<128xi32, #tpu.memory_space<vmem>>
    %dma_start3A_254 = arith.constant 0 : i32
    %dma_start3A_255 = arith.constant 0 : i32
    %dma_start3A_256 = tpu.memref_slice %arg10[%dma_start3A_254, %dma_start3A_255] : memref<10240x64xf32, #tpu.memory_space<vmem_shared>> -> memref<10240x64xf32, #tpu.memory_space<vmem_shared>>
    tpu.enqueue_indirect_dma source(%dma_start3A_256 : memref<10240x64xf32, #tpu.memory_space<vmem_shared>>) target(%arg7 : memref<128x64xf32, #tpu.memory_space<vmem>>) offsets(%dma_start3A_253 : memref<128xi32, #tpu.memory_space<vmem>>) semaphore(%arg14 : memref<!tpu.dma_semaphore, #tpu.memory_space<semaphore_mem>>)
    %dma_wait3A_257 = arith.constant 1 : i32
    %dma_wait3A_258 = arith.constant 1 : i32
    %dma_wait3A_259 = arith.constant 0 : i32
    %dma_wait3A_260 = tpu.memref_slice %arg5[%dma_wait3A_257, %dma_wait3A_258, %dma_wait3A_259] : memref<4x2x128xi32, #tpu.memory_space<vmem>> -> memref<1x1x128xi32, #tpu.memory_space<vmem>>
    %dma_wait3A_261 = tpu.memref_squeeze %dma_wait3A_260 : memref<1x1x128xi32, #tpu.memory_space<vmem>> -> memref<128xi32, #tpu.memory_space<vmem>>
    %dma_wait3A_262 = arith.constant 0 : i32
    %dma_wait3A_263 = arith.constant 0 : i32
    %dma_wait3A_264 = tpu.memref_slice %arg11[%dma_wait3A_262, %dma_wait3A_263] : memref<10240x64xf32, #tpu.memory_space<vmem_shared>> -> memref<10240x64xf32, #tpu.memory_space<vmem_shared>>
    tpu.wait_indirect_dma semaphore(%arg17 : memref<!tpu.dma_semaphore, #tpu.memory_space<semaphore_mem>>) src(%arg8 : memref<128x64xf32, #tpu.memory_space<vmem>>) dst(%dma_wait3A_264 : memref<10240x64xf32, #tpu.memory_space<vmem_shared>>)
    %dma_start3A_265 = arith.constant 3 : i32
    %dma_start3A_266 = arith.constant 0 : i32
    %dma_start3A_267 = arith.constant 0 : i32
    %dma_start3A_268 = tpu.memref_slice %arg5[%dma_start3A_265, %dma_start3A_266, %dma_start3A_267] : memref<4x2x128xi32, #tpu.memory_space<vmem>> -> memref<1x1x128xi32, #tpu.memory_space<vmem>>
    %dma_start3A_269 = tpu.memref_squeeze %dma_start3A_268 : memref<1x1x128xi32, #tpu.memory_space<vmem>> -> memref<128xi32, #tpu.memory_space<vmem>>
    %dma_start3A_270 = arith.constant 0 : i32
    %dma_start3A_271 = arith.constant 0 : i32
    %dma_start3A_272 = tpu.memref_slice %arg10[%dma_start3A_270, %dma_start3A_271] : memref<10240x64xf32, #tpu.memory_space<vmem_shared>> -> memref<10240x64xf32, #tpu.memory_space<vmem_shared>>
    tpu.enqueue_indirect_dma source(%dma_start3A_272 : memref<10240x64xf32, #tpu.memory_space<vmem_shared>>) target(%arg8 : memref<128x64xf32, #tpu.memory_space<vmem>>) offsets(%dma_start3A_269 : memref<128xi32, #tpu.memory_space<vmem>>) semaphore(%arg15 : memref<!tpu.dma_semaphore, #tpu.memory_space<semaphore_mem>>)
    %dma_wait3A_273 = arith.constant 2 : i32
    %dma_wait3A_274 = arith.constant 0 : i32
    %dma_wait3A_275 = arith.constant 0 : i32
    %dma_wait3A_276 = tpu.memref_slice %arg5[%dma_wait3A_273, %dma_wait3A_274, %dma_wait3A_275] : memref<4x2x128xi32, #tpu.memory_space<vmem>> -> memref<1x1x128xi32, #tpu.memory_space<vmem>>
    %dma_wait3A_277 = tpu.memref_squeeze %dma_wait3A_276 : memref<1x1x128xi32, #tpu.memory_space<vmem>> -> memref<128xi32, #tpu.memory_space<vmem>>
    %dma_wait3A_278 = arith.constant 0 : i32
    %dma_wait3A_279 = arith.constant 0 : i32
    %dma_wait3A_280 = tpu.memref_slice %arg10[%dma_wait3A_278, %dma_wait3A_279] : memref<10240x64xf32, #tpu.memory_space<vmem_shared>> -> memref<10240x64xf32, #tpu.memory_space<vmem_shared>>
    tpu.wait_indirect_dma semaphore(%arg14 : memref<!tpu.dma_semaphore, #tpu.memory_space<semaphore_mem>>) src(%dma_wait3A_280 : memref<10240x64xf32, #tpu.memory_space<vmem_shared>>) dst(%arg7 : memref<128x64xf32, #tpu.memory_space<vmem>>)
    %dma_start3A_281 = arith.constant 2 : i32
    %dma_start3A_282 = arith.constant 1 : i32
    %dma_start3A_283 = arith.constant 0 : i32
    %dma_start3A_284 = tpu.memref_slice %arg5[%dma_start3A_281, %dma_start3A_282, %dma_start3A_283] : memref<4x2x128xi32, #tpu.memory_space<vmem>> -> memref<1x1x128xi32, #tpu.memory_space<vmem>>
    %dma_start3A_285 = tpu.memref_squeeze %dma_start3A_284 : memref<1x1x128xi32, #tpu.memory_space<vmem>> -> memref<128xi32, #tpu.memory_space<vmem>>
    %dma_start3A_286 = arith.constant 0 : i32
    %dma_start3A_287 = arith.constant 0 : i32
    %dma_start3A_288 = tpu.memref_slice %arg11[%dma_start3A_286, %dma_start3A_287] : memref<10240x64xf32, #tpu.memory_space<vmem_shared>> -> memref<10240x64xf32, #tpu.memory_space<vmem_shared>>
    tpu.enqueue_indirect_dma source(%arg7 : memref<128x64xf32, #tpu.memory_space<vmem>>) target(%dma_start3A_288 : memref<10240x64xf32, #tpu.memory_space<vmem_shared>>) offsets(%dma_start3A_285 : memref<128xi32, #tpu.memory_space<vmem>>) semaphore(%arg16 : memref<!tpu.dma_semaphore, #tpu.memory_space<semaphore_mem>>) {add = true}
    %dma_wait3A_289 = arith.constant 3 : i32
    %dma_wait3A_290 = arith.constant 0 : i32
    %dma_wait3A_291 = arith.constant 0 : i32
    %dma_wait3A_292 = tpu.memref_slice %arg5[%dma_wait3A_289, %dma_wait3A_290, %dma_wait3A_291] : memref<4x2x128xi32, #tpu.memory_space<vmem>> -> memref<1x1x128xi32, #tpu.memory_space<vmem>>
    %dma_wait3A_293 = tpu.memref_squeeze %dma_wait3A_292 : memref<1x1x128xi32, #tpu.memory_space<vmem>> -> memref<128xi32, #tpu.memory_space<vmem>>
    %dma_wait3A_294 = arith.constant 0 : i32
    %dma_wait3A_295 = arith.constant 0 : i32
    %dma_wait3A_296 = tpu.memref_slice %arg10[%dma_wait3A_294, %dma_wait3A_295] : memref<10240x64xf32, #tpu.memory_space<vmem_shared>> -> memref<10240x64xf32, #tpu.memory_space<vmem_shared>>
    tpu.wait_indirect_dma semaphore(%arg15 : memref<!tpu.dma_semaphore, #tpu.memory_space<semaphore_mem>>) src(%dma_wait3A_296 : memref<10240x64xf32, #tpu.memory_space<vmem_shared>>) dst(%arg8 : memref<128x64xf32, #tpu.memory_space<vmem>>)
    %dma_start3A_297 = arith.constant 3 : i32
    %dma_start3A_298 = arith.constant 1 : i32
    %dma_start3A_299 = arith.constant 0 : i32
    %dma_start3A_300 = tpu.memref_slice %arg5[%dma_start3A_297, %dma_start3A_298, %dma_start3A_299] : memref<4x2x128xi32, #tpu.memory_space<vmem>> -> memref<1x1x128xi32, #tpu.memory_space<vmem>>
    %dma_start3A_301 = tpu.memref_squeeze %dma_start3A_300 : memref<1x1x128xi32, #tpu.memory_space<vmem>> -> memref<128xi32, #tpu.memory_space<vmem>>
    %dma_start3A_302 = arith.constant 0 : i32
    %dma_start3A_303 = arith.constant 0 : i32
    %dma_start3A_304 = tpu.memref_slice %arg11[%dma_start3A_302, %dma_start3A_303] : memref<10240x64xf32, #tpu.memory_space<vmem_shared>> -> memref<10240x64xf32, #tpu.memory_space<vmem_shared>>
    tpu.enqueue_indirect_dma source(%arg8 : memref<128x64xf32, #tpu.memory_space<vmem>>) target(%dma_start3A_304 : memref<10240x64xf32, #tpu.memory_space<vmem_shared>>) offsets(%dma_start3A_301 : memref<128xi32, #tpu.memory_space<vmem>>) semaphore(%arg17 : memref<!tpu.dma_semaphore, #tpu.memory_space<semaphore_mem>>) {add = true}
    %dma_wait3A_305 = arith.constant 39 : i32
    %dma_wait3A_306 = arith.constant 0 : i32
    %dma_wait3A_307 = arith.constant 0 : i32
    %dma_wait3A_308 = arith.constant 0 : i32
    %dma_wait3A_309 = tpu.memref_slice %arg3[%arg1, %dma_wait3A_305, %dma_wait3A_306, %dma_wait3A_307, %dma_wait3A_308] : memref<16x40x4x2x128xi32, #tpu.memory_space<hbm>> -> memref<1x1x4x2x128xi32, #tpu.memory_space<hbm>>
    %dma_wait3A_310 = tpu.memref_squeeze %dma_wait3A_309 : memref<1x1x4x2x128xi32, #tpu.memory_space<hbm>> -> memref<4x2x128xi32, #tpu.memory_space<hbm>>
    %dma_wait3A_311 = arith.constant 0 : i32
    %dma_wait3A_312 = arith.constant 0 : i32
    %dma_wait3A_313 = arith.constant 0 : i32
    %dma_wait3A_314 = tpu.memref_slice %arg3[%arg1, %dma_wait3A_305, %dma_wait3A_311, %dma_wait3A_312, %dma_wait3A_313] : memref<16x40x4x2x128xi32, #tpu.memory_space<hbm>> -> memref<1x1x4x2x128xi32, #tpu.memory_space<hbm>>
    %dma_wait3A_315 = tpu.memref_squeeze %dma_wait3A_314 : memref<1x1x4x2x128xi32, #tpu.memory_space<hbm>> -> memref<4x2x128xi32, #tpu.memory_space<hbm>>
    tpu.wait_dma2 semaphore(%arg13 : memref<!tpu.dma_semaphore, #tpu.memory_space<semaphore_mem>>) src(%dma_wait3A_315 : memref<4x2x128xi32, #tpu.memory_space<hbm>>) dst(%arg6 : memref<4x2x128xi32, #tpu.memory_space<vmem>>)
    %dma_wait3A_316 = arith.constant 2 : i32
    %dma_wait3A_317 = arith.constant 1 : i32
    %dma_wait3A_318 = arith.constant 0 : i32
    %dma_wait3A_319 = tpu.memref_slice %arg5[%dma_wait3A_316, %dma_wait3A_317, %dma_wait3A_318] : memref<4x2x128xi32, #tpu.memory_space<vmem>> -> memref<1x1x128xi32, #tpu.memory_space<vmem>>
    %dma_wait3A_320 = tpu.memref_squeeze %dma_wait3A_319 : memref<1x1x128xi32, #tpu.memory_space<vmem>> -> memref<128xi32, #tpu.memory_space<vmem>>
    %dma_wait3A_321 = arith.constant 0 : i32
    %dma_wait3A_322 = arith.constant 0 : i32
    %dma_wait3A_323 = tpu.memref_slice %arg11[%dma_wait3A_321, %dma_wait3A_322] : memref<10240x64xf32, #tpu.memory_space<vmem_shared>> -> memref<10240x64xf32, #tpu.memory_space<vmem_shared>>
    tpu.wait_indirect_dma semaphore(%arg16 : memref<!tpu.dma_semaphore, #tpu.memory_space<semaphore_mem>>) src(%arg7 : memref<128x64xf32, #tpu.memory_space<vmem>>) dst(%dma_wait3A_323 : memref<10240x64xf32, #tpu.memory_space<vmem_shared>>)
    %dma_start3A_324 = arith.constant 0 : i32
    %dma_start3A_325 = arith.constant 0 : i32
    %dma_start3A_326 = arith.constant 0 : i32
    %dma_start3A_327 = tpu.memref_slice %arg6[%dma_start3A_324, %dma_start3A_325, %dma_start3A_326] : memref<4x2x128xi32, #tpu.memory_space<vmem>> -> memref<1x1x128xi32, #tpu.memory_space<vmem>>
    %dma_start3A_328 = tpu.memref_squeeze %dma_start3A_327 : memref<1x1x128xi32, #tpu.memory_space<vmem>> -> memref<128xi32, #tpu.memory_space<vmem>>
    %dma_start3A_329 = arith.constant 0 : i32
    %dma_start3A_330 = arith.constant 0 : i32
    %dma_start3A_331 = tpu.memref_slice %arg10[%dma_start3A_329, %dma_start3A_330] : memref<10240x64xf32, #tpu.memory_space<vmem_shared>> -> memref<10240x64xf32, #tpu.memory_space<vmem_shared>>
    tpu.enqueue_indirect_dma source(%dma_start3A_331 : memref<10240x64xf32, #tpu.memory_space<vmem_shared>>) target(%arg7 : memref<128x64xf32, #tpu.memory_space<vmem>>) offsets(%dma_start3A_328 : memref<128xi32, #tpu.memory_space<vmem>>) semaphore(%arg14 : memref<!tpu.dma_semaphore, #tpu.memory_space<semaphore_mem>>)
    %dma_wait3A_332 = arith.constant 3 : i32
    %dma_wait3A_333 = arith.constant 1 : i32
    %dma_wait3A_334 = arith.constant 0 : i32
    %dma_wait3A_335 = tpu.memref_slice %arg5[%dma_wait3A_332, %dma_wait3A_333, %dma_wait3A_334] : memref<4x2x128xi32, #tpu.memory_space<vmem>> -> memref<1x1x128xi32, #tpu.memory_space<vmem>>
    %dma_wait3A_336 = tpu.memref_squeeze %dma_wait3A_335 : memref<1x1x128xi32, #tpu.memory_space<vmem>> -> memref<128xi32, #tpu.memory_space<vmem>>
    %dma_wait3A_337 = arith.constant 0 : i32
    %dma_wait3A_338 = arith.constant 0 : i32
    %dma_wait3A_339 = tpu.memref_slice %arg11[%dma_wait3A_337, %dma_wait3A_338] : memref<10240x64xf32, #tpu.memory_space<vmem_shared>> -> memref<10240x64xf32, #tpu.memory_space<vmem_shared>>
    tpu.wait_indirect_dma semaphore(%arg17 : memref<!tpu.dma_semaphore, #tpu.memory_space<semaphore_mem>>) src(%arg8 : memref<128x64xf32, #tpu.memory_space<vmem>>) dst(%dma_wait3A_339 : memref<10240x64xf32, #tpu.memory_space<vmem_shared>>)
    %dma_start3A_340 = arith.constant 1 : i32
    %dma_start3A_341 = arith.constant 0 : i32
    %dma_start3A_342 = arith.constant 0 : i32
    %dma_start3A_343 = tpu.memref_slice %arg6[%dma_start3A_340, %dma_start3A_341, %dma_start3A_342] : memref<4x2x128xi32, #tpu.memory_space<vmem>> -> memref<1x1x128xi32, #tpu.memory_space<vmem>>
    %dma_start3A_344 = tpu.memref_squeeze %dma_start3A_343 : memref<1x1x128xi32, #tpu.memory_space<vmem>> -> memref<128xi32, #tpu.memory_space<vmem>>
    %dma_start3A_345 = arith.constant 0 : i32
    %dma_start3A_346 = arith.constant 0 : i32
    %dma_start3A_347 = tpu.memref_slice %arg10[%dma_start3A_345, %dma_start3A_346] : memref<10240x64xf32, #tpu.memory_space<vmem_shared>> -> memref<10240x64xf32, #tpu.memory_space<vmem_shared>>
    tpu.enqueue_indirect_dma source(%dma_start3A_347 : memref<10240x64xf32, #tpu.memory_space<vmem_shared>>) target(%arg8 : memref<128x64xf32, #tpu.memory_space<vmem>>) offsets(%dma_start3A_344 : memref<128xi32, #tpu.memory_space<vmem>>) semaphore(%arg15 : memref<!tpu.dma_semaphore, #tpu.memory_space<semaphore_mem>>)
    %dma_wait3A_348 = arith.constant 0 : i32
    %dma_wait3A_349 = arith.constant 0 : i32
    %dma_wait3A_350 = arith.constant 0 : i32
    %dma_wait3A_351 = tpu.memref_slice %arg6[%dma_wait3A_348, %dma_wait3A_349, %dma_wait3A_350] : memref<4x2x128xi32, #tpu.memory_space<vmem>> -> memref<1x1x128xi32, #tpu.memory_space<vmem>>
    %dma_wait3A_352 = tpu.memref_squeeze %dma_wait3A_351 : memref<1x1x128xi32, #tpu.memory_space<vmem>> -> memref<128xi32, #tpu.memory_space<vmem>>
    %dma_wait3A_353 = arith.constant 0 : i32
    %dma_wait3A_354 = arith.constant 0 : i32
    %dma_wait3A_355 = tpu.memref_slice %arg10[%dma_wait3A_353, %dma_wait3A_354] : memref<10240x64xf32, #tpu.memory_space<vmem_shared>> -> memref<10240x64xf32, #tpu.memory_space<vmem_shared>>
    tpu.wait_indirect_dma semaphore(%arg14 : memref<!tpu.dma_semaphore, #tpu.memory_space<semaphore_mem>>) src(%dma_wait3A_355 : memref<10240x64xf32, #tpu.memory_space<vmem_shared>>) dst(%arg7 : memref<128x64xf32, #tpu.memory_space<vmem>>)
    %dma_start3A_356 = arith.constant 0 : i32
    %dma_start3A_357 = arith.constant 1 : i32
    %dma_start3A_358 = arith.constant 0 : i32
    %dma_start3A_359 = tpu.memref_slice %arg6[%dma_start3A_356, %dma_start3A_357, %dma_start3A_358] : memref<4x2x128xi32, #tpu.memory_space<vmem>> -> memref<1x1x128xi32, #tpu.memory_space<vmem>>
    %dma_start3A_360 = tpu.memref_squeeze %dma_start3A_359 : memref<1x1x128xi32, #tpu.memory_space<vmem>> -> memref<128xi32, #tpu.memory_space<vmem>>
    %dma_start3A_361 = arith.constant 0 : i32
    %dma_start3A_362 = arith.constant 0 : i32
    %dma_start3A_363 = tpu.memref_slice %arg11[%dma_start3A_361, %dma_start3A_362] : memref<10240x64xf32, #tpu.memory_space<vmem_shared>> -> memref<10240x64xf32, #tpu.memory_space<vmem_shared>>
    tpu.enqueue_indirect_dma source(%arg7 : memref<128x64xf32, #tpu.memory_space<vmem>>) target(%dma_start3A_363 : memref<10240x64xf32, #tpu.memory_space<vmem_shared>>) offsets(%dma_start3A_360 : memref<128xi32, #tpu.memory_space<vmem>>) semaphore(%arg16 : memref<!tpu.dma_semaphore, #tpu.memory_space<semaphore_mem>>) {add = true}
    %dma_wait3A_364 = arith.constant 1 : i32
    %dma_wait3A_365 = arith.constant 0 : i32
    %dma_wait3A_366 = arith.constant 0 : i32
    %dma_wait3A_367 = tpu.memref_slice %arg6[%dma_wait3A_364, %dma_wait3A_365, %dma_wait3A_366] : memref<4x2x128xi32, #tpu.memory_space<vmem>> -> memref<1x1x128xi32, #tpu.memory_space<vmem>>
    %dma_wait3A_368 = tpu.memref_squeeze %dma_wait3A_367 : memref<1x1x128xi32, #tpu.memory_space<vmem>> -> memref<128xi32, #tpu.memory_space<vmem>>
    %dma_wait3A_369 = arith.constant 0 : i32
    %dma_wait3A_370 = arith.constant 0 : i32
    %dma_wait3A_371 = tpu.memref_slice %arg10[%dma_wait3A_369, %dma_wait3A_370] : memref<10240x64xf32, #tpu.memory_space<vmem_shared>> -> memref<10240x64xf32, #tpu.memory_space<vmem_shared>>
    tpu.wait_indirect_dma semaphore(%arg15 : memref<!tpu.dma_semaphore, #tpu.memory_space<semaphore_mem>>) src(%dma_wait3A_371 : memref<10240x64xf32, #tpu.memory_space<vmem_shared>>) dst(%arg8 : memref<128x64xf32, #tpu.memory_space<vmem>>)
    %dma_start3A_372 = arith.constant 1 : i32
    %dma_start3A_373 = arith.constant 1 : i32
    %dma_start3A_374 = arith.constant 0 : i32
    %dma_start3A_375 = tpu.memref_slice %arg6[%dma_start3A_372, %dma_start3A_373, %dma_start3A_374] : memref<4x2x128xi32, #tpu.memory_space<vmem>> -> memref<1x1x128xi32, #tpu.memory_space<vmem>>
    %dma_start3A_376 = tpu.memref_squeeze %dma_start3A_375 : memref<1x1x128xi32, #tpu.memory_space<vmem>> -> memref<128xi32, #tpu.memory_space<vmem>>
    %dma_start3A_377 = arith.constant 0 : i32
    %dma_start3A_378 = arith.constant 0 : i32
    %dma_start3A_379 = tpu.memref_slice %arg11[%dma_start3A_377, %dma_start3A_378] : memref<10240x64xf32, #tpu.memory_space<vmem_shared>> -> memref<10240x64xf32, #tpu.memory_space<vmem_shared>>
    tpu.enqueue_indirect_dma source(%arg8 : memref<128x64xf32, #tpu.memory_space<vmem>>) target(%dma_start3A_379 : memref<10240x64xf32, #tpu.memory_space<vmem_shared>>) offsets(%dma_start3A_376 : memref<128xi32, #tpu.memory_space<vmem>>) semaphore(%arg17 : memref<!tpu.dma_semaphore, #tpu.memory_space<semaphore_mem>>) {add = true}
    %dma_wait3A_380 = arith.constant 0 : i32
    %dma_wait3A_381 = arith.constant 1 : i32
    %dma_wait3A_382 = arith.constant 0 : i32
    %dma_wait3A_383 = tpu.memref_slice %arg6[%dma_wait3A_380, %dma_wait3A_381, %dma_wait3A_382] : memref<4x2x128xi32, #tpu.memory_space<vmem>> -> memref<1x1x128xi32, #tpu.memory_space<vmem>>
    %dma_wait3A_384 = tpu.memref_squeeze %dma_wait3A_383 : memref<1x1x128xi32, #tpu.memory_space<vmem>> -> memref<128xi32, #tpu.memory_space<vmem>>
    %dma_wait3A_385 = arith.constant 0 : i32
    %dma_wait3A_386 = arith.constant 0 : i32
    %dma_wait3A_387 = tpu.memref_slice %arg11[%dma_wait3A_385, %dma_wait3A_386] : memref<10240x64xf32, #tpu.memory_space<vmem_shared>> -> memref<10240x64xf32, #tpu.memory_space<vmem_shared>>
    tpu.wait_indirect_dma semaphore(%arg16 : memref<!tpu.dma_semaphore, #tpu.memory_space<semaphore_mem>>) src(%arg7 : memref<128x64xf32, #tpu.memory_space<vmem>>) dst(%dma_wait3A_387 : memref<10240x64xf32, #tpu.memory_space<vmem_shared>>)
    %dma_start3A_388 = arith.constant 2 : i32
    %dma_start3A_389 = arith.constant 0 : i32
    %dma_start3A_390 = arith.constant 0 : i32
    %dma_start3A_391 = tpu.memref_slice %arg6[%dma_start3A_388, %dma_start3A_389, %dma_start3A_390] : memref<4x2x128xi32, #tpu.memory_space<vmem>> -> memref<1x1x128xi32, #tpu.memory_space<vmem>>
    %dma_start3A_392 = tpu.memref_squeeze %dma_start3A_391 : memref<1x1x128xi32, #tpu.memory_space<vmem>> -> memref<128xi32, #tpu.memory_space<vmem>>
    %dma_start3A_393 = arith.constant 0 : i32
    %dma_start3A_394 = arith.constant 0 : i32
    %dma_start3A_395 = tpu.memref_slice %arg10[%dma_start3A_393, %dma_start3A_394] : memref<10240x64xf32, #tpu.memory_space<vmem_shared>> -> memref<10240x64xf32, #tpu.memory_space<vmem_shared>>
    tpu.enqueue_indirect_dma source(%dma_start3A_395 : memref<10240x64xf32, #tpu.memory_space<vmem_shared>>) target(%arg7 : memref<128x64xf32, #tpu.memory_space<vmem>>) offsets(%dma_start3A_392 : memref<128xi32, #tpu.memory_space<vmem>>) semaphore(%arg14 : memref<!tpu.dma_semaphore, #tpu.memory_space<semaphore_mem>>)
    %dma_wait3A_396 = arith.constant 1 : i32
    %dma_wait3A_397 = arith.constant 1 : i32
    %dma_wait3A_398 = arith.constant 0 : i32
    %dma_wait3A_399 = tpu.memref_slice %arg6[%dma_wait3A_396, %dma_wait3A_397, %dma_wait3A_398] : memref<4x2x128xi32, #tpu.memory_space<vmem>> -> memref<1x1x128xi32, #tpu.memory_space<vmem>>
    %dma_wait3A_400 = tpu.memref_squeeze %dma_wait3A_399 : memref<1x1x128xi32, #tpu.memory_space<vmem>> -> memref<128xi32, #tpu.memory_space<vmem>>
    %dma_wait3A_401 = arith.constant 0 : i32
    %dma_wait3A_402 = arith.constant 0 : i32
    %dma_wait3A_403 = tpu.memref_slice %arg11[%dma_wait3A_401, %dma_wait3A_402] : memref<10240x64xf32, #tpu.memory_space<vmem_shared>> -> memref<10240x64xf32, #tpu.memory_space<vmem_shared>>
    tpu.wait_indirect_dma semaphore(%arg17 : memref<!tpu.dma_semaphore, #tpu.memory_space<semaphore_mem>>) src(%arg8 : memref<128x64xf32, #tpu.memory_space<vmem>>) dst(%dma_wait3A_403 : memref<10240x64xf32, #tpu.memory_space<vmem_shared>>)
    %dma_start3A_404 = arith.constant 3 : i32
    %dma_start3A_405 = arith.constant 0 : i32
    %dma_start3A_406 = arith.constant 0 : i32
    %dma_start3A_407 = tpu.memref_slice %arg6[%dma_start3A_404, %dma_start3A_405, %dma_start3A_406] : memref<4x2x128xi32, #tpu.memory_space<vmem>> -> memref<1x1x128xi32, #tpu.memory_space<vmem>>
    %dma_start3A_408 = tpu.memref_squeeze %dma_start3A_407 : memref<1x1x128xi32, #tpu.memory_space<vmem>> -> memref<128xi32, #tpu.memory_space<vmem>>
    %dma_start3A_409 = arith.constant 0 : i32
    %dma_start3A_410 = arith.constant 0 : i32
    %dma_start3A_411 = tpu.memref_slice %arg10[%dma_start3A_409, %dma_start3A_410] : memref<10240x64xf32, #tpu.memory_space<vmem_shared>> -> memref<10240x64xf32, #tpu.memory_space<vmem_shared>>
    tpu.enqueue_indirect_dma source(%dma_start3A_411 : memref<10240x64xf32, #tpu.memory_space<vmem_shared>>) target(%arg8 : memref<128x64xf32, #tpu.memory_space<vmem>>) offsets(%dma_start3A_408 : memref<128xi32, #tpu.memory_space<vmem>>) semaphore(%arg15 : memref<!tpu.dma_semaphore, #tpu.memory_space<semaphore_mem>>)
    %dma_wait3A_412 = arith.constant 2 : i32
    %dma_wait3A_413 = arith.constant 0 : i32
    %dma_wait3A_414 = arith.constant 0 : i32
    %dma_wait3A_415 = tpu.memref_slice %arg6[%dma_wait3A_412, %dma_wait3A_413, %dma_wait3A_414] : memref<4x2x128xi32, #tpu.memory_space<vmem>> -> memref<1x1x128xi32, #tpu.memory_space<vmem>>
    %dma_wait3A_416 = tpu.memref_squeeze %dma_wait3A_415 : memref<1x1x128xi32, #tpu.memory_space<vmem>> -> memref<128xi32, #tpu.memory_space<vmem>>
    %dma_wait3A_417 = arith.constant 0 : i32
    %dma_wait3A_418 = arith.constant 0 : i32
    %dma_wait3A_419 = tpu.memref_slice %arg10[%dma_wait3A_417, %dma_wait3A_418] : memref<10240x64xf32, #tpu.memory_space<vmem_shared>> -> memref<10240x64xf32, #tpu.memory_space<vmem_shared>>
    tpu.wait_indirect_dma semaphore(%arg14 : memref<!tpu.dma_semaphore, #tpu.memory_space<semaphore_mem>>) src(%dma_wait3A_419 : memref<10240x64xf32, #tpu.memory_space<vmem_shared>>) dst(%arg7 : memref<128x64xf32, #tpu.memory_space<vmem>>)
    %dma_start3A_420 = arith.constant 2 : i32
    %dma_start3A_421 = arith.constant 1 : i32
    %dma_start3A_422 = arith.constant 0 : i32
    %dma_start3A_423 = tpu.memref_slice %arg6[%dma_start3A_420, %dma_start3A_421, %dma_start3A_422] : memref<4x2x128xi32, #tpu.memory_space<vmem>> -> memref<1x1x128xi32, #tpu.memory_space<vmem>>
    %dma_start3A_424 = tpu.memref_squeeze %dma_start3A_423 : memref<1x1x128xi32, #tpu.memory_space<vmem>> -> memref<128xi32, #tpu.memory_space<vmem>>
    %dma_start3A_425 = arith.constant 0 : i32
    %dma_start3A_426 = arith.constant 0 : i32
    %dma_start3A_427 = tpu.memref_slice %arg11[%dma_start3A_425, %dma_start3A_426] : memref<10240x64xf32, #tpu.memory_space<vmem_shared>> -> memref<10240x64xf32, #tpu.memory_space<vmem_shared>>
    tpu.enqueue_indirect_dma source(%arg7 : memref<128x64xf32, #tpu.memory_space<vmem>>) target(%dma_start3A_427 : memref<10240x64xf32, #tpu.memory_space<vmem_shared>>) offsets(%dma_start3A_424 : memref<128xi32, #tpu.memory_space<vmem>>) semaphore(%arg16 : memref<!tpu.dma_semaphore, #tpu.memory_space<semaphore_mem>>) {add = true}
    %dma_wait3A_428 = arith.constant 3 : i32
    %dma_wait3A_429 = arith.constant 0 : i32
    %dma_wait3A_430 = arith.constant 0 : i32
    %dma_wait3A_431 = tpu.memref_slice %arg6[%dma_wait3A_428, %dma_wait3A_429, %dma_wait3A_430] : memref<4x2x128xi32, #tpu.memory_space<vmem>> -> memref<1x1x128xi32, #tpu.memory_space<vmem>>
    %dma_wait3A_432 = tpu.memref_squeeze %dma_wait3A_431 : memref<1x1x128xi32, #tpu.memory_space<vmem>> -> memref<128xi32, #tpu.memory_space<vmem>>
    %dma_wait3A_433 = arith.constant 0 : i32
    %dma_wait3A_434 = arith.constant 0 : i32
    %dma_wait3A_435 = tpu.memref_slice %arg10[%dma_wait3A_433, %dma_wait3A_434] : memref<10240x64xf32, #tpu.memory_space<vmem_shared>> -> memref<10240x64xf32, #tpu.memory_space<vmem_shared>>
    tpu.wait_indirect_dma semaphore(%arg15 : memref<!tpu.dma_semaphore, #tpu.memory_space<semaphore_mem>>) src(%dma_wait3A_435 : memref<10240x64xf32, #tpu.memory_space<vmem_shared>>) dst(%arg8 : memref<128x64xf32, #tpu.memory_space<vmem>>)
    %dma_start3A_436 = arith.constant 3 : i32
    %dma_start3A_437 = arith.constant 1 : i32
    %dma_start3A_438 = arith.constant 0 : i32
    %dma_start3A_439 = tpu.memref_slice %arg6[%dma_start3A_436, %dma_start3A_437, %dma_start3A_438] : memref<4x2x128xi32, #tpu.memory_space<vmem>> -> memref<1x1x128xi32, #tpu.memory_space<vmem>>
    %dma_start3A_440 = tpu.memref_squeeze %dma_start3A_439 : memref<1x1x128xi32, #tpu.memory_space<vmem>> -> memref<128xi32, #tpu.memory_space<vmem>>
    %dma_start3A_441 = arith.constant 0 : i32
    %dma_start3A_442 = arith.constant 0 : i32
    %dma_start3A_443 = tpu.memref_slice %arg11[%dma_start3A_441, %dma_start3A_442] : memref<10240x64xf32, #tpu.memory_space<vmem_shared>> -> memref<10240x64xf32, #tpu.memory_space<vmem_shared>>
    tpu.enqueue_indirect_dma source(%arg8 : memref<128x64xf32, #tpu.memory_space<vmem>>) target(%dma_start3A_443 : memref<10240x64xf32, #tpu.memory_space<vmem_shared>>) offsets(%dma_start3A_440 : memref<128xi32, #tpu.memory_space<vmem>>) semaphore(%arg17 : memref<!tpu.dma_semaphore, #tpu.memory_space<semaphore_mem>>) {add = true}
    %dma_wait3A_444 = arith.constant 2 : i32
    %dma_wait3A_445 = arith.constant 1 : i32
    %dma_wait3A_446 = arith.constant 0 : i32
    %dma_wait3A_447 = tpu.memref_slice %arg6[%dma_wait3A_444, %dma_wait3A_445, %dma_wait3A_446] : memref<4x2x128xi32, #tpu.memory_space<vmem>> -> memref<1x1x128xi32, #tpu.memory_space<vmem>>
    %dma_wait3A_448 = tpu.memref_squeeze %dma_wait3A_447 : memref<1x1x128xi32, #tpu.memory_space<vmem>> -> memref<128xi32, #tpu.memory_space<vmem>>
    %dma_wait3A_449 = arith.constant 0 : i32
    %dma_wait3A_450 = arith.constant 0 : i32
    %dma_wait3A_451 = tpu.memref_slice %arg11[%dma_wait3A_449, %dma_wait3A_450] : memref<10240x64xf32, #tpu.memory_space<vmem_shared>> -> memref<10240x64xf32, #tpu.memory_space<vmem_shared>>
    tpu.wait_indirect_dma semaphore(%arg16 : memref<!tpu.dma_semaphore, #tpu.memory_space<semaphore_mem>>) src(%arg7 : memref<128x64xf32, #tpu.memory_space<vmem>>) dst(%dma_wait3A_451 : memref<10240x64xf32, #tpu.memory_space<vmem_shared>>)
    %dma_wait3A_452 = arith.constant 3 : i32
    %dma_wait3A_453 = arith.constant 1 : i32
    %dma_wait3A_454 = arith.constant 0 : i32
    %dma_wait3A_455 = tpu.memref_slice %arg6[%dma_wait3A_452, %dma_wait3A_453, %dma_wait3A_454] : memref<4x2x128xi32, #tpu.memory_space<vmem>> -> memref<1x1x128xi32, #tpu.memory_space<vmem>>
    %dma_wait3A_456 = tpu.memref_squeeze %dma_wait3A_455 : memref<1x1x128xi32, #tpu.memory_space<vmem>> -> memref<128xi32, #tpu.memory_space<vmem>>
    %dma_wait3A_457 = arith.constant 0 : i32
    %dma_wait3A_458 = arith.constant 0 : i32
    %dma_wait3A_459 = tpu.memref_slice %arg11[%dma_wait3A_457, %dma_wait3A_458] : memref<10240x64xf32, #tpu.memory_space<vmem_shared>> -> memref<10240x64xf32, #tpu.memory_space<vmem_shared>>
    tpu.wait_indirect_dma semaphore(%arg17 : memref<!tpu.dma_semaphore, #tpu.memory_space<semaphore_mem>>) src(%arg8 : memref<128x64xf32, #tpu.memory_space<vmem>>) dst(%dma_wait3A_459 : memref<10240x64xf32, #tpu.memory_space<vmem_shared>>)
    %barrier3A_460 = arith.constant 0 : index
    tpu.barrier barrier_id(%barrier3A_460)
    "tpu.region"() ({
      %run_scoped3A = tpu.sem_alloc : memref<!tpu.dma_semaphore, #tpu.memory_space<semaphore_mem>>
      %dma_start3A_461 = arith.constant 0 : i32
      %dma_start3A_462 = tpu.memref_slice %arg4[%arg0, %mul3A_0, %dma_start3A_461] : memref<2x10240x64xf32, #tpu.memory_space<hbm>> -> memref<1x640x64xf32, #tpu.memory_space<hbm>>
      %dma_start3A_463 = tpu.memref_squeeze %dma_start3A_462 : memref<1x640x64xf32, #tpu.memory_space<hbm>> -> memref<640x64xf32, #tpu.memory_space<hbm>>
      %dma_start3A_464 = arith.constant 0 : i32
      %dma_start3A_465 = tpu.memref_slice %arg11[%mul3A_0, %dma_start3A_464] : memref<10240x64xf32, #tpu.memory_space<vmem_shared>> -> memref<640x64xf32, #tpu.memory_space<vmem_shared>>
      tpu.enqueue_dma source(%dma_start3A_465 : memref<640x64xf32, #tpu.memory_space<vmem_shared>>) target(%dma_start3A_463 : memref<640x64xf32, #tpu.memory_space<hbm>>) target_semaphore(%run_scoped3A : memref<!tpu.dma_semaphore, #tpu.memory_space<semaphore_mem>>)
      %dma_wait3A_466 = arith.constant 0 : i32
      %dma_wait3A_467 = tpu.memref_slice %arg4[%arg0, %mul3A_0, %dma_wait3A_466] : memref<2x10240x64xf32, #tpu.memory_space<hbm>> -> memref<1x640x64xf32, #tpu.memory_space<hbm>>
      %dma_wait3A_468 = tpu.memref_squeeze %dma_wait3A_467 : memref<1x640x64xf32, #tpu.memory_space<hbm>> -> memref<640x64xf32, #tpu.memory_space<hbm>>
      %dma_wait3A_469 = arith.constant 0 : i32
      %dma_wait3A_470 = tpu.memref_slice %arg11[%mul3A_0, %dma_wait3A_469] : memref<10240x64xf32, #tpu.memory_space<vmem_shared>> -> memref<640x64xf32, #tpu.memory_space<vmem_shared>>
      tpu.wait_dma2 semaphore(%run_scoped3A : memref<!tpu.dma_semaphore, #tpu.memory_space<semaphore_mem>>) src(%dma_wait3A_470 : memref<640x64xf32, #tpu.memory_space<vmem_shared>>) dst(%dma_wait3A_468 : memref<640x64xf32, #tpu.memory_space<hbm>>)
      tpu.yield
    }) : () -> ()
    return
  }
}

module attributes {stable_mosaic.version = 14 : i64} {
  func.func @_pre_body(%arg0: i32, %arg1: memref<2x2000x16xf32, #tpu.memory_space<vmem>>, %arg2: memref<2000x128xf32, #tpu.memory_space<vmem>>, %arg3: memref<128x128xf32, #tpu.memory_space<vmem>>, %arg4: memref<2x2000x64xf32, #tpu.memory_space<vmem>>) attributes {dimension_semantics = [#tpu.dimension_semantics<arbitrary>], iteration_bounds = array<i64: 5>, scalar_prefetch = 0 : i64, scratch_operands = 0 : i64, tpu.core_type = #tpu.core_type<tc>, window_params = [{transform_indices = @transform_0, window_bounds = array<i64: 2, 2000, 16>}, {transform_indices = @transform_1, window_bounds = array<i64: 2000, 128>}, {pipeline_mode = #tpu.pipeline_mode<synchronous>, transform_indices = @transform_2, window_bounds = array<i64: 128, 128>}, {transform_indices = @transform_3, window_bounds = array<i64: 2, 2000, 64>}]} {
    %get3A = arith.constant 0 : index
    %get3A_0 = arith.constant 0 : index
    %get3A_1 = arith.constant 0 : index
    %get3A_2 = vector.load %arg1[%get3A, %get3A_0, %get3A_1] : memref<2x2000x16xf32, #tpu.memory_space<vmem>>, vector<1x2000x1xf32>
    %get3A_3 = vector.shape_cast %get3A_2 : vector<1x2000x1xf32> to vector<2000x1xf32>
    %get3A_4 = arith.constant 1 : index
    %get3A_5 = arith.constant 0 : index
    %get3A_6 = arith.constant 0 : index
    %get3A_7 = vector.load %arg1[%get3A_4, %get3A_5, %get3A_6] : memref<2x2000x16xf32, #tpu.memory_space<vmem>>, vector<1x2000x1xf32>
    %get3A_8 = vector.shape_cast %get3A_7 : vector<1x2000x1xf32> to vector<2000x1xf32>
    %add3A = arith.addf %get3A_3, %get3A_8 : vector<2000x1xf32>
    %add3A_9 = arith.constant 1.000000e+00 : f32
    %add3A_10 = vector.broadcast %add3A_9 : f32 to vector<2000x1xf32>
    %add3A_11 = arith.addf %add3A, %add3A_10 : vector<2000x1xf32>
    %rsqrt3A = math.rsqrt %add3A_11 : vector<2000x1xf32>
    %get3A_12 = arith.constant 0 : index
    %get3A_13 = arith.constant 0 : index
    %get3A_14 = vector.load %arg2[%get3A_12, %get3A_13] : memref<2000x128xf32, #tpu.memory_space<vmem>>, vector<2000x128xf32>
    %get3A_15 = arith.constant 0 : index
    %get3A_16 = arith.constant 0 : index
    %get3A_17 = vector.load %arg3[%get3A_15, %get3A_16] : memref<128x128xf32, #tpu.memory_space<vmem>>, vector<128x128xf32>
    %dot_general3A = arith.constant dense<0.000000e+00> : vector<2000x128xf32>
    %dot_general3A_18 = tpu.matmul %get3A_14, %get3A_17, %dot_general3A {dimension_numbers = #tpu.dot_dimension_numbers<[1], [0], [0], [1], [0, 0, 1, 1], [], []>, transpose_lhs_hint = false} : vector<2000x128xf32>, vector<128x128xf32>, vector<2000x128xf32> -> vector<2000x128xf32>
    %mul3A = vector.broadcast %rsqrt3A : vector<2000x1xf32> to vector<2000x128xf32>
    %mul3A_19 = arith.mulf %dot_general3A_18, %mul3A : vector<2000x128xf32>
    %slice3A = vector.extract_strided_slice %mul3A_19 {offsets = [0, 0], sizes = [2000, 64], strides = [1, 1]} : vector<2000x128xf32> to vector<2000x64xf32>
    %slice3A_20 = vector.extract_strided_slice %mul3A_19 {offsets = [0, 64], sizes = [2000, 64], strides = [1, 1]} : vector<2000x128xf32> to vector<2000x64xf32>
    %stack3A = vector.shape_cast %slice3A : vector<2000x64xf32> to vector<1x2000x64xf32>
    %stack3A_21 = vector.shape_cast %slice3A_20 : vector<2000x64xf32> to vector<1x2000x64xf32>
    %stack3A_22 = tpu.concatenate %stack3A, %stack3A_21 in 0 : vector<1x2000x64xf32>, vector<1x2000x64xf32> -> vector<2x2000x64xf32>
    %swap3A = arith.constant 0 : index
    %swap3A_23 = arith.constant 0 : index
    %swap3A_24 = arith.constant 0 : index
    %swap3A_25 = vector.load %arg4[%swap3A, %swap3A_23, %swap3A_24] : memref<2x2000x64xf32, #tpu.memory_space<vmem>>, vector<2x2000x64xf32>
    tpu.vector_store %arg4[%swap3A, %swap3A_23, %swap3A_24], %stack3A_22 {strides = array<i32>} : memref<2x2000x64xf32, #tpu.memory_space<vmem>>, vector<2x2000x64xf32>,
    return
  }
  func.func @transform_0(%arg0: i32) -> (i32, i32, i32) {
    %c0_i32 = arith.constant 0 : i32
    %c0_i32_0 = arith.constant 0 : i32
    %c0_i32_1 = arith.constant 0 : i32
    return %c0_i32, %arg0, %c0_i32_0 : i32, i32, i32
  }
  func.func @transform_1(%arg0: i32) -> (i32, i32) {
    %c0_i32 = arith.constant 0 : i32
    %c0_i32_0 = arith.constant 0 : i32
    return %arg0, %c0_i32 : i32, i32
  }
  func.func @transform_2(%arg0: i32) -> (i32, i32) {
    %c0_i32 = arith.constant 0 : i32
    %c0_i32_0 = arith.constant 0 : i32
    %c0_i32_1 = arith.constant 0 : i32
    return %c0_i32, %c0_i32_0 : i32, i32
  }
  func.func @transform_3(%arg0: i32) -> (i32, i32, i32) {
    %c0_i32 = arith.constant 0 : i32
    %c0_i32_0 = arith.constant 0 : i32
    %c0_i32_1 = arith.constant 0 : i32
    return %c0_i32, %arg0, %c0_i32_0 : i32, i32, i32
  }
}

module attributes {stable_mosaic.version = 14 : i64} {
  func.func @_mid_body(%arg0: i32, %arg1: memref<2x2000x16xf32, #tpu.memory_space<vmem>>, %arg2: memref<2x2000x64xf32, #tpu.memory_space<vmem>>, %arg3: memref<2x2000x64xf32, #tpu.memory_space<vmem>>, %arg4: memref<2000x128xf32, #tpu.memory_space<vmem>>, %arg5: memref<1x128xf32, #tpu.memory_space<vmem>>, %arg6: memref<1x128xf32, #tpu.memory_space<vmem>>, %arg7: memref<1x128xf32, #tpu.memory_space<vmem>>, %arg8: memref<128x128xf32, #tpu.memory_space<vmem>>, %arg9: memref<2000x128xf32, #tpu.memory_space<vmem>>, %arg10: memref<2x2000x64xf32, #tpu.memory_space<vmem>>) attributes {dimension_semantics = [#tpu.dimension_semantics<arbitrary>], iteration_bounds = array<i64: 5>, scalar_prefetch = 0 : i64, scratch_operands = 0 : i64, tpu.core_type = #tpu.core_type<tc>, window_params = [{transform_indices = @transform_0, window_bounds = array<i64: 2, 2000, 16>}, {transform_indices = @transform_1, window_bounds = array<i64: 2, 2000, 64>}, {transform_indices = @transform_2, window_bounds = array<i64: 2, 2000, 64>}, {transform_indices = @transform_3, window_bounds = array<i64: 2000, 128>}, {pipeline_mode = #tpu.pipeline_mode<synchronous>, transform_indices = @transform_4, window_bounds = array<i64: 1, 128>}, {pipeline_mode = #tpu.pipeline_mode<synchronous>, transform_indices = @transform_5, window_bounds = array<i64: 1, 128>}, {pipeline_mode = #tpu.pipeline_mode<synchronous>, transform_indices = @transform_6, window_bounds = array<i64: 1, 128>}, {pipeline_mode = #tpu.pipeline_mode<synchronous>, transform_indices = @transform_7, window_bounds = array<i64: 128, 128>}, {transform_indices = @transform_8, window_bounds = array<i64: 2000, 128>}, {transform_indices = @transform_9, window_bounds = array<i64: 2, 2000, 64>}]} {
    %get3A = arith.constant 0 : index
    %get3A_0 = arith.constant 0 : index
    %get3A_1 = arith.constant 0 : index
    %get3A_2 = vector.load %arg1[%get3A, %get3A_0, %get3A_1] : memref<2x2000x16xf32, #tpu.memory_space<vmem>>, vector<1x2000x1xf32>
    %get3A_3 = vector.shape_cast %get3A_2 : vector<1x2000x1xf32> to vector<2000x1xf32>
    %get3A_4 = arith.constant 1 : index
    %get3A_5 = arith.constant 0 : index
    %get3A_6 = arith.constant 0 : index
    %get3A_7 = vector.load %arg1[%get3A_4, %get3A_5, %get3A_6] : memref<2x2000x16xf32, #tpu.memory_space<vmem>>, vector<1x2000x1xf32>
    %get3A_8 = vector.shape_cast %get3A_7 : vector<1x2000x1xf32> to vector<2000x1xf32>
    %add3A = arith.addf %get3A_3, %get3A_8 : vector<2000x1xf32>
    %add3A_9 = arith.constant 1.000000e+00 : f32
    %add3A_10 = vector.broadcast %add3A_9 : f32 to vector<2000x1xf32>
    %add3A_11 = arith.addf %add3A, %add3A_10 : vector<2000x1xf32>
    %rsqrt3A = math.rsqrt %add3A_11 : vector<2000x1xf32>
    %get3A_12 = arith.constant 0 : index
    %get3A_13 = arith.constant 0 : index
    %get3A_14 = arith.constant 0 : index
    %get3A_15 = vector.load %arg2[%get3A_12, %get3A_13, %get3A_14] : memref<2x2000x64xf32, #tpu.memory_space<vmem>>, vector<1x2000x64xf32>
    %get3A_16 = vector.shape_cast %get3A_15 : vector<1x2000x64xf32> to vector<2000x64xf32>
    %get3A_17 = arith.constant 0 : index
    %get3A_18 = arith.constant 0 : index
    %get3A_19 = arith.constant 0 : index
    %get3A_20 = vector.load %arg3[%get3A_17, %get3A_18, %get3A_19] : memref<2x2000x64xf32, #tpu.memory_space<vmem>>, vector<1x2000x64xf32>
    %get3A_21 = vector.shape_cast %get3A_20 : vector<1x2000x64xf32> to vector<2000x64xf32>
    %add3A_22 = arith.addf %get3A_16, %get3A_21 : vector<2000x64xf32>
    %get3A_23 = arith.constant 1 : index
    %get3A_24 = arith.constant 0 : index
    %get3A_25 = arith.constant 0 : index
    %get3A_26 = vector.load %arg2[%get3A_23, %get3A_24, %get3A_25] : memref<2x2000x64xf32, #tpu.memory_space<vmem>>, vector<1x2000x64xf32>
    %get3A_27 = vector.shape_cast %get3A_26 : vector<1x2000x64xf32> to vector<2000x64xf32>
    %get3A_28 = arith.constant 1 : index
    %get3A_29 = arith.constant 0 : index
    %get3A_30 = arith.constant 0 : index
    %get3A_31 = vector.load %arg3[%get3A_28, %get3A_29, %get3A_30] : memref<2x2000x64xf32, #tpu.memory_space<vmem>>, vector<1x2000x64xf32>
    %get3A_32 = vector.shape_cast %get3A_31 : vector<1x2000x64xf32> to vector<2000x64xf32>
    %add3A_33 = arith.addf %get3A_27, %get3A_32 : vector<2000x64xf32>
    %concatenate3A = tpu.concatenate %add3A_22, %add3A_33 in 1 : vector<2000x64xf32>, vector<2000x64xf32> -> vector<2000x128xf32>
    %mul3A = vector.broadcast %rsqrt3A : vector<2000x1xf32> to vector<2000x128xf32>
    %mul3A_34 = arith.mulf %concatenate3A, %mul3A : vector<2000x128xf32>
    %get3A_35 = arith.constant 0 : index
    %get3A_36 = arith.constant 0 : index
    %get3A_37 = vector.load %arg5[%get3A_35, %get3A_36] : memref<1x128xf32, #tpu.memory_space<vmem>>, vector<1x128xf32>
    %add3A_38 = vector.broadcast %get3A_37 : vector<1x128xf32> to vector<2000x128xf32>
    %add3A_39 = arith.addf %mul3A_34, %add3A_38 : vector<2000x128xf32>
    %reduce_sum3A = arith.constant dense<0.000000e+00> : vector<2000xf32>
    %reduce_sum3A_40 = vector.multi_reduction <add>, %add3A_39, %reduce_sum3A [1] : vector<2000x128xf32> to vector<2000xf32>
    %broadcast_in_dim3A = vector.shape_cast %reduce_sum3A_40 : vector<2000xf32> to vector<2000x1xf32>
    %div3A = arith.constant 1.280000e+02 : f32
    %div3A_41 = vector.broadcast %div3A : f32 to vector<2000x1xf32>
    %div3A_42 = arith.divf %broadcast_in_dim3A, %div3A_41 : vector<2000x1xf32>
    %sub3A = vector.broadcast %div3A_42 : vector<2000x1xf32> to vector<2000x128xf32>
    %sub3A_43 = arith.subf %add3A_39, %sub3A : vector<2000x128xf32>
    %integer_pow3A = arith.mulf %sub3A_43, %sub3A_43 : vector<2000x128xf32>
    %reduce_sum3A_44 = arith.constant dense<0.000000e+00> : vector<2000xf32>
    %reduce_sum3A_45 = vector.multi_reduction <add>, %integer_pow3A, %reduce_sum3A_44 [1] : vector<2000x128xf32> to vector<2000xf32>
    %broadcast_in_dim3A_46 = vector.shape_cast %reduce_sum3A_45 : vector<2000xf32> to vector<2000x1xf32>
    %div3A_47 = arith.constant 1.280000e+02 : f32
    %div3A_48 = vector.broadcast %div3A_47 : f32 to vector<2000x1xf32>
    %div3A_49 = arith.divf %broadcast_in_dim3A_46, %div3A_48 : vector<2000x1xf32>
    %sub3A_50 = vector.broadcast %div3A_42 : vector<2000x1xf32> to vector<2000x128xf32>
    %sub3A_51 = arith.subf %add3A_39, %sub3A_50 : vector<2000x128xf32>
    %add3A_52 = arith.constant 9.99999974E-6 : f32
    %add3A_53 = vector.broadcast %add3A_52 : f32 to vector<2000x1xf32>
    %add3A_54 = arith.addf %div3A_49, %add3A_53 : vector<2000x1xf32>
    %sqrt3A = math.sqrt %add3A_54 : vector<2000x1xf32>
    %div3A_55 = vector.broadcast %sqrt3A : vector<2000x1xf32> to vector<2000x128xf32>
    %div3A_56 = arith.divf %sub3A_51, %div3A_55 : vector<2000x128xf32>
    %get3A_57 = arith.constant 0 : index
    %get3A_58 = arith.constant 0 : index
    %get3A_59 = vector.load %arg6[%get3A_57, %get3A_58] : memref<1x128xf32, #tpu.memory_space<vmem>>, vector<1x128xf32>
    %mul3A_60 = vector.broadcast %get3A_59 : vector<1x128xf32> to vector<2000x128xf32>
    %mul3A_61 = arith.mulf %div3A_56, %mul3A_60 : vector<2000x128xf32>
    %get3A_62 = arith.constant 0 : index
    %get3A_63 = arith.constant 0 : index
    %get3A_64 = vector.load %arg7[%get3A_62, %get3A_63] : memref<1x128xf32, #tpu.memory_space<vmem>>, vector<1x128xf32>
    %add3A_65 = vector.broadcast %get3A_64 : vector<1x128xf32> to vector<2000x128xf32>
    %add3A_66 = arith.addf %mul3A_61, %add3A_65 : vector<2000x128xf32>
    %max3A = arith.constant 0.000000e+00 : f32
    %max3A_67 = vector.broadcast %max3A : f32 to vector<2000x128xf32>
    %max3A_68 = arith.maximumf %add3A_66, %max3A_67 : vector<2000x128xf32>
    %get3A_69 = arith.constant 0 : index
    %get3A_70 = arith.constant 0 : index
    %get3A_71 = vector.load %arg4[%get3A_69, %get3A_70] : memref<2000x128xf32, #tpu.memory_space<vmem>>, vector<2000x128xf32>
    %add3A_72 = arith.addf %max3A_68, %get3A_71 : vector<2000x128xf32>
    %swap3A = arith.constant 0 : index
    %swap3A_73 = arith.constant 0 : index
    %swap3A_74 = vector.load %arg9[%swap3A, %swap3A_73] : memref<2000x128xf32, #tpu.memory_space<vmem>>, vector<2000x128xf32>
    tpu.vector_store %arg9[%swap3A, %swap3A_73], %add3A_72 {strides = array<i32>} : memref<2000x128xf32, #tpu.memory_space<vmem>>, vector<2000x128xf32>,
    %get3A_75 = arith.constant 0 : index
    %get3A_76 = arith.constant 0 : index
    %get3A_77 = vector.load %arg8[%get3A_75, %get3A_76] : memref<128x128xf32, #tpu.memory_space<vmem>>, vector<128x128xf32>
    %dot_general3A = arith.constant dense<0.000000e+00> : vector<2000x128xf32>
    %dot_general3A_78 = tpu.matmul %add3A_72, %get3A_77, %dot_general3A {dimension_numbers = #tpu.dot_dimension_numbers<[1], [0], [0], [1], [0, 0, 1, 1], [], []>, transpose_lhs_hint = false} : vector<2000x128xf32>, vector<128x128xf32>, vector<2000x128xf32> -> vector<2000x128xf32>
    %mul3A_79 = vector.broadcast %rsqrt3A : vector<2000x1xf32> to vector<2000x128xf32>
    %mul3A_80 = arith.mulf %dot_general3A_78, %mul3A_79 : vector<2000x128xf32>
    %slice3A = vector.extract_strided_slice %mul3A_80 {offsets = [0, 0], sizes = [2000, 64], strides = [1, 1]} : vector<2000x128xf32> to vector<2000x64xf32>
    %slice3A_81 = vector.extract_strided_slice %mul3A_80 {offsets = [0, 64], sizes = [2000, 64], strides = [1, 1]} : vector<2000x128xf32> to vector<2000x64xf32>
    %stack3A = vector.shape_cast %slice3A : vector<2000x64xf32> to vector<1x2000x64xf32>
    %stack3A_82 = vector.shape_cast %slice3A_81 : vector<2000x64xf32> to vector<1x2000x64xf32>
    %stack3A_83 = tpu.concatenate %stack3A, %stack3A_82 in 0 : vector<1x2000x64xf32>, vector<1x2000x64xf32> -> vector<2x2000x64xf32>
    %swap3A_84 = arith.constant 0 : index
    %swap3A_85 = arith.constant 0 : index
    %swap3A_86 = arith.constant 0 : index
    %swap3A_87 = vector.load %arg10[%swap3A_84, %swap3A_85, %swap3A_86] : memref<2x2000x64xf32, #tpu.memory_space<vmem>>, vector<2x2000x64xf32>
    tpu.vector_store %arg10[%swap3A_84, %swap3A_85, %swap3A_86], %stack3A_83 {strides = array<i32>} : memref<2x2000x64xf32, #tpu.memory_space<vmem>>, vector<2x2000x64xf32>,
    return
  }
  func.func @transform_0(%arg0: i32) -> (i32, i32, i32) {
    %c0_i32 = arith.constant 0 : i32
    %c0_i32_0 = arith.constant 0 : i32
    %c0_i32_1 = arith.constant 0 : i32
    return %c0_i32, %arg0, %c0_i32_0 : i32, i32, i32
  }
  func.func @transform_1(%arg0: i32) -> (i32, i32, i32) {
    %c0_i32 = arith.constant 0 : i32
    %c0_i32_0 = arith.constant 0 : i32
    %c0_i32_1 = arith.constant 0 : i32
    return %c0_i32, %arg0, %c0_i32_0 : i32, i32, i32
  }
  func.func @transform_2(%arg0: i32) -> (i32, i32, i32) {
    %c0_i32 = arith.constant 0 : i32
    %c0_i32_0 = arith.constant 0 : i32
    %c0_i32_1 = arith.constant 0 : i32
    return %c0_i32, %arg0, %c0_i32_0 : i32, i32, i32
  }
  func.func @transform_3(%arg0: i32) -> (i32, i32) {
    %c0_i32 = arith.constant 0 : i32
    %c0_i32_0 = arith.constant 0 : i32
    return %arg0, %c0_i32 : i32, i32
  }
  func.func @transform_4(%arg0: i32) -> (i32, i32) {
    %c0_i32 = arith.constant 0 : i32
    %c0_i32_0 = arith.constant 0 : i32
    %c0_i32_1 = arith.constant 0 : i32
    return %c0_i32, %c0_i32_0 : i32, i32
  }
  func.func @transform_5(%arg0: i32) -> (i32, i32) {
    %c0_i32 = arith.constant 0 : i32
    %c0_i32_0 = arith.constant 0 : i32
    %c0_i32_1 = arith.constant 0 : i32
    return %c0_i32, %c0_i32_0 : i32, i32
  }
  func.func @transform_6(%arg0: i32) -> (i32, i32) {
    %c0_i32 = arith.constant 0 : i32
    %c0_i32_0 = arith.constant 0 : i32
    %c0_i32_1 = arith.constant 0 : i32
    return %c0_i32, %c0_i32_0 : i32, i32
  }
  func.func @transform_7(%arg0: i32) -> (i32, i32) {
    %c0_i32 = arith.constant 0 : i32
    %c0_i32_0 = arith.constant 0 : i32
    %c0_i32_1 = arith.constant 0 : i32
    return %c0_i32, %c0_i32_0 : i32, i32
  }
  func.func @transform_8(%arg0: i32) -> (i32, i32) {
    %c0_i32 = arith.constant 0 : i32
    %c0_i32_0 = arith.constant 0 : i32
    return %arg0, %c0_i32 : i32, i32
  }
  func.func @transform_9(%arg0: i32) -> (i32, i32, i32) {
    %c0_i32 = arith.constant 0 : i32
    %c0_i32_0 = arith.constant 0 : i32
    %c0_i32_1 = arith.constant 0 : i32
    return %c0_i32, %arg0, %c0_i32_0 : i32, i32, i32
  }
}

module attributes {stable_mosaic.version = 14 : i64} {
  func.func @_mid_body(%arg0: i32, %arg1: memref<2x2000x16xf32, #tpu.memory_space<vmem>>, %arg2: memref<2x2000x64xf32, #tpu.memory_space<vmem>>, %arg3: memref<2x2000x64xf32, #tpu.memory_space<vmem>>, %arg4: memref<2000x128xf32, #tpu.memory_space<vmem>>, %arg5: memref<1x128xf32, #tpu.memory_space<vmem>>, %arg6: memref<1x128xf32, #tpu.memory_space<vmem>>, %arg7: memref<1x128xf32, #tpu.memory_space<vmem>>, %arg8: memref<128x128xf32, #tpu.memory_space<vmem>>, %arg9: memref<2000x128xf32, #tpu.memory_space<vmem>>, %arg10: memref<2x2000x64xf32, #tpu.memory_space<vmem>>) attributes {dimension_semantics = [#tpu.dimension_semantics<arbitrary>], iteration_bounds = array<i64: 5>, scalar_prefetch = 0 : i64, scratch_operands = 0 : i64, tpu.core_type = #tpu.core_type<tc>, window_params = [{transform_indices = @transform_0, window_bounds = array<i64: 2, 2000, 16>}, {transform_indices = @transform_1, window_bounds = array<i64: 2, 2000, 64>}, {transform_indices = @transform_2, window_bounds = array<i64: 2, 2000, 64>}, {transform_indices = @transform_3, window_bounds = array<i64: 2000, 128>}, {pipeline_mode = #tpu.pipeline_mode<synchronous>, transform_indices = @transform_4, window_bounds = array<i64: 1, 128>}, {pipeline_mode = #tpu.pipeline_mode<synchronous>, transform_indices = @transform_5, window_bounds = array<i64: 1, 128>}, {pipeline_mode = #tpu.pipeline_mode<synchronous>, transform_indices = @transform_6, window_bounds = array<i64: 1, 128>}, {pipeline_mode = #tpu.pipeline_mode<synchronous>, transform_indices = @transform_7, window_bounds = array<i64: 128, 128>}, {transform_indices = @transform_8, window_bounds = array<i64: 2000, 128>}, {transform_indices = @transform_9, window_bounds = array<i64: 2, 2000, 64>}]} {
    %get3A = arith.constant 0 : index
    %get3A_0 = arith.constant 0 : index
    %get3A_1 = arith.constant 0 : index
    %get3A_2 = vector.load %arg1[%get3A, %get3A_0, %get3A_1] : memref<2x2000x16xf32, #tpu.memory_space<vmem>>, vector<1x2000x1xf32>
    %get3A_3 = vector.shape_cast %get3A_2 : vector<1x2000x1xf32> to vector<2000x1xf32>
    %get3A_4 = arith.constant 1 : index
    %get3A_5 = arith.constant 0 : index
    %get3A_6 = arith.constant 0 : index
    %get3A_7 = vector.load %arg1[%get3A_4, %get3A_5, %get3A_6] : memref<2x2000x16xf32, #tpu.memory_space<vmem>>, vector<1x2000x1xf32>
    %get3A_8 = vector.shape_cast %get3A_7 : vector<1x2000x1xf32> to vector<2000x1xf32>
    %add3A = arith.addf %get3A_3, %get3A_8 : vector<2000x1xf32>
    %add3A_9 = arith.constant 1.000000e+00 : f32
    %add3A_10 = vector.broadcast %add3A_9 : f32 to vector<2000x1xf32>
    %add3A_11 = arith.addf %add3A, %add3A_10 : vector<2000x1xf32>
    %rsqrt3A = math.rsqrt %add3A_11 : vector<2000x1xf32>
    %get3A_12 = arith.constant 0 : index
    %get3A_13 = arith.constant 0 : index
    %get3A_14 = arith.constant 0 : index
    %get3A_15 = vector.load %arg2[%get3A_12, %get3A_13, %get3A_14] : memref<2x2000x64xf32, #tpu.memory_space<vmem>>, vector<1x2000x64xf32>
    %get3A_16 = vector.shape_cast %get3A_15 : vector<1x2000x64xf32> to vector<2000x64xf32>
    %get3A_17 = arith.constant 0 : index
    %get3A_18 = arith.constant 0 : index
    %get3A_19 = arith.constant 0 : index
    %get3A_20 = vector.load %arg3[%get3A_17, %get3A_18, %get3A_19] : memref<2x2000x64xf32, #tpu.memory_space<vmem>>, vector<1x2000x64xf32>
    %get3A_21 = vector.shape_cast %get3A_20 : vector<1x2000x64xf32> to vector<2000x64xf32>
    %add3A_22 = arith.addf %get3A_16, %get3A_21 : vector<2000x64xf32>
    %get3A_23 = arith.constant 1 : index
    %get3A_24 = arith.constant 0 : index
    %get3A_25 = arith.constant 0 : index
    %get3A_26 = vector.load %arg2[%get3A_23, %get3A_24, %get3A_25] : memref<2x2000x64xf32, #tpu.memory_space<vmem>>, vector<1x2000x64xf32>
    %get3A_27 = vector.shape_cast %get3A_26 : vector<1x2000x64xf32> to vector<2000x64xf32>
    %get3A_28 = arith.constant 1 : index
    %get3A_29 = arith.constant 0 : index
    %get3A_30 = arith.constant 0 : index
    %get3A_31 = vector.load %arg3[%get3A_28, %get3A_29, %get3A_30] : memref<2x2000x64xf32, #tpu.memory_space<vmem>>, vector<1x2000x64xf32>
    %get3A_32 = vector.shape_cast %get3A_31 : vector<1x2000x64xf32> to vector<2000x64xf32>
    %add3A_33 = arith.addf %get3A_27, %get3A_32 : vector<2000x64xf32>
    %concatenate3A = tpu.concatenate %add3A_22, %add3A_33 in 1 : vector<2000x64xf32>, vector<2000x64xf32> -> vector<2000x128xf32>
    %mul3A = vector.broadcast %rsqrt3A : vector<2000x1xf32> to vector<2000x128xf32>
    %mul3A_34 = arith.mulf %concatenate3A, %mul3A : vector<2000x128xf32>
    %get3A_35 = arith.constant 0 : index
    %get3A_36 = arith.constant 0 : index
    %get3A_37 = vector.load %arg5[%get3A_35, %get3A_36] : memref<1x128xf32, #tpu.memory_space<vmem>>, vector<1x128xf32>
    %add3A_38 = vector.broadcast %get3A_37 : vector<1x128xf32> to vector<2000x128xf32>
    %add3A_39 = arith.addf %mul3A_34, %add3A_38 : vector<2000x128xf32>
    %reduce_sum3A = arith.constant dense<0.000000e+00> : vector<2000xf32>
    %reduce_sum3A_40 = vector.multi_reduction <add>, %add3A_39, %reduce_sum3A [1] : vector<2000x128xf32> to vector<2000xf32>
    %broadcast_in_dim3A = vector.shape_cast %reduce_sum3A_40 : vector<2000xf32> to vector<2000x1xf32>
    %div3A = arith.constant 1.280000e+02 : f32
    %div3A_41 = vector.broadcast %div3A : f32 to vector<2000x1xf32>
    %div3A_42 = arith.divf %broadcast_in_dim3A, %div3A_41 : vector<2000x1xf32>
    %sub3A = vector.broadcast %div3A_42 : vector<2000x1xf32> to vector<2000x128xf32>
    %sub3A_43 = arith.subf %add3A_39, %sub3A : vector<2000x128xf32>
    %integer_pow3A = arith.mulf %sub3A_43, %sub3A_43 : vector<2000x128xf32>
    %reduce_sum3A_44 = arith.constant dense<0.000000e+00> : vector<2000xf32>
    %reduce_sum3A_45 = vector.multi_reduction <add>, %integer_pow3A, %reduce_sum3A_44 [1] : vector<2000x128xf32> to vector<2000xf32>
    %broadcast_in_dim3A_46 = vector.shape_cast %reduce_sum3A_45 : vector<2000xf32> to vector<2000x1xf32>
    %div3A_47 = arith.constant 1.280000e+02 : f32
    %div3A_48 = vector.broadcast %div3A_47 : f32 to vector<2000x1xf32>
    %div3A_49 = arith.divf %broadcast_in_dim3A_46, %div3A_48 : vector<2000x1xf32>
    %sub3A_50 = vector.broadcast %div3A_42 : vector<2000x1xf32> to vector<2000x128xf32>
    %sub3A_51 = arith.subf %add3A_39, %sub3A_50 : vector<2000x128xf32>
    %add3A_52 = arith.constant 9.99999974E-6 : f32
    %add3A_53 = vector.broadcast %add3A_52 : f32 to vector<2000x1xf32>
    %add3A_54 = arith.addf %div3A_49, %add3A_53 : vector<2000x1xf32>
    %sqrt3A = math.sqrt %add3A_54 : vector<2000x1xf32>
    %div3A_55 = vector.broadcast %sqrt3A : vector<2000x1xf32> to vector<2000x128xf32>
    %div3A_56 = arith.divf %sub3A_51, %div3A_55 : vector<2000x128xf32>
    %get3A_57 = arith.constant 0 : index
    %get3A_58 = arith.constant 0 : index
    %get3A_59 = vector.load %arg6[%get3A_57, %get3A_58] : memref<1x128xf32, #tpu.memory_space<vmem>>, vector<1x128xf32>
    %mul3A_60 = vector.broadcast %get3A_59 : vector<1x128xf32> to vector<2000x128xf32>
    %mul3A_61 = arith.mulf %div3A_56, %mul3A_60 : vector<2000x128xf32>
    %get3A_62 = arith.constant 0 : index
    %get3A_63 = arith.constant 0 : index
    %get3A_64 = vector.load %arg7[%get3A_62, %get3A_63] : memref<1x128xf32, #tpu.memory_space<vmem>>, vector<1x128xf32>
    %add3A_65 = vector.broadcast %get3A_64 : vector<1x128xf32> to vector<2000x128xf32>
    %add3A_66 = arith.addf %mul3A_61, %add3A_65 : vector<2000x128xf32>
    %max3A = arith.constant 0.000000e+00 : f32
    %max3A_67 = vector.broadcast %max3A : f32 to vector<2000x128xf32>
    %max3A_68 = arith.maximumf %add3A_66, %max3A_67 : vector<2000x128xf32>
    %get3A_69 = arith.constant 0 : index
    %get3A_70 = arith.constant 0 : index
    %get3A_71 = vector.load %arg4[%get3A_69, %get3A_70] : memref<2000x128xf32, #tpu.memory_space<vmem>>, vector<2000x128xf32>
    %add3A_72 = arith.addf %max3A_68, %get3A_71 : vector<2000x128xf32>
    %swap3A = arith.constant 0 : index
    %swap3A_73 = arith.constant 0 : index
    %swap3A_74 = vector.load %arg9[%swap3A, %swap3A_73] : memref<2000x128xf32, #tpu.memory_space<vmem>>, vector<2000x128xf32>
    tpu.vector_store %arg9[%swap3A, %swap3A_73], %add3A_72 {strides = array<i32>} : memref<2000x128xf32, #tpu.memory_space<vmem>>, vector<2000x128xf32>,
    %get3A_75 = arith.constant 0 : index
    %get3A_76 = arith.constant 0 : index
    %get3A_77 = vector.load %arg8[%get3A_75, %get3A_76] : memref<128x128xf32, #tpu.memory_space<vmem>>, vector<128x128xf32>
    %dot_general3A = arith.constant dense<0.000000e+00> : vector<2000x128xf32>
    %dot_general3A_78 = tpu.matmul %add3A_72, %get3A_77, %dot_general3A {dimension_numbers = #tpu.dot_dimension_numbers<[1], [0], [0], [1], [0, 0, 1, 1], [], []>, transpose_lhs_hint = false} : vector<2000x128xf32>, vector<128x128xf32>, vector<2000x128xf32> -> vector<2000x128xf32>
    %mul3A_79 = vector.broadcast %rsqrt3A : vector<2000x1xf32> to vector<2000x128xf32>
    %mul3A_80 = arith.mulf %dot_general3A_78, %mul3A_79 : vector<2000x128xf32>
    %slice3A = vector.extract_strided_slice %mul3A_80 {offsets = [0, 0], sizes = [2000, 64], strides = [1, 1]} : vector<2000x128xf32> to vector<2000x64xf32>
    %slice3A_81 = vector.extract_strided_slice %mul3A_80 {offsets = [0, 64], sizes = [2000, 64], strides = [1, 1]} : vector<2000x128xf32> to vector<2000x64xf32>
    %stack3A = vector.shape_cast %slice3A : vector<2000x64xf32> to vector<1x2000x64xf32>
    %stack3A_82 = vector.shape_cast %slice3A_81 : vector<2000x64xf32> to vector<1x2000x64xf32>
    %stack3A_83 = tpu.concatenate %stack3A, %stack3A_82 in 0 : vector<1x2000x64xf32>, vector<1x2000x64xf32> -> vector<2x2000x64xf32>
    %swap3A_84 = arith.constant 0 : index
    %swap3A_85 = arith.constant 0 : index
    %swap3A_86 = arith.constant 0 : index
    %swap3A_87 = vector.load %arg10[%swap3A_84, %swap3A_85, %swap3A_86] : memref<2x2000x64xf32, #tpu.memory_space<vmem>>, vector<2x2000x64xf32>
    tpu.vector_store %arg10[%swap3A_84, %swap3A_85, %swap3A_86], %stack3A_83 {strides = array<i32>} : memref<2x2000x64xf32, #tpu.memory_space<vmem>>, vector<2x2000x64xf32>,
    return
  }
  func.func @transform_0(%arg0: i32) -> (i32, i32, i32) {
    %c0_i32 = arith.constant 0 : i32
    %c0_i32_0 = arith.constant 0 : i32
    %c0_i32_1 = arith.constant 0 : i32
    return %c0_i32, %arg0, %c0_i32_0 : i32, i32, i32
  }
  func.func @transform_1(%arg0: i32) -> (i32, i32, i32) {
    %c0_i32 = arith.constant 0 : i32
    %c0_i32_0 = arith.constant 0 : i32
    %c0_i32_1 = arith.constant 0 : i32
    return %c0_i32, %arg0, %c0_i32_0 : i32, i32, i32
  }
  func.func @transform_2(%arg0: i32) -> (i32, i32, i32) {
    %c0_i32 = arith.constant 0 : i32
    %c0_i32_0 = arith.constant 0 : i32
    %c0_i32_1 = arith.constant 0 : i32
    return %c0_i32, %arg0, %c0_i32_0 : i32, i32, i32
  }
  func.func @transform_3(%arg0: i32) -> (i32, i32) {
    %c0_i32 = arith.constant 0 : i32
    %c0_i32_0 = arith.constant 0 : i32
    return %arg0, %c0_i32 : i32, i32
  }
  func.func @transform_4(%arg0: i32) -> (i32, i32) {
    %c0_i32 = arith.constant 0 : i32
    %c0_i32_0 = arith.constant 0 : i32
    %c0_i32_1 = arith.constant 0 : i32
    return %c0_i32, %c0_i32_0 : i32, i32
  }
  func.func @transform_5(%arg0: i32) -> (i32, i32) {
    %c0_i32 = arith.constant 0 : i32
    %c0_i32_0 = arith.constant 0 : i32
    %c0_i32_1 = arith.constant 0 : i32
    return %c0_i32, %c0_i32_0 : i32, i32
  }
  func.func @transform_6(%arg0: i32) -> (i32, i32) {
    %c0_i32 = arith.constant 0 : i32
    %c0_i32_0 = arith.constant 0 : i32
    %c0_i32_1 = arith.constant 0 : i32
    return %c0_i32, %c0_i32_0 : i32, i32
  }
  func.func @transform_7(%arg0: i32) -> (i32, i32) {
    %c0_i32 = arith.constant 0 : i32
    %c0_i32_0 = arith.constant 0 : i32
    %c0_i32_1 = arith.constant 0 : i32
    return %c0_i32, %c0_i32_0 : i32, i32
  }
  func.func @transform_8(%arg0: i32) -> (i32, i32) {
    %c0_i32 = arith.constant 0 : i32
    %c0_i32_0 = arith.constant 0 : i32
    return %arg0, %c0_i32 : i32, i32
  }
  func.func @transform_9(%arg0: i32) -> (i32, i32, i32) {
    %c0_i32 = arith.constant 0 : i32
    %c0_i32_0 = arith.constant 0 : i32
    %c0_i32_1 = arith.constant 0 : i32
    return %c0_i32, %arg0, %c0_i32_0 : i32, i32, i32
  }
}

module attributes {stable_mosaic.version = 14 : i64} {
  func.func @_fin_body(%arg0: i32, %arg1: memref<2x2000x16xf32, #tpu.memory_space<vmem>>, %arg2: memref<2x2000x64xf32, #tpu.memory_space<vmem>>, %arg3: memref<2x2000x64xf32, #tpu.memory_space<vmem>>, %arg4: memref<2000x128xf32, #tpu.memory_space<vmem>>, %arg5: memref<1x128xf32, #tpu.memory_space<vmem>>, %arg6: memref<2000x128xf32, #tpu.memory_space<vmem>>) attributes {dimension_semantics = [#tpu.dimension_semantics<arbitrary>], iteration_bounds = array<i64: 5>, scalar_prefetch = 0 : i64, scratch_operands = 0 : i64, tpu.core_type = #tpu.core_type<tc>, window_params = [{transform_indices = @transform_0, window_bounds = array<i64: 2, 2000, 16>}, {transform_indices = @transform_1, window_bounds = array<i64: 2, 2000, 64>}, {transform_indices = @transform_2, window_bounds = array<i64: 2, 2000, 64>}, {transform_indices = @transform_3, window_bounds = array<i64: 2000, 128>}, {pipeline_mode = #tpu.pipeline_mode<synchronous>, transform_indices = @transform_4, window_bounds = array<i64: 1, 128>}, {transform_indices = @transform_5, window_bounds = array<i64: 2000, 128>}]} {
    %get3A = arith.constant 0 : index
    %get3A_0 = arith.constant 0 : index
    %get3A_1 = arith.constant 0 : index
    %get3A_2 = vector.load %arg1[%get3A, %get3A_0, %get3A_1] : memref<2x2000x16xf32, #tpu.memory_space<vmem>>, vector<1x2000x1xf32>
    %get3A_3 = vector.shape_cast %get3A_2 : vector<1x2000x1xf32> to vector<2000x1xf32>
    %get3A_4 = arith.constant 1 : index
    %get3A_5 = arith.constant 0 : index
    %get3A_6 = arith.constant 0 : index
    %get3A_7 = vector.load %arg1[%get3A_4, %get3A_5, %get3A_6] : memref<2x2000x16xf32, #tpu.memory_space<vmem>>, vector<1x2000x1xf32>
    %get3A_8 = vector.shape_cast %get3A_7 : vector<1x2000x1xf32> to vector<2000x1xf32>
    %add3A = arith.addf %get3A_3, %get3A_8 : vector<2000x1xf32>
    %add3A_9 = arith.constant 1.000000e+00 : f32
    %add3A_10 = vector.broadcast %add3A_9 : f32 to vector<2000x1xf32>
    %add3A_11 = arith.addf %add3A, %add3A_10 : vector<2000x1xf32>
    %rsqrt3A = math.rsqrt %add3A_11 : vector<2000x1xf32>
    %get3A_12 = arith.constant 0 : index
    %get3A_13 = arith.constant 0 : index
    %get3A_14 = arith.constant 0 : index
    %get3A_15 = vector.load %arg2[%get3A_12, %get3A_13, %get3A_14] : memref<2x2000x64xf32, #tpu.memory_space<vmem>>, vector<1x2000x64xf32>
    %get3A_16 = vector.shape_cast %get3A_15 : vector<1x2000x64xf32> to vector<2000x64xf32>
    %get3A_17 = arith.constant 0 : index
    %get3A_18 = arith.constant 0 : index
    %get3A_19 = arith.constant 0 : index
    %get3A_20 = vector.load %arg3[%get3A_17, %get3A_18, %get3A_19] : memref<2x2000x64xf32, #tpu.memory_space<vmem>>, vector<1x2000x64xf32>
    %get3A_21 = vector.shape_cast %get3A_20 : vector<1x2000x64xf32> to vector<2000x64xf32>
    %add3A_22 = arith.addf %get3A_16, %get3A_21 : vector<2000x64xf32>
    %get3A_23 = arith.constant 1 : index
    %get3A_24 = arith.constant 0 : index
    %get3A_25 = arith.constant 0 : index
    %get3A_26 = vector.load %arg2[%get3A_23, %get3A_24, %get3A_25] : memref<2x2000x64xf32, #tpu.memory_space<vmem>>, vector<1x2000x64xf32>
    %get3A_27 = vector.shape_cast %get3A_26 : vector<1x2000x64xf32> to vector<2000x64xf32>
    %get3A_28 = arith.constant 1 : index
    %get3A_29 = arith.constant 0 : index
    %get3A_30 = arith.constant 0 : index
    %get3A_31 = vector.load %arg3[%get3A_28, %get3A_29, %get3A_30] : memref<2x2000x64xf32, #tpu.memory_space<vmem>>, vector<1x2000x64xf32>
    %get3A_32 = vector.shape_cast %get3A_31 : vector<1x2000x64xf32> to vector<2000x64xf32>
    %add3A_33 = arith.addf %get3A_27, %get3A_32 : vector<2000x64xf32>
    %concatenate3A = tpu.concatenate %add3A_22, %add3A_33 in 1 : vector<2000x64xf32>, vector<2000x64xf32> -> vector<2000x128xf32>
    %mul3A = vector.broadcast %rsqrt3A : vector<2000x1xf32> to vector<2000x128xf32>
    %mul3A_34 = arith.mulf %concatenate3A, %mul3A : vector<2000x128xf32>
    %get3A_35 = arith.constant 0 : index
    %get3A_36 = arith.constant 0 : index
    %get3A_37 = vector.load %arg5[%get3A_35, %get3A_36] : memref<1x128xf32, #tpu.memory_space<vmem>>, vector<1x128xf32>
    %add3A_38 = vector.broadcast %get3A_37 : vector<1x128xf32> to vector<2000x128xf32>
    %add3A_39 = arith.addf %mul3A_34, %add3A_38 : vector<2000x128xf32>
    %get3A_40 = arith.constant 0 : index
    %get3A_41 = arith.constant 0 : index
    %get3A_42 = vector.load %arg4[%get3A_40, %get3A_41] : memref<2000x128xf32, #tpu.memory_space<vmem>>, vector<2000x128xf32>
    %add3A_43 = arith.addf %add3A_39, %get3A_42 : vector<2000x128xf32>
    %swap3A = arith.constant 0 : index
    %swap3A_44 = arith.constant 0 : index
    %swap3A_45 = vector.load %arg6[%swap3A, %swap3A_44] : memref<2000x128xf32, #tpu.memory_space<vmem>>, vector<2000x128xf32>
    tpu.vector_store %arg6[%swap3A, %swap3A_44], %add3A_43 {strides = array<i32>} : memref<2000x128xf32, #tpu.memory_space<vmem>>, vector<2000x128xf32>,
    return
  }
  func.func @transform_0(%arg0: i32) -> (i32, i32, i32) {
    %c0_i32 = arith.constant 0 : i32
    %c0_i32_0 = arith.constant 0 : i32
    %c0_i32_1 = arith.constant 0 : i32
    return %c0_i32, %arg0, %c0_i32_0 : i32, i32, i32
  }
  func.func @transform_1(%arg0: i32) -> (i32, i32, i32) {
    %c0_i32 = arith.constant 0 : i32
    %c0_i32_0 = arith.constant 0 : i32
    %c0_i32_1 = arith.constant 0 : i32
    return %c0_i32, %arg0, %c0_i32_0 : i32, i32, i32
  }
  func.func @transform_2(%arg0: i32) -> (i32, i32, i32) {
    %c0_i32 = arith.constant 0 : i32
    %c0_i32_0 = arith.constant 0 : i32
    %c0_i32_1 = arith.constant 0 : i32
    return %c0_i32, %arg0, %c0_i32_0 : i32, i32, i32
  }
  func.func @transform_3(%arg0: i32) -> (i32, i32) {
    %c0_i32 = arith.constant 0 : i32
    %c0_i32_0 = arith.constant 0 : i32
    return %arg0, %c0_i32 : i32, i32
  }
  func.func @transform_4(%arg0: i32) -> (i32, i32) {
    %c0_i32 = arith.constant 0 : i32
    %c0_i32_0 = arith.constant 0 : i32
    %c0_i32_1 = arith.constant 0 : i32
    return %c0_i32, %c0_i32_0 : i32, i32
  }
  func.func @transform_5(%arg0: i32) -> (i32, i32) {
    %c0_i32 = arith.constant 0 : i32
    %c0_i32_0 = arith.constant 0 : i32
    return %arg0, %c0_i32 : i32, i32
  }
}

</mosaic_0001>

<sc_bundles>
// kernel: kernel.10.cloned.1.call-start
scs
__scs_entry_jumppad:
0x0: {  	(pc) =	sbr.rel $0x88, $3  }
0x1: {  	(tag) =	ssettag $0x0;
	lr =	simm.s32 $0x1  }
0x2: {  	[smem:$0x3F95] =	sst lr;
	_ =	strace $0xD0000000  }
0x3: {  	_ = 	snop  }
0x4: {  	_ = 	snop  }
0x5: {  	_ = 	snop  }
0x6: {  	_ = 	snop  }
0x7: {  	_ = 	snop  }
__scs_overlays_trampoline_lowered:
0x8: {  	[smem:$0x3FA4] =	sst s0  }
0x9: {  	[smem:$0x3FA5] =	sst s1  }
0xa: {  	[smem:$0x3FA6] =	sst s2  }
0xb: {  	[smem:$0x3FA7] =	sst s3  }
0xc: {  	[smem:$0x3FA8] =	sst s4  }
0xd: {  	[smem:$0x3FA9] =	sst s5  }
0xe: {  	[smem:$0x3FAA] =	sst s6  }
0xf: {  	[smem:$0x3FAB] =	sst s7  }
0x10: {  	[smem:$0x3FAC] =	sst s8  }
0x11: {  	[smem:$0x3FAD] =	sst s9;
	s0 =	simm.s32 @!p0 $0x0  }
0x12: {  	s1 =	sld [smem:$0x3F93];
	s0 =	simm.s32 @p0 $0x1  }
0x13: {  	[smem:$0x3FAE] =	sst s0;
	s0 =	simm.s32 @!p1 $0x0  }
0x14: {  	s2 =	sld [smem:$0x3F92];
	s0 =	simm.s32 @p1 $0x1  }
0x15: {  	[smem:$0x3FAF] =	sst s0;
	s0 =	simm.s32 @!p2 $0x0  }
0x16: {  	s3 =	sld [smem:$0x3FDB];
	s0 =	simm.s32 @p2 $0x1  }
0x17: {  	s4 =	simm.s32 $0x1BF5;
	[smem:$0x3FB1] =	sst s0  }
0x18: {  	s0 =	sld [smem:$0x3F94];
	_ =	swait.ge [sflag:s4], $0x0  }
0x19: {  	s7 =	sld [smem:$0x3F95]  }
0x1a: {  	s8 =	sadd.s32 $0xFFFFE003, lr  }
0x1b: {  	s9 =	sadd.s32 $0xFFFFFEF7, lr;
	s5 =	simm.s32 $0xFFFFFFFF;
	p2 =	slt.u32 s8, $0xFFFFF086  }
0x1c: {  	p1 =	slt.u32 s9, $0xF7A;
	s5 =	simm.s32 @!p2 $0x0  }
0x1d: {  	s5 =	simm.s32 @p1 $0x1;
	p0 =	seq.s32 s7, s2  }
0x1e: {  	s7 =	smul.u32 @!p0 $0xF7A, s2;
	p2 =	seq.s32 @!p0 s5, $0x0  }
0x1f: {  	s9 =	smul.u32 $0xF7A, s1;
	s8 =	simm.s32 @!p0 $0x1BF5;
	p2 =	por !p2, p0  }
0x20: {  	[sflag:s8] =	ssyncset.s32 @!p0 $0xFFFFF086;
	s6 =	sadd.s32 @!p0 s3, s7;
	s7 =	simm.s32 @!p0 $0x108  }
0x21: {  	s3 =	sadd.s32 s3, s9;
	s6 =	sadd.s32 @!p0 $0x88, s6;
	s7 =	simm.s32 @p2 $0x1082  }
0x22: {  	[simem:s7], [sflag:s8] =	dma.local @!p0 [hbm:s6], $0xF7A  }
0x23: {  	s9 =	sor.u32 $0xD0000000, s2;
	s6 =	simm.s32 $0x108;
	_ =	swait.ge @!p0 [sflag:s8], $0x0  }
0x24: {  	s3 =	sadd.s32 $0x88, s3;
	s6 =	simm.s32 @!p1 $0x1082;
	[sflag:s4] =	ssyncset.s32 $0xFFFFF086  }
0x25: {  	[simem:s6], [sflag:s4] =	dma.local [hbm:s3], $0xF7A  }
0x26: {  	[smem:$0x3F95] =	sst s1;
	(tag) =	ssettag s2;
	_ =	strace s9  }
0x27: {  	s1 =	sld [smem:$0x3FA5]  }
0x28: {  	s2 =	sld [smem:$0x3FA6]  }
0x29: {  	s4 =	sld [smem:$0x3FA8]  }
0x2a: {  	p0 =	seq.s32 s5, $0x0;
	s5 =	sld [smem:$0x3FA9]  }
0x2b: {  	s6 =	sld [smem:$0x3FAA]  }
0x2c: {  	s7 =	sld [smem:$0x3FAB]  }
0x2d: {  	s3 =	simm.s32 $0x108;
	s8 =	sld [smem:$0x3FAC]  }
0x2e: {  	s3 =	simm.s32 @!p0 $0x1082;
	s9 =	sld [smem:$0x3FAD]  }
0x2f: {  	lr =	sadd.s32 s0, s3;
	s0 =	sld [smem:$0x3FA4]  }
0x30: {  	s3 =	sld [smem:$0x3FA7]  }
0x31: {  	[smem:$0x3FB0] =	sst s10  }
0x32: {  	s10 =	sld [smem:$0x3FAE];
	_ =	sdelay $0x3  }
0x33: {  	p0 =	seq.s32 s10, $0x1;
	s10 =	sld [smem:$0x3FB0];
	_ =	sdelay $0x3  }
0x34: {  	[smem:$0x3FB0] =	sst s10  }
0x35: {  	s10 =	sld [smem:$0x3FAF];
	_ =	sdelay $0x3  }
0x36: {  	p1 =	seq.s32 s10, $0x1;
	s10 =	sld [smem:$0x3FB0];
	_ =	sdelay $0x3  }
0x37: {  	[smem:$0x3FB0] =	sst s10  }
0x38: {  	s10 =	sld [smem:$0x3FB1]  }
0x39: {  	_ = 	snop;
	(pc) =	sbr.ind lr, $3  }
0x3a: {  	_ = 	snop  }
0x3b: {  	_ = 	snop  }
0x3c: {  	p2 =	seq.s32 s10, $0x1;
	s10 =	sld [smem:$0x3FB0]  }
0x3d: {  	_ =	shalt  }
0x3e: {  	_ =	shalt  }
0x3f: {  	_ =	shalt  }
0x40: {  	_ =	shalt  }
0x41: {  	_ =	shalt  }
0x42: {  	_ =	shalt  }
0x43: {  	_ =	shalt  }
0x44: {  	_ =	shalt  }
0x45: {  	_ =	shalt  }
0x46: {  	_ =	shalt  }
0x47: {  	_ =	shalt  }
0x48: {  	_ =	shalt  }
0x49: {  	_ =	shalt  }
0x4a: {  	_ =	shalt  }
0x4b: {  	_ =	shalt  }
0x4c: {  	_ =	shalt  }
0x4d: {  	_ =	shalt  }
0x4e: {  	_ =	shalt  }
0x4f: {  	_ =	shalt  }
0x50: {  	_ =	shalt  }
0x51: {  	_ =	shalt  }
0x52: {  	_ =	shalt  }
0x53: {  	_ =	shalt  }
0x54: {  	_ =	shalt  }
0x55: {  	_ =	shalt  }
0x56: {  	_ =	shalt  }
0x57: {  	_ =	shalt  }
0x58: {  	_ =	shalt  }
0x59: {  	_ =	shalt  }
0x5a: {  	_ =	shalt  }
0x5b: {  	_ =	shalt  }
0x5c: {  	_ =	shalt  }
0x5d: {  	_ =	shalt  }
0x5e: {  	_ =	shalt  }
0x5f: {  	_ =	shalt  }
0x60: {  	_ =	shalt  }
0x61: {  	_ =	shalt  }
0x62: {  	_ =	shalt  }
0x63: {  	_ =	shalt  }
0x64: {  	_ =	shalt  }
0x65: {  	_ =	shalt  }
0x66: {  	_ =	shalt  }
0x67: {  	_ =	shalt  }
0x68: {  	_ =	shalt  }
0x69: {  	_ =	shalt  }
0x6a: {  	_ =	shalt  }
0x6b: {  	_ =	shalt  }
0x6c: {  	_ =	shalt  }
0x6d: {  	_ =	shalt  }
0x6e: {  	_ =	shalt  }
0x6f: {  	_ =	shalt  }
0x70: {  	_ =	shalt  }
0x71: {  	_ =	shalt  }
0x72: {  	_ =	shalt  }
0x73: {  	_ =	shalt  }
0x74: {  	_ =	shalt  }
0x75: {  	_ =	shalt  }
0x76: {  	_ =	shalt  }
0x77: {  	_ =	shalt  }
0x78: {  	_ =	shalt  }
0x79: {  	_ =	shalt  }
0x7a: {  	_ =	shalt  }
0x7b: {  	_ =	shalt  }
0x7c: {  	_ =	shalt  }
0x7d: {  	_ =	shalt  }
0x7e: {  	_ =	shalt  }
0x7f: {  	_ =	shalt  }
0x80: {  	_ =	shalt  }
0x81: {  	_ =	shalt  }
0x82: {  	_ =	shalt  }
0x83: {  	_ =	shalt  }
0x84: {  	_ =	shalt  }
0x85: {  	_ =	shalt  }
0x86: {  	_ =	shalt  }
0x87: {  	_ =	shalt  }
.Lfunc_end0:
.L_simem_size_0:
called_computation_lowered:
.L_overlay_start_0:
0x88: {  	s2 =	sld [smem:$0x3FD9]  }
0x89: {  	s3 =	sld [smem:$0x3FFE];
	_ =	sdelay $0x1  }
0x8a: {  	s1 =	srdreg.scid  }
0x8b: {  	s0 =	sand.u32 $0x1, s1  }
0x8c: {  	s17 =	sshll.u32 s0, $0xA;
	s2 =	sadd.s32 s3, s2  }
0x8d: {  	s2 =	sadd.s32 s2, s17  }
0x8e: {  	[smem:$0x3FBC] =	sst s2  }
0x8f: {  	_ = 	snop  }
0x90: {  	s2 =	sld [smem:$0x3FD0];
	(tm) =	ssettm $0x1  }
0x91: {  	s18 =	sld [smem:$0x3FFB];
	_ =	sdelay $0x3  }
0x92: {  	_ =	strace s18  }
0x93: {  	s3 =	sld [smem:$0x3FFC];
	_ =	sdelay $0x3  }
0x94: {  	_ =	strace s3  }
0x95: {  	s3 =	sld [smem:$0x3FFD];
	_ =	sdelay $0x3  }
0x96: {  	_ =	strace s3  }
0x97: {  	_ =	strace $0x8FFFFFFF  }
0x98: {  	s19 =	sld [smem:$0x3FDB];
	_ =	sdelay $0x1  }
0x99: {  	s4 =	simm.s32 $_scs_section_size  }
0x9a: {  	s5 =	simm.s32 $_size__tile_overlayer_lowered;
	s6 =	simm.s32 $_tile_overlayer_lowered  }
0x9b: {  	s22 =	simm.s32 $0x1BFF;
	s21 =	sshll.u32 s6, $0x1;
	s3 =	sadd.s32 s4, s19  }
0x9c: {  	s7 =	simm.s32 $0x0;
	s20 =	sshll.u32 s5, $0x1;
	s5 =	sadd.s32 s21, s3  }
0x9d: {  	[timem:s7], [sflag:s22] =	dma.local [hbm:s5], s20  }
0x9e: {  	_ =	swait.ge [sflag:s22], s20  }
0x9f: {  	s4 =	ssub.s32 $0x0, s20;
	[sflag:s22] =	ssyncset.done $0x0  }
0xa0: {  	[sflag:s22] =	ssyncadd.s32 s4;
	_ =	sdelay $0x1  }
0xa1: {  	s23 =	simm.s32 $0x1B8B  }
0xa2: {  	_ =	swait.ge [sflag:s23], $0x1  }
0xa3: {  	[sflag:s23] =	ssyncset.done $0x0  }
0xa4: {  	s25 =	simm.s32 $0x1B8E;
	s24 =	sld [smem:$0x3FFE];
	[sflag:s23] =	ssyncadd.s32 $0xFFFFFFFF  }
0xa5: {  	s26 =	simm.s32 $execute0_lowered;
	[smem:$0x3FD2] =	sst s25  }
0xa6: {  	s5 =	sshll.u32 s26, $0x1;
	_ =	strace $0x80000046;
	[dreg:$0x1] =	wrdreg $0xFFFFFFFF  }
0xa7: {  	s28 =	simm.s32 $_size_execute0_lowered;
	s3 =	sadd.s32 s3, s5;
	[dreg:$0x0] =	wrdreg $0x0  }
0xa8: {  	s5 =	sshll.u32 s28, $0x1;
	[dreg:$0x2] =	wrdreg s3  }
0xa9: {  	[dreg:$0x3] =	wrdreg s5  }
0xaa: {  	[dreg:$0x4] =	wrdreg $0xC0  }
0xab: {  	_ =	task [dreg:s7], $0x5FFFF  }
0xac: {  	[dreg:$0x1] =	wrdreg $0xFFFFFFFF  }
0xad: {  	[dreg:$0x0] =	wrdreg $0x60  }
0xae: {  	[dreg:$0x2] =	wrdreg s2  }
0xaf: {  	[dreg:$0x3] =	wrdreg s24  }
0xb0: {  	[dreg:$0x4] =	wrdreg $0x38000  }
0xb1: {  	[dreg:$0x5] =	wrdreg $0x9  }
0xb2: {  	_ =	task.clear_ibuf [dreg:s7], $0x6FFFF;
	_ =	strace $0x90000046  }
0xb3: {  	s29 =	simm.s32 $0x9;
	_ =	strace $0x80000048  }
0xb4: {  	_ =	swait.ge [sflag:s29], $0x1  }
0xb5: {  	[sflag:s29] =	ssyncadd.s32 $0xFFFFFFFF  }
0xb6: {  	_ =	strace $0x90000048  }
0xb7: {  	_ =	sfence  }
0xb8: {  	s30 =	sld [smem:$0x0];
	_ =	sdelay $0x2  }
0xb9: {  	s31 =	sshll.u32 s1, $0xD;
	s1 =	sshrl.u32 s1, $0x2  }
0xba: {  	s3 =	sand.u32 $0x4000, s31;
	s1 =	sadd.s32 s1, s30  }
0xbb: {  	s0 =	sor.u32 s3, s0;
	s1 =	sshll.u32 s1, $0x11  }
0xbc: {  	s0 =	sor.u32 s1, s0  }
0xbd: {  	s0 =	sadd.s32 $0x8F2B, s0  }
0xbe: {  	[sflag:s0] =	ssyncadd.remote.s32 $0x1  }
0xbf: {  	_ =	sfence.sel $0xFFFF  }
0xc0: {  	[dreg:$0x0] =	wrdreg $0xFFFFFFFF;
	(pc) =	sbr.abs _section_cstart, $3  }
0xc1: {  	[dreg:$0x1] =	wrdreg $0xFFFFFFFF  }
0xc2: {  	_ =	task.clear_ibuf [dreg:s7], $0x2FFFF;
	_ =	strace $0x9FFFFFFF  }
0xc3: {  	(tm) =	ssettm $0x7FFFFFFF  }
tec
execute0_lowered:
.L_overlay_start_1:
0x0: {  	(tag) =	ssettag $0x1  }
0x1: {  	s5 =	rddreg [dreg:$0x0]  }
0x2: {  	s4 =	rddreg [dreg:$0x1]  }
0x3: {  	s1 =	rddreg [dreg:$0x2]  }
0x4: {  	s2 =	srdreg.scid;
	s0 =	rddreg [dreg:$0x3];
	s3 =	simm.s32 $0x0  }
0x5: {  	s12 =	simm.s32 $0x3000;
	s13 =	simm.s32 $0x1;
	s6 =	sand.u32 $0x1, s2  }
0x6: {  	s14 =	simm.s32 $0x80;
	s2 =	stileid.u32;
	s7 =	smul.u32 $0x28000, s6  }
0x7: {  	s15 =	simm.s32 $0x2800;
	[smem:$0x7FF] =	sst s3;
	s8 =	smul.u32 $0x2800, s2  }
0x8: {  	_ =	strace $0x80000047;
	s9 =	sshll.u32 s6, $0x4;
	s10 =	smul.u32 $0xA000, s2  }
0x9: {  	s6 =	ssub.s32 $0x2, s6;
	s16 =	sshll.u32 s2, $0x6;
	s9 =	sor.u32 s2, s9  }
0xa: {  	s11 =	sshrl.u32 s6, $0x1;
	s16 =	sor.u32 $0x1C01, s16;
	s7 =	sadd.s32 s8, s7  }
0xb: {  	s10 =	sshrl.u32 s10, $0x2;
	s9 =	smul.u32 $0x500, s9;
	s17 =	sadd.s32 s8, s1  }
0xc: {  	s11 =	ssub.s32 s6, s11;
	s7 =	sshrl.u32 s7, $0x3;
	s17 =	sshrl.u32 s17, $0x3  }
0xd: {  	s7 =	sadd.s32 s7, s4;
	s4 =	sadd.s32 s10, s1;
	s5 =	sadd.s32 s5, s9  }
0xe: {  	s6 =	sadd.s32 $0x4400, s7;
	s7 =	smax.u32 s11, $0x1;
	s8 =	sadd.s32 $0x800, s4  }
0xf: {  	v0 =	vimm.f32 $1.000000000e+00;
	v1 =	vimm.f32 $0.0e+00;
	s9 =	sadd.s32 $0x1000, s4;
	s10 =	sadd.s32 $0x1800, s4;
	s11 =	sadd.s32 $0x2000, s4  }
.LBB2_1:
0x10: {  	s18 =	simm.s32 $0x40;
	s19 =	simm.s32 $0x0  }
.LBB2_2:
0x11: {  	p0 =	sne.s32 s18, $0x1FC0;
	[tilespmem:s19+$0x2800] =	vst v0;
	s20 =	smov.u32 s18;
	s18 =	sadd.s32 $0x40, s18  }
.Ltmp0:
0x12: {  	[tilespmem:s19+$0x3000] =	vst v1;
	(pc) =	sbr.rel @p0 .LBB2_2-.Ltmp0, $2  }
0x13: {  	_ =	sdelay $0x2  }
0x14: {  	s19 =	sshra.s32 s20, $0x2  }
0x15: {  	[tilespmem:s19+$0x2800] =	vst v0  }
0x16: {  	[tilespmem:s19+$0x3000] =	vst v1  }
0x17: {  	[spmem:s4] =	stream.linear.scatter [tilespmem:s12], [sflag:$0x1], $0x800, $0x38;
	[tilespmem:$0x6000] =	vst v63  }
0x18: {  	_ =	swait.ge [sflag:s13], $0x800  }
0x19: {  	[sflag:s13] =	ssyncset.done $0x0  }
0x1a: {  	[sflag:s13] =	ssyncadd.s32 $0xFFFFF800  }
0x1b: {  	[spmem:s8] =	stream.linear.scatter [tilespmem:s12], [sflag:$0x1], $0x800, $0x38;
	[tilespmem:$0x6000] =	vst v63  }
0x1c: {  	_ =	swait.ge [sflag:s13], $0x800  }
0x1d: {  	[sflag:s13] =	ssyncset.done $0x0  }
0x1e: {  	[sflag:s13] =	ssyncadd.s32 $0xFFFFF800  }
0x1f: {  	[spmem:s9] =	stream.linear.scatter [tilespmem:s12], [sflag:$0x1], $0x800, $0x38;
	[tilespmem:$0x6000] =	vst v63  }
0x20: {  	_ =	swait.ge [sflag:s13], $0x800  }
0x21: {  	[sflag:s13] =	ssyncset.done $0x0  }
0x22: {  	[sflag:s13] =	ssyncadd.s32 $0xFFFFF800  }
0x23: {  	[spmem:s10] =	stream.linear.scatter [tilespmem:s12], [sflag:$0x1], $0x800, $0x38;
	[tilespmem:$0x6000] =	vst v63  }
0x24: {  	_ =	swait.ge [sflag:s13], $0x800  }
0x25: {  	[sflag:s13] =	ssyncset.done $0x0  }
0x26: {  	[sflag:s13] =	ssyncadd.s32 $0xFFFFF800  }
0x27: {  	[spmem:s11] =	stream.linear.scatter [tilespmem:s12], [sflag:$0x1], $0x800, $0x38;
	[tilespmem:$0x6000] =	vst v63  }
0x28: {  	_ =	swait.ge [sflag:s13], $0x800  }
0x29: {  	[sflag:s13] =	ssyncset.done $0x0  }
0x2a: {  	s18 =	simm.s32 $0x0;
	[sflag:s13] =	ssyncadd.s32 $0xFFFFF800  }
0x2b: {  	[tilespmem:s18], [sflag:$0x1] =	stream.linear.gather [hbm4b:s5+s18], $0x2800, $0x38;
	[tilespmem:$0x6000] =	vst v63  }
0x2c: {  	_ =	swait.ge [sflag:s13], $0x2800  }
0x2d: {  	[sflag:s13] =	ssyncset.done $0x0  }
0x2e: {  	[sflag:s13] =	ssyncadd.s32 $0xFFFFD800  }
0x2f: {  	s31 =	simm.s32 $0x0;
	[bflag:$0x0] =	sbarrier.arrive $0xFFFF  }
0x30: {  	[spmem:s1] =	stream.indirect.scatter.add.f32 [tilespmem:s15], [sflag:$0x1], $0x10, s31, s14, $0xb8;
	[tilespmem:$0x6000] =	vst v63  }
0x31: {  	_ =	swait.ge [sflag:s13], $0x800  }
0x32: {  	s18 =	simm.s32 $0x200;
	[sflag:s13] =	ssyncset.done $0x0  }
.LBB2_4:
0x33: {  	s19 =	sshra.s32 s18, $0x2;
	[sflag:s13] =	ssyncadd.s32 $0xFFFFF800;
	p0 =	sne.s32 s18, $0x9E00  }
0x34: {  	[spmem:s1] =	stream.indirect.scatter.add.f32 [tilespmem:s15], [sflag:$0x1], $0x10, s19, s14, $0xb8;
	[tilespmem:$0x6000] =	vst v63  }
.Ltmp1:
0x35: {  	_ = 	snop;
	(pc) =	sbr.rel @p0 .LBB2_4-.Ltmp1, $4  }
0x36: {  	_ = 	snop  }
0x37: {  	s18 =	sadd.s32 $0x200, s18  }
0x38: {  	_ =	swait.ge [sflag:s13], $0x800  }
0x39: {  	[sflag:s13] =	ssyncset.done $0x0  }
0x3a: {  	s3 =	sadd.s32 $0x1, s3  }
0x3b: {  	[sflag:s13] =	ssyncadd.s32 $0xFFFFF800;
	p0 =	sne.s32 s3, s7  }
.Ltmp2:
0x3c: {  	[bflag:$0x0] =	sbarrier.arrive $0xFFFF;
	(pc) =	sbr.rel @p0 .LBB2_1-.Ltmp2, $4  }
0x3d: {  	[hbm:s6], [sflag:s16] =	dma.local [spmem:s17], $0x500  }
0x3e: {  	_ =	swait.ge [sflag:s13], $0x500  }
0x3f: {  	[sflag:s13] =	ssyncset.done $0x0  }
0x40: {  	[sflag:s13] =	ssyncadd.s32 $0xFFFFFB00  }
0x41: {  	_ =	sfence.sel $0x180000  }
0x42: {  	[bflag:$0x0] =	sbarrier.arrive $0xFFFF  }
0x43: {  	p0 =	sne.s32 s2, $0x0;
	_ =	strace $0x90000047  }
0x44: {  	s0 =	sadd.s32 @!p0 $0x100000, s0;
	[bflag:$0x2] =	sbarrier.arrive $0xFFFF  }
0x45: {  	[sflag:s0] =	ssyncadd.tile.s32 @!p0 $0x1;
	_ =	shalt  }
.Lfunc_end2:
_tile_overlayer_lowered:
.L_overlay_start_2:
0x46: {  	(tag) =	ssettag $0x2  }
0x47: {  	s0 =	rddreg [dreg:$0x0];
	s2 =	stileid.u32  }
0x48: {  	s1 =	rddreg [dreg:$0x1];
	p0 =	sne.s32 s2, $0x0  }
0x49: {  	s3 =	rddreg [dreg:$0x2];
	[bflag:$0x3] =	sbarrier.arrive $0xFFFF;
	s2 =	simm.s32 @!p0 $0x1C01  }
0x4a: {  	[timem:s3], [sflag:s2] =	dma.local @!p0 [hbm:s0], s1  }
0x4b: {  	s0 =	simm.s32 @!p0 $0x1  }
0x4c: {  	_ =	swait.ge @!p0 [sflag:s0], s1  }
0x4d: {  	s1 =	ssub.s32 @!p0 $0x0, s1;
	[sflag:s0] =	ssyncset.done @!p0 $0x0  }
0x4e: {  	[sflag:s0] =	ssyncadd.s32 @!p0 s1  }
0x4f: {  	[bflag:$0x3] =	sbarrier.arrive $0xFFFF  }
0x50: {  	_ =	shalt  }

// kernel: kernel.13.cloned.1.call-start
scs
__scs_entry_jumppad:
0x0: {  	(pc) =	sbr.rel $0x88, $3  }
0x1: {  	(tag) =	ssettag $0x0;
	lr =	simm.s32 $0x1  }
0x2: {  	[smem:$0x3F95] =	sst lr;
	_ =	strace $0xD0000000  }
0x3: {  	_ = 	snop  }
0x4: {  	_ = 	snop  }
0x5: {  	_ = 	snop  }
0x6: {  	_ = 	snop  }
0x7: {  	_ = 	snop  }
__scs_overlays_trampoline_lowered:
0x8: {  	[smem:$0x3FA4] =	sst s0  }
0x9: {  	[smem:$0x3FA5] =	sst s1  }
0xa: {  	[smem:$0x3FA6] =	sst s2  }
0xb: {  	[smem:$0x3FA7] =	sst s3  }
0xc: {  	[smem:$0x3FA8] =	sst s4  }
0xd: {  	[smem:$0x3FA9] =	sst s5  }
0xe: {  	[smem:$0x3FAA] =	sst s6  }
0xf: {  	[smem:$0x3FAB] =	sst s7  }
0x10: {  	[smem:$0x3FAC] =	sst s8  }
0x11: {  	[smem:$0x3FAD] =	sst s9;
	s0 =	simm.s32 @!p0 $0x0  }
0x12: {  	s1 =	sld [smem:$0x3F93];
	s0 =	simm.s32 @p0 $0x1  }
0x13: {  	[smem:$0x3FAE] =	sst s0;
	s0 =	simm.s32 @!p1 $0x0  }
0x14: {  	s2 =	sld [smem:$0x3F92];
	s0 =	simm.s32 @p1 $0x1  }
0x15: {  	[smem:$0x3FAF] =	sst s0;
	s0 =	simm.s32 @!p2 $0x0  }
0x16: {  	s3 =	sld [smem:$0x3FDB];
	s0 =	simm.s32 @p2 $0x1  }
0x17: {  	s4 =	simm.s32 $0x1BF5;
	[smem:$0x3FB1] =	sst s0  }
0x18: {  	s0 =	sld [smem:$0x3F94];
	_ =	swait.ge [sflag:s4], $0x0  }
0x19: {  	s7 =	sld [smem:$0x3F95]  }
0x1a: {  	s8 =	sadd.s32 $0xFFFFE003, lr  }
0x1b: {  	s9 =	sadd.s32 $0xFFFFFEF7, lr;
	s5 =	simm.s32 $0xFFFFFFFF;
	p2 =	slt.u32 s8, $0xFFFFF086  }
0x1c: {  	p1 =	slt.u32 s9, $0xF7A;
	s5 =	simm.s32 @!p2 $0x0  }
0x1d: {  	s5 =	simm.s32 @p1 $0x1;
	p0 =	seq.s32 s7, s2  }
0x1e: {  	s7 =	smul.u32 @!p0 $0xF7A, s2;
	p2 =	seq.s32 @!p0 s5, $0x0  }
0x1f: {  	s9 =	smul.u32 $0xF7A, s1;
	s8 =	simm.s32 @!p0 $0x1BF5;
	p2 =	por !p2, p0  }
0x20: {  	[sflag:s8] =	ssyncset.s32 @!p0 $0xFFFFF086;
	s6 =	sadd.s32 @!p0 s3, s7;
	s7 =	simm.s32 @!p0 $0x108  }
0x21: {  	s3 =	sadd.s32 s3, s9;
	s6 =	sadd.s32 @!p0 $0x88, s6;
	s7 =	simm.s32 @p2 $0x1082  }
0x22: {  	[simem:s7], [sflag:s8] =	dma.local @!p0 [hbm:s6], $0xF7A  }
0x23: {  	s9 =	sor.u32 $0xD0000000, s2;
	s6 =	simm.s32 $0x108;
	_ =	swait.ge @!p0 [sflag:s8], $0x0  }
0x24: {  	s3 =	sadd.s32 $0x88, s3;
	s6 =	simm.s32 @!p1 $0x1082;
	[sflag:s4] =	ssyncset.s32 $0xFFFFF086  }
0x25: {  	[simem:s6], [sflag:s4] =	dma.local [hbm:s3], $0xF7A  }
0x26: {  	[smem:$0x3F95] =	sst s1;
	(tag) =	ssettag s2;
	_ =	strace s9  }
0x27: {  	s1 =	sld [smem:$0x3FA5]  }
0x28: {  	s2 =	sld [smem:$0x3FA6]  }
0x29: {  	s4 =	sld [smem:$0x3FA8]  }
0x2a: {  	p0 =	seq.s32 s5, $0x0;
	s5 =	sld [smem:$0x3FA9]  }
0x2b: {  	s6 =	sld [smem:$0x3FAA]  }
0x2c: {  	s7 =	sld [smem:$0x3FAB]  }
0x2d: {  	s3 =	simm.s32 $0x108;
	s8 =	sld [smem:$0x3FAC]  }
0x2e: {  	s3 =	simm.s32 @!p0 $0x1082;
	s9 =	sld [smem:$0x3FAD]  }
0x2f: {  	lr =	sadd.s32 s0, s3;
	s0 =	sld [smem:$0x3FA4]  }
0x30: {  	s3 =	sld [smem:$0x3FA7]  }
0x31: {  	[smem:$0x3FB0] =	sst s10  }
0x32: {  	s10 =	sld [smem:$0x3FAE];
	_ =	sdelay $0x3  }
0x33: {  	p0 =	seq.s32 s10, $0x1;
	s10 =	sld [smem:$0x3FB0];
	_ =	sdelay $0x3  }
0x34: {  	[smem:$0x3FB0] =	sst s10  }
0x35: {  	s10 =	sld [smem:$0x3FAF];
	_ =	sdelay $0x3  }
0x36: {  	p1 =	seq.s32 s10, $0x1;
	s10 =	sld [smem:$0x3FB0];
	_ =	sdelay $0x3  }
0x37: {  	[smem:$0x3FB0] =	sst s10  }
0x38: {  	s10 =	sld [smem:$0x3FB1]  }
0x39: {  	_ = 	snop;
	(pc) =	sbr.ind lr, $3  }
0x3a: {  	_ = 	snop  }
0x3b: {  	_ = 	snop  }
0x3c: {  	p2 =	seq.s32 s10, $0x1;
	s10 =	sld [smem:$0x3FB0]  }
0x3d: {  	_ =	shalt  }
0x3e: {  	_ =	shalt  }
0x3f: {  	_ =	shalt  }
0x40: {  	_ =	shalt  }
0x41: {  	_ =	shalt  }
0x42: {  	_ =	shalt  }
0x43: {  	_ =	shalt  }
0x44: {  	_ =	shalt  }
0x45: {  	_ =	shalt  }
0x46: {  	_ =	shalt  }
0x47: {  	_ =	shalt  }
0x48: {  	_ =	shalt  }
0x49: {  	_ =	shalt  }
0x4a: {  	_ =	shalt  }
0x4b: {  	_ =	shalt  }
0x4c: {  	_ =	shalt  }
0x4d: {  	_ =	shalt  }
0x4e: {  	_ =	shalt  }
0x4f: {  	_ =	shalt  }
0x50: {  	_ =	shalt  }
0x51: {  	_ =	shalt  }
0x52: {  	_ =	shalt  }
0x53: {  	_ =	shalt  }
0x54: {  	_ =	shalt  }
0x55: {  	_ =	shalt  }
0x56: {  	_ =	shalt  }
0x57: {  	_ =	shalt  }
0x58: {  	_ =	shalt  }
0x59: {  	_ =	shalt  }
0x5a: {  	_ =	shalt  }
0x5b: {  	_ =	shalt  }
0x5c: {  	_ =	shalt  }
0x5d: {  	_ =	shalt  }
0x5e: {  	_ =	shalt  }
0x5f: {  	_ =	shalt  }
0x60: {  	_ =	shalt  }
0x61: {  	_ =	shalt  }
0x62: {  	_ =	shalt  }
0x63: {  	_ =	shalt  }
0x64: {  	_ =	shalt  }
0x65: {  	_ =	shalt  }
0x66: {  	_ =	shalt  }
0x67: {  	_ =	shalt  }
0x68: {  	_ =	shalt  }
0x69: {  	_ =	shalt  }
0x6a: {  	_ =	shalt  }
0x6b: {  	_ =	shalt  }
0x6c: {  	_ =	shalt  }
0x6d: {  	_ =	shalt  }
0x6e: {  	_ =	shalt  }
0x6f: {  	_ =	shalt  }
0x70: {  	_ =	shalt  }
0x71: {  	_ =	shalt  }
0x72: {  	_ =	shalt  }
0x73: {  	_ =	shalt  }
0x74: {  	_ =	shalt  }
0x75: {  	_ =	shalt  }
0x76: {  	_ =	shalt  }
0x77: {  	_ =	shalt  }
0x78: {  	_ =	shalt  }
0x79: {  	_ =	shalt  }
0x7a: {  	_ =	shalt  }
0x7b: {  	_ =	shalt  }
0x7c: {  	_ =	shalt  }
0x7d: {  	_ =	shalt  }
0x7e: {  	_ =	shalt  }
0x7f: {  	_ =	shalt  }
0x80: {  	_ =	shalt  }
0x81: {  	_ =	shalt  }
0x82: {  	_ =	shalt  }
0x83: {  	_ =	shalt  }
0x84: {  	_ =	shalt  }
0x85: {  	_ =	shalt  }
0x86: {  	_ =	shalt  }
0x87: {  	_ =	shalt  }
.Lfunc_end0:
.L_simem_size_0:
called_computation.1_lowered:
.L_overlay_start_0:
0x88: {  	s2 =	sld [smem:$0x3FD9]  }
0x89: {  	s3 =	sld [smem:$0x3FFE];
	_ =	sdelay $0x1  }
0x8a: {  	s1 =	srdreg.scid  }
0x8b: {  	s0 =	sand.u32 $0x1, s1  }
0x8c: {  	s16 =	sshll.u32 s0, $0xA;
	s2 =	sadd.s32 s3, s2  }
0x8d: {  	s2 =	sadd.s32 s2, s16  }
0x8e: {  	[smem:$0x3FBC] =	sst s2  }
0x8f: {  	_ = 	snop  }
0x90: {  	(tm) =	ssettm $0x1  }
0x91: {  	s17 =	sld [smem:$0x3FFB];
	_ =	sdelay $0x3  }
0x92: {  	_ =	strace s17  }
0x93: {  	s2 =	sld [smem:$0x3FFC];
	_ =	sdelay $0x3  }
0x94: {  	_ =	strace s2  }
0x95: {  	s2 =	sld [smem:$0x3FFD];
	_ =	sdelay $0x3  }
0x96: {  	_ =	strace s2  }
0x97: {  	_ =	strace $0x8FFFFFFF  }
0x98: {  	s18 =	sld [smem:$0x3FDB];
	_ =	sdelay $0x1  }
0x99: {  	s19 =	simm.s32 $_scs_section_size  }
0x9a: {  	s4 =	simm.s32 $_size__tile_overlayer_lowered;
	s5 =	simm.s32 $_tile_overlayer_lowered  }
0x9b: {  	s22 =	simm.s32 $0x1BFF;
	s21 =	sshll.u32 s5, $0x1;
	s2 =	sadd.s32 s19, s18  }
0x9c: {  	s6 =	simm.s32 $0x0;
	s20 =	sshll.u32 s4, $0x1;
	s4 =	sadd.s32 s21, s2  }
0x9d: {  	[timem:s6], [sflag:s22] =	dma.local [hbm:s4], s20  }
0x9e: {  	_ =	swait.ge [sflag:s22], s20  }
0x9f: {  	s3 =	ssub.s32 $0x0, s20;
	[sflag:s22] =	ssyncset.done $0x0  }
0xa0: {  	[sflag:s22] =	ssyncadd.s32 s3;
	_ =	sdelay $0x1  }
0xa1: {  	s23 =	simm.s32 $0x1B8B  }
0xa2: {  	_ =	swait.ge [sflag:s23], $0x1  }
0xa3: {  	[sflag:s23] =	ssyncset.done $0x0  }
0xa4: {  	s25 =	simm.s32 $0x1B8E;
	s24 =	sld [smem:$0x3FFE];
	[sflag:s23] =	ssyncadd.s32 $0xFFFFFFFF  }
0xa5: {  	s26 =	simm.s32 $execute0_lowered;
	[smem:$0x3FD2] =	sst s25  }
0xa6: {  	s4 =	sshll.u32 s26, $0x1;
	_ =	strace $0x80000049;
	[dreg:$0x1] =	wrdreg $0xFFFFFFFF  }
0xa7: {  	s28 =	simm.s32 $_size_execute0_lowered;
	s2 =	sadd.s32 s2, s4;
	[dreg:$0x0] =	wrdreg $0x0  }
0xa8: {  	s4 =	sshll.u32 s28, $0x1;
	[dreg:$0x2] =	wrdreg s2  }
0xa9: {  	[dreg:$0x3] =	wrdreg s4  }
0xaa: {  	[dreg:$0x4] =	wrdreg $0xC0  }
0xab: {  	_ =	task [dreg:s6], $0x5FFFF  }
0xac: {  	[dreg:$0x1] =	wrdreg $0xFFFFFFFF  }
0xad: {  	[dreg:$0x0] =	wrdreg $0x60  }
0xae: {  	[dreg:$0x2] =	wrdreg s24  }
0xaf: {  	[dreg:$0x3] =	wrdreg $0x108000  }
0xb0: {  	[dreg:$0x4] =	wrdreg $0x68000  }
0xb1: {  	[dreg:$0x5] =	wrdreg $0x9  }
0xb2: {  	_ =	task.clear_ibuf [dreg:s6], $0x6FFFF;
	_ =	strace $0x90000049  }
0xb3: {  	s29 =	simm.s32 $0x9;
	_ =	strace $0x8000004B  }
0xb4: {  	_ =	swait.ge [sflag:s29], $0x1  }
0xb5: {  	[sflag:s29] =	ssyncadd.s32 $0xFFFFFFFF  }
0xb6: {  	_ =	strace $0x9000004B  }
0xb7: {  	_ =	sfence  }
0xb8: {  	s30 =	sld [smem:$0x0];
	_ =	sdelay $0x2  }
0xb9: {  	s31 =	sshll.u32 s1, $0xD;
	s1 =	sshrl.u32 s1, $0x2  }
0xba: {  	s3 =	sand.u32 $0x4000, s31;
	s1 =	sadd.s32 s1, s30  }
0xbb: {  	s0 =	sor.u32 s3, s0;
	s1 =	sshll.u32 s1, $0x11  }
0xbc: {  	s0 =	sor.u32 s1, s0  }
0xbd: {  	s0 =	sadd.s32 $0x8F2B, s0  }
0xbe: {  	[sflag:s0] =	ssyncadd.remote.s32 $0x1  }
0xbf: {  	_ =	sfence.sel $0xFFFF  }
0xc0: {  	[dreg:$0x0] =	wrdreg $0xFFFFFFFF;
	(pc) =	sbr.abs _section_cstart, $3  }
0xc1: {  	[dreg:$0x1] =	wrdreg $0xFFFFFFFF  }
0xc2: {  	_ =	task.clear_ibuf [dreg:s6], $0x2FFFF;
	_ =	strace $0x9FFFFFFF  }
0xc3: {  	(tm) =	ssettm $0x7FFFFFFF  }
tec
execute0_lowered:
.L_overlay_start_1:
0x0: {  	(tag) =	ssettag $0x1  }
0x1: {  	s0 =	rddreg [dreg:$0x0]  }
0x2: {  	s2 =	rddreg [dreg:$0x1]  }
0x3: {  	s3 =	rddreg [dreg:$0x2]  }
0x4: {  	s1 =	srdreg.scid;
	s15 =	stileid.u32  }
0x5: {  	s4 =	simm.s32 $0x0;
	s28 =	simm.s32 $0x2800;
	s30 =	simm.s32 $0xA  }
0x6: {  	s1 =	sand.u32 $0x1, s1;
	s5 =	smul.u32 $0xA000, s15;
	[smem:$0x7FF] =	sst s4  }
0x7: {  	s7 =	sadd.s32 $0xC2400, s0;
	s8 =	sadd.s32 $0xE400, s0;
	s6 =	smul.u32 $0xA0000, s1  }
0x8: {  	_ =	strace $0x8000004A;
	s1 =	ssub.s32 $0x2, s1;
	s10 =	sshrl.u32 s5, $0x3  }
0x9: {  	s11 =	sshrl.u32 s1, $0x1;
	s23 =	sadd.s32 $0x2000, s5;
	s24 =	sadd.s32 s5, s2  }
0xa: {  	s26 =	sadd.s32 $0x4000, s5;
	s29 =	sadd.s32 $0x6000, s5;
	s13 =	sadd.s32 $0x8000, s5  }
0xb: {  	s9 =	sadd.s32 s5, s6;
	s10 =	sadd.s32 s8, s10;
	s1 =	ssub.s32 s1, s11  }
0xc: {  	[dreg:$0x7] =	wrdreg s24;
	s25 =	sadd.s32 s23, s2;
	s12 =	sadd.s32 s26, s2  }
0xd: {  	s14 =	sadd.s32 s29, s2;
	s31 =	sadd.s32 s13, s2;
	s16 =	sadd.s32 s6, s23  }
0xe: {  	s18 =	sadd.s32 s6, s26;
	s5 =	sadd.s32 s5, s3;
	[dreg:$0x5] =	wrdreg s10  }
0xf: {  	s20 =	sadd.s32 s6, s29;
	s6 =	sadd.s32 s6, s13;
	[dreg:$0x8] =	wrdreg s25  }
0x10: {  	s21 =	sadd.s32 s23, s3;
	s23 =	smul.u32 $0x1400, s15;
	[dreg:$0x9] =	wrdreg s12  }
0x11: {  	s24 =	sadd.s32 s26, s3;
	s26 =	sadd.s32 s13, s3;
	[dreg:$0xa] =	wrdreg s14  }
0x12: {  	s11 =	simm.s32 $0x180;
	s13 =	simm.s32 $0x6;
	[dreg:$0xb] =	wrdreg s31  }
0x13: {  	s15 =	simm.s32 $0x280;
	s9 =	sshrl.u32 s9, $0x3;
	[dreg:$0xe] =	wrdreg s5  }
0x14: {  	s10 =	sadd.s32 $0x80, s10;
	s17 =	sshrl.u32 s16, $0x3;
	[dreg:$0x10] =	wrdreg s21  }
0x15: {  	s19 =	sshrl.u32 s18, $0x3;
	s6 =	sshrl.u32 s6, $0x3;
	[dreg:$0x13] =	wrdreg s24  }
0x16: {  	s25 =	sadd.s32 s29, s3;
	[dreg:$0x15] =	wrdreg s26;
	s29 =	smax.u32 s1, $0x1  }
0x17: {  	s24 =	simm.s32 $0x400;
	s1 =	simm.s32 $0x1;
	s12 =	simm.s32 $0x5  }
0x18: {  	s14 =	simm.s32 $0x300;
	s16 =	simm.s32 $0x380;
	s18 =	simm.s32 $0x500  }
0x19: {  	s21 =	simm.s32 $0x600;
	s0 =	sadd.s32 s9, s0;
	[dreg:$0x6] =	wrdreg s10  }
0x1a: {  	s9 =	sadd.s32 s7, s9;
	s5 =	sadd.s32 s7, s19;
	[dreg:$0x14] =	wrdreg s25  }
0x1b: {  	s22 =	sadd.s32 s7, s6;
	[dreg:$0x17] =	wrdreg s29;
	s31 =	sadd.s32 s23, s8  }
0x1c: {  	s25 =	simm.s32 $0x800;
	s6 =	simm.s32 $0x80;
	s8 =	simm.s32 $0x100  }
0x1d: {  	s10 =	simm.s32 $0x4;
	s19 =	simm.s32 $0x480;
	[dreg:$0xc] =	wrdreg s9  }
0x1e: {  	s23 =	simm.s32 $0x680;
	s9 =	sadd.s32 s7, s17;
	[dreg:$0xf] =	wrdreg s5  }
0x1f: {  	s5 =	sshrl.u32 s20, $0x3;
	[dreg:$0x12] =	wrdreg s22;
	s0 =	sadd.s32 $0xEA400, s0  }
0x20: {  	[dreg:$0x4] =	wrdreg s31;
	s17 =	simm.s32 $0x2;
	s20 =	simm.s32 $0x580  }
0x21: {  	s22 =	simm.s32 $0x700;
	[dreg:$0xd] =	wrdreg s9;
	s5 =	sadd.s32 s7, s5  }
0x22: {  	[dreg:$0x16] =	wrdreg s0;
	s9 =	simm.s32 $0x3;
	s7 =	simm.s32 $0x780  }
0x23: {  	v0 =	vimm.f32 $0.0e+00;
	s0 =	simm.s32 $0x0;
	[dreg:$0x11] =	wrdreg s5;
	s5 =	simm.s32 $0x200  }
.LBB2_1:
0x24: {  	[dreg:$0x18] =	wrdreg s0  }
0x25: {  	s26 =	rddreg [dreg:$0x5]  }
0x26: {  	[tilespmem:s4], [sflag:$0x1] =	stream.linear.gather [hbm4b:s26+s4], $0x400, $0x38;
	[tilespmem:$0x1A800] =	vst v63  }
0x27: {  	s0 =	rddreg [dreg:$0x6];
	s31 =	simm.s32 $0x100;
	s29 =	simm.s32 $0x0  }
0x28: {  	[tilespmem:s24], [sflag:$0x2] =	stream.linear.gather [hbm4b:s0+s4], $0x400, $0x38;
	[tilespmem:$0x1A800] =	vst v63  }
.LBB2_2:
0x29: {  	p0 =	sne.s32 s31, $0x7F00;
	[tilespmem:s29+$0x830] =	vst v0;
	s26 =	smov.u32 s31;
	s31 =	sadd.s32 $0x100, s31  }
.Ltmp0:
0x2a: {  	[tilespmem:s29+$0x820] =	vst v0;
	(pc) =	sbr.rel @p0 .LBB2_2-.Ltmp0, $3  }
0x2b: {  	[tilespmem:s29+$0x800] =	vst v0  }
0x2c: {  	[tilespmem:s29+$0x810] =	vst v0;
	_ =	sdelay $0x1  }
0x2d: {  	s29 =	sshra.s32 s26, $0x2  }
0x2e: {  	[tilespmem:s29+$0x830] =	vst v0  }
0x2f: {  	[tilespmem:s29+$0x820] =	vst v0  }
0x30: {  	[tilespmem:s29+$0x800] =	vst v0  }
0x31: {  	[tilespmem:s29+$0x810] =	vst v0;
	s26 =	rddreg [dreg:$0x7]  }
0x32: {  	[spmem:s26] =	stream.linear.scatter [tilespmem:s25], [sflag:$0x7], $0x2000, $0x38;
	[tilespmem:$0x1A800] =	vst v63  }
0x33: {  	s0 =	rddreg [dreg:$0x8]  }
0x34: {  	[spmem:s0] =	stream.linear.scatter [tilespmem:s25], [sflag:$0x7], $0x2000, $0x38;
	[tilespmem:$0x1A800] =	vst v63  }
0x35: {  	s0 =	rddreg [dreg:$0x9]  }
0x36: {  	[spmem:s0] =	stream.linear.scatter [tilespmem:s25], [sflag:$0x7], $0x2000, $0x38;
	[tilespmem:$0x1A800] =	vst v63  }
0x37: {  	s0 =	rddreg [dreg:$0xa]  }
0x38: {  	[spmem:s0] =	stream.linear.scatter [tilespmem:s25], [sflag:$0x7], $0x2000, $0x38;
	[tilespmem:$0x1A800] =	vst v63  }
0x39: {  	s0 =	rddreg [dreg:$0xb]  }
0x3a: {  	[spmem:s0] =	stream.linear.scatter [tilespmem:s25], [sflag:$0x7], $0x2000, $0x38;
	[tilespmem:$0x1A800] =	vst v63  }
0x3b: {  	s29 =	simm.s32 $0x4800;
	s0 =	rddreg [dreg:$0xc]  }
0x3c: {  	[tilespmem:s29], [sflag:$0x8] =	stream.linear.gather [hbm4b:s0+s4], $0x2000, $0x38;
	[tilespmem:$0x1A800] =	vst v63  }
0x3d: {  	s31 =	simm.s32 $0x8;
	s0 =	rddreg [dreg:$0xd]  }
0x3e: {  	[tilespmem:s28], [sflag:$0x9] =	stream.linear.gather [hbm4b:s0+s4], $0x2000, $0x38;
	[tilespmem:$0x1A800] =	vst v63  }
0x3f: {  	_ =	swait.ge [sflag:s31], $0x2000  }
0x40: {  	[sflag:s31] =	ssyncset.done $0x0  }
0x41: {  	s0 =	rddreg [dreg:$0xe];
	[sflag:s31] =	ssyncadd.s32 $0xFFFFE000  }
0x42: {  	[spmem:s0] =	stream.linear.scatter [tilespmem:s29], [sflag:$0xA], $0x2000, $0x38;
	[tilespmem:$0x1A800] =	vst v63  }
0x43: {  	_ =	swait.ge [sflag:s30], $0x2000  }
0x44: {  	[sflag:s30] =	ssyncset.done $0x0  }
0x45: {  	s0 =	rddreg [dreg:$0xf];
	[sflag:s30] =	ssyncadd.s32 $0xFFFFE000  }
0x46: {  	[tilespmem:s29], [sflag:$0x8] =	stream.linear.gather [hbm4b:s0+s4], $0x2000, $0x38;
	[tilespmem:$0x1A800] =	vst v63  }
0x47: {  	s0 =	simm.s32 $0x9  }
0x48: {  	_ =	swait.ge [sflag:s0], $0x2000  }
0x49: {  	[sflag:s0] =	ssyncset.done $0x0  }
0x4a: {  	s26 =	rddreg [dreg:$0x10];
	[sflag:s0] =	ssyncadd.s32 $0xFFFFE000  }
0x4b: {  	[spmem:s26] =	stream.linear.scatter [tilespmem:s28], [sflag:$0xA], $0x2000, $0x38;
	[tilespmem:$0x1A800] =	vst v63  }
0x4c: {  	_ =	swait.ge [sflag:s30], $0x2000  }
0x4d: {  	[sflag:s30] =	ssyncset.done $0x0  }
0x4e: {  	s26 =	rddreg [dreg:$0x11];
	[sflag:s30] =	ssyncadd.s32 $0xFFFFE000  }
0x4f: {  	[tilespmem:s28], [sflag:$0x9] =	stream.linear.gather [hbm4b:s26+s4], $0x2000, $0x38;
	[tilespmem:$0x1A800] =	vst v63  }
0x50: {  	_ =	swait.ge [sflag:s31], $0x2000  }
0x51: {  	[sflag:s31] =	ssyncset.done $0x0  }
0x52: {  	s26 =	rddreg [dreg:$0x13];
	[sflag:s31] =	ssyncadd.s32 $0xFFFFE000  }
0x53: {  	[spmem:s26] =	stream.linear.scatter [tilespmem:s29], [sflag:$0xA], $0x2000, $0x38;
	[tilespmem:$0x1A800] =	vst v63  }
0x54: {  	_ =	swait.ge [sflag:s30], $0x2000  }
0x55: {  	[sflag:s30] =	ssyncset.done $0x0  }
0x56: {  	s26 =	rddreg [dreg:$0x12];
	[sflag:s30] =	ssyncadd.s32 $0xFFFFE000  }
0x57: {  	[tilespmem:s29], [sflag:$0x8] =	stream.linear.gather [hbm4b:s26+s4], $0x2000, $0x38;
	[tilespmem:$0x1A800] =	vst v63  }
0x58: {  	_ =	swait.ge [sflag:s0], $0x2000  }
0x59: {  	[sflag:s0] =	ssyncset.done $0x0  }
0x5a: {  	[sflag:s0] =	ssyncadd.s32 $0xFFFFE000;
	s0 =	rddreg [dreg:$0x14]  }
0x5b: {  	[spmem:s0] =	stream.linear.scatter [tilespmem:s28], [sflag:$0xA], $0x2000, $0x38;
	[tilespmem:$0x1A800] =	vst v63  }
0x5c: {  	_ =	swait.ge [sflag:s30], $0x2000  }
0x5d: {  	[sflag:s30] =	ssyncset.done $0x0  }
0x5e: {  	[sflag:s30] =	ssyncadd.s32 $0xFFFFE000  }
0x5f: {  	_ =	swait.ge [sflag:s31], $0x2000  }
0x60: {  	[sflag:s31] =	ssyncset.done $0x0  }
0x61: {  	s0 =	rddreg [dreg:$0x15];
	[sflag:s31] =	ssyncadd.s32 $0xFFFFE000  }
0x62: {  	[spmem:s0] =	stream.linear.scatter [tilespmem:s29], [sflag:$0xA], $0x2000, $0x38;
	[tilespmem:$0x1A800] =	vst v63  }
0x63: {  	_ =	swait.ge [sflag:s30], $0x2000  }
0x64: {  	[sflag:s30] =	ssyncset.done $0x0  }
0x65: {  	s26 =	simm.s32 $0x7;
	[sflag:s30] =	ssyncadd.s32 $0xFFFFE000  }
0x66: {  	_ =	swait.ge [sflag:s26], $0x2000  }
0x67: {  	[sflag:s26] =	ssyncset.done $0x0  }
0x68: {  	[sflag:s26] =	ssyncadd.s32 $0xFFFFE000  }
0x69: {  	_ =	swait.ge [sflag:s26], $0x2000  }
0x6a: {  	[sflag:s26] =	ssyncset.done $0x0  }
0x6b: {  	[sflag:s26] =	ssyncadd.s32 $0xFFFFE000  }
0x6c: {  	_ =	swait.ge [sflag:s26], $0x2000  }
0x6d: {  	[sflag:s26] =	ssyncset.done $0x0  }
0x6e: {  	[sflag:s26] =	ssyncadd.s32 $0xFFFFE000  }
0x6f: {  	_ =	swait.ge [sflag:s26], $0x2000  }
0x70: {  	[sflag:s26] =	ssyncset.done $0x0  }
0x71: {  	[sflag:s26] =	ssyncadd.s32 $0xFFFFE000  }
0x72: {  	_ =	swait.ge [sflag:s26], $0x2000  }
0x73: {  	[sflag:s26] =	ssyncset.done $0x0  }
0x74: {  	[sflag:s26] =	ssyncadd.s32 $0xFFFFE000  }
0x75: {  	[bflag:$0x0] =	sbarrier.arrive $0xFFFF  }
0x76: {  	_ =	swait.ge [sflag:s1], $0x400  }
0x77: {  	[sflag:s1] =	ssyncset.done $0x0  }
0x78: {  	[sflag:s1] =	ssyncadd.s32 $0xFFFFFC00  }
0x79: {  	[tilespmem:s25], [sflag:$0x3] =	stream.indirect.gather [spmem:s3], $0x40, s4, s6, $0xb8;
	[tilespmem:$0x1A800] =	vst v63  }
0x7a: {  	_ = 	snop  }
0x7b: {  	[tilespmem:s28], [sflag:$0x4] =	stream.indirect.gather [spmem:s3], $0x40, s8, s6, $0xb8;
	[tilespmem:$0x1A800] =	vst v63  }
0x7c: {  	_ =	swait.ge [sflag:s9], $0x2000  }
0x7d: {  	[sflag:s9] =	ssyncset.done $0x0  }
0x7e: {  	[sflag:s9] =	ssyncadd.s32 $0xFFFFE000  }
0x7f: {  	[spmem:s2] =	stream.indirect.scatter.add.f32 [tilespmem:s25], [sflag:$0x5], $0x40, s6, s6, $0xb8;
	[tilespmem:$0x1A800] =	vst v63  }
0x80: {  	_ =	swait.ge [sflag:s10], $0x2000  }
0x81: {  	[sflag:s10] =	ssyncset.done $0x0  }
0x82: {  	[sflag:s10] =	ssyncadd.s32 $0xFFFFE000  }
0x83: {  	[spmem:s2] =	stream.indirect.scatter.add.f32 [tilespmem:s28], [sflag:$0x6], $0x40, s11, s6, $0xb8;
	[tilespmem:$0x1A800] =	vst v63  }
0x84: {  	_ =	swait.ge [sflag:s12], $0x2000  }
0x85: {  	[sflag:s12] =	ssyncset.done $0x0  }
0x86: {  	[sflag:s12] =	ssyncadd.s32 $0xFFFFE000  }
0x87: {  	[tilespmem:s25], [sflag:$0x3] =	stream.indirect.gather [spmem:s3], $0x40, s5, s6, $0xb8;
	[tilespmem:$0x1A800] =	vst v63  }
0x88: {  	_ =	swait.ge [sflag:s13], $0x2000  }
0x89: {  	[sflag:s13] =	ssyncset.done $0x0  }
0x8a: {  	[sflag:s13] =	ssyncadd.s32 $0xFFFFE000  }
0x8b: {  	[tilespmem:s28], [sflag:$0x4] =	stream.indirect.gather [spmem:s3], $0x40, s14, s6, $0xb8;
	[tilespmem:$0x1A800] =	vst v63  }
0x8c: {  	_ =	swait.ge [sflag:s9], $0x2000  }
0x8d: {  	[sflag:s9] =	ssyncset.done $0x0  }
0x8e: {  	[sflag:s9] =	ssyncadd.s32 $0xFFFFE000  }
0x8f: {  	[spmem:s2] =	stream.indirect.scatter.add.f32 [tilespmem:s25], [sflag:$0x5], $0x40, s15, s6, $0xb8;
	[tilespmem:$0x1A800] =	vst v63  }
0x90: {  	_ =	swait.ge [sflag:s10], $0x2000  }
0x91: {  	[sflag:s10] =	ssyncset.done $0x0  }
0x92: {  	[sflag:s10] =	ssyncadd.s32 $0xFFFFE000  }
0x93: {  	[spmem:s2] =	stream.indirect.scatter.add.f32 [tilespmem:s28], [sflag:$0x6], $0x40, s16, s6, $0xb8;
	[tilespmem:$0x1A800] =	vst v63  }
0x94: {  	_ =	swait.ge [sflag:s17], $0x400  }
0x95: {  	[sflag:s17] =	ssyncset.done $0x0  }
0x96: {  	[sflag:s17] =	ssyncadd.s32 $0xFFFFFC00  }
0x97: {  	_ =	swait.ge [sflag:s12], $0x2000  }
0x98: {  	[sflag:s12] =	ssyncset.done $0x0  }
0x99: {  	[sflag:s12] =	ssyncadd.s32 $0xFFFFE000  }
0x9a: {  	[tilespmem:s25], [sflag:$0x3] =	stream.indirect.gather [spmem:s3], $0x40, s24, s6, $0xb8;
	[tilespmem:$0x1A800] =	vst v63  }
0x9b: {  	_ =	swait.ge [sflag:s13], $0x2000  }
0x9c: {  	[sflag:s13] =	ssyncset.done $0x0;
	s0 =	rddreg [dreg:$0x4]  }
0x9d: {  	[sflag:s13] =	ssyncadd.s32 $0xFFFFE000;
	s26 =	sadd.s32 $0xFFFFED00, s0  }
0x9e: {  	[tilespmem:s28], [sflag:$0x4] =	stream.indirect.gather [spmem:s3], $0x40, s18, s6, $0xb8;
	[tilespmem:$0x1A800] =	vst v63  }
0x9f: {  	s29 =	sadd.s32 $0x1400, s26  }
0xa0: {  	[tilespmem:s4], [sflag:$0x1] =	stream.linear.gather [hbm4b:s29+s4], $0x400, $0x38;
	[tilespmem:$0x1A800] =	vst v63  }
0xa1: {  	_ =	swait.ge [sflag:s9], $0x2000  }
0xa2: {  	[sflag:s9] =	ssyncset.done $0x0  }
0xa3: {  	[sflag:s9] =	ssyncadd.s32 $0xFFFFE000  }
0xa4: {  	[spmem:s2] =	stream.indirect.scatter.add.f32 [tilespmem:s25], [sflag:$0x5], $0x40, s19, s6, $0xb8;
	[tilespmem:$0x1A800] =	vst v63  }
0xa5: {  	_ =	swait.ge [sflag:s10], $0x2000  }
0xa6: {  	[sflag:s10] =	ssyncset.done $0x0  }
0xa7: {  	[sflag:s10] =	ssyncadd.s32 $0xFFFFE000  }
0xa8: {  	[spmem:s2] =	stream.indirect.scatter.add.f32 [tilespmem:s28], [sflag:$0x6], $0x40, s20, s6, $0xb8;
	[tilespmem:$0x1A800] =	vst v63  }
0xa9: {  	_ =	swait.ge [sflag:s12], $0x2000  }
0xaa: {  	[sflag:s12] =	ssyncset.done $0x0  }
0xab: {  	[sflag:s12] =	ssyncadd.s32 $0xFFFFE000  }
0xac: {  	[tilespmem:s25], [sflag:$0x3] =	stream.indirect.gather [spmem:s3], $0x40, s21, s6, $0xb8;
	[tilespmem:$0x1A800] =	vst v63  }
0xad: {  	_ =	swait.ge [sflag:s13], $0x2000  }
0xae: {  	[sflag:s13] =	ssyncset.done $0x0  }
0xaf: {  	[sflag:s13] =	ssyncadd.s32 $0xFFFFE000  }
0xb0: {  	[tilespmem:s28], [sflag:$0x4] =	stream.indirect.gather [spmem:s3], $0x40, s22, s6, $0xb8;
	[tilespmem:$0x1A800] =	vst v63  }
0xb1: {  	_ =	swait.ge [sflag:s9], $0x2000  }
0xb2: {  	[sflag:s9] =	ssyncset.done $0x0  }
0xb3: {  	[sflag:s9] =	ssyncadd.s32 $0xFFFFE000  }
0xb4: {  	[spmem:s2] =	stream.indirect.scatter.add.f32 [tilespmem:s25], [sflag:$0x5], $0x40, s23, s6, $0xb8;
	[tilespmem:$0x1A800] =	vst v63  }
0xb5: {  	_ =	swait.ge [sflag:s10], $0x2000  }
0xb6: {  	[sflag:s10] =	ssyncset.done $0x0  }
0xb7: {  	[sflag:s10] =	ssyncadd.s32 $0xFFFFE000  }
0xb8: {  	[spmem:s2] =	stream.indirect.scatter.add.f32 [tilespmem:s28], [sflag:$0x6], $0x40, s7, s6, $0xb8;
	[tilespmem:$0x1A800] =	vst v63  }
0xb9: {  	_ =	swait.ge [sflag:s1], $0x400  }
0xba: {  	[sflag:s1] =	ssyncset.done $0x0  }
0xbb: {  	[sflag:s1] =	ssyncadd.s32 $0xFFFFFC00  }
0xbc: {  	_ =	swait.ge [sflag:s12], $0x2000  }
0xbd: {  	[sflag:s12] =	ssyncset.done $0x0  }
0xbe: {  	[sflag:s12] =	ssyncadd.s32 $0xFFFFE000  }
0xbf: {  	[tilespmem:s25], [sflag:$0x3] =	stream.indirect.gather [spmem:s3], $0x40, s4, s6, $0xb8;
	[tilespmem:$0x1A800] =	vst v63  }
0xc0: {  	_ =	swait.ge [sflag:s13], $0x2000  }
0xc1: {  	[sflag:s13] =	ssyncset.done $0x0  }
0xc2: {  	s31 =	simm.s32 $0xFFFFEE00;
	s29 =	sadd.s32 $0x1480, s26;
	[sflag:s13] =	ssyncadd.s32 $0xFFFFE000  }
0xc3: {  	[tilespmem:s28], [sflag:$0x4] =	stream.indirect.gather [spmem:s3], $0x40, s8, s6, $0xb8;
	[tilespmem:$0x1A800] =	vst v63  }
.LBB2_4:
0xc4: {  	[tilespmem:s24], [sflag:$0x2] =	stream.linear.gather [hbm4b:s29+s4], $0x400, $0x38;
	[tilespmem:$0x1A800] =	vst v63  }
0xc5: {  	_ =	swait.ge [sflag:s9], $0x2000  }
0xc6: {  	[sflag:s9] =	ssyncset.done $0x0  }
0xc7: {  	[sflag:s9] =	ssyncadd.s32 $0xFFFFE000  }
0xc8: {  	[spmem:s2] =	stream.indirect.scatter.add.f32 [tilespmem:s25], [sflag:$0x5], $0x40, s6, s6, $0xb8;
	[tilespmem:$0x1A800] =	vst v63  }
0xc9: {  	_ =	swait.ge [sflag:s10], $0x2000  }
0xca: {  	[sflag:s10] =	ssyncset.done $0x0  }
0xcb: {  	[sflag:s10] =	ssyncadd.s32 $0xFFFFE000  }
0xcc: {  	[spmem:s2] =	stream.indirect.scatter.add.f32 [tilespmem:s28], [sflag:$0x6], $0x40, s11, s6, $0xb8;
	[tilespmem:$0x1A800] =	vst v63  }
0xcd: {  	_ =	swait.ge [sflag:s12], $0x2000  }
0xce: {  	[sflag:s12] =	ssyncset.done $0x0  }
0xcf: {  	[sflag:s12] =	ssyncadd.s32 $0xFFFFE000  }
0xd0: {  	[tilespmem:s25], [sflag:$0x3] =	stream.indirect.gather [spmem:s3], $0x40, s5, s6, $0xb8;
	[tilespmem:$0x1A800] =	vst v63  }
0xd1: {  	_ =	swait.ge [sflag:s13], $0x2000  }
0xd2: {  	[sflag:s13] =	ssyncset.done $0x0  }
0xd3: {  	[sflag:s13] =	ssyncadd.s32 $0xFFFFE000  }
0xd4: {  	[tilespmem:s28], [sflag:$0x4] =	stream.indirect.gather [spmem:s3], $0x40, s14, s6, $0xb8;
	[tilespmem:$0x1A800] =	vst v63  }
0xd5: {  	_ =	swait.ge [sflag:s9], $0x2000  }
0xd6: {  	[sflag:s9] =	ssyncset.done $0x0  }
0xd7: {  	[sflag:s9] =	ssyncadd.s32 $0xFFFFE000  }
0xd8: {  	[spmem:s2] =	stream.indirect.scatter.add.f32 [tilespmem:s25], [sflag:$0x5], $0x40, s15, s6, $0xb8;
	[tilespmem:$0x1A800] =	vst v63  }
0xd9: {  	_ =	swait.ge [sflag:s10], $0x2000  }
0xda: {  	[sflag:s10] =	ssyncset.done $0x0  }
0xdb: {  	[sflag:s10] =	ssyncadd.s32 $0xFFFFE000  }
0xdc: {  	[spmem:s2] =	stream.indirect.scatter.add.f32 [tilespmem:s28], [sflag:$0x6], $0x40, s16, s6, $0xb8;
	[tilespmem:$0x1A800] =	vst v63  }
0xdd: {  	_ =	swait.ge [sflag:s17], $0x400  }
0xde: {  	[sflag:s17] =	ssyncset.done $0x0  }
0xdf: {  	[sflag:s17] =	ssyncadd.s32 $0xFFFFFC00  }
0xe0: {  	_ =	swait.ge [sflag:s12], $0x2000  }
0xe1: {  	[sflag:s12] =	ssyncset.done $0x0  }
0xe2: {  	[sflag:s12] =	ssyncadd.s32 $0xFFFFE000  }
0xe3: {  	[tilespmem:s25], [sflag:$0x3] =	stream.indirect.gather [spmem:s3], $0x40, s24, s6, $0xb8;
	[tilespmem:$0x1A800] =	vst v63  }
0xe4: {  	_ =	swait.ge [sflag:s13], $0x2000  }
0xe5: {  	s29 =	smov.u32 s31;
	[sflag:s13] =	ssyncset.done $0x0;
	s26 =	rddreg [dreg:$0x4]  }
0xe6: {  	[sflag:s13] =	ssyncadd.s32 $0xFFFFE000;
	s29 =	sadd.s32 s29, s26  }
0xe7: {  	[tilespmem:s28], [sflag:$0x4] =	stream.indirect.gather [spmem:s3], $0x40, s18, s6, $0xb8;
	[tilespmem:$0x1A800] =	vst v63  }
0xe8: {  	s26 =	sadd.s32 $0x1400, s29  }
0xe9: {  	[tilespmem:s4], [sflag:$0x1] =	stream.linear.gather [hbm4b:s26+s4], $0x400, $0x38;
	[tilespmem:$0x1A800] =	vst v63  }
0xea: {  	_ =	swait.ge [sflag:s9], $0x2000  }
0xeb: {  	[sflag:s9] =	ssyncset.done $0x0  }
0xec: {  	[sflag:s9] =	ssyncadd.s32 $0xFFFFE000  }
0xed: {  	[spmem:s2] =	stream.indirect.scatter.add.f32 [tilespmem:s25], [sflag:$0x5], $0x40, s19, s6, $0xb8;
	[tilespmem:$0x1A800] =	vst v63  }
0xee: {  	_ =	swait.ge [sflag:s10], $0x2000  }
0xef: {  	[sflag:s10] =	ssyncset.done $0x0  }
0xf0: {  	[sflag:s10] =	ssyncadd.s32 $0xFFFFE000  }
0xf1: {  	[spmem:s2] =	stream.indirect.scatter.add.f32 [tilespmem:s28], [sflag:$0x6], $0x40, s20, s6, $0xb8;
	[tilespmem:$0x1A800] =	vst v63  }
0xf2: {  	_ =	swait.ge [sflag:s12], $0x2000  }
0xf3: {  	[sflag:s12] =	ssyncset.done $0x0  }
0xf4: {  	[sflag:s12] =	ssyncadd.s32 $0xFFFFE000  }
0xf5: {  	[tilespmem:s25], [sflag:$0x3] =	stream.indirect.gather [spmem:s3], $0x40, s21, s6, $0xb8;
	[tilespmem:$0x1A800] =	vst v63  }
0xf6: {  	_ =	swait.ge [sflag:s13], $0x2000  }
0xf7: {  	[sflag:s13] =	ssyncset.done $0x0  }
0xf8: {  	[sflag:s13] =	ssyncadd.s32 $0xFFFFE000  }
0xf9: {  	[tilespmem:s28], [sflag:$0x4] =	stream.indirect.gather [spmem:s3], $0x40, s22, s6, $0xb8;
	[tilespmem:$0x1A800] =	vst v63  }
0xfa: {  	_ =	swait.ge [sflag:s9], $0x2000  }
0xfb: {  	[sflag:s9] =	ssyncset.done $0x0  }
0xfc: {  	[sflag:s9] =	ssyncadd.s32 $0xFFFFE000  }
0xfd: {  	[spmem:s2] =	stream.indirect.scatter.add.f32 [tilespmem:s25], [sflag:$0x5], $0x40, s23, s6, $0xb8;
	[tilespmem:$0x1A800] =	vst v63  }
0xfe: {  	_ =	swait.ge [sflag:s10], $0x2000  }
0xff: {  	[sflag:s10] =	ssyncset.done $0x0  }
0x100: {  	[sflag:s10] =	ssyncadd.s32 $0xFFFFE000  }
0x101: {  	[spmem:s2] =	stream.indirect.scatter.add.f32 [tilespmem:s28], [sflag:$0x6], $0x40, s7, s6, $0xb8;
	[tilespmem:$0x1A800] =	vst v63  }
0x102: {  	_ =	swait.ge [sflag:s1], $0x400  }
0x103: {  	[sflag:s1] =	ssyncset.done $0x0  }
0x104: {  	[sflag:s1] =	ssyncadd.s32 $0xFFFFFC00  }
0x105: {  	_ =	swait.ge [sflag:s12], $0x2000  }
0x106: {  	[sflag:s12] =	ssyncset.done $0x0  }
0x107: {  	p0 =	sne.s32 s31, $0xFFFFFF00;
	[sflag:s12] =	ssyncadd.s32 $0xFFFFE000  }
0x108: {  	[tilespmem:s25], [sflag:$0x3] =	stream.indirect.gather [spmem:s3], $0x40, s4, s6, $0xb8;
	[tilespmem:$0x1A800] =	vst v63  }
.Ltmp1:
0x109: {  	_ = 	snop;
	(pc) =	sbr.rel @p0 .LBB2_4-.Ltmp1, $4  }
0x10a: {  	_ =	swait.ge [sflag:s13], $0x2000  }
0x10b: {  	[sflag:s13] =	ssyncset.done $0x0  }
0x10c: {  	s31 =	sadd.s32 $0x100, s31;
	s29 =	sadd.s32 $0x1480, s29;
	[sflag:s13] =	ssyncadd.s32 $0xFFFFE000  }
0x10d: {  	[tilespmem:s28], [sflag:$0x4] =	stream.indirect.gather [spmem:s3], $0x40, s8, s6, $0xb8;
	[tilespmem:$0x1A800] =	vst v63  }
0x10e: {  	[tilespmem:s24], [sflag:$0x2] =	stream.linear.gather [hbm4b:s29+s4], $0x400, $0x38;
	[tilespmem:$0x1A800] =	vst v63  }
0x10f: {  	_ =	swait.ge [sflag:s9], $0x2000  }
0x110: {  	[sflag:s9] =	ssyncset.done $0x0  }
0x111: {  	[sflag:s9] =	ssyncadd.s32 $0xFFFFE000  }
0x112: {  	[spmem:s2] =	stream.indirect.scatter.add.f32 [tilespmem:s25], [sflag:$0x5], $0x40, s6, s6, $0xb8;
	[tilespmem:$0x1A800] =	vst v63  }
0x113: {  	_ =	swait.ge [sflag:s10], $0x2000  }
0x114: {  	[sflag:s10] =	ssyncset.done $0x0  }
0x115: {  	[sflag:s10] =	ssyncadd.s32 $0xFFFFE000  }
0x116: {  	[spmem:s2] =	stream.indirect.scatter.add.f32 [tilespmem:s28], [sflag:$0x6], $0x40, s11, s6, $0xb8;
	[tilespmem:$0x1A800] =	vst v63  }
0x117: {  	_ =	swait.ge [sflag:s12], $0x2000  }
0x118: {  	[sflag:s12] =	ssyncset.done $0x0  }
0x119: {  	[sflag:s12] =	ssyncadd.s32 $0xFFFFE000  }
0x11a: {  	[tilespmem:s25], [sflag:$0x3] =	stream.indirect.gather [spmem:s3], $0x40, s5, s6, $0xb8;
	[tilespmem:$0x1A800] =	vst v63  }
0x11b: {  	_ =	swait.ge [sflag:s13], $0x2000  }
0x11c: {  	[sflag:s13] =	ssyncset.done $0x0  }
0x11d: {  	[sflag:s13] =	ssyncadd.s32 $0xFFFFE000  }
0x11e: {  	[tilespmem:s28], [sflag:$0x4] =	stream.indirect.gather [spmem:s3], $0x40, s14, s6, $0xb8;
	[tilespmem:$0x1A800] =	vst v63  }
0x11f: {  	_ =	swait.ge [sflag:s9], $0x2000  }
0x120: {  	[sflag:s9] =	ssyncset.done $0x0  }
0x121: {  	[sflag:s9] =	ssyncadd.s32 $0xFFFFE000  }
0x122: {  	[spmem:s2] =	stream.indirect.scatter.add.f32 [tilespmem:s25], [sflag:$0x5], $0x40, s15, s6, $0xb8;
	[tilespmem:$0x1A800] =	vst v63  }
0x123: {  	_ =	swait.ge [sflag:s10], $0x2000  }
0x124: {  	[sflag:s10] =	ssyncset.done $0x0  }
0x125: {  	[sflag:s10] =	ssyncadd.s32 $0xFFFFE000  }
0x126: {  	[spmem:s2] =	stream.indirect.scatter.add.f32 [tilespmem:s28], [sflag:$0x6], $0x40, s16, s6, $0xb8;
	[tilespmem:$0x1A800] =	vst v63  }
0x127: {  	_ =	swait.ge [sflag:s17], $0x400  }
0x128: {  	[sflag:s17] =	ssyncset.done $0x0  }
0x129: {  	[sflag:s17] =	ssyncadd.s32 $0xFFFFFC00  }
0x12a: {  	_ =	swait.ge [sflag:s12], $0x2000  }
0x12b: {  	[sflag:s12] =	ssyncset.done $0x0  }
0x12c: {  	[sflag:s12] =	ssyncadd.s32 $0xFFFFE000  }
0x12d: {  	[tilespmem:s25], [sflag:$0x3] =	stream.indirect.gather [spmem:s3], $0x40, s24, s6, $0xb8;
	[tilespmem:$0x1A800] =	vst v63  }
0x12e: {  	_ =	swait.ge [sflag:s13], $0x2000  }
0x12f: {  	[sflag:s13] =	ssyncset.done $0x0  }
0x130: {  	[sflag:s13] =	ssyncadd.s32 $0xFFFFE000  }
0x131: {  	[tilespmem:s28], [sflag:$0x4] =	stream.indirect.gather [spmem:s3], $0x40, s18, s6, $0xb8;
	[tilespmem:$0x1A800] =	vst v63  }
0x132: {  	_ =	swait.ge [sflag:s9], $0x2000  }
0x133: {  	[sflag:s9] =	ssyncset.done $0x0  }
0x134: {  	[sflag:s9] =	ssyncadd.s32 $0xFFFFE000  }
0x135: {  	[spmem:s2] =	stream.indirect.scatter.add.f32 [tilespmem:s25], [sflag:$0x5], $0x40, s19, s6, $0xb8;
	[tilespmem:$0x1A800] =	vst v63  }
0x136: {  	_ =	swait.ge [sflag:s10], $0x2000  }
0x137: {  	[sflag:s10] =	ssyncset.done $0x0  }
0x138: {  	[sflag:s10] =	ssyncadd.s32 $0xFFFFE000  }
0x139: {  	[spmem:s2] =	stream.indirect.scatter.add.f32 [tilespmem:s28], [sflag:$0x6], $0x40, s20, s6, $0xb8;
	[tilespmem:$0x1A800] =	vst v63  }
0x13a: {  	_ =	swait.ge [sflag:s12], $0x2000  }
0x13b: {  	[sflag:s12] =	ssyncset.done $0x0  }
0x13c: {  	[sflag:s12] =	ssyncadd.s32 $0xFFFFE000  }
0x13d: {  	[tilespmem:s25], [sflag:$0x3] =	stream.indirect.gather [spmem:s3], $0x40, s21, s6, $0xb8;
	[tilespmem:$0x1A800] =	vst v63  }
0x13e: {  	_ =	swait.ge [sflag:s13], $0x2000  }
0x13f: {  	[sflag:s13] =	ssyncset.done $0x0  }
0x140: {  	[sflag:s13] =	ssyncadd.s32 $0xFFFFE000  }
0x141: {  	[tilespmem:s28], [sflag:$0x4] =	stream.indirect.gather [spmem:s3], $0x40, s22, s6, $0xb8;
	[tilespmem:$0x1A800] =	vst v63  }
0x142: {  	_ =	swait.ge [sflag:s9], $0x2000  }
0x143: {  	[sflag:s9] =	ssyncset.done $0x0  }
0x144: {  	[sflag:s9] =	ssyncadd.s32 $0xFFFFE000  }
0x145: {  	[spmem:s2] =	stream.indirect.scatter.add.f32 [tilespmem:s25], [sflag:$0x5], $0x40, s23, s6, $0xb8;
	[tilespmem:$0x1A800] =	vst v63  }
0x146: {  	_ =	swait.ge [sflag:s10], $0x2000  }
0x147: {  	[sflag:s10] =	ssyncset.done $0x0  }
0x148: {  	[sflag:s10] =	ssyncadd.s32 $0xFFFFE000  }
0x149: {  	[spmem:s2] =	stream.indirect.scatter.add.f32 [tilespmem:s28], [sflag:$0x6], $0x40, s7, s6, $0xb8;
	[tilespmem:$0x1A800] =	vst v63  }
0x14a: {  	_ =	swait.ge [sflag:s12], $0x2000  }
0x14b: {  	[sflag:s12] =	ssyncset.done $0x0  }
0x14c: {  	[sflag:s12] =	ssyncadd.s32 $0xFFFFE000  }
0x14d: {  	_ =	swait.ge [sflag:s13], $0x2000  }
0x14e: {  	[sflag:s13] =	ssyncset.done $0x0  }
0x14f: {  	[sflag:s13] =	ssyncadd.s32 $0xFFFFE000  }
0x150: {  	s26 =	stileid.u32;
	[bflag:$0x0] =	sbarrier.arrive $0xFFFF  }
0x151: {  	s26 =	sshll.u32 s26, $0x6;
	s0 =	rddreg [dreg:$0x7]  }
0x152: {  	s26 =	sor.u32 $0x1C0A, s26;
	s31 =	rddreg [dreg:$0x16];
	s29 =	sshrl.u32 s0, $0x3  }
0x153: {  	[hbm:s31], [sflag:s26] =	dma.local [spmem:s29], $0x1400  }
0x154: {  	_ =	swait.ge [sflag:s30], $0x1400  }
0x155: {  	s0 =	rddreg [dreg:$0x18]  }
0x156: {  	s31 =	rddreg [dreg:$0x17];
	s0 =	sadd.s32 $0x1, s0  }
0x157: {  	p0 =	sne.s32 s0, s31  }
.Ltmp2:
0x158: {  	_ = 	snop;
	(pc) =	sbr.rel @p0 .LBB2_1-.Ltmp2, $3  }
0x159: {  	_ =	sdelay $0x1  }
0x15a: {  	[sflag:s30] =	ssyncset.done $0x0  }
0x15b: {  	[sflag:s30] =	ssyncadd.s32 $0xFFFFEC00  }
0x15c: {  	_ =	sfence.sel $0x180000  }
0x15d: {  	[bflag:$0x0] =	sbarrier.arrive $0xFFFF  }
0x15e: {  	_ =	strace $0x9000004A  }
0x15f: {  	s0 =	stileid.u32;
	[bflag:$0x2] =	sbarrier.arrive $0xFFFF  }
0x160: {  	p0 =	sne.s32 s0, $0x0;
	s0 =	rddreg [dreg:$0x3]  }
0x161: {  	s0 =	sadd.s32 @!p0 $0x100000, s0  }
0x162: {  	[sflag:s0] =	ssyncadd.tile.s32 @!p0 $0x1;
	_ =	shalt  }
.Lfunc_end2:
_tile_overlayer_lowered:
.L_overlay_start_2:
0x163: {  	(tag) =	ssettag $0x2  }
0x164: {  	s0 =	rddreg [dreg:$0x0];
	s2 =	stileid.u32  }
0x165: {  	s1 =	rddreg [dreg:$0x1];
	p0 =	sne.s32 s2, $0x0  }
0x166: {  	s3 =	rddreg [dreg:$0x2];
	[bflag:$0x3] =	sbarrier.arrive $0xFFFF;
	s2 =	simm.s32 @!p0 $0x1C0A  }
0x167: {  	[timem:s3], [sflag:s2] =	dma.local @!p0 [hbm:s0], s1  }
0x168: {  	s0 =	simm.s32 @!p0 $0xA  }
0x169: {  	_ =	swait.ge @!p0 [sflag:s0], s1  }
0x16a: {  	s1 =	ssub.s32 @!p0 $0x0, s1;
	[sflag:s0] =	ssyncset.done @!p0 $0x0  }
0x16b: {  	[sflag:s0] =	ssyncadd.s32 @!p0 s1  }
0x16c: {  	[bflag:$0x3] =	sbarrier.arrive $0xFFFF  }
0x16d: {  	_ =	shalt  }

// kernel: kernel.16.cloned.1.call-start
scs
__scs_entry_jumppad:
0x0: {  	(pc) =	sbr.rel $0x88, $3  }
0x1: {  	(tag) =	ssettag $0x0;
	lr =	simm.s32 $0x1  }
0x2: {  	[smem:$0x3F95] =	sst lr;
	_ =	strace $0xD0000000  }
0x3: {  	_ = 	snop  }
0x4: {  	_ = 	snop  }
0x5: {  	_ = 	snop  }
0x6: {  	_ = 	snop  }
0x7: {  	_ = 	snop  }
__scs_overlays_trampoline_lowered:
0x8: {  	[smem:$0x3FA4] =	sst s0  }
0x9: {  	[smem:$0x3FA5] =	sst s1  }
0xa: {  	[smem:$0x3FA6] =	sst s2  }
0xb: {  	[smem:$0x3FA7] =	sst s3  }
0xc: {  	[smem:$0x3FA8] =	sst s4  }
0xd: {  	[smem:$0x3FA9] =	sst s5  }
0xe: {  	[smem:$0x3FAA] =	sst s6  }
0xf: {  	[smem:$0x3FAB] =	sst s7  }
0x10: {  	[smem:$0x3FAC] =	sst s8  }
0x11: {  	[smem:$0x3FAD] =	sst s9;
	s0 =	simm.s32 @!p0 $0x0  }
0x12: {  	s1 =	sld [smem:$0x3F93];
	s0 =	simm.s32 @p0 $0x1  }
0x13: {  	[smem:$0x3FAE] =	sst s0;
	s0 =	simm.s32 @!p1 $0x0  }
0x14: {  	s2 =	sld [smem:$0x3F92];
	s0 =	simm.s32 @p1 $0x1  }
0x15: {  	[smem:$0x3FAF] =	sst s0;
	s0 =	simm.s32 @!p2 $0x0  }
0x16: {  	s3 =	sld [smem:$0x3FDB];
	s0 =	simm.s32 @p2 $0x1  }
0x17: {  	s4 =	simm.s32 $0x1BF5;
	[smem:$0x3FB1] =	sst s0  }
0x18: {  	s0 =	sld [smem:$0x3F94];
	_ =	swait.ge [sflag:s4], $0x0  }
0x19: {  	s7 =	sld [smem:$0x3F95]  }
0x1a: {  	s8 =	sadd.s32 $0xFFFFE003, lr  }
0x1b: {  	s9 =	sadd.s32 $0xFFFFFEF7, lr;
	s5 =	simm.s32 $0xFFFFFFFF;
	p2 =	slt.u32 s8, $0xFFFFF086  }
0x1c: {  	p1 =	slt.u32 s9, $0xF7A;
	s5 =	simm.s32 @!p2 $0x0  }
0x1d: {  	s5 =	simm.s32 @p1 $0x1;
	p0 =	seq.s32 s7, s2  }
0x1e: {  	s7 =	smul.u32 @!p0 $0xF7A, s2;
	p2 =	seq.s32 @!p0 s5, $0x0  }
0x1f: {  	s9 =	smul.u32 $0xF7A, s1;
	s8 =	simm.s32 @!p0 $0x1BF5;
	p2 =	por !p2, p0  }
0x20: {  	[sflag:s8] =	ssyncset.s32 @!p0 $0xFFFFF086;
	s6 =	sadd.s32 @!p0 s3, s7;
	s7 =	simm.s32 @!p0 $0x108  }
0x21: {  	s3 =	sadd.s32 s3, s9;
	s6 =	sadd.s32 @!p0 $0x88, s6;
	s7 =	simm.s32 @p2 $0x1082  }
0x22: {  	[simem:s7], [sflag:s8] =	dma.local @!p0 [hbm:s6], $0xF7A  }
0x23: {  	s9 =	sor.u32 $0xD0000000, s2;
	s6 =	simm.s32 $0x108;
	_ =	swait.ge @!p0 [sflag:s8], $0x0  }
0x24: {  	s3 =	sadd.s32 $0x88, s3;
	s6 =	simm.s32 @!p1 $0x1082;
	[sflag:s4] =	ssyncset.s32 $0xFFFFF086  }
0x25: {  	[simem:s6], [sflag:s4] =	dma.local [hbm:s3], $0xF7A  }
0x26: {  	[smem:$0x3F95] =	sst s1;
	(tag) =	ssettag s2;
	_ =	strace s9  }
0x27: {  	s1 =	sld [smem:$0x3FA5]  }
0x28: {  	s2 =	sld [smem:$0x3FA6]  }
0x29: {  	s4 =	sld [smem:$0x3FA8]  }
0x2a: {  	p0 =	seq.s32 s5, $0x0;
	s5 =	sld [smem:$0x3FA9]  }
0x2b: {  	s6 =	sld [smem:$0x3FAA]  }
0x2c: {  	s7 =	sld [smem:$0x3FAB]  }
0x2d: {  	s3 =	simm.s32 $0x108;
	s8 =	sld [smem:$0x3FAC]  }
0x2e: {  	s3 =	simm.s32 @!p0 $0x1082;
	s9 =	sld [smem:$0x3FAD]  }
0x2f: {  	lr =	sadd.s32 s0, s3;
	s0 =	sld [smem:$0x3FA4]  }
0x30: {  	s3 =	sld [smem:$0x3FA7]  }
0x31: {  	[smem:$0x3FB0] =	sst s10  }
0x32: {  	s10 =	sld [smem:$0x3FAE];
	_ =	sdelay $0x3  }
0x33: {  	p0 =	seq.s32 s10, $0x1;
	s10 =	sld [smem:$0x3FB0];
	_ =	sdelay $0x3  }
0x34: {  	[smem:$0x3FB0] =	sst s10  }
0x35: {  	s10 =	sld [smem:$0x3FAF];
	_ =	sdelay $0x3  }
0x36: {  	p1 =	seq.s32 s10, $0x1;
	s10 =	sld [smem:$0x3FB0];
	_ =	sdelay $0x3  }
0x37: {  	[smem:$0x3FB0] =	sst s10  }
0x38: {  	s10 =	sld [smem:$0x3FB1]  }
0x39: {  	_ = 	snop;
	(pc) =	sbr.ind lr, $3  }
0x3a: {  	_ = 	snop  }
0x3b: {  	_ = 	snop  }
0x3c: {  	p2 =	seq.s32 s10, $0x1;
	s10 =	sld [smem:$0x3FB0]  }
0x3d: {  	_ =	shalt  }
0x3e: {  	_ =	shalt  }
0x3f: {  	_ =	shalt  }
0x40: {  	_ =	shalt  }
0x41: {  	_ =	shalt  }
0x42: {  	_ =	shalt  }
0x43: {  	_ =	shalt  }
0x44: {  	_ =	shalt  }
0x45: {  	_ =	shalt  }
0x46: {  	_ =	shalt  }
0x47: {  	_ =	shalt  }
0x48: {  	_ =	shalt  }
0x49: {  	_ =	shalt  }
0x4a: {  	_ =	shalt  }
0x4b: {  	_ =	shalt  }
0x4c: {  	_ =	shalt  }
0x4d: {  	_ =	shalt  }
0x4e: {  	_ =	shalt  }
0x4f: {  	_ =	shalt  }
0x50: {  	_ =	shalt  }
0x51: {  	_ =	shalt  }
0x52: {  	_ =	shalt  }
0x53: {  	_ =	shalt  }
0x54: {  	_ =	shalt  }
0x55: {  	_ =	shalt  }
0x56: {  	_ =	shalt  }
0x57: {  	_ =	shalt  }
0x58: {  	_ =	shalt  }
0x59: {  	_ =	shalt  }
0x5a: {  	_ =	shalt  }
0x5b: {  	_ =	shalt  }
0x5c: {  	_ =	shalt  }
0x5d: {  	_ =	shalt  }
0x5e: {  	_ =	shalt  }
0x5f: {  	_ =	shalt  }
0x60: {  	_ =	shalt  }
0x61: {  	_ =	shalt  }
0x62: {  	_ =	shalt  }
0x63: {  	_ =	shalt  }
0x64: {  	_ =	shalt  }
0x65: {  	_ =	shalt  }
0x66: {  	_ =	shalt  }
0x67: {  	_ =	shalt  }
0x68: {  	_ =	shalt  }
0x69: {  	_ =	shalt  }
0x6a: {  	_ =	shalt  }
0x6b: {  	_ =	shalt  }
0x6c: {  	_ =	shalt  }
0x6d: {  	_ =	shalt  }
0x6e: {  	_ =	shalt  }
0x6f: {  	_ =	shalt  }
0x70: {  	_ =	shalt  }
0x71: {  	_ =	shalt  }
0x72: {  	_ =	shalt  }
0x73: {  	_ =	shalt  }
0x74: {  	_ =	shalt  }
0x75: {  	_ =	shalt  }
0x76: {  	_ =	shalt  }
0x77: {  	_ =	shalt  }
0x78: {  	_ =	shalt  }
0x79: {  	_ =	shalt  }
0x7a: {  	_ =	shalt  }
0x7b: {  	_ =	shalt  }
0x7c: {  	_ =	shalt  }
0x7d: {  	_ =	shalt  }
0x7e: {  	_ =	shalt  }
0x7f: {  	_ =	shalt  }
0x80: {  	_ =	shalt  }
0x81: {  	_ =	shalt  }
0x82: {  	_ =	shalt  }
0x83: {  	_ =	shalt  }
0x84: {  	_ =	shalt  }
0x85: {  	_ =	shalt  }
0x86: {  	_ =	shalt  }
0x87: {  	_ =	shalt  }
.Lfunc_end0:
.L_simem_size_0:
called_computation.2_lowered:
.L_overlay_start_0:
0x88: {  	s2 =	sld [smem:$0x3FD9]  }
0x89: {  	s3 =	sld [smem:$0x3FFE];
	_ =	sdelay $0x1  }
0x8a: {  	s1 =	srdreg.scid  }
0x8b: {  	s0 =	sand.u32 $0x1, s1  }
0x8c: {  	s16 =	sshll.u32 s0, $0xA;
	s2 =	sadd.s32 s3, s2  }
0x8d: {  	s2 =	sadd.s32 s2, s16  }
0x8e: {  	[smem:$0x3FBC] =	sst s2  }
0x8f: {  	_ = 	snop  }
0x90: {  	(tm) =	ssettm $0x1  }
0x91: {  	s17 =	sld [smem:$0x3FFB];
	_ =	sdelay $0x3  }
0x92: {  	_ =	strace s17  }
0x93: {  	s2 =	sld [smem:$0x3FFC];
	_ =	sdelay $0x3  }
0x94: {  	_ =	strace s2  }
0x95: {  	s2 =	sld [smem:$0x3FFD];
	_ =	sdelay $0x3  }
0x96: {  	_ =	strace s2  }
0x97: {  	_ =	strace $0x8FFFFFFF  }
0x98: {  	s18 =	sld [smem:$0x3FDB];
	_ =	sdelay $0x1  }
0x99: {  	s19 =	simm.s32 $_scs_section_size  }
0x9a: {  	s4 =	simm.s32 $_size__tile_overlayer_lowered;
	s5 =	simm.s32 $_tile_overlayer_lowered  }
0x9b: {  	s22 =	simm.s32 $0x1BFF;
	s21 =	sshll.u32 s5, $0x1;
	s2 =	sadd.s32 s19, s18  }
0x9c: {  	s6 =	simm.s32 $0x0;
	s20 =	sshll.u32 s4, $0x1;
	s4 =	sadd.s32 s21, s2  }
0x9d: {  	[timem:s6], [sflag:s22] =	dma.local [hbm:s4], s20  }
0x9e: {  	_ =	swait.ge [sflag:s22], s20  }
0x9f: {  	s3 =	ssub.s32 $0x0, s20;
	[sflag:s22] =	ssyncset.done $0x0  }
0xa0: {  	[sflag:s22] =	ssyncadd.s32 s3;
	_ =	sdelay $0x1  }
0xa1: {  	s23 =	simm.s32 $0x1B8B  }
0xa2: {  	_ =	swait.ge [sflag:s23], $0x1  }
0xa3: {  	[sflag:s23] =	ssyncset.done $0x0  }
0xa4: {  	s25 =	simm.s32 $0x1B8E;
	s24 =	sld [smem:$0x3FFE];
	[sflag:s23] =	ssyncadd.s32 $0xFFFFFFFF  }
0xa5: {  	s26 =	simm.s32 $execute0_lowered;
	[smem:$0x3FD2] =	sst s25  }
0xa6: {  	s4 =	sshll.u32 s26, $0x1;
	_ =	strace $0x8000004C;
	[dreg:$0x1] =	wrdreg $0xFFFFFFFF  }
0xa7: {  	s28 =	simm.s32 $_size_execute0_lowered;
	s2 =	sadd.s32 s2, s4;
	[dreg:$0x0] =	wrdreg $0x0  }
0xa8: {  	s4 =	sshll.u32 s28, $0x1;
	[dreg:$0x2] =	wrdreg s2  }
0xa9: {  	[dreg:$0x3] =	wrdreg s4  }
0xaa: {  	[dreg:$0x4] =	wrdreg $0xC0  }
0xab: {  	_ =	task [dreg:s6], $0x5FFFF  }
0xac: {  	[dreg:$0x1] =	wrdreg $0xFFFFFFFF  }
0xad: {  	[dreg:$0x0] =	wrdreg $0x60  }
0xae: {  	[dreg:$0x2] =	wrdreg s24  }
0xaf: {  	[dreg:$0x3] =	wrdreg $0x108000  }
0xb0: {  	[dreg:$0x4] =	wrdreg $0x68000  }
0xb1: {  	[dreg:$0x5] =	wrdreg $0x9  }
0xb2: {  	_ =	task.clear_ibuf [dreg:s6], $0x6FFFF;
	_ =	strace $0x9000004C  }
0xb3: {  	s29 =	simm.s32 $0x9;
	_ =	strace $0x8000004E  }
0xb4: {  	_ =	swait.ge [sflag:s29], $0x1  }
0xb5: {  	[sflag:s29] =	ssyncadd.s32 $0xFFFFFFFF  }
0xb6: {  	_ =	strace $0x9000004E  }
0xb7: {  	_ =	sfence  }
0xb8: {  	s30 =	sld [smem:$0x0];
	_ =	sdelay $0x2  }
0xb9: {  	s31 =	sshll.u32 s1, $0xD;
	s1 =	sshrl.u32 s1, $0x2  }
0xba: {  	s3 =	sand.u32 $0x4000, s31;
	s1 =	sadd.s32 s1, s30  }
0xbb: {  	s0 =	sor.u32 s3, s0;
	s1 =	sshll.u32 s1, $0x11  }
0xbc: {  	s0 =	sor.u32 s1, s0  }
0xbd: {  	s0 =	sadd.s32 $0x8F2B, s0  }
0xbe: {  	[sflag:s0] =	ssyncadd.remote.s32 $0x1  }
0xbf: {  	_ =	sfence.sel $0xFFFF  }
0xc0: {  	[dreg:$0x0] =	wrdreg $0xFFFFFFFF;
	(pc) =	sbr.abs _section_cstart, $3  }
0xc1: {  	[dreg:$0x1] =	wrdreg $0xFFFFFFFF  }
0xc2: {  	_ =	task.clear_ibuf [dreg:s6], $0x2FFFF;
	_ =	strace $0x9FFFFFFF  }
0xc3: {  	(tm) =	ssettm $0x7FFFFFFF  }
tec
execute0_lowered:
.L_overlay_start_1:
0x0: {  	(tag) =	ssettag $0x1  }
0x1: {  	s0 =	rddreg [dreg:$0x0]  }
0x2: {  	s2 =	rddreg [dreg:$0x1]  }
0x3: {  	s3 =	rddreg [dreg:$0x2]  }
0x4: {  	s1 =	srdreg.scid;
	s15 =	stileid.u32  }
0x5: {  	s4 =	simm.s32 $0x0;
	s28 =	simm.s32 $0x2800;
	s30 =	simm.s32 $0xA  }
0x6: {  	s1 =	sand.u32 $0x1, s1;
	s5 =	smul.u32 $0xA000, s15;
	[smem:$0x7FF] =	sst s4  }
0x7: {  	s7 =	sadd.s32 $0xE9600, s0;
	s8 =	sadd.s32 $0xE400, s0;
	s6 =	smul.u32 $0xA0000, s1  }
0x8: {  	_ =	strace $0x8000004D;
	s1 =	ssub.s32 $0x2, s1;
	s10 =	sshrl.u32 s5, $0x3  }
0x9: {  	s11 =	sshrl.u32 s1, $0x1;
	s23 =	sadd.s32 $0x2000, s5;
	s24 =	sadd.s32 s5, s2  }
0xa: {  	s26 =	sadd.s32 $0x4000, s5;
	s29 =	sadd.s32 $0x6000, s5;
	s13 =	sadd.s32 $0x8000, s5  }
0xb: {  	s9 =	sadd.s32 s5, s6;
	s10 =	sadd.s32 s8, s10;
	s1 =	ssub.s32 s1, s11  }
0xc: {  	[dreg:$0x7] =	wrdreg s24;
	s25 =	sadd.s32 s23, s2;
	s12 =	sadd.s32 s26, s2  }
0xd: {  	s14 =	sadd.s32 s29, s2;
	s31 =	sadd.s32 s13, s2;
	s16 =	sadd.s32 s6, s23  }
0xe: {  	s18 =	sadd.s32 s6, s26;
	s5 =	sadd.s32 s5, s3;
	[dreg:$0x5] =	wrdreg s10  }
0xf: {  	s20 =	sadd.s32 s6, s29;
	s6 =	sadd.s32 s6, s13;
	[dreg:$0x8] =	wrdreg s25  }
0x10: {  	s21 =	sadd.s32 s23, s3;
	s23 =	smul.u32 $0x1400, s15;
	[dreg:$0x9] =	wrdreg s12  }
0x11: {  	s24 =	sadd.s32 s26, s3;
	s26 =	sadd.s32 s13, s3;
	[dreg:$0xa] =	wrdreg s14  }
0x12: {  	s11 =	simm.s32 $0x180;
	s13 =	simm.s32 $0x6;
	[dreg:$0xb] =	wrdreg s31  }
0x13: {  	s15 =	simm.s32 $0x280;
	s9 =	sshrl.u32 s9, $0x3;
	[dreg:$0xe] =	wrdreg s5  }
0x14: {  	s10 =	sadd.s32 $0x80, s10;
	s17 =	sshrl.u32 s16, $0x3;
	[dreg:$0x10] =	wrdreg s21  }
0x15: {  	s19 =	sshrl.u32 s18, $0x3;
	s6 =	sshrl.u32 s6, $0x3;
	[dreg:$0x13] =	wrdreg s24  }
0x16: {  	s25 =	sadd.s32 s29, s3;
	[dreg:$0x15] =	wrdreg s26;
	s29 =	smax.u32 s1, $0x1  }
0x17: {  	s24 =	simm.s32 $0x400;
	s1 =	simm.s32 $0x1;
	s12 =	simm.s32 $0x5  }
0x18: {  	s14 =	simm.s32 $0x300;
	s16 =	simm.s32 $0x380;
	s18 =	simm.s32 $0x500  }
0x19: {  	s21 =	simm.s32 $0x600;
	s0 =	sadd.s32 s9, s0;
	[dreg:$0x6] =	wrdreg s10  }
0x1a: {  	s9 =	sadd.s32 s7, s9;
	s5 =	sadd.s32 s7, s19;
	[dreg:$0x14] =	wrdreg s25  }
0x1b: {  	s22 =	sadd.s32 s7, s6;
	[dreg:$0x17] =	wrdreg s29;
	s31 =	sadd.s32 s23, s8  }
0x1c: {  	s25 =	simm.s32 $0x800;
	s6 =	simm.s32 $0x80;
	s8 =	simm.s32 $0x100  }
0x1d: {  	s10 =	simm.s32 $0x4;
	s19 =	simm.s32 $0x480;
	[dreg:$0xc] =	wrdreg s9  }
0x1e: {  	s23 =	simm.s32 $0x680;
	s9 =	sadd.s32 s7, s17;
	[dreg:$0xf] =	wrdreg s5  }
0x1f: {  	s5 =	sshrl.u32 s20, $0x3;
	[dreg:$0x12] =	wrdreg s22;
	s0 =	sadd.s32 $0x111600, s0  }
0x20: {  	[dreg:$0x4] =	wrdreg s31;
	s17 =	simm.s32 $0x2;
	s20 =	simm.s32 $0x580  }
0x21: {  	s22 =	simm.s32 $0x700;
	[dreg:$0xd] =	wrdreg s9;
	s5 =	sadd.s32 s7, s5  }
0x22: {  	[dreg:$0x16] =	wrdreg s0;
	s9 =	simm.s32 $0x3;
	s7 =	simm.s32 $0x780  }
0x23: {  	v0 =	vimm.f32 $0.0e+00;
	s0 =	simm.s32 $0x0;
	[dreg:$0x11] =	wrdreg s5;
	s5 =	simm.s32 $0x200  }
.LBB2_1:
0x24: {  	[dreg:$0x18] =	wrdreg s0  }
0x25: {  	s26 =	rddreg [dreg:$0x5]  }
0x26: {  	[tilespmem:s4], [sflag:$0x1] =	stream.linear.gather [hbm4b:s26+s4], $0x400, $0x38;
	[tilespmem:$0x1A800] =	vst v63  }
0x27: {  	s0 =	rddreg [dreg:$0x6];
	s31 =	simm.s32 $0x100;
	s29 =	simm.s32 $0x0  }
0x28: {  	[tilespmem:s24], [sflag:$0x2] =	stream.linear.gather [hbm4b:s0+s4], $0x400, $0x38;
	[tilespmem:$0x1A800] =	vst v63  }
.LBB2_2:
0x29: {  	p0 =	sne.s32 s31, $0x7F00;
	[tilespmem:s29+$0x830] =	vst v0;
	s26 =	smov.u32 s31;
	s31 =	sadd.s32 $0x100, s31  }
.Ltmp0:
0x2a: {  	[tilespmem:s29+$0x820] =	vst v0;
	(pc) =	sbr.rel @p0 .LBB2_2-.Ltmp0, $3  }
0x2b: {  	[tilespmem:s29+$0x800] =	vst v0  }
0x2c: {  	[tilespmem:s29+$0x810] =	vst v0;
	_ =	sdelay $0x1  }
0x2d: {  	s29 =	sshra.s32 s26, $0x2  }
0x2e: {  	[tilespmem:s29+$0x830] =	vst v0  }
0x2f: {  	[tilespmem:s29+$0x820] =	vst v0  }
0x30: {  	[tilespmem:s29+$0x800] =	vst v0  }
0x31: {  	[tilespmem:s29+$0x810] =	vst v0;
	s26 =	rddreg [dreg:$0x7]  }
0x32: {  	[spmem:s26] =	stream.linear.scatter [tilespmem:s25], [sflag:$0x7], $0x2000, $0x38;
	[tilespmem:$0x1A800] =	vst v63  }
0x33: {  	s0 =	rddreg [dreg:$0x8]  }
0x34: {  	[spmem:s0] =	stream.linear.scatter [tilespmem:s25], [sflag:$0x7], $0x2000, $0x38;
	[tilespmem:$0x1A800] =	vst v63  }
0x35: {  	s0 =	rddreg [dreg:$0x9]  }
0x36: {  	[spmem:s0] =	stream.linear.scatter [tilespmem:s25], [sflag:$0x7], $0x2000, $0x38;
	[tilespmem:$0x1A800] =	vst v63  }
0x37: {  	s0 =	rddreg [dreg:$0xa]  }
0x38: {  	[spmem:s0] =	stream.linear.scatter [tilespmem:s25], [sflag:$0x7], $0x2000, $0x38;
	[tilespmem:$0x1A800] =	vst v63  }
0x39: {  	s0 =	rddreg [dreg:$0xb]  }
0x3a: {  	[spmem:s0] =	stream.linear.scatter [tilespmem:s25], [sflag:$0x7], $0x2000, $0x38;
	[tilespmem:$0x1A800] =	vst v63  }
0x3b: {  	s29 =	simm.s32 $0x4800;
	s0 =	rddreg [dreg:$0xc]  }
0x3c: {  	[tilespmem:s29], [sflag:$0x8] =	stream.linear.gather [hbm4b:s0+s4], $0x2000, $0x38;
	[tilespmem:$0x1A800] =	vst v63  }
0x3d: {  	s31 =	simm.s32 $0x8;
	s0 =	rddreg [dreg:$0xd]  }
0x3e: {  	[tilespmem:s28], [sflag:$0x9] =	stream.linear.gather [hbm4b:s0+s4], $0x2000, $0x38;
	[tilespmem:$0x1A800] =	vst v63  }
0x3f: {  	_ =	swait.ge [sflag:s31], $0x2000  }
0x40: {  	[sflag:s31] =	ssyncset.done $0x0  }
0x41: {  	s0 =	rddreg [dreg:$0xe];
	[sflag:s31] =	ssyncadd.s32 $0xFFFFE000  }
0x42: {  	[spmem:s0] =	stream.linear.scatter [tilespmem:s29], [sflag:$0xA], $0x2000, $0x38;
	[tilespmem:$0x1A800] =	vst v63  }
0x43: {  	_ =	swait.ge [sflag:s30], $0x2000  }
0x44: {  	[sflag:s30] =	ssyncset.done $0x0  }
0x45: {  	s0 =	rddreg [dreg:$0xf];
	[sflag:s30] =	ssyncadd.s32 $0xFFFFE000  }
0x46: {  	[tilespmem:s29], [sflag:$0x8] =	stream.linear.gather [hbm4b:s0+s4], $0x2000, $0x38;
	[tilespmem:$0x1A800] =	vst v63  }
0x47: {  	s0 =	simm.s32 $0x9  }
0x48: {  	_ =	swait.ge [sflag:s0], $0x2000  }
0x49: {  	[sflag:s0] =	ssyncset.done $0x0  }
0x4a: {  	s26 =	rddreg [dreg:$0x10];
	[sflag:s0] =	ssyncadd.s32 $0xFFFFE000  }
0x4b: {  	[spmem:s26] =	stream.linear.scatter [tilespmem:s28], [sflag:$0xA], $0x2000, $0x38;
	[tilespmem:$0x1A800] =	vst v63  }
0x4c: {  	_ =	swait.ge [sflag:s30], $0x2000  }
0x4d: {  	[sflag:s30] =	ssyncset.done $0x0  }
0x4e: {  	s26 =	rddreg [dreg:$0x11];
	[sflag:s30] =	ssyncadd.s32 $0xFFFFE000  }
0x4f: {  	[tilespmem:s28], [sflag:$0x9] =	stream.linear.gather [hbm4b:s26+s4], $0x2000, $0x38;
	[tilespmem:$0x1A800] =	vst v63  }
0x50: {  	_ =	swait.ge [sflag:s31], $0x2000  }
0x51: {  	[sflag:s31] =	ssyncset.done $0x0  }
0x52: {  	s26 =	rddreg [dreg:$0x13];
	[sflag:s31] =	ssyncadd.s32 $0xFFFFE000  }
0x53: {  	[spmem:s26] =	stream.linear.scatter [tilespmem:s29], [sflag:$0xA], $0x2000, $0x38;
	[tilespmem:$0x1A800] =	vst v63  }
0x54: {  	_ =	swait.ge [sflag:s30], $0x2000  }
0x55: {  	[sflag:s30] =	ssyncset.done $0x0  }
0x56: {  	s26 =	rddreg [dreg:$0x12];
	[sflag:s30] =	ssyncadd.s32 $0xFFFFE000  }
0x57: {  	[tilespmem:s29], [sflag:$0x8] =	stream.linear.gather [hbm4b:s26+s4], $0x2000, $0x38;
	[tilespmem:$0x1A800] =	vst v63  }
0x58: {  	_ =	swait.ge [sflag:s0], $0x2000  }
0x59: {  	[sflag:s0] =	ssyncset.done $0x0  }
0x5a: {  	[sflag:s0] =	ssyncadd.s32 $0xFFFFE000;
	s0 =	rddreg [dreg:$0x14]  }
0x5b: {  	[spmem:s0] =	stream.linear.scatter [tilespmem:s28], [sflag:$0xA], $0x2000, $0x38;
	[tilespmem:$0x1A800] =	vst v63  }
0x5c: {  	_ =	swait.ge [sflag:s30], $0x2000  }
0x5d: {  	[sflag:s30] =	ssyncset.done $0x0  }
0x5e: {  	[sflag:s30] =	ssyncadd.s32 $0xFFFFE000  }
0x5f: {  	_ =	swait.ge [sflag:s31], $0x2000  }
0x60: {  	[sflag:s31] =	ssyncset.done $0x0  }
0x61: {  	s0 =	rddreg [dreg:$0x15];
	[sflag:s31] =	ssyncadd.s32 $0xFFFFE000  }
0x62: {  	[spmem:s0] =	stream.linear.scatter [tilespmem:s29], [sflag:$0xA], $0x2000, $0x38;
	[tilespmem:$0x1A800] =	vst v63  }
0x63: {  	_ =	swait.ge [sflag:s30], $0x2000  }
0x64: {  	[sflag:s30] =	ssyncset.done $0x0  }
0x65: {  	s26 =	simm.s32 $0x7;
	[sflag:s30] =	ssyncadd.s32 $0xFFFFE000  }
0x66: {  	_ =	swait.ge [sflag:s26], $0x2000  }
0x67: {  	[sflag:s26] =	ssyncset.done $0x0  }
0x68: {  	[sflag:s26] =	ssyncadd.s32 $0xFFFFE000  }
0x69: {  	_ =	swait.ge [sflag:s26], $0x2000  }
0x6a: {  	[sflag:s26] =	ssyncset.done $0x0  }
0x6b: {  	[sflag:s26] =	ssyncadd.s32 $0xFFFFE000  }
0x6c: {  	_ =	swait.ge [sflag:s26], $0x2000  }
0x6d: {  	[sflag:s26] =	ssyncset.done $0x0  }
0x6e: {  	[sflag:s26] =	ssyncadd.s32 $0xFFFFE000  }
0x6f: {  	_ =	swait.ge [sflag:s26], $0x2000  }
0x70: {  	[sflag:s26] =	ssyncset.done $0x0  }
0x71: {  	[sflag:s26] =	ssyncadd.s32 $0xFFFFE000  }
0x72: {  	_ =	swait.ge [sflag:s26], $0x2000  }
0x73: {  	[sflag:s26] =	ssyncset.done $0x0  }
0x74: {  	[sflag:s26] =	ssyncadd.s32 $0xFFFFE000  }
0x75: {  	[bflag:$0x0] =	sbarrier.arrive $0xFFFF  }
0x76: {  	_ =	swait.ge [sflag:s1], $0x400  }
0x77: {  	[sflag:s1] =	ssyncset.done $0x0  }
0x78: {  	[sflag:s1] =	ssyncadd.s32 $0xFFFFFC00  }
0x79: {  	[tilespmem:s25], [sflag:$0x3] =	stream.indirect.gather [spmem:s3], $0x40, s4, s6, $0xb8;
	[tilespmem:$0x1A800] =	vst v63  }
0x7a: {  	_ = 	snop  }
0x7b: {  	[tilespmem:s28], [sflag:$0x4] =	stream.indirect.gather [spmem:s3], $0x40, s8, s6, $0xb8;
	[tilespmem:$0x1A800] =	vst v63  }
0x7c: {  	_ =	swait.ge [sflag:s9], $0x2000  }
0x7d: {  	[sflag:s9] =	ssyncset.done $0x0  }
0x7e: {  	[sflag:s9] =	ssyncadd.s32 $0xFFFFE000  }
0x7f: {  	[spmem:s2] =	stream.indirect.scatter.add.f32 [tilespmem:s25], [sflag:$0x5], $0x40, s6, s6, $0xb8;
	[tilespmem:$0x1A800] =	vst v63  }
0x80: {  	_ =	swait.ge [sflag:s10], $0x2000  }
0x81: {  	[sflag:s10] =	ssyncset.done $0x0  }
0x82: {  	[sflag:s10] =	ssyncadd.s32 $0xFFFFE000  }
0x83: {  	[spmem:s2] =	stream.indirect.scatter.add.f32 [tilespmem:s28], [sflag:$0x6], $0x40, s11, s6, $0xb8;
	[tilespmem:$0x1A800] =	vst v63  }
0x84: {  	_ =	swait.ge [sflag:s12], $0x2000  }
0x85: {  	[sflag:s12] =	ssyncset.done $0x0  }
0x86: {  	[sflag:s12] =	ssyncadd.s32 $0xFFFFE000  }
0x87: {  	[tilespmem:s25], [sflag:$0x3] =	stream.indirect.gather [spmem:s3], $0x40, s5, s6, $0xb8;
	[tilespmem:$0x1A800] =	vst v63  }
0x88: {  	_ =	swait.ge [sflag:s13], $0x2000  }
0x89: {  	[sflag:s13] =	ssyncset.done $0x0  }
0x8a: {  	[sflag:s13] =	ssyncadd.s32 $0xFFFFE000  }
0x8b: {  	[tilespmem:s28], [sflag:$0x4] =	stream.indirect.gather [spmem:s3], $0x40, s14, s6, $0xb8;
	[tilespmem:$0x1A800] =	vst v63  }
0x8c: {  	_ =	swait.ge [sflag:s9], $0x2000  }
0x8d: {  	[sflag:s9] =	ssyncset.done $0x0  }
0x8e: {  	[sflag:s9] =	ssyncadd.s32 $0xFFFFE000  }
0x8f: {  	[spmem:s2] =	stream.indirect.scatter.add.f32 [tilespmem:s25], [sflag:$0x5], $0x40, s15, s6, $0xb8;
	[tilespmem:$0x1A800] =	vst v63  }
0x90: {  	_ =	swait.ge [sflag:s10], $0x2000  }
0x91: {  	[sflag:s10] =	ssyncset.done $0x0  }
0x92: {  	[sflag:s10] =	ssyncadd.s32 $0xFFFFE000  }
0x93: {  	[spmem:s2] =	stream.indirect.scatter.add.f32 [tilespmem:s28], [sflag:$0x6], $0x40, s16, s6, $0xb8;
	[tilespmem:$0x1A800] =	vst v63  }
0x94: {  	_ =	swait.ge [sflag:s17], $0x400  }
0x95: {  	[sflag:s17] =	ssyncset.done $0x0  }
0x96: {  	[sflag:s17] =	ssyncadd.s32 $0xFFFFFC00  }
0x97: {  	_ =	swait.ge [sflag:s12], $0x2000  }
0x98: {  	[sflag:s12] =	ssyncset.done $0x0  }
0x99: {  	[sflag:s12] =	ssyncadd.s32 $0xFFFFE000  }
0x9a: {  	[tilespmem:s25], [sflag:$0x3] =	stream.indirect.gather [spmem:s3], $0x40, s24, s6, $0xb8;
	[tilespmem:$0x1A800] =	vst v63  }
0x9b: {  	_ =	swait.ge [sflag:s13], $0x2000  }
0x9c: {  	[sflag:s13] =	ssyncset.done $0x0;
	s0 =	rddreg [dreg:$0x4]  }
0x9d: {  	[sflag:s13] =	ssyncadd.s32 $0xFFFFE000;
	s26 =	sadd.s32 $0xFFFFED00, s0  }
0x9e: {  	[tilespmem:s28], [sflag:$0x4] =	stream.indirect.gather [spmem:s3], $0x40, s18, s6, $0xb8;
	[tilespmem:$0x1A800] =	vst v63  }
0x9f: {  	s29 =	sadd.s32 $0x1400, s26  }
0xa0: {  	[tilespmem:s4], [sflag:$0x1] =	stream.linear.gather [hbm4b:s29+s4], $0x400, $0x38;
	[tilespmem:$0x1A800] =	vst v63  }
0xa1: {  	_ =	swait.ge [sflag:s9], $0x2000  }
0xa2: {  	[sflag:s9] =	ssyncset.done $0x0  }
0xa3: {  	[sflag:s9] =	ssyncadd.s32 $0xFFFFE000  }
0xa4: {  	[spmem:s2] =	stream.indirect.scatter.add.f32 [tilespmem:s25], [sflag:$0x5], $0x40, s19, s6, $0xb8;
	[tilespmem:$0x1A800] =	vst v63  }
0xa5: {  	_ =	swait.ge [sflag:s10], $0x2000  }
0xa6: {  	[sflag:s10] =	ssyncset.done $0x0  }
0xa7: {  	[sflag:s10] =	ssyncadd.s32 $0xFFFFE000  }
0xa8: {  	[spmem:s2] =	stream.indirect.scatter.add.f32 [tilespmem:s28], [sflag:$0x6], $0x40, s20, s6, $0xb8;
	[tilespmem:$0x1A800] =	vst v63  }
0xa9: {  	_ =	swait.ge [sflag:s12], $0x2000  }
0xaa: {  	[sflag:s12] =	ssyncset.done $0x0  }
0xab: {  	[sflag:s12] =	ssyncadd.s32 $0xFFFFE000  }
0xac: {  	[tilespmem:s25], [sflag:$0x3] =	stream.indirect.gather [spmem:s3], $0x40, s21, s6, $0xb8;
	[tilespmem:$0x1A800] =	vst v63  }
0xad: {  	_ =	swait.ge [sflag:s13], $0x2000  }
0xae: {  	[sflag:s13] =	ssyncset.done $0x0  }
0xaf: {  	[sflag:s13] =	ssyncadd.s32 $0xFFFFE000  }
0xb0: {  	[tilespmem:s28], [sflag:$0x4] =	stream.indirect.gather [spmem:s3], $0x40, s22, s6, $0xb8;
	[tilespmem:$0x1A800] =	vst v63  }
0xb1: {  	_ =	swait.ge [sflag:s9], $0x2000  }
0xb2: {  	[sflag:s9] =	ssyncset.done $0x0  }
0xb3: {  	[sflag:s9] =	ssyncadd.s32 $0xFFFFE000  }
0xb4: {  	[spmem:s2] =	stream.indirect.scatter.add.f32 [tilespmem:s25], [sflag:$0x5], $0x40, s23, s6, $0xb8;
	[tilespmem:$0x1A800] =	vst v63  }
0xb5: {  	_ =	swait.ge [sflag:s10], $0x2000  }
0xb6: {  	[sflag:s10] =	ssyncset.done $0x0  }
0xb7: {  	[sflag:s10] =	ssyncadd.s32 $0xFFFFE000  }
0xb8: {  	[spmem:s2] =	stream.indirect.scatter.add.f32 [tilespmem:s28], [sflag:$0x6], $0x40, s7, s6, $0xb8;
	[tilespmem:$0x1A800] =	vst v63  }
0xb9: {  	_ =	swait.ge [sflag:s1], $0x400  }
0xba: {  	[sflag:s1] =	ssyncset.done $0x0  }
0xbb: {  	[sflag:s1] =	ssyncadd.s32 $0xFFFFFC00  }
0xbc: {  	_ =	swait.ge [sflag:s12], $0x2000  }
0xbd: {  	[sflag:s12] =	ssyncset.done $0x0  }
0xbe: {  	[sflag:s12] =	ssyncadd.s32 $0xFFFFE000  }
0xbf: {  	[tilespmem:s25], [sflag:$0x3] =	stream.indirect.gather [spmem:s3], $0x40, s4, s6, $0xb8;
	[tilespmem:$0x1A800] =	vst v63  }
0xc0: {  	_ =	swait.ge [sflag:s13], $0x2000  }
0xc1: {  	[sflag:s13] =	ssyncset.done $0x0  }
0xc2: {  	s31 =	simm.s32 $0xFFFFEE00;
	s29 =	sadd.s32 $0x1480, s26;
	[sflag:s13] =	ssyncadd.s32 $0xFFFFE000  }
0xc3: {  	[tilespmem:s28], [sflag:$0x4] =	stream.indirect.gather [spmem:s3], $0x40, s8, s6, $0xb8;
	[tilespmem:$0x1A800] =	vst v63  }
.LBB2_4:
0xc4: {  	[tilespmem:s24], [sflag:$0x2] =	stream.linear.gather [hbm4b:s29+s4], $0x400, $0x38;
	[tilespmem:$0x1A800] =	vst v63  }
0xc5: {  	_ =	swait.ge [sflag:s9], $0x2000  }
0xc6: {  	[sflag:s9] =	ssyncset.done $0x0  }
0xc7: {  	[sflag:s9] =	ssyncadd.s32 $0xFFFFE000  }
0xc8: {  	[spmem:s2] =	stream.indirect.scatter.add.f32 [tilespmem:s25], [sflag:$0x5], $0x40, s6, s6, $0xb8;
	[tilespmem:$0x1A800] =	vst v63  }
0xc9: {  	_ =	swait.ge [sflag:s10], $0x2000  }
0xca: {  	[sflag:s10] =	ssyncset.done $0x0  }
0xcb: {  	[sflag:s10] =	ssyncadd.s32 $0xFFFFE000  }
0xcc: {  	[spmem:s2] =	stream.indirect.scatter.add.f32 [tilespmem:s28], [sflag:$0x6], $0x40, s11, s6, $0xb8;
	[tilespmem:$0x1A800] =	vst v63  }
0xcd: {  	_ =	swait.ge [sflag:s12], $0x2000  }
0xce: {  	[sflag:s12] =	ssyncset.done $0x0  }
0xcf: {  	[sflag:s12] =	ssyncadd.s32 $0xFFFFE000  }
0xd0: {  	[tilespmem:s25], [sflag:$0x3] =	stream.indirect.gather [spmem:s3], $0x40, s5, s6, $0xb8;
	[tilespmem:$0x1A800] =	vst v63  }
0xd1: {  	_ =	swait.ge [sflag:s13], $0x2000  }
0xd2: {  	[sflag:s13] =	ssyncset.done $0x0  }
0xd3: {  	[sflag:s13] =	ssyncadd.s32 $0xFFFFE000  }
0xd4: {  	[tilespmem:s28], [sflag:$0x4] =	stream.indirect.gather [spmem:s3], $0x40, s14, s6, $0xb8;
	[tilespmem:$0x1A800] =	vst v63  }
0xd5: {  	_ =	swait.ge [sflag:s9], $0x2000  }
0xd6: {  	[sflag:s9] =	ssyncset.done $0x0  }
0xd7: {  	[sflag:s9] =	ssyncadd.s32 $0xFFFFE000  }
0xd8: {  	[spmem:s2] =	stream.indirect.scatter.add.f32 [tilespmem:s25], [sflag:$0x5], $0x40, s15, s6, $0xb8;
	[tilespmem:$0x1A800] =	vst v63  }
0xd9: {  	_ =	swait.ge [sflag:s10], $0x2000  }
0xda: {  	[sflag:s10] =	ssyncset.done $0x0  }
0xdb: {  	[sflag:s10] =	ssyncadd.s32 $0xFFFFE000  }
0xdc: {  	[spmem:s2] =	stream.indirect.scatter.add.f32 [tilespmem:s28], [sflag:$0x6], $0x40, s16, s6, $0xb8;
	[tilespmem:$0x1A800] =	vst v63  }
0xdd: {  	_ =	swait.ge [sflag:s17], $0x400  }
0xde: {  	[sflag:s17] =	ssyncset.done $0x0  }
0xdf: {  	[sflag:s17] =	ssyncadd.s32 $0xFFFFFC00  }
0xe0: {  	_ =	swait.ge [sflag:s12], $0x2000  }
0xe1: {  	[sflag:s12] =	ssyncset.done $0x0  }
0xe2: {  	[sflag:s12] =	ssyncadd.s32 $0xFFFFE000  }
0xe3: {  	[tilespmem:s25], [sflag:$0x3] =	stream.indirect.gather [spmem:s3], $0x40, s24, s6, $0xb8;
	[tilespmem:$0x1A800] =	vst v63  }
0xe4: {  	_ =	swait.ge [sflag:s13], $0x2000  }
0xe5: {  	s29 =	smov.u32 s31;
	[sflag:s13] =	ssyncset.done $0x0;
	s26 =	rddreg [dreg:$0x4]  }
0xe6: {  	[sflag:s13] =	ssyncadd.s32 $0xFFFFE000;
	s29 =	sadd.s32 s29, s26  }
0xe7: {  	[tilespmem:s28], [sflag:$0x4] =	stream.indirect.gather [spmem:s3], $0x40, s18, s6, $0xb8;
	[tilespmem:$0x1A800] =	vst v63  }
0xe8: {  	s26 =	sadd.s32 $0x1400, s29  }
0xe9: {  	[tilespmem:s4], [sflag:$0x1] =	stream.linear.gather [hbm4b:s26+s4], $0x400, $0x38;
	[tilespmem:$0x1A800] =	vst v63  }
0xea: {  	_ =	swait.ge [sflag:s9], $0x2000  }
0xeb: {  	[sflag:s9] =	ssyncset.done $0x0  }
0xec: {  	[sflag:s9] =	ssyncadd.s32 $0xFFFFE000  }
0xed: {  	[spmem:s2] =	stream.indirect.scatter.add.f32 [tilespmem:s25], [sflag:$0x5], $0x40, s19, s6, $0xb8;
	[tilespmem:$0x1A800] =	vst v63  }
0xee: {  	_ =	swait.ge [sflag:s10], $0x2000  }
0xef: {  	[sflag:s10] =	ssyncset.done $0x0  }
0xf0: {  	[sflag:s10] =	ssyncadd.s32 $0xFFFFE000  }
0xf1: {  	[spmem:s2] =	stream.indirect.scatter.add.f32 [tilespmem:s28], [sflag:$0x6], $0x40, s20, s6, $0xb8;
	[tilespmem:$0x1A800] =	vst v63  }
0xf2: {  	_ =	swait.ge [sflag:s12], $0x2000  }
0xf3: {  	[sflag:s12] =	ssyncset.done $0x0  }
0xf4: {  	[sflag:s12] =	ssyncadd.s32 $0xFFFFE000  }
0xf5: {  	[tilespmem:s25], [sflag:$0x3] =	stream.indirect.gather [spmem:s3], $0x40, s21, s6, $0xb8;
	[tilespmem:$0x1A800] =	vst v63  }
0xf6: {  	_ =	swait.ge [sflag:s13], $0x2000  }
0xf7: {  	[sflag:s13] =	ssyncset.done $0x0  }
0xf8: {  	[sflag:s13] =	ssyncadd.s32 $0xFFFFE000  }
0xf9: {  	[tilespmem:s28], [sflag:$0x4] =	stream.indirect.gather [spmem:s3], $0x40, s22, s6, $0xb8;
	[tilespmem:$0x1A800] =	vst v63  }
0xfa: {  	_ =	swait.ge [sflag:s9], $0x2000  }
0xfb: {  	[sflag:s9] =	ssyncset.done $0x0  }
0xfc: {  	[sflag:s9] =	ssyncadd.s32 $0xFFFFE000  }
0xfd: {  	[spmem:s2] =	stream.indirect.scatter.add.f32 [tilespmem:s25], [sflag:$0x5], $0x40, s23, s6, $0xb8;
	[tilespmem:$0x1A800] =	vst v63  }
0xfe: {  	_ =	swait.ge [sflag:s10], $0x2000  }
0xff: {  	[sflag:s10] =	ssyncset.done $0x0  }
0x100: {  	[sflag:s10] =	ssyncadd.s32 $0xFFFFE000  }
0x101: {  	[spmem:s2] =	stream.indirect.scatter.add.f32 [tilespmem:s28], [sflag:$0x6], $0x40, s7, s6, $0xb8;
	[tilespmem:$0x1A800] =	vst v63  }
0x102: {  	_ =	swait.ge [sflag:s1], $0x400  }
0x103: {  	[sflag:s1] =	ssyncset.done $0x0  }
0x104: {  	[sflag:s1] =	ssyncadd.s32 $0xFFFFFC00  }
0x105: {  	_ =	swait.ge [sflag:s12], $0x2000  }
0x106: {  	[sflag:s12] =	ssyncset.done $0x0  }
0x107: {  	p0 =	sne.s32 s31, $0xFFFFFF00;
	[sflag:s12] =	ssyncadd.s32 $0xFFFFE000  }
0x108: {  	[tilespmem:s25], [sflag:$0x3] =	stream.indirect.gather [spmem:s3], $0x40, s4, s6, $0xb8;
	[tilespmem:$0x1A800] =	vst v63  }
.Ltmp1:
0x109: {  	_ = 	snop;
	(pc) =	sbr.rel @p0 .LBB2_4-.Ltmp1, $4  }
0x10a: {  	_ =	swait.ge [sflag:s13], $0x2000  }
0x10b: {  	[sflag:s13] =	ssyncset.done $0x0  }
0x10c: {  	s31 =	sadd.s32 $0x100, s31;
	s29 =	sadd.s32 $0x1480, s29;
	[sflag:s13] =	ssyncadd.s32 $0xFFFFE000  }
0x10d: {  	[tilespmem:s28], [sflag:$0x4] =	stream.indirect.gather [spmem:s3], $0x40, s8, s6, $0xb8;
	[tilespmem:$0x1A800] =	vst v63  }
0x10e: {  	[tilespmem:s24], [sflag:$0x2] =	stream.linear.gather [hbm4b:s29+s4], $0x400, $0x38;
	[tilespmem:$0x1A800] =	vst v63  }
0x10f: {  	_ =	swait.ge [sflag:s9], $0x2000  }
0x110: {  	[sflag:s9] =	ssyncset.done $0x0  }
0x111: {  	[sflag:s9] =	ssyncadd.s32 $0xFFFFE000  }
0x112: {  	[spmem:s2] =	stream.indirect.scatter.add.f32 [tilespmem:s25], [sflag:$0x5], $0x40, s6, s6, $0xb8;
	[tilespmem:$0x1A800] =	vst v63  }
0x113: {  	_ =	swait.ge [sflag:s10], $0x2000  }
0x114: {  	[sflag:s10] =	ssyncset.done $0x0  }
0x115: {  	[sflag:s10] =	ssyncadd.s32 $0xFFFFE000  }
0x116: {  	[spmem:s2] =	stream.indirect.scatter.add.f32 [tilespmem:s28], [sflag:$0x6], $0x40, s11, s6, $0xb8;
	[tilespmem:$0x1A800] =	vst v63  }
0x117: {  	_ =	swait.ge [sflag:s12], $0x2000  }
0x118: {  	[sflag:s12] =	ssyncset.done $0x0  }
0x119: {  	[sflag:s12] =	ssyncadd.s32 $0xFFFFE000  }
0x11a: {  	[tilespmem:s25], [sflag:$0x3] =	stream.indirect.gather [spmem:s3], $0x40, s5, s6, $0xb8;
	[tilespmem:$0x1A800] =	vst v63  }
0x11b: {  	_ =	swait.ge [sflag:s13], $0x2000  }
0x11c: {  	[sflag:s13] =	ssyncset.done $0x0  }
0x11d: {  	[sflag:s13] =	ssyncadd.s32 $0xFFFFE000  }
0x11e: {  	[tilespmem:s28], [sflag:$0x4] =	stream.indirect.gather [spmem:s3], $0x40, s14, s6, $0xb8;
	[tilespmem:$0x1A800] =	vst v63  }
0x11f: {  	_ =	swait.ge [sflag:s9], $0x2000  }
0x120: {  	[sflag:s9] =	ssyncset.done $0x0  }
0x121: {  	[sflag:s9] =	ssyncadd.s32 $0xFFFFE000  }
0x122: {  	[spmem:s2] =	stream.indirect.scatter.add.f32 [tilespmem:s25], [sflag:$0x5], $0x40, s15, s6, $0xb8;
	[tilespmem:$0x1A800] =	vst v63  }
0x123: {  	_ =	swait.ge [sflag:s10], $0x2000  }
0x124: {  	[sflag:s10] =	ssyncset.done $0x0  }
0x125: {  	[sflag:s10] =	ssyncadd.s32 $0xFFFFE000  }
0x126: {  	[spmem:s2] =	stream.indirect.scatter.add.f32 [tilespmem:s28], [sflag:$0x6], $0x40, s16, s6, $0xb8;
	[tilespmem:$0x1A800] =	vst v63  }
0x127: {  	_ =	swait.ge [sflag:s17], $0x400  }
0x128: {  	[sflag:s17] =	ssyncset.done $0x0  }
0x129: {  	[sflag:s17] =	ssyncadd.s32 $0xFFFFFC00  }
0x12a: {  	_ =	swait.ge [sflag:s12], $0x2000  }
0x12b: {  	[sflag:s12] =	ssyncset.done $0x0  }
0x12c: {  	[sflag:s12] =	ssyncadd.s32 $0xFFFFE000  }
0x12d: {  	[tilespmem:s25], [sflag:$0x3] =	stream.indirect.gather [spmem:s3], $0x40, s24, s6, $0xb8;
	[tilespmem:$0x1A800] =	vst v63  }
0x12e: {  	_ =	swait.ge [sflag:s13], $0x2000  }
0x12f: {  	[sflag:s13] =	ssyncset.done $0x0  }
0x130: {  	[sflag:s13] =	ssyncadd.s32 $0xFFFFE000  }
0x131: {  	[tilespmem:s28], [sflag:$0x4] =	stream.indirect.gather [spmem:s3], $0x40, s18, s6, $0xb8;
	[tilespmem:$0x1A800] =	vst v63  }
0x132: {  	_ =	swait.ge [sflag:s9], $0x2000  }
0x133: {  	[sflag:s9] =	ssyncset.done $0x0  }
0x134: {  	[sflag:s9] =	ssyncadd.s32 $0xFFFFE000  }
0x135: {  	[spmem:s2] =	stream.indirect.scatter.add.f32 [tilespmem:s25], [sflag:$0x5], $0x40, s19, s6, $0xb8;
	[tilespmem:$0x1A800] =	vst v63  }
0x136: {  	_ =	swait.ge [sflag:s10], $0x2000  }
0x137: {  	[sflag:s10] =	ssyncset.done $0x0  }
0x138: {  	[sflag:s10] =	ssyncadd.s32 $0xFFFFE000  }
0x139: {  	[spmem:s2] =	stream.indirect.scatter.add.f32 [tilespmem:s28], [sflag:$0x6], $0x40, s20, s6, $0xb8;
	[tilespmem:$0x1A800] =	vst v63  }
0x13a: {  	_ =	swait.ge [sflag:s12], $0x2000  }
0x13b: {  	[sflag:s12] =	ssyncset.done $0x0  }
0x13c: {  	[sflag:s12] =	ssyncadd.s32 $0xFFFFE000  }
0x13d: {  	[tilespmem:s25], [sflag:$0x3] =	stream.indirect.gather [spmem:s3], $0x40, s21, s6, $0xb8;
	[tilespmem:$0x1A800] =	vst v63  }
0x13e: {  	_ =	swait.ge [sflag:s13], $0x2000  }
0x13f: {  	[sflag:s13] =	ssyncset.done $0x0  }
0x140: {  	[sflag:s13] =	ssyncadd.s32 $0xFFFFE000  }
0x141: {  	[tilespmem:s28], [sflag:$0x4] =	stream.indirect.gather [spmem:s3], $0x40, s22, s6, $0xb8;
	[tilespmem:$0x1A800] =	vst v63  }
0x142: {  	_ =	swait.ge [sflag:s9], $0x2000  }
0x143: {  	[sflag:s9] =	ssyncset.done $0x0  }
0x144: {  	[sflag:s9] =	ssyncadd.s32 $0xFFFFE000  }
0x145: {  	[spmem:s2] =	stream.indirect.scatter.add.f32 [tilespmem:s25], [sflag:$0x5], $0x40, s23, s6, $0xb8;
	[tilespmem:$0x1A800] =	vst v63  }
0x146: {  	_ =	swait.ge [sflag:s10], $0x2000  }
0x147: {  	[sflag:s10] =	ssyncset.done $0x0  }
0x148: {  	[sflag:s10] =	ssyncadd.s32 $0xFFFFE000  }
0x149: {  	[spmem:s2] =	stream.indirect.scatter.add.f32 [tilespmem:s28], [sflag:$0x6], $0x40, s7, s6, $0xb8;
	[tilespmem:$0x1A800] =	vst v63  }
0x14a: {  	_ =	swait.ge [sflag:s12], $0x2000  }
0x14b: {  	[sflag:s12] =	ssyncset.done $0x0  }
0x14c: {  	[sflag:s12] =	ssyncadd.s32 $0xFFFFE000  }
0x14d: {  	_ =	swait.ge [sflag:s13], $0x2000  }
0x14e: {  	[sflag:s13] =	ssyncset.done $0x0  }
0x14f: {  	[sflag:s13] =	ssyncadd.s32 $0xFFFFE000  }
0x150: {  	s26 =	stileid.u32;
	[bflag:$0x0] =	sbarrier.arrive $0xFFFF  }
0x151: {  	s26 =	sshll.u32 s26, $0x6;
	s0 =	rddreg [dreg:$0x7]  }
0x152: {  	s26 =	sor.u32 $0x1C0A, s26;
	s31 =	rddreg [dreg:$0x16];
	s29 =	sshrl.u32 s0, $0x3  }
0x153: {  	[hbm:s31], [sflag:s26] =	dma.local [spmem:s29], $0x1400  }
0x154: {  	_ =	swait.ge [sflag:s30], $0x1400  }
0x155: {  	s0 =	rddreg [dreg:$0x18]  }
0x156: {  	s31 =	rddreg [dreg:$0x17];
	s0 =	sadd.s32 $0x1, s0  }
0x157: {  	p0 =	sne.s32 s0, s31  }
.Ltmp2:
0x158: {  	_ = 	snop;
	(pc) =	sbr.rel @p0 .LBB2_1-.Ltmp2, $3  }
0x159: {  	_ =	sdelay $0x1  }
0x15a: {  	[sflag:s30] =	ssyncset.done $0x0  }
0x15b: {  	[sflag:s30] =	ssyncadd.s32 $0xFFFFEC00  }
0x15c: {  	_ =	sfence.sel $0x180000  }
0x15d: {  	[bflag:$0x0] =	sbarrier.arrive $0xFFFF  }
0x15e: {  	_ =	strace $0x9000004D  }
0x15f: {  	s0 =	stileid.u32;
	[bflag:$0x2] =	sbarrier.arrive $0xFFFF  }
0x160: {  	p0 =	sne.s32 s0, $0x0;
	s0 =	rddreg [dreg:$0x3]  }
0x161: {  	s0 =	sadd.s32 @!p0 $0x100000, s0  }
0x162: {  	[sflag:s0] =	ssyncadd.tile.s32 @!p0 $0x1;
	_ =	shalt  }
.Lfunc_end2:
_tile_overlayer_lowered:
.L_overlay_start_2:
0x163: {  	(tag) =	ssettag $0x2  }
0x164: {  	s0 =	rddreg [dreg:$0x0];
	s2 =	stileid.u32  }
0x165: {  	s1 =	rddreg [dreg:$0x1];
	p0 =	sne.s32 s2, $0x0  }
0x166: {  	s3 =	rddreg [dreg:$0x2];
	[bflag:$0x3] =	sbarrier.arrive $0xFFFF;
	s2 =	simm.s32 @!p0 $0x1C0A  }
0x167: {  	[timem:s3], [sflag:s2] =	dma.local @!p0 [hbm:s0], s1  }
0x168: {  	s0 =	simm.s32 @!p0 $0xA  }
0x169: {  	_ =	swait.ge @!p0 [sflag:s0], s1  }
0x16a: {  	s1 =	ssub.s32 @!p0 $0x0, s1;
	[sflag:s0] =	ssyncset.done @!p0 $0x0  }
0x16b: {  	[sflag:s0] =	ssyncadd.s32 @!p0 s1  }
0x16c: {  	[bflag:$0x3] =	sbarrier.arrive $0xFFFF  }
0x16d: {  	_ =	shalt  }

// kernel: kernel.19.cloned.1.call-start
scs
__scs_entry_jumppad:
0x0: {  	(pc) =	sbr.rel $0x88, $3  }
0x1: {  	(tag) =	ssettag $0x0;
	lr =	simm.s32 $0x1  }
0x2: {  	[smem:$0x3F95] =	sst lr;
	_ =	strace $0xD0000000  }
0x3: {  	_ = 	snop  }
0x4: {  	_ = 	snop  }
0x5: {  	_ = 	snop  }
0x6: {  	_ = 	snop  }
0x7: {  	_ = 	snop  }
__scs_overlays_trampoline_lowered:
0x8: {  	[smem:$0x3FA4] =	sst s0  }
0x9: {  	[smem:$0x3FA5] =	sst s1  }
0xa: {  	[smem:$0x3FA6] =	sst s2  }
0xb: {  	[smem:$0x3FA7] =	sst s3  }
0xc: {  	[smem:$0x3FA8] =	sst s4  }
0xd: {  	[smem:$0x3FA9] =	sst s5  }
0xe: {  	[smem:$0x3FAA] =	sst s6  }
0xf: {  	[smem:$0x3FAB] =	sst s7  }
0x10: {  	[smem:$0x3FAC] =	sst s8  }
0x11: {  	[smem:$0x3FAD] =	sst s9;
	s0 =	simm.s32 @!p0 $0x0  }
0x12: {  	s1 =	sld [smem:$0x3F93];
	s0 =	simm.s32 @p0 $0x1  }
0x13: {  	[smem:$0x3FAE] =	sst s0;
	s0 =	simm.s32 @!p1 $0x0  }
0x14: {  	s2 =	sld [smem:$0x3F92];
	s0 =	simm.s32 @p1 $0x1  }
0x15: {  	[smem:$0x3FAF] =	sst s0;
	s0 =	simm.s32 @!p2 $0x0  }
0x16: {  	s3 =	sld [smem:$0x3FDB];
	s0 =	simm.s32 @p2 $0x1  }
0x17: {  	s4 =	simm.s32 $0x1BF5;
	[smem:$0x3FB1] =	sst s0  }
0x18: {  	s0 =	sld [smem:$0x3F94];
	_ =	swait.ge [sflag:s4], $0x0  }
0x19: {  	s7 =	sld [smem:$0x3F95]  }
0x1a: {  	s8 =	sadd.s32 $0xFFFFE003, lr  }
0x1b: {  	s9 =	sadd.s32 $0xFFFFFEF7, lr;
	s5 =	simm.s32 $0xFFFFFFFF;
	p2 =	slt.u32 s8, $0xFFFFF086  }
0x1c: {  	p1 =	slt.u32 s9, $0xF7A;
	s5 =	simm.s32 @!p2 $0x0  }
0x1d: {  	s5 =	simm.s32 @p1 $0x1;
	p0 =	seq.s32 s7, s2  }
0x1e: {  	s7 =	smul.u32 @!p0 $0xF7A, s2;
	p2 =	seq.s32 @!p0 s5, $0x0  }
0x1f: {  	s9 =	smul.u32 $0xF7A, s1;
	s8 =	simm.s32 @!p0 $0x1BF5;
	p2 =	por !p2, p0  }
0x20: {  	[sflag:s8] =	ssyncset.s32 @!p0 $0xFFFFF086;
	s6 =	sadd.s32 @!p0 s3, s7;
	s7 =	simm.s32 @!p0 $0x108  }
0x21: {  	s3 =	sadd.s32 s3, s9;
	s6 =	sadd.s32 @!p0 $0x88, s6;
	s7 =	simm.s32 @p2 $0x1082  }
0x22: {  	[simem:s7], [sflag:s8] =	dma.local @!p0 [hbm:s6], $0xF7A  }
0x23: {  	s9 =	sor.u32 $0xD0000000, s2;
	s6 =	simm.s32 $0x108;
	_ =	swait.ge @!p0 [sflag:s8], $0x0  }
0x24: {  	s3 =	sadd.s32 $0x88, s3;
	s6 =	simm.s32 @!p1 $0x1082;
	[sflag:s4] =	ssyncset.s32 $0xFFFFF086  }
0x25: {  	[simem:s6], [sflag:s4] =	dma.local [hbm:s3], $0xF7A  }
0x26: {  	[smem:$0x3F95] =	sst s1;
	(tag) =	ssettag s2;
	_ =	strace s9  }
0x27: {  	s1 =	sld [smem:$0x3FA5]  }
0x28: {  	s2 =	sld [smem:$0x3FA6]  }
0x29: {  	s4 =	sld [smem:$0x3FA8]  }
0x2a: {  	p0 =	seq.s32 s5, $0x0;
	s5 =	sld [smem:$0x3FA9]  }
0x2b: {  	s6 =	sld [smem:$0x3FAA]  }
0x2c: {  	s7 =	sld [smem:$0x3FAB]  }
0x2d: {  	s3 =	simm.s32 $0x108;
	s8 =	sld [smem:$0x3FAC]  }
0x2e: {  	s3 =	simm.s32 @!p0 $0x1082;
	s9 =	sld [smem:$0x3FAD]  }
0x2f: {  	lr =	sadd.s32 s0, s3;
	s0 =	sld [smem:$0x3FA4]  }
0x30: {  	s3 =	sld [smem:$0x3FA7]  }
0x31: {  	[smem:$0x3FB0] =	sst s10  }
0x32: {  	s10 =	sld [smem:$0x3FAE];
	_ =	sdelay $0x3  }
0x33: {  	p0 =	seq.s32 s10, $0x1;
	s10 =	sld [smem:$0x3FB0];
	_ =	sdelay $0x3  }
0x34: {  	[smem:$0x3FB0] =	sst s10  }
0x35: {  	s10 =	sld [smem:$0x3FAF];
	_ =	sdelay $0x3  }
0x36: {  	p1 =	seq.s32 s10, $0x1;
	s10 =	sld [smem:$0x3FB0];
	_ =	sdelay $0x3  }
0x37: {  	[smem:$0x3FB0] =	sst s10  }
0x38: {  	s10 =	sld [smem:$0x3FB1]  }
0x39: {  	_ = 	snop;
	(pc) =	sbr.ind lr, $3  }
0x3a: {  	_ = 	snop  }
0x3b: {  	_ = 	snop  }
0x3c: {  	p2 =	seq.s32 s10, $0x1;
	s10 =	sld [smem:$0x3FB0]  }
0x3d: {  	_ =	shalt  }
0x3e: {  	_ =	shalt  }
0x3f: {  	_ =	shalt  }
0x40: {  	_ =	shalt  }
0x41: {  	_ =	shalt  }
0x42: {  	_ =	shalt  }
0x43: {  	_ =	shalt  }
0x44: {  	_ =	shalt  }
0x45: {  	_ =	shalt  }
0x46: {  	_ =	shalt  }
0x47: {  	_ =	shalt  }
0x48: {  	_ =	shalt  }
0x49: {  	_ =	shalt  }
0x4a: {  	_ =	shalt  }
0x4b: {  	_ =	shalt  }
0x4c: {  	_ =	shalt  }
0x4d: {  	_ =	shalt  }
0x4e: {  	_ =	shalt  }
0x4f: {  	_ =	shalt  }
0x50: {  	_ =	shalt  }
0x51: {  	_ =	shalt  }
0x52: {  	_ =	shalt  }
0x53: {  	_ =	shalt  }
0x54: {  	_ =	shalt  }
0x55: {  	_ =	shalt  }
0x56: {  	_ =	shalt  }
0x57: {  	_ =	shalt  }
0x58: {  	_ =	shalt  }
0x59: {  	_ =	shalt  }
0x5a: {  	_ =	shalt  }
0x5b: {  	_ =	shalt  }
0x5c: {  	_ =	shalt  }
0x5d: {  	_ =	shalt  }
0x5e: {  	_ =	shalt  }
0x5f: {  	_ =	shalt  }
0x60: {  	_ =	shalt  }
0x61: {  	_ =	shalt  }
0x62: {  	_ =	shalt  }
0x63: {  	_ =	shalt  }
0x64: {  	_ =	shalt  }
0x65: {  	_ =	shalt  }
0x66: {  	_ =	shalt  }
0x67: {  	_ =	shalt  }
0x68: {  	_ =	shalt  }
0x69: {  	_ =	shalt  }
0x6a: {  	_ =	shalt  }
0x6b: {  	_ =	shalt  }
0x6c: {  	_ =	shalt  }
0x6d: {  	_ =	shalt  }
0x6e: {  	_ =	shalt  }
0x6f: {  	_ =	shalt  }
0x70: {  	_ =	shalt  }
0x71: {  	_ =	shalt  }
0x72: {  	_ =	shalt  }
0x73: {  	_ =	shalt  }
0x74: {  	_ =	shalt  }
0x75: {  	_ =	shalt  }
0x76: {  	_ =	shalt  }
0x77: {  	_ =	shalt  }
0x78: {  	_ =	shalt  }
0x79: {  	_ =	shalt  }
0x7a: {  	_ =	shalt  }
0x7b: {  	_ =	shalt  }
0x7c: {  	_ =	shalt  }
0x7d: {  	_ =	shalt  }
0x7e: {  	_ =	shalt  }
0x7f: {  	_ =	shalt  }
0x80: {  	_ =	shalt  }
0x81: {  	_ =	shalt  }
0x82: {  	_ =	shalt  }
0x83: {  	_ =	shalt  }
0x84: {  	_ =	shalt  }
0x85: {  	_ =	shalt  }
0x86: {  	_ =	shalt  }
0x87: {  	_ =	shalt  }
.Lfunc_end0:
.L_simem_size_0:
called_computation.3_lowered:
.L_overlay_start_0:
0x88: {  	s2 =	sld [smem:$0x3FD9]  }
0x89: {  	s3 =	sld [smem:$0x3FFE];
	_ =	sdelay $0x1  }
0x8a: {  	s1 =	srdreg.scid  }
0x8b: {  	s0 =	sand.u32 $0x1, s1  }
0x8c: {  	s16 =	sshll.u32 s0, $0xA;
	s2 =	sadd.s32 s3, s2  }
0x8d: {  	s2 =	sadd.s32 s2, s16  }
0x8e: {  	[smem:$0x3FBC] =	sst s2  }
0x8f: {  	_ = 	snop  }
0x90: {  	(tm) =	ssettm $0x1  }
0x91: {  	s17 =	sld [smem:$0x3FFB];
	_ =	sdelay $0x3  }
0x92: {  	_ =	strace s17  }
0x93: {  	s2 =	sld [smem:$0x3FFC];
	_ =	sdelay $0x3  }
0x94: {  	_ =	strace s2  }
0x95: {  	s2 =	sld [smem:$0x3FFD];
	_ =	sdelay $0x3  }
0x96: {  	_ =	strace s2  }
0x97: {  	_ =	strace $0x8FFFFFFF  }
0x98: {  	s18 =	sld [smem:$0x3FDB];
	_ =	sdelay $0x1  }
0x99: {  	s19 =	simm.s32 $_scs_section_size  }
0x9a: {  	s4 =	simm.s32 $_size__tile_overlayer_lowered;
	s5 =	simm.s32 $_tile_overlayer_lowered  }
0x9b: {  	s22 =	simm.s32 $0x1BFF;
	s21 =	sshll.u32 s5, $0x1;
	s2 =	sadd.s32 s19, s18  }
0x9c: {  	s6 =	simm.s32 $0x0;
	s20 =	sshll.u32 s4, $0x1;
	s4 =	sadd.s32 s21, s2  }
0x9d: {  	[timem:s6], [sflag:s22] =	dma.local [hbm:s4], s20  }
0x9e: {  	_ =	swait.ge [sflag:s22], s20  }
0x9f: {  	s3 =	ssub.s32 $0x0, s20;
	[sflag:s22] =	ssyncset.done $0x0  }
0xa0: {  	[sflag:s22] =	ssyncadd.s32 s3;
	_ =	sdelay $0x1  }
0xa1: {  	s23 =	simm.s32 $0x1B8B  }
0xa2: {  	_ =	swait.ge [sflag:s23], $0x1  }
0xa3: {  	[sflag:s23] =	ssyncset.done $0x0  }
0xa4: {  	s25 =	simm.s32 $0x1B8E;
	s24 =	sld [smem:$0x3FFE];
	[sflag:s23] =	ssyncadd.s32 $0xFFFFFFFF  }
0xa5: {  	s26 =	simm.s32 $execute0_lowered;
	[smem:$0x3FD2] =	sst s25  }
0xa6: {  	s4 =	sshll.u32 s26, $0x1;
	_ =	strace $0x8000004F;
	[dreg:$0x1] =	wrdreg $0xFFFFFFFF  }
0xa7: {  	s28 =	simm.s32 $_size_execute0_lowered;
	s2 =	sadd.s32 s2, s4;
	[dreg:$0x0] =	wrdreg $0x0  }
0xa8: {  	s4 =	sshll.u32 s28, $0x1;
	[dreg:$0x2] =	wrdreg s2  }
0xa9: {  	[dreg:$0x3] =	wrdreg s4  }
0xaa: {  	[dreg:$0x4] =	wrdreg $0xC0  }
0xab: {  	_ =	task [dreg:s6], $0x5FFFF  }
0xac: {  	[dreg:$0x1] =	wrdreg $0xFFFFFFFF  }
0xad: {  	[dreg:$0x0] =	wrdreg $0x60  }
0xae: {  	[dreg:$0x2] =	wrdreg s24  }
0xaf: {  	[dreg:$0x3] =	wrdreg $0x108000  }
0xb0: {  	[dreg:$0x4] =	wrdreg $0x68000  }
0xb1: {  	[dreg:$0x5] =	wrdreg $0x9  }
0xb2: {  	_ =	task.clear_ibuf [dreg:s6], $0x6FFFF;
	_ =	strace $0x9000004F  }
0xb3: {  	s29 =	simm.s32 $0x9;
	_ =	strace $0x80000051  }
0xb4: {  	_ =	swait.ge [sflag:s29], $0x1  }
0xb5: {  	[sflag:s29] =	ssyncadd.s32 $0xFFFFFFFF  }
0xb6: {  	_ =	strace $0x90000051  }
0xb7: {  	_ =	sfence  }
0xb8: {  	s30 =	sld [smem:$0x0];
	_ =	sdelay $0x2  }
0xb9: {  	s31 =	sshll.u32 s1, $0xD;
	s1 =	sshrl.u32 s1, $0x2  }
0xba: {  	s3 =	sand.u32 $0x4000, s31;
	s1 =	sadd.s32 s1, s30  }
0xbb: {  	s0 =	sor.u32 s3, s0;
	s1 =	sshll.u32 s1, $0x11  }
0xbc: {  	s0 =	sor.u32 s1, s0  }
0xbd: {  	s0 =	sadd.s32 $0x8F2B, s0  }
0xbe: {  	[sflag:s0] =	ssyncadd.remote.s32 $0x1  }
0xbf: {  	_ =	sfence.sel $0xFFFF  }
0xc0: {  	[dreg:$0x0] =	wrdreg $0xFFFFFFFF;
	(pc) =	sbr.abs _section_cstart, $3  }
0xc1: {  	[dreg:$0x1] =	wrdreg $0xFFFFFFFF  }
0xc2: {  	_ =	task.clear_ibuf [dreg:s6], $0x2FFFF;
	_ =	strace $0x9FFFFFFF  }
0xc3: {  	(tm) =	ssettm $0x7FFFFFFF  }
tec
execute0_lowered:
.L_overlay_start_1:
0x0: {  	(tag) =	ssettag $0x1  }
0x1: {  	s0 =	rddreg [dreg:$0x0]  }
0x2: {  	s2 =	rddreg [dreg:$0x1]  }
0x3: {  	s3 =	rddreg [dreg:$0x2]  }
0x4: {  	s1 =	srdreg.scid;
	s15 =	stileid.u32  }
0x5: {  	s4 =	simm.s32 $0x0;
	s28 =	simm.s32 $0x2800;
	s30 =	simm.s32 $0xA  }
0x6: {  	s1 =	sand.u32 $0x1, s1;
	s5 =	smul.u32 $0xA000, s15;
	[smem:$0x7FF] =	sst s4  }
0x7: {  	s7 =	sadd.s32 $0xE9600, s0;
	s8 =	sadd.s32 $0xE400, s0;
	s6 =	smul.u32 $0xA0000, s1  }
0x8: {  	_ =	strace $0x80000050;
	s1 =	ssub.s32 $0x2, s1;
	s10 =	sshrl.u32 s5, $0x3  }
0x9: {  	s11 =	sshrl.u32 s1, $0x1;
	s23 =	sadd.s32 $0x2000, s5;
	s24 =	sadd.s32 s5, s2  }
0xa: {  	s26 =	sadd.s32 $0x4000, s5;
	s29 =	sadd.s32 $0x6000, s5;
	s13 =	sadd.s32 $0x8000, s5  }
0xb: {  	s9 =	sadd.s32 s5, s6;
	s10 =	sadd.s32 s8, s10;
	s1 =	ssub.s32 s1, s11  }
0xc: {  	[dreg:$0x7] =	wrdreg s24;
	s25 =	sadd.s32 s23, s2;
	s12 =	sadd.s32 s26, s2  }
0xd: {  	s14 =	sadd.s32 s29, s2;
	s31 =	sadd.s32 s13, s2;
	s16 =	sadd.s32 s6, s23  }
0xe: {  	s18 =	sadd.s32 s6, s26;
	s5 =	sadd.s32 s5, s3;
	[dreg:$0x5] =	wrdreg s10  }
0xf: {  	s20 =	sadd.s32 s6, s29;
	s6 =	sadd.s32 s6, s13;
	[dreg:$0x8] =	wrdreg s25  }
0x10: {  	s21 =	sadd.s32 s23, s3;
	s23 =	smul.u32 $0x1400, s15;
	[dreg:$0x9] =	wrdreg s12  }
0x11: {  	s24 =	sadd.s32 s26, s3;
	s26 =	sadd.s32 s13, s3;
	[dreg:$0xa] =	wrdreg s14  }
0x12: {  	s11 =	simm.s32 $0x180;
	s13 =	simm.s32 $0x6;
	[dreg:$0xb] =	wrdreg s31  }
0x13: {  	s15 =	simm.s32 $0x280;
	s9 =	sshrl.u32 s9, $0x3;
	[dreg:$0xe] =	wrdreg s5  }
0x14: {  	s10 =	sadd.s32 $0x80, s10;
	s17 =	sshrl.u32 s16, $0x3;
	[dreg:$0x10] =	wrdreg s21  }
0x15: {  	s19 =	sshrl.u32 s18, $0x3;
	s6 =	sshrl.u32 s6, $0x3;
	[dreg:$0x13] =	wrdreg s24  }
0x16: {  	s25 =	sadd.s32 s29, s3;
	[dreg:$0x15] =	wrdreg s26;
	s29 =	smax.u32 s1, $0x1  }
0x17: {  	s24 =	simm.s32 $0x400;
	s1 =	simm.s32 $0x1;
	s12 =	simm.s32 $0x5  }
0x18: {  	s14 =	simm.s32 $0x300;
	s16 =	simm.s32 $0x380;
	s18 =	simm.s32 $0x500  }
0x19: {  	s21 =	simm.s32 $0x600;
	s0 =	sadd.s32 s9, s0;
	[dreg:$0x6] =	wrdreg s10  }
0x1a: {  	s9 =	sadd.s32 s7, s9;
	s5 =	sadd.s32 s7, s19;
	[dreg:$0x14] =	wrdreg s25  }
0x1b: {  	s22 =	sadd.s32 s7, s6;
	[dreg:$0x17] =	wrdreg s29;
	s31 =	sadd.s32 s23, s8  }
0x1c: {  	s25 =	simm.s32 $0x800;
	s6 =	simm.s32 $0x80;
	s8 =	simm.s32 $0x100  }
0x1d: {  	s10 =	simm.s32 $0x4;
	s19 =	simm.s32 $0x480;
	[dreg:$0xc] =	wrdreg s9  }
0x1e: {  	s23 =	simm.s32 $0x680;
	s9 =	sadd.s32 s7, s17;
	[dreg:$0xf] =	wrdreg s5  }
0x1f: {  	s5 =	sshrl.u32 s20, $0x3;
	[dreg:$0x12] =	wrdreg s22;
	s0 =	sadd.s32 $0x111600, s0  }
0x20: {  	[dreg:$0x4] =	wrdreg s31;
	s17 =	simm.s32 $0x2;
	s20 =	simm.s32 $0x580  }
0x21: {  	s22 =	simm.s32 $0x700;
	[dreg:$0xd] =	wrdreg s9;
	s5 =	sadd.s32 s7, s5  }
0x22: {  	[dreg:$0x16] =	wrdreg s0;
	s9 =	simm.s32 $0x3;
	s7 =	simm.s32 $0x780  }
0x23: {  	v0 =	vimm.f32 $0.0e+00;
	s0 =	simm.s32 $0x0;
	[dreg:$0x11] =	wrdreg s5;
	s5 =	simm.s32 $0x200  }
.LBB2_1:
0x24: {  	[dreg:$0x18] =	wrdreg s0  }
0x25: {  	s26 =	rddreg [dreg:$0x5]  }
0x26: {  	[tilespmem:s4], [sflag:$0x1] =	stream.linear.gather [hbm4b:s26+s4], $0x400, $0x38;
	[tilespmem:$0x1A800] =	vst v63  }
0x27: {  	s0 =	rddreg [dreg:$0x6];
	s31 =	simm.s32 $0x100;
	s29 =	simm.s32 $0x0  }
0x28: {  	[tilespmem:s24], [sflag:$0x2] =	stream.linear.gather [hbm4b:s0+s4], $0x400, $0x38;
	[tilespmem:$0x1A800] =	vst v63  }
.LBB2_2:
0x29: {  	p0 =	sne.s32 s31, $0x7F00;
	[tilespmem:s29+$0x830] =	vst v0;
	s26 =	smov.u32 s31;
	s31 =	sadd.s32 $0x100, s31  }
.Ltmp0:
0x2a: {  	[tilespmem:s29+$0x820] =	vst v0;
	(pc) =	sbr.rel @p0 .LBB2_2-.Ltmp0, $3  }
0x2b: {  	[tilespmem:s29+$0x800] =	vst v0  }
0x2c: {  	[tilespmem:s29+$0x810] =	vst v0;
	_ =	sdelay $0x1  }
0x2d: {  	s29 =	sshra.s32 s26, $0x2  }
0x2e: {  	[tilespmem:s29+$0x830] =	vst v0  }
0x2f: {  	[tilespmem:s29+$0x820] =	vst v0  }
0x30: {  	[tilespmem:s29+$0x800] =	vst v0  }
0x31: {  	[tilespmem:s29+$0x810] =	vst v0;
	s26 =	rddreg [dreg:$0x7]  }
0x32: {  	[spmem:s26] =	stream.linear.scatter [tilespmem:s25], [sflag:$0x7], $0x2000, $0x38;
	[tilespmem:$0x1A800] =	vst v63  }
0x33: {  	s0 =	rddreg [dreg:$0x8]  }
0x34: {  	[spmem:s0] =	stream.linear.scatter [tilespmem:s25], [sflag:$0x7], $0x2000, $0x38;
	[tilespmem:$0x1A800] =	vst v63  }
0x35: {  	s0 =	rddreg [dreg:$0x9]  }
0x36: {  	[spmem:s0] =	stream.linear.scatter [tilespmem:s25], [sflag:$0x7], $0x2000, $0x38;
	[tilespmem:$0x1A800] =	vst v63  }
0x37: {  	s0 =	rddreg [dreg:$0xa]  }
0x38: {  	[spmem:s0] =	stream.linear.scatter [tilespmem:s25], [sflag:$0x7], $0x2000, $0x38;
	[tilespmem:$0x1A800] =	vst v63  }
0x39: {  	s0 =	rddreg [dreg:$0xb]  }
0x3a: {  	[spmem:s0] =	stream.linear.scatter [tilespmem:s25], [sflag:$0x7], $0x2000, $0x38;
	[tilespmem:$0x1A800] =	vst v63  }
0x3b: {  	s29 =	simm.s32 $0x4800;
	s0 =	rddreg [dreg:$0xc]  }
0x3c: {  	[tilespmem:s29], [sflag:$0x8] =	stream.linear.gather [hbm4b:s0+s4], $0x2000, $0x38;
	[tilespmem:$0x1A800] =	vst v63  }
0x3d: {  	s31 =	simm.s32 $0x8;
	s0 =	rddreg [dreg:$0xd]  }
0x3e: {  	[tilespmem:s28], [sflag:$0x9] =	stream.linear.gather [hbm4b:s0+s4], $0x2000, $0x38;
	[tilespmem:$0x1A800] =	vst v63  }
0x3f: {  	_ =	swait.ge [sflag:s31], $0x2000  }
0x40: {  	[sflag:s31] =	ssyncset.done $0x0  }
0x41: {  	s0 =	rddreg [dreg:$0xe];
	[sflag:s31] =	ssyncadd.s32 $0xFFFFE000  }
0x42: {  	[spmem:s0] =	stream.linear.scatter [tilespmem:s29], [sflag:$0xA], $0x2000, $0x38;
	[tilespmem:$0x1A800] =	vst v63  }
0x43: {  	_ =	swait.ge [sflag:s30], $0x2000  }
0x44: {  	[sflag:s30] =	ssyncset.done $0x0  }
0x45: {  	s0 =	rddreg [dreg:$0xf];
	[sflag:s30] =	ssyncadd.s32 $0xFFFFE000  }
0x46: {  	[tilespmem:s29], [sflag:$0x8] =	stream.linear.gather [hbm4b:s0+s4], $0x2000, $0x38;
	[tilespmem:$0x1A800] =	vst v63  }
0x47: {  	s0 =	simm.s32 $0x9  }
0x48: {  	_ =	swait.ge [sflag:s0], $0x2000  }
0x49: {  	[sflag:s0] =	ssyncset.done $0x0  }
0x4a: {  	s26 =	rddreg [dreg:$0x10];
	[sflag:s0] =	ssyncadd.s32 $0xFFFFE000  }
0x4b: {  	[spmem:s26] =	stream.linear.scatter [tilespmem:s28], [sflag:$0xA], $0x2000, $0x38;
	[tilespmem:$0x1A800] =	vst v63  }
0x4c: {  	_ =	swait.ge [sflag:s30], $0x2000  }
0x4d: {  	[sflag:s30] =	ssyncset.done $0x0  }
0x4e: {  	s26 =	rddreg [dreg:$0x11];
	[sflag:s30] =	ssyncadd.s32 $0xFFFFE000  }
0x4f: {  	[tilespmem:s28], [sflag:$0x9] =	stream.linear.gather [hbm4b:s26+s4], $0x2000, $0x38;
	[tilespmem:$0x1A800] =	vst v63  }
0x50: {  	_ =	swait.ge [sflag:s31], $0x2000  }
0x51: {  	[sflag:s31] =	ssyncset.done $0x0  }
0x52: {  	s26 =	rddreg [dreg:$0x13];
	[sflag:s31] =	ssyncadd.s32 $0xFFFFE000  }
0x53: {  	[spmem:s26] =	stream.linear.scatter [tilespmem:s29], [sflag:$0xA], $0x2000, $0x38;
	[tilespmem:$0x1A800] =	vst v63  }
0x54: {  	_ =	swait.ge [sflag:s30], $0x2000  }
0x55: {  	[sflag:s30] =	ssyncset.done $0x0  }
0x56: {  	s26 =	rddreg [dreg:$0x12];
	[sflag:s30] =	ssyncadd.s32 $0xFFFFE000  }
0x57: {  	[tilespmem:s29], [sflag:$0x8] =	stream.linear.gather [hbm4b:s26+s4], $0x2000, $0x38;
	[tilespmem:$0x1A800] =	vst v63  }
0x58: {  	_ =	swait.ge [sflag:s0], $0x2000  }
0x59: {  	[sflag:s0] =	ssyncset.done $0x0  }
0x5a: {  	[sflag:s0] =	ssyncadd.s32 $0xFFFFE000;
	s0 =	rddreg [dreg:$0x14]  }
0x5b: {  	[spmem:s0] =	stream.linear.scatter [tilespmem:s28], [sflag:$0xA], $0x2000, $0x38;
	[tilespmem:$0x1A800] =	vst v63  }
0x5c: {  	_ =	swait.ge [sflag:s30], $0x2000  }
0x5d: {  	[sflag:s30] =	ssyncset.done $0x0  }
0x5e: {  	[sflag:s30] =	ssyncadd.s32 $0xFFFFE000  }
0x5f: {  	_ =	swait.ge [sflag:s31], $0x2000  }
0x60: {  	[sflag:s31] =	ssyncset.done $0x0  }
0x61: {  	s0 =	rddreg [dreg:$0x15];
	[sflag:s31] =	ssyncadd.s32 $0xFFFFE000  }
0x62: {  	[spmem:s0] =	stream.linear.scatter [tilespmem:s29], [sflag:$0xA], $0x2000, $0x38;
	[tilespmem:$0x1A800] =	vst v63  }
0x63: {  	_ =	swait.ge [sflag:s30], $0x2000  }
0x64: {  	[sflag:s30] =	ssyncset.done $0x0  }
0x65: {  	s26 =	simm.s32 $0x7;
	[sflag:s30] =	ssyncadd.s32 $0xFFFFE000  }
0x66: {  	_ =	swait.ge [sflag:s26], $0x2000  }
0x67: {  	[sflag:s26] =	ssyncset.done $0x0  }
0x68: {  	[sflag:s26] =	ssyncadd.s32 $0xFFFFE000  }
0x69: {  	_ =	swait.ge [sflag:s26], $0x2000  }
0x6a: {  	[sflag:s26] =	ssyncset.done $0x0  }
0x6b: {  	[sflag:s26] =	ssyncadd.s32 $0xFFFFE000  }
0x6c: {  	_ =	swait.ge [sflag:s26], $0x2000  }
0x6d: {  	[sflag:s26] =	ssyncset.done $0x0  }
0x6e: {  	[sflag:s26] =	ssyncadd.s32 $0xFFFFE000  }
0x6f: {  	_ =	swait.ge [sflag:s26], $0x2000  }
0x70: {  	[sflag:s26] =	ssyncset.done $0x0  }
0x71: {  	[sflag:s26] =	ssyncadd.s32 $0xFFFFE000  }
0x72: {  	_ =	swait.ge [sflag:s26], $0x2000  }
0x73: {  	[sflag:s26] =	ssyncset.done $0x0  }
0x74: {  	[sflag:s26] =	ssyncadd.s32 $0xFFFFE000  }
0x75: {  	[bflag:$0x0] =	sbarrier.arrive $0xFFFF  }
0x76: {  	_ =	swait.ge [sflag:s1], $0x400  }
0x77: {  	[sflag:s1] =	ssyncset.done $0x0  }
0x78: {  	[sflag:s1] =	ssyncadd.s32 $0xFFFFFC00  }
0x79: {  	[tilespmem:s25], [sflag:$0x3] =	stream.indirect.gather [spmem:s3], $0x40, s4, s6, $0xb8;
	[tilespmem:$0x1A800] =	vst v63  }
0x7a: {  	_ = 	snop  }
0x7b: {  	[tilespmem:s28], [sflag:$0x4] =	stream.indirect.gather [spmem:s3], $0x40, s8, s6, $0xb8;
	[tilespmem:$0x1A800] =	vst v63  }
0x7c: {  	_ =	swait.ge [sflag:s9], $0x2000  }
0x7d: {  	[sflag:s9] =	ssyncset.done $0x0  }
0x7e: {  	[sflag:s9] =	ssyncadd.s32 $0xFFFFE000  }
0x7f: {  	[spmem:s2] =	stream.indirect.scatter.add.f32 [tilespmem:s25], [sflag:$0x5], $0x40, s6, s6, $0xb8;
	[tilespmem:$0x1A800] =	vst v63  }
0x80: {  	_ =	swait.ge [sflag:s10], $0x2000  }
0x81: {  	[sflag:s10] =	ssyncset.done $0x0  }
0x82: {  	[sflag:s10] =	ssyncadd.s32 $0xFFFFE000  }
0x83: {  	[spmem:s2] =	stream.indirect.scatter.add.f32 [tilespmem:s28], [sflag:$0x6], $0x40, s11, s6, $0xb8;
	[tilespmem:$0x1A800] =	vst v63  }
0x84: {  	_ =	swait.ge [sflag:s12], $0x2000  }
0x85: {  	[sflag:s12] =	ssyncset.done $0x0  }
0x86: {  	[sflag:s12] =	ssyncadd.s32 $0xFFFFE000  }
0x87: {  	[tilespmem:s25], [sflag:$0x3] =	stream.indirect.gather [spmem:s3], $0x40, s5, s6, $0xb8;
	[tilespmem:$0x1A800] =	vst v63  }
0x88: {  	_ =	swait.ge [sflag:s13], $0x2000  }
0x89: {  	[sflag:s13] =	ssyncset.done $0x0  }
0x8a: {  	[sflag:s13] =	ssyncadd.s32 $0xFFFFE000  }
0x8b: {  	[tilespmem:s28], [sflag:$0x4] =	stream.indirect.gather [spmem:s3], $0x40, s14, s6, $0xb8;
	[tilespmem:$0x1A800] =	vst v63  }
0x8c: {  	_ =	swait.ge [sflag:s9], $0x2000  }
0x8d: {  	[sflag:s9] =	ssyncset.done $0x0  }
0x8e: {  	[sflag:s9] =	ssyncadd.s32 $0xFFFFE000  }
0x8f: {  	[spmem:s2] =	stream.indirect.scatter.add.f32 [tilespmem:s25], [sflag:$0x5], $0x40, s15, s6, $0xb8;
	[tilespmem:$0x1A800] =	vst v63  }
0x90: {  	_ =	swait.ge [sflag:s10], $0x2000  }
0x91: {  	[sflag:s10] =	ssyncset.done $0x0  }
0x92: {  	[sflag:s10] =	ssyncadd.s32 $0xFFFFE000  }
0x93: {  	[spmem:s2] =	stream.indirect.scatter.add.f32 [tilespmem:s28], [sflag:$0x6], $0x40, s16, s6, $0xb8;
	[tilespmem:$0x1A800] =	vst v63  }
0x94: {  	_ =	swait.ge [sflag:s17], $0x400  }
0x95: {  	[sflag:s17] =	ssyncset.done $0x0  }
0x96: {  	[sflag:s17] =	ssyncadd.s32 $0xFFFFFC00  }
0x97: {  	_ =	swait.ge [sflag:s12], $0x2000  }
0x98: {  	[sflag:s12] =	ssyncset.done $0x0  }
0x99: {  	[sflag:s12] =	ssyncadd.s32 $0xFFFFE000  }
0x9a: {  	[tilespmem:s25], [sflag:$0x3] =	stream.indirect.gather [spmem:s3], $0x40, s24, s6, $0xb8;
	[tilespmem:$0x1A800] =	vst v63  }
0x9b: {  	_ =	swait.ge [sflag:s13], $0x2000  }
0x9c: {  	[sflag:s13] =	ssyncset.done $0x0;
	s0 =	rddreg [dreg:$0x4]  }
0x9d: {  	[sflag:s13] =	ssyncadd.s32 $0xFFFFE000;
	s26 =	sadd.s32 $0xFFFFED00, s0  }
0x9e: {  	[tilespmem:s28], [sflag:$0x4] =	stream.indirect.gather [spmem:s3], $0x40, s18, s6, $0xb8;
	[tilespmem:$0x1A800] =	vst v63  }
0x9f: {  	s29 =	sadd.s32 $0x1400, s26  }
0xa0: {  	[tilespmem:s4], [sflag:$0x1] =	stream.linear.gather [hbm4b:s29+s4], $0x400, $0x38;
	[tilespmem:$0x1A800] =	vst v63  }
0xa1: {  	_ =	swait.ge [sflag:s9], $0x2000  }
0xa2: {  	[sflag:s9] =	ssyncset.done $0x0  }
0xa3: {  	[sflag:s9] =	ssyncadd.s32 $0xFFFFE000  }
0xa4: {  	[spmem:s2] =	stream.indirect.scatter.add.f32 [tilespmem:s25], [sflag:$0x5], $0x40, s19, s6, $0xb8;
	[tilespmem:$0x1A800] =	vst v63  }
0xa5: {  	_ =	swait.ge [sflag:s10], $0x2000  }
0xa6: {  	[sflag:s10] =	ssyncset.done $0x0  }
0xa7: {  	[sflag:s10] =	ssyncadd.s32 $0xFFFFE000  }
0xa8: {  	[spmem:s2] =	stream.indirect.scatter.add.f32 [tilespmem:s28], [sflag:$0x6], $0x40, s20, s6, $0xb8;
	[tilespmem:$0x1A800] =	vst v63  }
0xa9: {  	_ =	swait.ge [sflag:s12], $0x2000  }
0xaa: {  	[sflag:s12] =	ssyncset.done $0x0  }
0xab: {  	[sflag:s12] =	ssyncadd.s32 $0xFFFFE000  }
0xac: {  	[tilespmem:s25], [sflag:$0x3] =	stream.indirect.gather [spmem:s3], $0x40, s21, s6, $0xb8;
	[tilespmem:$0x1A800] =	vst v63  }
0xad: {  	_ =	swait.ge [sflag:s13], $0x2000  }
0xae: {  	[sflag:s13] =	ssyncset.done $0x0  }
0xaf: {  	[sflag:s13] =	ssyncadd.s32 $0xFFFFE000  }
0xb0: {  	[tilespmem:s28], [sflag:$0x4] =	stream.indirect.gather [spmem:s3], $0x40, s22, s6, $0xb8;
	[tilespmem:$0x1A800] =	vst v63  }
0xb1: {  	_ =	swait.ge [sflag:s9], $0x2000  }
0xb2: {  	[sflag:s9] =	ssyncset.done $0x0  }
0xb3: {  	[sflag:s9] =	ssyncadd.s32 $0xFFFFE000  }
0xb4: {  	[spmem:s2] =	stream.indirect.scatter.add.f32 [tilespmem:s25], [sflag:$0x5], $0x40, s23, s6, $0xb8;
	[tilespmem:$0x1A800] =	vst v63  }
0xb5: {  	_ =	swait.ge [sflag:s10], $0x2000  }
0xb6: {  	[sflag:s10] =	ssyncset.done $0x0  }
0xb7: {  	[sflag:s10] =	ssyncadd.s32 $0xFFFFE000  }
0xb8: {  	[spmem:s2] =	stream.indirect.scatter.add.f32 [tilespmem:s28], [sflag:$0x6], $0x40, s7, s6, $0xb8;
	[tilespmem:$0x1A800] =	vst v63  }
0xb9: {  	_ =	swait.ge [sflag:s1], $0x400  }
0xba: {  	[sflag:s1] =	ssyncset.done $0x0  }
0xbb: {  	[sflag:s1] =	ssyncadd.s32 $0xFFFFFC00  }
0xbc: {  	_ =	swait.ge [sflag:s12], $0x2000  }
0xbd: {  	[sflag:s12] =	ssyncset.done $0x0  }
0xbe: {  	[sflag:s12] =	ssyncadd.s32 $0xFFFFE000  }
0xbf: {  	[tilespmem:s25], [sflag:$0x3] =	stream.indirect.gather [spmem:s3], $0x40, s4, s6, $0xb8;
	[tilespmem:$0x1A800] =	vst v63  }
0xc0: {  	_ =	swait.ge [sflag:s13], $0x2000  }
0xc1: {  	[sflag:s13] =	ssyncset.done $0x0  }
0xc2: {  	s31 =	simm.s32 $0xFFFFEE00;
	s29 =	sadd.s32 $0x1480, s26;
	[sflag:s13] =	ssyncadd.s32 $0xFFFFE000  }
0xc3: {  	[tilespmem:s28], [sflag:$0x4] =	stream.indirect.gather [spmem:s3], $0x40, s8, s6, $0xb8;
	[tilespmem:$0x1A800] =	vst v63  }
.LBB2_4:
0xc4: {  	[tilespmem:s24], [sflag:$0x2] =	stream.linear.gather [hbm4b:s29+s4], $0x400, $0x38;
	[tilespmem:$0x1A800] =	vst v63  }
0xc5: {  	_ =	swait.ge [sflag:s9], $0x2000  }
0xc6: {  	[sflag:s9] =	ssyncset.done $0x0  }
0xc7: {  	[sflag:s9] =	ssyncadd.s32 $0xFFFFE000  }
0xc8: {  	[spmem:s2] =	stream.indirect.scatter.add.f32 [tilespmem:s25], [sflag:$0x5], $0x40, s6, s6, $0xb8;
	[tilespmem:$0x1A800] =	vst v63  }
0xc9: {  	_ =	swait.ge [sflag:s10], $0x2000  }
0xca: {  	[sflag:s10] =	ssyncset.done $0x0  }
0xcb: {  	[sflag:s10] =	ssyncadd.s32 $0xFFFFE000  }
0xcc: {  	[spmem:s2] =	stream.indirect.scatter.add.f32 [tilespmem:s28], [sflag:$0x6], $0x40, s11, s6, $0xb8;
	[tilespmem:$0x1A800] =	vst v63  }
0xcd: {  	_ =	swait.ge [sflag:s12], $0x2000  }
0xce: {  	[sflag:s12] =	ssyncset.done $0x0  }
0xcf: {  	[sflag:s12] =	ssyncadd.s32 $0xFFFFE000  }
0xd0: {  	[tilespmem:s25], [sflag:$0x3] =	stream.indirect.gather [spmem:s3], $0x40, s5, s6, $0xb8;
	[tilespmem:$0x1A800] =	vst v63  }
0xd1: {  	_ =	swait.ge [sflag:s13], $0x2000  }
0xd2: {  	[sflag:s13] =	ssyncset.done $0x0  }
0xd3: {  	[sflag:s13] =	ssyncadd.s32 $0xFFFFE000  }
0xd4: {  	[tilespmem:s28], [sflag:$0x4] =	stream.indirect.gather [spmem:s3], $0x40, s14, s6, $0xb8;
	[tilespmem:$0x1A800] =	vst v63  }
0xd5: {  	_ =	swait.ge [sflag:s9], $0x2000  }
0xd6: {  	[sflag:s9] =	ssyncset.done $0x0  }
0xd7: {  	[sflag:s9] =	ssyncadd.s32 $0xFFFFE000  }
0xd8: {  	[spmem:s2] =	stream.indirect.scatter.add.f32 [tilespmem:s25], [sflag:$0x5], $0x40, s15, s6, $0xb8;
	[tilespmem:$0x1A800] =	vst v63  }
0xd9: {  	_ =	swait.ge [sflag:s10], $0x2000  }
0xda: {  	[sflag:s10] =	ssyncset.done $0x0  }
0xdb: {  	[sflag:s10] =	ssyncadd.s32 $0xFFFFE000  }
0xdc: {  	[spmem:s2] =	stream.indirect.scatter.add.f32 [tilespmem:s28], [sflag:$0x6], $0x40, s16, s6, $0xb8;
	[tilespmem:$0x1A800] =	vst v63  }
0xdd: {  	_ =	swait.ge [sflag:s17], $0x400  }
0xde: {  	[sflag:s17] =	ssyncset.done $0x0  }
0xdf: {  	[sflag:s17] =	ssyncadd.s32 $0xFFFFFC00  }
0xe0: {  	_ =	swait.ge [sflag:s12], $0x2000  }
0xe1: {  	[sflag:s12] =	ssyncset.done $0x0  }
0xe2: {  	[sflag:s12] =	ssyncadd.s32 $0xFFFFE000  }
0xe3: {  	[tilespmem:s25], [sflag:$0x3] =	stream.indirect.gather [spmem:s3], $0x40, s24, s6, $0xb8;
	[tilespmem:$0x1A800] =	vst v63  }
0xe4: {  	_ =	swait.ge [sflag:s13], $0x2000  }
0xe5: {  	s29 =	smov.u32 s31;
	[sflag:s13] =	ssyncset.done $0x0;
	s26 =	rddreg [dreg:$0x4]  }
0xe6: {  	[sflag:s13] =	ssyncadd.s32 $0xFFFFE000;
	s29 =	sadd.s32 s29, s26  }
0xe7: {  	[tilespmem:s28], [sflag:$0x4] =	stream.indirect.gather [spmem:s3], $0x40, s18, s6, $0xb8;
	[tilespmem:$0x1A800] =	vst v63  }
0xe8: {  	s26 =	sadd.s32 $0x1400, s29  }
0xe9: {  	[tilespmem:s4], [sflag:$0x1] =	stream.linear.gather [hbm4b:s26+s4], $0x400, $0x38;
	[tilespmem:$0x1A800] =	vst v63  }
0xea: {  	_ =	swait.ge [sflag:s9], $0x2000  }
0xeb: {  	[sflag:s9] =	ssyncset.done $0x0  }
0xec: {  	[sflag:s9] =	ssyncadd.s32 $0xFFFFE000  }
0xed: {  	[spmem:s2] =	stream.indirect.scatter.add.f32 [tilespmem:s25], [sflag:$0x5], $0x40, s19, s6, $0xb8;
	[tilespmem:$0x1A800] =	vst v63  }
0xee: {  	_ =	swait.ge [sflag:s10], $0x2000  }
0xef: {  	[sflag:s10] =	ssyncset.done $0x0  }
0xf0: {  	[sflag:s10] =	ssyncadd.s32 $0xFFFFE000  }
0xf1: {  	[spmem:s2] =	stream.indirect.scatter.add.f32 [tilespmem:s28], [sflag:$0x6], $0x40, s20, s6, $0xb8;
	[tilespmem:$0x1A800] =	vst v63  }
0xf2: {  	_ =	swait.ge [sflag:s12], $0x2000  }
0xf3: {  	[sflag:s12] =	ssyncset.done $0x0  }
0xf4: {  	[sflag:s12] =	ssyncadd.s32 $0xFFFFE000  }
0xf5: {  	[tilespmem:s25], [sflag:$0x3] =	stream.indirect.gather [spmem:s3], $0x40, s21, s6, $0xb8;
	[tilespmem:$0x1A800] =	vst v63  }
0xf6: {  	_ =	swait.ge [sflag:s13], $0x2000  }
0xf7: {  	[sflag:s13] =	ssyncset.done $0x0  }
0xf8: {  	[sflag:s13] =	ssyncadd.s32 $0xFFFFE000  }
0xf9: {  	[tilespmem:s28], [sflag:$0x4] =	stream.indirect.gather [spmem:s3], $0x40, s22, s6, $0xb8;
	[tilespmem:$0x1A800] =	vst v63  }
0xfa: {  	_ =	swait.ge [sflag:s9], $0x2000  }
0xfb: {  	[sflag:s9] =	ssyncset.done $0x0  }
0xfc: {  	[sflag:s9] =	ssyncadd.s32 $0xFFFFE000  }
0xfd: {  	[spmem:s2] =	stream.indirect.scatter.add.f32 [tilespmem:s25], [sflag:$0x5], $0x40, s23, s6, $0xb8;
	[tilespmem:$0x1A800] =	vst v63  }
0xfe: {  	_ =	swait.ge [sflag:s10], $0x2000  }
0xff: {  	[sflag:s10] =	ssyncset.done $0x0  }
0x100: {  	[sflag:s10] =	ssyncadd.s32 $0xFFFFE000  }
0x101: {  	[spmem:s2] =	stream.indirect.scatter.add.f32 [tilespmem:s28], [sflag:$0x6], $0x40, s7, s6, $0xb8;
	[tilespmem:$0x1A800] =	vst v63  }
0x102: {  	_ =	swait.ge [sflag:s1], $0x400  }
0x103: {  	[sflag:s1] =	ssyncset.done $0x0  }
0x104: {  	[sflag:s1] =	ssyncadd.s32 $0xFFFFFC00  }
0x105: {  	_ =	swait.ge [sflag:s12], $0x2000  }
0x106: {  	[sflag:s12] =	ssyncset.done $0x0  }
0x107: {  	p0 =	sne.s32 s31, $0xFFFFFF00;
	[sflag:s12] =	ssyncadd.s32 $0xFFFFE000  }
0x108: {  	[tilespmem:s25], [sflag:$0x3] =	stream.indirect.gather [spmem:s3], $0x40, s4, s6, $0xb8;
	[tilespmem:$0x1A800] =	vst v63  }
.Ltmp1:
0x109: {  	_ = 	snop;
	(pc) =	sbr.rel @p0 .LBB2_4-.Ltmp1, $4  }
0x10a: {  	_ =	swait.ge [sflag:s13], $0x2000  }
0x10b: {  	[sflag:s13] =	ssyncset.done $0x0  }
0x10c: {  	s31 =	sadd.s32 $0x100, s31;
	s29 =	sadd.s32 $0x1480, s29;
	[sflag:s13] =	ssyncadd.s32 $0xFFFFE000  }
0x10d: {  	[tilespmem:s28], [sflag:$0x4] =	stream.indirect.gather [spmem:s3], $0x40, s8, s6, $0xb8;
	[tilespmem:$0x1A800] =	vst v63  }
0x10e: {  	[tilespmem:s24], [sflag:$0x2] =	stream.linear.gather [hbm4b:s29+s4], $0x400, $0x38;
	[tilespmem:$0x1A800] =	vst v63  }
0x10f: {  	_ =	swait.ge [sflag:s9], $0x2000  }
0x110: {  	[sflag:s9] =	ssyncset.done $0x0  }
0x111: {  	[sflag:s9] =	ssyncadd.s32 $0xFFFFE000  }
0x112: {  	[spmem:s2] =	stream.indirect.scatter.add.f32 [tilespmem:s25], [sflag:$0x5], $0x40, s6, s6, $0xb8;
	[tilespmem:$0x1A800] =	vst v63  }
0x113: {  	_ =	swait.ge [sflag:s10], $0x2000  }
0x114: {  	[sflag:s10] =	ssyncset.done $0x0  }
0x115: {  	[sflag:s10] =	ssyncadd.s32 $0xFFFFE000  }
0x116: {  	[spmem:s2] =	stream.indirect.scatter.add.f32 [tilespmem:s28], [sflag:$0x6], $0x40, s11, s6, $0xb8;
	[tilespmem:$0x1A800] =	vst v63  }
0x117: {  	_ =	swait.ge [sflag:s12], $0x2000  }
0x118: {  	[sflag:s12] =	ssyncset.done $0x0  }
0x119: {  	[sflag:s12] =	ssyncadd.s32 $0xFFFFE000  }
0x11a: {  	[tilespmem:s25], [sflag:$0x3] =	stream.indirect.gather [spmem:s3], $0x40, s5, s6, $0xb8;
	[tilespmem:$0x1A800] =	vst v63  }
0x11b: {  	_ =	swait.ge [sflag:s13], $0x2000  }
0x11c: {  	[sflag:s13] =	ssyncset.done $0x0  }
0x11d: {  	[sflag:s13] =	ssyncadd.s32 $0xFFFFE000  }
0x11e: {  	[tilespmem:s28], [sflag:$0x4] =	stream.indirect.gather [spmem:s3], $0x40, s14, s6, $0xb8;
	[tilespmem:$0x1A800] =	vst v63  }
0x11f: {  	_ =	swait.ge [sflag:s9], $0x2000  }
0x120: {  	[sflag:s9] =	ssyncset.done $0x0  }
0x121: {  	[sflag:s9] =	ssyncadd.s32 $0xFFFFE000  }
0x122: {  	[spmem:s2] =	stream.indirect.scatter.add.f32 [tilespmem:s25], [sflag:$0x5], $0x40, s15, s6, $0xb8;
	[tilespmem:$0x1A800] =	vst v63  }
0x123: {  	_ =	swait.ge [sflag:s10], $0x2000  }
0x124: {  	[sflag:s10] =	ssyncset.done $0x0  }
0x125: {  	[sflag:s10] =	ssyncadd.s32 $0xFFFFE000  }
0x126: {  	[spmem:s2] =	stream.indirect.scatter.add.f32 [tilespmem:s28], [sflag:$0x6], $0x40, s16, s6, $0xb8;
	[tilespmem:$0x1A800] =	vst v63  }
0x127: {  	_ =	swait.ge [sflag:s17], $0x400  }
0x128: {  	[sflag:s17] =	ssyncset.done $0x0  }
0x129: {  	[sflag:s17] =	ssyncadd.s32 $0xFFFFFC00  }
0x12a: {  	_ =	swait.ge [sflag:s12], $0x2000  }
0x12b: {  	[sflag:s12] =	ssyncset.done $0x0  }
0x12c: {  	[sflag:s12] =	ssyncadd.s32 $0xFFFFE000  }
0x12d: {  	[tilespmem:s25], [sflag:$0x3] =	stream.indirect.gather [spmem:s3], $0x40, s24, s6, $0xb8;
	[tilespmem:$0x1A800] =	vst v63  }
0x12e: {  	_ =	swait.ge [sflag:s13], $0x2000  }
0x12f: {  	[sflag:s13] =	ssyncset.done $0x0  }
0x130: {  	[sflag:s13] =	ssyncadd.s32 $0xFFFFE000  }
0x131: {  	[tilespmem:s28], [sflag:$0x4] =	stream.indirect.gather [spmem:s3], $0x40, s18, s6, $0xb8;
	[tilespmem:$0x1A800] =	vst v63  }
0x132: {  	_ =	swait.ge [sflag:s9], $0x2000  }
0x133: {  	[sflag:s9] =	ssyncset.done $0x0  }
0x134: {  	[sflag:s9] =	ssyncadd.s32 $0xFFFFE000  }
0x135: {  	[spmem:s2] =	stream.indirect.scatter.add.f32 [tilespmem:s25], [sflag:$0x5], $0x40, s19, s6, $0xb8;
	[tilespmem:$0x1A800] =	vst v63  }
0x136: {  	_ =	swait.ge [sflag:s10], $0x2000  }
0x137: {  	[sflag:s10] =	ssyncset.done $0x0  }
0x138: {  	[sflag:s10] =	ssyncadd.s32 $0xFFFFE000  }
0x139: {  	[spmem:s2] =	stream.indirect.scatter.add.f32 [tilespmem:s28], [sflag:$0x6], $0x40, s20, s6, $0xb8;
	[tilespmem:$0x1A800] =	vst v63  }
0x13a: {  	_ =	swait.ge [sflag:s12], $0x2000  }
0x13b: {  	[sflag:s12] =	ssyncset.done $0x0  }
0x13c: {  	[sflag:s12] =	ssyncadd.s32 $0xFFFFE000  }
0x13d: {  	[tilespmem:s25], [sflag:$0x3] =	stream.indirect.gather [spmem:s3], $0x40, s21, s6, $0xb8;
	[tilespmem:$0x1A800] =	vst v63  }
0x13e: {  	_ =	swait.ge [sflag:s13], $0x2000  }
0x13f: {  	[sflag:s13] =	ssyncset.done $0x0  }
0x140: {  	[sflag:s13] =	ssyncadd.s32 $0xFFFFE000  }
0x141: {  	[tilespmem:s28], [sflag:$0x4] =	stream.indirect.gather [spmem:s3], $0x40, s22, s6, $0xb8;
	[tilespmem:$0x1A800] =	vst v63  }
0x142: {  	_ =	swait.ge [sflag:s9], $0x2000  }
0x143: {  	[sflag:s9] =	ssyncset.done $0x0  }
0x144: {  	[sflag:s9] =	ssyncadd.s32 $0xFFFFE000  }
0x145: {  	[spmem:s2] =	stream.indirect.scatter.add.f32 [tilespmem:s25], [sflag:$0x5], $0x40, s23, s6, $0xb8;
	[tilespmem:$0x1A800] =	vst v63  }
0x146: {  	_ =	swait.ge [sflag:s10], $0x2000  }
0x147: {  	[sflag:s10] =	ssyncset.done $0x0  }
0x148: {  	[sflag:s10] =	ssyncadd.s32 $0xFFFFE000  }
0x149: {  	[spmem:s2] =	stream.indirect.scatter.add.f32 [tilespmem:s28], [sflag:$0x6], $0x40, s7, s6, $0xb8;
	[tilespmem:$0x1A800] =	vst v63  }
0x14a: {  	_ =	swait.ge [sflag:s12], $0x2000  }
0x14b: {  	[sflag:s12] =	ssyncset.done $0x0  }
0x14c: {  	[sflag:s12] =	ssyncadd.s32 $0xFFFFE000  }
0x14d: {  	_ =	swait.ge [sflag:s13], $0x2000  }
0x14e: {  	[sflag:s13] =	ssyncset.done $0x0  }
0x14f: {  	[sflag:s13] =	ssyncadd.s32 $0xFFFFE000  }
0x150: {  	s26 =	stileid.u32;
	[bflag:$0x0] =	sbarrier.arrive $0xFFFF  }
0x151: {  	s26 =	sshll.u32 s26, $0x6;
	s0 =	rddreg [dreg:$0x7]  }
0x152: {  	s26 =	sor.u32 $0x1C0A, s26;
	s31 =	rddreg [dreg:$0x16];
	s29 =	sshrl.u32 s0, $0x3  }
0x153: {  	[hbm:s31], [sflag:s26] =	dma.local [spmem:s29], $0x1400  }
0x154: {  	_ =	swait.ge [sflag:s30], $0x1400  }
0x155: {  	s0 =	rddreg [dreg:$0x18]  }
0x156: {  	s31 =	rddreg [dreg:$0x17];
	s0 =	sadd.s32 $0x1, s0  }
0x157: {  	p0 =	sne.s32 s0, s31  }
.Ltmp2:
0x158: {  	_ = 	snop;
	(pc) =	sbr.rel @p0 .LBB2_1-.Ltmp2, $3  }
0x159: {  	_ =	sdelay $0x1  }
0x15a: {  	[sflag:s30] =	ssyncset.done $0x0  }
0x15b: {  	[sflag:s30] =	ssyncadd.s32 $0xFFFFEC00  }
0x15c: {  	_ =	sfence.sel $0x180000  }
0x15d: {  	[bflag:$0x0] =	sbarrier.arrive $0xFFFF  }
0x15e: {  	_ =	strace $0x90000050  }
0x15f: {  	s0 =	stileid.u32;
	[bflag:$0x2] =	sbarrier.arrive $0xFFFF  }
0x160: {  	p0 =	sne.s32 s0, $0x0;
	s0 =	rddreg [dreg:$0x3]  }
0x161: {  	s0 =	sadd.s32 @!p0 $0x100000, s0  }
0x162: {  	[sflag:s0] =	ssyncadd.tile.s32 @!p0 $0x1;
	_ =	shalt  }
.Lfunc_end2:
_tile_overlayer_lowered:
.L_overlay_start_2:
0x163: {  	(tag) =	ssettag $0x2  }
0x164: {  	s0 =	rddreg [dreg:$0x0];
	s2 =	stileid.u32  }
0x165: {  	s1 =	rddreg [dreg:$0x1];
	p0 =	sne.s32 s2, $0x0  }
0x166: {  	s3 =	rddreg [dreg:$0x2];
	[bflag:$0x3] =	sbarrier.arrive $0xFFFF;
	s2 =	simm.s32 @!p0 $0x1C0A  }
0x167: {  	[timem:s3], [sflag:s2] =	dma.local @!p0 [hbm:s0], s1  }
0x168: {  	s0 =	simm.s32 @!p0 $0xA  }
0x169: {  	_ =	swait.ge @!p0 [sflag:s0], s1  }
0x16a: {  	s1 =	ssub.s32 @!p0 $0x0, s1;
	[sflag:s0] =	ssyncset.done @!p0 $0x0  }
0x16b: {  	[sflag:s0] =	ssyncadd.s32 @!p0 s1  }
0x16c: {  	[bflag:$0x3] =	sbarrier.arrive $0xFFFF  }
0x16d: {  	_ =	shalt  }

</sc_bundles>
